<compile_context>
chip_gen: v7x
topology: tpu7x:2x2x1
jax: 0.10.2.dev20260603
libtpu: 0.0.44.dev20260713+nightly
codegen_flags: <defaults>
</compile_context>

<pallas_src>
import functools

import jax
import jax.numpy as jnp
from jax import lax
from jax.experimental import pallas as pl
from jax.experimental.pallas import tpu as pltpu
from jax.experimental.pallas import tpu_sc as plsc

N = 10000
E = 320000
D = 128
L = 5
G = 256

_NC = 2
_NS = 16
_NW = _NC * _NS
_EW = E // _NW
_C = 40
_NCH = _EW // _C
_RPS = 624
_TAIL = N - _NS * _RPS

_PREC = jax.lax.Precision.DEFAULT
_PREC_HI = jax.lax.Precision.HIGHEST


_NB = 5
_GRP = _NCH // _NB


def _make_agg():
    mesh = plsc.VectorSubcoreMesh(core_axis_name="c", subcore_axis_name="s")

    @functools.partial(
        pl.kernel,
        mesh=mesh,
        out_type=jax.ShapeDtypeStruct((_NC * N, D), jnp.float32),
        scratch_types=[
            pltpu.VMEM((_EW,), jnp.int32),
            pltpu.VMEM((_EW,), jnp.int32),
            pltpu.VMEM((_NB, _C, D), jnp.float32),
            pltpu.VMEM_SHARED((N, D), jnp.float32),
            pltpu.SemaphoreType.DMA,
            pltpu.SemaphoreType.DMA,
            pltpu.SemaphoreType.DMA,
            pltpu.SemaphoreType.DMA,
            pltpu.SemaphoreType.DMA,
        ],
    )
    def agg(h_hbm, src_hbm, dst_hbm, zero_hbm, out_hbm,
            src_v, dst_v, rows_v, acc_sh, sem0, sem1, sem2, sem3, sem4):
        sems = (sem0, sem1, sem2, sem3, sem4)
        cid = lax.axis_index("c")
        sid = lax.axis_index("s")
        wid = cid * _NS + sid

        pltpu.sync_copy(src_hbm.at[pl.ds(wid * _EW, _EW)], src_v)
        pltpu.sync_copy(dst_hbm.at[pl.ds(wid * _EW, _EW)], dst_v)

        pltpu.sync_copy(zero_hbm.at[pl.ds(sid * _RPS, _RPS)],
                        acc_sh.at[pl.ds(sid * _RPS, _RPS)])

        @pl.when(sid == 0)
        def _zero_tail():
            pltpu.sync_copy(zero_hbm.at[pl.ds(_NS * _RPS, _TAIL)],
                            acc_sh.at[pl.ds(_NS * _RPS, _TAIL)])

        for b in range(_NB):
            pltpu.async_copy(h_hbm.at[src_v.at[pl.ds(b * _C, _C)]],
                             rows_v.at[b], sems[b])

        plsc.subcore_barrier()

        def group(g, carry):
            for b in range(_NB):
                ch = g * _NB + b
                pltpu.make_async_copy(
                    h_hbm.at[src_v.at[pl.ds(ch * _C, _C)]], rows_v.at[b],
                    sems[b]).wait()
                pltpu.sync_copy(rows_v.at[b],
                                acc_sh.at[dst_v.at[pl.ds(ch * _C, _C)]],
                                add=True)

                @pl.when(g + 1 < _GRP)
                def _refill():
                    pltpu.async_copy(
                        h_hbm.at[src_v.at[pl.ds((ch + _NB) * _C, _C)]],
                        rows_v.at[b], sems[b])
            return carry

        lax.fori_loop(0, _GRP, group, 0)
        plsc.subcore_barrier()
        pltpu.sync_copy(acc_sh.at[pl.ds(sid * _RPS, _RPS)],
                        out_hbm.at[pl.ds(cid * N + sid * _RPS, _RPS)])

        @pl.when(sid == 0)
        def _out_tail():
            pltpu.sync_copy(acc_sh.at[pl.ds(_NS * _RPS, _TAIL)],
                            out_hbm.at[pl.ds(cid * N + _NS * _RPS, _TAIL)])

    return agg


def _in_body(x_ref, w_ref, b_ref, o_ref):
    o_ref[:] = jnp.maximum(
        jnp.dot(x_ref[:], w_ref[:], preferred_element_type=jnp.float32,
                precision=_PREC) + b_ref[:], 0.0)


def _layer_body(eps_ref, h_ref, p_ref, w1_ref, b1_ref, g1_ref, be1_ref,
                w2_ref, b2_ref, g2_ref, be2_ref, o_ref):
    z = (1.0 + eps_ref[0, 0]) * h_ref[:] + p_ref[:N] + p_ref[N:]
    u = jnp.dot(z, w1_ref[:], preferred_element_type=jnp.float32,
                precision=_PREC) + b1_ref[:]
    m = jnp.mean(u, axis=0, keepdims=True)
    c = u - m
    v = jnp.mean(c * c, axis=0, keepdims=True)
    u = jnp.maximum(g1_ref[:] * c / jnp.sqrt(v + 1e-5) + be1_ref[:], 0.0)
    w = jnp.dot(u, w2_ref[:], preferred_element_type=jnp.float32,
                precision=_PREC) + b2_ref[:]
    m2 = jnp.mean(w, axis=0, keepdims=True)
    c2 = w - m2
    v2 = jnp.mean(c2 * c2, axis=0, keepdims=True)
    o_ref[:] = jnp.maximum(g2_ref[:] * c2 / jnp.sqrt(v2 + 1e-5) + be2_ref[:],
                           0.0)


def _pool_body(h_ref, batch_ref, w1_ref, b1_ref, w2_ref, b2_ref, o_ref):
    ids = jax.lax.broadcasted_iota(jnp.int32, (G, N), 0)
    oh = (ids == batch_ref[:]).astype(jnp.float32)
    cnt = jnp.maximum(jnp.sum(oh, axis=1, keepdims=True), 1.0)
    pooled = jnp.dot(oh, h_ref[:], preferred_element_type=jnp.float32,
                     precision=_PREC_HI) / cnt
    hid = jnp.maximum(
        jnp.dot(pooled, w1_ref[:], preferred_element_type=jnp.float32,
                precision=_PREC) + b1_ref[:], 0.0)
    o_ref[:] = jnp.dot(hid, w2_ref[:], preferred_element_type=jnp.float32,
                       precision=_PREC) + b2_ref[:]


_in_tc = pl.pallas_call(_in_body,
                        out_shape=jax.ShapeDtypeStruct((N, D), jnp.float32))
_layer_tc = pl.pallas_call(_layer_body,
                           out_shape=jax.ShapeDtypeStruct((N, D), jnp.float32))
_pool_tc = pl.pallas_call(_pool_body,
                          out_shape=jax.ShapeDtypeStruct((G, 1), jnp.float32))


def kernel(x, edge_index, batch, W_in, b_in, eps, W1, b1, g1, be1,
           W2, b2, g2, be2, Wh1, bh1, Wh2, bh2):
    src = edge_index[0]
    dst = edge_index[1]
    zeros = jnp.zeros((N, D), jnp.float32)
    agg = _make_agg()

    h = _in_tc(x, W_in, b_in.reshape(1, D))
    for l in range(L):
        parts = agg(h, src, dst, zeros)
        h = _layer_tc(eps[l].reshape(1, 1), h, parts,
                      W1[l], b1[l].reshape(1, D), g1[l].reshape(1, D),
                      be1[l].reshape(1, D),
                      W2[l], b2[l].reshape(1, D), g2[l].reshape(1, D),
                      be2[l].reshape(1, D))
    return _pool_tc(h, batch.reshape(1, N), Wh1, bh1.reshape(1, D // 2),
                    Wh2, bh2.reshape(1, 1))

# --- scband reference (transcript-rebuilt; emitter-appended) ---
"""Pipeline reference for scband-ginmolecule-net-8237747274041 (READ-ONLY COPY).

The authoritative reference and input builder live on the scoring server;
editing this copy changes nothing except your own understanding.
"""

import jax, jax.numpy as jnp
import numpy as np

N = 10000
E = 320000
D = 128
L = 5
G = 256

def setup_inputs(seed: int = 0) -> dict:
    key = jax.random.key(seed)
    ks = jax.random.split(key, 12)
    x = jax.random.normal(ks[0], (N, D), dtype=jnp.float32)
    edge_index = jax.random.randint(ks[1], (2, E), 0, N, dtype=jnp.int32)
    batch = jnp.sort(jax.random.randint(ks[2], (N,), 0, G, dtype=jnp.int32))
    W_in = jax.random.normal(ks[3], (D, D), dtype=jnp.float32) * 0.05
    b_in = jnp.zeros((D,), dtype=jnp.float32)
    eps = jnp.zeros((L,), dtype=jnp.float32)
    W1 = jax.random.normal(ks[4], (L, D, D), dtype=jnp.float32) * 0.05
    b1 = jnp.zeros((L, D), dtype=jnp.float32)
    g1 = jnp.ones((L, D), dtype=jnp.float32)
    be1 = jnp.zeros((L, D), dtype=jnp.float32)
    W2 = jax.random.normal(ks[5], (L, D, D), dtype=jnp.float32) * 0.05
    b2 = jnp.zeros((L, D), dtype=jnp.float32)
    g2 = jnp.ones((L, D), dtype=jnp.float32)
    be2 = jnp.zeros((L, D), dtype=jnp.float32)
    Wh1 = jax.random.normal(ks[6], (D, D // 2), dtype=jnp.float32) * 0.05
    bh1 = jnp.zeros((D // 2,), dtype=jnp.float32)
    Wh2 = jax.random.normal(ks[7], (D // 2, 1), dtype=jnp.float32) * 0.05
    bh2 = jnp.zeros((1,), dtype=jnp.float32)
    return {"x": x, "edge_index": edge_index, "batch": batch,
            "W_in": W_in, "b_in": b_in, "eps": eps,
            "W1": W1, "b1": b1, "g1": g1, "be1": be1,
            "W2": W2, "b2": b2, "g2": g2, "be2": be2,
            "Wh1": Wh1, "bh1": bh1, "Wh2": Wh2, "bh2": bh2}

def _bn(h, g, b):
    m = jnp.mean(h, axis=0)
    v = jnp.var(h, axis=0)
    return g * (h - m) / jnp.sqrt(v + 1e-5) + b

def reference(x, edge_index, batch, W_in, b_in, eps, W1, b1, g1, be1, W2, b2, g2, be2, Wh1, bh1, Wh2, bh2):
    src = edge_index[0]
    dst = edge_index[1]
    h = jax.nn.relu(x @ W_in + b_in)
    for l in range(L):
        agg = jnp.zeros_like(h).at[dst].add(h[src])
        z = (1.0 + eps[l]) * h + agg
        z = jax.nn.relu(_bn(z @ W1[l] + b1[l], g1[l], be1[l]))
        z = jax.nn.relu(_bn(z @ W2[l] + b2[l], g2[l], be2[l]))
        h = z
    counts = jnp.maximum(jax.ops.segment_sum(jnp.ones((N,), jnp.float32), batch, num_segments=G), 1.0)
    pooled = jax.ops.segment_sum(h, batch, num_segments=G) / counts[:, None]
    out = jax.nn.relu(pooled @ Wh1 + bh1) @ Wh2 + bh2
    return out

if __name__ == "__main__":
    import jax
    _d = setup_inputs()
    print(jax.jit(kernel)(*tuple(_d.values())))

</pallas_src>

<mosaic_0001>
#map = affine_map<(d0, d1) -> (0, 0)>
#map1 = affine_map<(d0, d1) -> (0)>
module attributes {stable_mosaic.version = 14 : i64} {
  func.func @agg(%arg0: i32, %arg1: i32, %arg2: memref<10000x128xf32, #tpu.memory_space<hbm>>, %arg3: memref<320000xi32, #tpu.memory_space<hbm>>, %arg4: memref<320000xi32, #tpu.memory_space<hbm>>, %arg5: memref<10000x128xf32, #tpu.memory_space<hbm>>, %arg6: memref<20000x128xf32, #tpu.memory_space<hbm>>, %arg7: memref<10000xi32, #tpu.memory_space<vmem>>, %arg8: memref<10000xi32, #tpu.memory_space<vmem>>, %arg9: memref<5x40x128xf32, #tpu.memory_space<vmem>>, %arg10: memref<10000x128xf32, #tpu.memory_space<vmem_shared>>, %arg11: memref<!tpu.dma_semaphore, #tpu.memory_space<semaphore_mem>>, %arg12: memref<!tpu.dma_semaphore, #tpu.memory_space<semaphore_mem>>, %arg13: memref<!tpu.dma_semaphore, #tpu.memory_space<semaphore_mem>>, %arg14: memref<!tpu.dma_semaphore, #tpu.memory_space<semaphore_mem>>, %arg15: memref<!tpu.dma_semaphore, #tpu.memory_space<semaphore_mem>>) attributes {dimension_semantics = [#tpu.dimension_semantics<core_parallel>, #tpu.dimension_semantics<subcore_parallel>], iteration_bounds = array<i64: 2, 16>, scalar_prefetch = 0 : i64, scratch_operands = 9 : i64, tpu.core_type = #tpu.core_type<sc_vector_subcore>, window_params = [{transform_indices = #map}, {transform_indices = #map1}, {transform_indices = #map1}, {transform_indices = #map}, {transform_indices = #map}]} {
    %mul3A = arith.constant 16 : i32
    %mul3A_0 = arith.muli %arg0, %mul3A : i32
    %add3A = arith.addi %mul3A_0, %arg1 : i32
    %mul3A_1 = arith.constant 10000 : i32
    %mul3A_2 = arith.muli %add3A, %mul3A_1 : i32
    "tpu.region"() ({
      %run_scoped3A = tpu.sem_alloc : memref<!tpu.dma_semaphore, #tpu.memory_space<semaphore_mem>>
      %dma_start3A_78 = tpu.memref_slice %arg3[%mul3A_2] : memref<320000xi32, #tpu.memory_space<hbm>> -> memref<10000xi32, #tpu.memory_space<hbm>>
      %dma_start3A_79 = tpu.memref_slice %arg3[%mul3A_2] : memref<320000xi32, #tpu.memory_space<hbm>> -> memref<10000xi32, #tpu.memory_space<hbm>>
      tpu.enqueue_dma source(%dma_start3A_79 : memref<10000xi32, #tpu.memory_space<hbm>>) target(%arg7 : memref<10000xi32, #tpu.memory_space<vmem>>) target_semaphore(%run_scoped3A : memref<!tpu.dma_semaphore, #tpu.memory_space<semaphore_mem>>)
      %dma_wait3A = tpu.memref_slice %arg3[%mul3A_2] : memref<320000xi32, #tpu.memory_space<hbm>> -> memref<10000xi32, #tpu.memory_space<hbm>>
      %dma_wait3A_80 = tpu.memref_slice %arg3[%mul3A_2] : memref<320000xi32, #tpu.memory_space<hbm>> -> memref<10000xi32, #tpu.memory_space<hbm>>
      tpu.wait_dma2 semaphore(%run_scoped3A : memref<!tpu.dma_semaphore, #tpu.memory_space<semaphore_mem>>) src(%dma_wait3A_80 : memref<10000xi32, #tpu.memory_space<hbm>>) dst(%arg7 : memref<10000xi32, #tpu.memory_space<vmem>>)
      tpu.yield
    }) : () -> ()
    %mul3A_3 = arith.constant 10000 : i32
    %mul3A_4 = arith.muli %add3A, %mul3A_3 : i32
    "tpu.region"() ({
      %run_scoped3A = tpu.sem_alloc : memref<!tpu.dma_semaphore, #tpu.memory_space<semaphore_mem>>
      %dma_start3A_78 = tpu.memref_slice %arg4[%mul3A_4] : memref<320000xi32, #tpu.memory_space<hbm>> -> memref<10000xi32, #tpu.memory_space<hbm>>
      %dma_start3A_79 = tpu.memref_slice %arg4[%mul3A_4] : memref<320000xi32, #tpu.memory_space<hbm>> -> memref<10000xi32, #tpu.memory_space<hbm>>
      tpu.enqueue_dma source(%dma_start3A_79 : memref<10000xi32, #tpu.memory_space<hbm>>) target(%arg8 : memref<10000xi32, #tpu.memory_space<vmem>>) target_semaphore(%run_scoped3A : memref<!tpu.dma_semaphore, #tpu.memory_space<semaphore_mem>>)
      %dma_wait3A = tpu.memref_slice %arg4[%mul3A_4] : memref<320000xi32, #tpu.memory_space<hbm>> -> memref<10000xi32, #tpu.memory_space<hbm>>
      %dma_wait3A_80 = tpu.memref_slice %arg4[%mul3A_4] : memref<320000xi32, #tpu.memory_space<hbm>> -> memref<10000xi32, #tpu.memory_space<hbm>>
      tpu.wait_dma2 semaphore(%run_scoped3A : memref<!tpu.dma_semaphore, #tpu.memory_space<semaphore_mem>>) src(%dma_wait3A_80 : memref<10000xi32, #tpu.memory_space<hbm>>) dst(%arg8 : memref<10000xi32, #tpu.memory_space<vmem>>)
      tpu.yield
    }) : () -> ()
    %mul3A_5 = arith.constant 624 : i32
    %mul3A_6 = arith.muli %arg1, %mul3A_5 : i32
    %mul3A_7 = arith.constant 624 : i32
    %mul3A_8 = arith.muli %arg1, %mul3A_7 : i32
    "tpu.region"() ({
      %run_scoped3A = tpu.sem_alloc : memref<!tpu.dma_semaphore, #tpu.memory_space<semaphore_mem>>
      %dma_start3A_78 = arith.constant 0 : i32
      %dma_start3A_79 = tpu.memref_slice %arg10[%mul3A_8, %dma_start3A_78] : memref<10000x128xf32, #tpu.memory_space<vmem_shared>> -> memref<624x128xf32, #tpu.memory_space<vmem_shared>>
      %dma_start3A_80 = arith.constant 0 : i32
      %dma_start3A_81 = tpu.memref_slice %arg5[%mul3A_6, %dma_start3A_80] : memref<10000x128xf32, #tpu.memory_space<hbm>> -> memref<624x128xf32, #tpu.memory_space<hbm>>
      tpu.enqueue_dma source(%dma_start3A_81 : memref<624x128xf32, #tpu.memory_space<hbm>>) target(%dma_start3A_79 : memref<624x128xf32, #tpu.memory_space<vmem_shared>>) target_semaphore(%run_scoped3A : memref<!tpu.dma_semaphore, #tpu.memory_space<semaphore_mem>>)
      %dma_wait3A = arith.constant 0 : i32
      %dma_wait3A_82 = tpu.memref_slice %arg10[%mul3A_8, %dma_wait3A] : memref<10000x128xf32, #tpu.memory_space<vmem_shared>> -> memref<624x128xf32, #tpu.memory_space<vmem_shared>>
      %dma_wait3A_83 = arith.constant 0 : i32
      %dma_wait3A_84 = tpu.memref_slice %arg5[%mul3A_6, %dma_wait3A_83] : memref<10000x128xf32, #tpu.memory_space<hbm>> -> memref<624x128xf32, #tpu.memory_space<hbm>>
      tpu.wait_dma2 semaphore(%run_scoped3A : memref<!tpu.dma_semaphore, #tpu.memory_space<semaphore_mem>>) src(%dma_wait3A_84 : memref<624x128xf32, #tpu.memory_space<hbm>>) dst(%dma_wait3A_82 : memref<624x128xf32, #tpu.memory_space<vmem_shared>>)
      tpu.yield
    }) : () -> ()
    %eq3A = arith.constant 0 : i32
    %eq3A_9 = arith.cmpi eq, %arg1, %eq3A : i32
    %convert_element_type3A = arith.extui %eq3A_9 : i1 to i32
    %cond3A = arith.constant 0 : i32
    %cond3A_10 = arith.cmpi ne, %convert_element_type3A, %cond3A : i32
    scf.if %cond3A_10 {
      "tpu.region"() ({
        %run_scoped3A = tpu.sem_alloc : memref<!tpu.dma_semaphore, #tpu.memory_space<semaphore_mem>>
        %dma_start3A_78 = arith.constant 9984 : i32
        %dma_start3A_79 = arith.constant 0 : i32
        %dma_start3A_80 = tpu.memref_slice %arg10[%dma_start3A_78, %dma_start3A_79] : memref<10000x128xf32, #tpu.memory_space<vmem_shared>> -> memref<16x128xf32, #tpu.memory_space<vmem_shared>>
        %dma_start3A_81 = arith.constant 9984 : i32
        %dma_start3A_82 = arith.constant 0 : i32
        %dma_start3A_83 = tpu.memref_slice %arg5[%dma_start3A_81, %dma_start3A_82] : memref<10000x128xf32, #tpu.memory_space<hbm>> -> memref<16x128xf32, #tpu.memory_space<hbm>>
        tpu.enqueue_dma source(%dma_start3A_83 : memref<16x128xf32, #tpu.memory_space<hbm>>) target(%dma_start3A_80 : memref<16x128xf32, #tpu.memory_space<vmem_shared>>) target_semaphore(%run_scoped3A : memref<!tpu.dma_semaphore, #tpu.memory_space<semaphore_mem>>)
        %dma_wait3A = arith.constant 9984 : i32
        %dma_wait3A_84 = arith.constant 0 : i32
        %dma_wait3A_85 = tpu.memref_slice %arg10[%dma_wait3A, %dma_wait3A_84] : memref<10000x128xf32, #tpu.memory_space<vmem_shared>> -> memref<16x128xf32, #tpu.memory_space<vmem_shared>>
        %dma_wait3A_86 = arith.constant 9984 : i32
        %dma_wait3A_87 = arith.constant 0 : i32
        %dma_wait3A_88 = tpu.memref_slice %arg5[%dma_wait3A_86, %dma_wait3A_87] : memref<10000x128xf32, #tpu.memory_space<hbm>> -> memref<16x128xf32, #tpu.memory_space<hbm>>
        tpu.wait_dma2 semaphore(%run_scoped3A : memref<!tpu.dma_semaphore, #tpu.memory_space<semaphore_mem>>) src(%dma_wait3A_88 : memref<16x128xf32, #tpu.memory_space<hbm>>) dst(%dma_wait3A_85 : memref<16x128xf32, #tpu.memory_space<vmem_shared>>)
        tpu.yield
      }) : () -> ()
    } else {
    }
    %dma_start3A = arith.constant 0 : i32
    %dma_start3A_11 = arith.constant 0 : i32
    %dma_start3A_12 = arith.constant 0 : i32
    %dma_start3A_13 = tpu.memref_slice %arg9[%dma_start3A, %dma_start3A_11, %dma_start3A_12] : memref<5x40x128xf32, #tpu.memory_space<vmem>> -> memref<1x40x128xf32, #tpu.memory_space<vmem>>
    %dma_start3A_14 = tpu.memref_squeeze %dma_start3A_13 : memref<1x40x128xf32, #tpu.memory_space<vmem>> -> memref<40x128xf32, #tpu.memory_space<vmem>>
    %dma_start3A_15 = arith.constant 0 : i32
    %dma_start3A_16 = tpu.memref_slice %arg7[%dma_start3A_15] : memref<10000xi32, #tpu.memory_space<vmem>> -> memref<40xi32, #tpu.memory_space<vmem>>
    %dma_start3A_17 = arith.constant 0 : i32
    %dma_start3A_18 = arith.constant 0 : i32
    %dma_start3A_19 = tpu.memref_slice %arg2[%dma_start3A_17, %dma_start3A_18] : memref<10000x128xf32, #tpu.memory_space<hbm>> -> memref<10000x128xf32, #tpu.memory_space<hbm>>
    tpu.enqueue_indirect_dma source(%dma_start3A_19 : memref<10000x128xf32, #tpu.memory_space<hbm>>) target(%dma_start3A_14 : memref<40x128xf32, #tpu.memory_space<vmem>>) offsets(%dma_start3A_16 : memref<40xi32, #tpu.memory_space<vmem>>) semaphore(%arg11 : memref<!tpu.dma_semaphore, #tpu.memory_space<semaphore_mem>>)
    %dma_start3A_20 = arith.constant 1 : i32
    %dma_start3A_21 = arith.constant 0 : i32
    %dma_start3A_22 = arith.constant 0 : i32
    %dma_start3A_23 = tpu.memref_slice %arg9[%dma_start3A_20, %dma_start3A_21, %dma_start3A_22] : memref<5x40x128xf32, #tpu.memory_space<vmem>> -> memref<1x40x128xf32, #tpu.memory_space<vmem>>
    %dma_start3A_24 = tpu.memref_squeeze %dma_start3A_23 : memref<1x40x128xf32, #tpu.memory_space<vmem>> -> memref<40x128xf32, #tpu.memory_space<vmem>>
    %dma_start3A_25 = arith.constant 40 : i32
    %dma_start3A_26 = tpu.memref_slice %arg7[%dma_start3A_25] : memref<10000xi32, #tpu.memory_space<vmem>> -> memref<40xi32, #tpu.memory_space<vmem>>
    %dma_start3A_27 = arith.constant 0 : i32
    %dma_start3A_28 = arith.constant 0 : i32
    %dma_start3A_29 = tpu.memref_slice %arg2[%dma_start3A_27, %dma_start3A_28] : memref<10000x128xf32, #tpu.memory_space<hbm>> -> memref<10000x128xf32, #tpu.memory_space<hbm>>
    tpu.enqueue_indirect_dma source(%dma_start3A_29 : memref<10000x128xf32, #tpu.memory_space<hbm>>) target(%dma_start3A_24 : memref<40x128xf32, #tpu.memory_space<vmem>>) offsets(%dma_start3A_26 : memref<40xi32, #tpu.memory_space<vmem>>) semaphore(%arg12 : memref<!tpu.dma_semaphore, #tpu.memory_space<semaphore_mem>>)
    %dma_start3A_30 = arith.constant 2 : i32
    %dma_start3A_31 = arith.constant 0 : i32
    %dma_start3A_32 = arith.constant 0 : i32
    %dma_start3A_33 = tpu.memref_slice %arg9[%dma_start3A_30, %dma_start3A_31, %dma_start3A_32] : memref<5x40x128xf32, #tpu.memory_space<vmem>> -> memref<1x40x128xf32, #tpu.memory_space<vmem>>
    %dma_start3A_34 = tpu.memref_squeeze %dma_start3A_33 : memref<1x40x128xf32, #tpu.memory_space<vmem>> -> memref<40x128xf32, #tpu.memory_space<vmem>>
    %dma_start3A_35 = arith.constant 80 : i32
    %dma_start3A_36 = tpu.memref_slice %arg7[%dma_start3A_35] : memref<10000xi32, #tpu.memory_space<vmem>> -> memref<40xi32, #tpu.memory_space<vmem>>
    %dma_start3A_37 = arith.constant 0 : i32
    %dma_start3A_38 = arith.constant 0 : i32
    %dma_start3A_39 = tpu.memref_slice %arg2[%dma_start3A_37, %dma_start3A_38] : memref<10000x128xf32, #tpu.memory_space<hbm>> -> memref<10000x128xf32, #tpu.memory_space<hbm>>
    tpu.enqueue_indirect_dma source(%dma_start3A_39 : memref<10000x128xf32, #tpu.memory_space<hbm>>) target(%dma_start3A_34 : memref<40x128xf32, #tpu.memory_space<vmem>>) offsets(%dma_start3A_36 : memref<40xi32, #tpu.memory_space<vmem>>) semaphore(%arg13 : memref<!tpu.dma_semaphore, #tpu.memory_space<semaphore_mem>>)
    %dma_start3A_40 = arith.constant 3 : i32
    %dma_start3A_41 = arith.constant 0 : i32
    %dma_start3A_42 = arith.constant 0 : i32
    %dma_start3A_43 = tpu.memref_slice %arg9[%dma_start3A_40, %dma_start3A_41, %dma_start3A_42] : memref<5x40x128xf32, #tpu.memory_space<vmem>> -> memref<1x40x128xf32, #tpu.memory_space<vmem>>
    %dma_start3A_44 = tpu.memref_squeeze %dma_start3A_43 : memref<1x40x128xf32, #tpu.memory_space<vmem>> -> memref<40x128xf32, #tpu.memory_space<vmem>>
    %dma_start3A_45 = arith.constant 120 : i32
    %dma_start3A_46 = tpu.memref_slice %arg7[%dma_start3A_45] : memref<10000xi32, #tpu.memory_space<vmem>> -> memref<40xi32, #tpu.memory_space<vmem>>
    %dma_start3A_47 = arith.constant 0 : i32
    %dma_start3A_48 = arith.constant 0 : i32
    %dma_start3A_49 = tpu.memref_slice %arg2[%dma_start3A_47, %dma_start3A_48] : memref<10000x128xf32, #tpu.memory_space<hbm>> -> memref<10000x128xf32, #tpu.memory_space<hbm>>
    tpu.enqueue_indirect_dma source(%dma_start3A_49 : memref<10000x128xf32, #tpu.memory_space<hbm>>) target(%dma_start3A_44 : memref<40x128xf32, #tpu.memory_space<vmem>>) offsets(%dma_start3A_46 : memref<40xi32, #tpu.memory_space<vmem>>) semaphore(%arg14 : memref<!tpu.dma_semaphore, #tpu.memory_space<semaphore_mem>>)
    %dma_start3A_50 = arith.constant 4 : i32
    %dma_start3A_51 = arith.constant 0 : i32
    %dma_start3A_52 = arith.constant 0 : i32
    %dma_start3A_53 = tpu.memref_slice %arg9[%dma_start3A_50, %dma_start3A_51, %dma_start3A_52] : memref<5x40x128xf32, #tpu.memory_space<vmem>> -> memref<1x40x128xf32, #tpu.memory_space<vmem>>
    %dma_start3A_54 = tpu.memref_squeeze %dma_start3A_53 : memref<1x40x128xf32, #tpu.memory_space<vmem>> -> memref<40x128xf32, #tpu.memory_space<vmem>>
    %dma_start3A_55 = arith.constant 160 : i32
    %dma_start3A_56 = tpu.memref_slice %arg7[%dma_start3A_55] : memref<10000xi32, #tpu.memory_space<vmem>> -> memref<40xi32, #tpu.memory_space<vmem>>
    %dma_start3A_57 = arith.constant 0 : i32
    %dma_start3A_58 = arith.constant 0 : i32
    %dma_start3A_59 = tpu.memref_slice %arg2[%dma_start3A_57, %dma_start3A_58] : memref<10000x128xf32, #tpu.memory_space<hbm>> -> memref<10000x128xf32, #tpu.memory_space<hbm>>
    tpu.enqueue_indirect_dma source(%dma_start3A_59 : memref<10000x128xf32, #tpu.memory_space<hbm>>) target(%dma_start3A_54 : memref<40x128xf32, #tpu.memory_space<vmem>>) offsets(%dma_start3A_56 : memref<40xi32, #tpu.memory_space<vmem>>) semaphore(%arg15 : memref<!tpu.dma_semaphore, #tpu.memory_space<semaphore_mem>>)
    %barrier3A = arith.constant 0 : index
    tpu.barrier barrier_id(%barrier3A)
    %scan3A = arith.constant 0 : i32
    %scan3A_60 = arith.constant 0 : i32
    %scan3A_61 = arith.constant 50 : i32
    %scan3A_62 = arith.addi %scan3A_60, %scan3A_61 : i32
    %scan3A_63 = arith.constant 1 : i32
    scf.for %scan3A_78 = %scan3A_60 to %scan3A_62 step %scan3A_63  : i32 {
      %mul3A_79 = arith.constant 5 : i32
      %mul3A_80 = arith.muli %scan3A_78, %mul3A_79 : i32
      %add3A_81 = arith.constant 0 : i32
      %add3A_82 = arith.addi %mul3A_80, %add3A_81 : i32
      %mul3A_83 = arith.constant 40 : i32
      %mul3A_84 = arith.muli %add3A_82, %mul3A_83 : i32
      %dma_wait3A = arith.constant 0 : i32
      %dma_wait3A_85 = arith.constant 0 : i32
      %dma_wait3A_86 = arith.constant 0 : i32
      %dma_wait3A_87 = tpu.memref_slice %arg9[%dma_wait3A, %dma_wait3A_85, %dma_wait3A_86] : memref<5x40x128xf32, #tpu.memory_space<vmem>> -> memref<1x40x128xf32, #tpu.memory_space<vmem>>
      %dma_wait3A_88 = tpu.memref_squeeze %dma_wait3A_87 : memref<1x40x128xf32, #tpu.memory_space<vmem>> -> memref<40x128xf32, #tpu.memory_space<vmem>>
      %dma_wait3A_89 = tpu.memref_slice %arg7[%mul3A_84] : memref<10000xi32, #tpu.memory_space<vmem>> -> memref<40xi32, #tpu.memory_space<vmem>>
      %dma_wait3A_90 = arith.constant 0 : i32
      %dma_wait3A_91 = arith.constant 0 : i32
      %dma_wait3A_92 = tpu.memref_slice %arg2[%dma_wait3A_90, %dma_wait3A_91] : memref<10000x128xf32, #tpu.memory_space<hbm>> -> memref<10000x128xf32, #tpu.memory_space<hbm>>
      tpu.wait_indirect_dma semaphore(%arg11 : memref<!tpu.dma_semaphore, #tpu.memory_space<semaphore_mem>>) src(%dma_wait3A_92 : memref<10000x128xf32, #tpu.memory_space<hbm>>) dst(%dma_wait3A_88 : memref<40x128xf32, #tpu.memory_space<vmem>>)
      %mul3A_93 = arith.constant 40 : i32
      %mul3A_94 = arith.muli %add3A_82, %mul3A_93 : i32
      %run_scoped3A = arith.constant 0 : i32
      "tpu.region"() ({
        %run_scoped3A_201 = tpu.sem_alloc : memref<!tpu.dma_semaphore, #tpu.memory_space<semaphore_mem>>
        %dma_start3A_202 = arith.constant 0 : i32
        %dma_start3A_203 = arith.constant 0 : i32
        %dma_start3A_204 = tpu.memref_slice %arg9[%run_scoped3A, %dma_start3A_202, %dma_start3A_203] : memref<5x40x128xf32, #tpu.memory_space<vmem>> -> memref<1x40x128xf32, #tpu.memory_space<vmem>>
        %dma_start3A_205 = tpu.memref_squeeze %dma_start3A_204 : memref<1x40x128xf32, #tpu.memory_space<vmem>> -> memref<40x128xf32, #tpu.memory_space<vmem>>
        %dma_start3A_206 = tpu.memref_slice %arg8[%mul3A_94] : memref<10000xi32, #tpu.memory_space<vmem>> -> memref<40xi32, #tpu.memory_space<vmem>>
        %dma_start3A_207 = arith.constant 0 : i32
        %dma_start3A_208 = arith.constant 0 : i32
        %dma_start3A_209 = tpu.memref_slice %arg10[%dma_start3A_207, %dma_start3A_208] : memref<10000x128xf32, #tpu.memory_space<vmem_shared>> -> memref<10000x128xf32, #tpu.memory_space<vmem_shared>>
        tpu.enqueue_indirect_dma source(%dma_start3A_205 : memref<40x128xf32, #tpu.memory_space<vmem>>) target(%dma_start3A_209 : memref<10000x128xf32, #tpu.memory_space<vmem_shared>>) offsets(%dma_start3A_206 : memref<40xi32, #tpu.memory_space<vmem>>) semaphore(%run_scoped3A_201 : memref<!tpu.dma_semaphore, #tpu.memory_space<semaphore_mem>>) {add = true}
        %dma_wait3A_210 = arith.constant 0 : i32
        %dma_wait3A_211 = arith.constant 0 : i32
        %dma_wait3A_212 = tpu.memref_slice %arg9[%run_scoped3A, %dma_wait3A_210, %dma_wait3A_211] : memref<5x40x128xf32, #tpu.memory_space<vmem>> -> memref<1x40x128xf32, #tpu.memory_space<vmem>>
        %dma_wait3A_213 = tpu.memref_squeeze %dma_wait3A_212 : memref<1x40x128xf32, #tpu.memory_space<vmem>> -> memref<40x128xf32, #tpu.memory_space<vmem>>
        %dma_wait3A_214 = tpu.memref_slice %arg8[%mul3A_94] : memref<10000xi32, #tpu.memory_space<vmem>> -> memref<40xi32, #tpu.memory_space<vmem>>
        %dma_wait3A_215 = arith.constant 0 : i32
        %dma_wait3A_216 = arith.constant 0 : i32
        %dma_wait3A_217 = tpu.memref_slice %arg10[%dma_wait3A_215, %dma_wait3A_216] : memref<10000x128xf32, #tpu.memory_space<vmem_shared>> -> memref<10000x128xf32, #tpu.memory_space<vmem_shared>>
        tpu.wait_indirect_dma semaphore(%run_scoped3A_201 : memref<!tpu.dma_semaphore, #tpu.memory_space<semaphore_mem>>) src(%dma_wait3A_213 : memref<40x128xf32, #tpu.memory_space<vmem>>) dst(%dma_wait3A_217 : memref<10000x128xf32, #tpu.memory_space<vmem_shared>>)
        tpu.yield
      }) : () -> ()
      %add3A_95 = arith.constant 1 : i32
      %add3A_96 = arith.addi %scan3A_78, %add3A_95 : i32
      %lt3A = arith.constant 50 : i32
      %lt3A_97 = arith.cmpi slt, %add3A_96, %lt3A : i32
      %convert_element_type3A_98 = arith.extui %lt3A_97 : i1 to i32
      %cond3A_99 = arith.constant 0 : i32
      %cond3A_100 = arith.cmpi ne, %convert_element_type3A_98, %cond3A_99 : i32
      scf.if %cond3A_100 {
        %add3A_201 = arith.constant 5 : i32
        %add3A_202 = arith.addi %add3A_82, %add3A_201 : i32
        %mul3A_203 = arith.constant 40 : i32
        %mul3A_204 = arith.muli %add3A_202, %mul3A_203 : i32
        %dma_start3A_205 = arith.constant 0 : i32
        %dma_start3A_206 = arith.constant 0 : i32
        %dma_start3A_207 = arith.constant 0 : i32
        %dma_start3A_208 = tpu.memref_slice %arg9[%dma_start3A_205, %dma_start3A_206, %dma_start3A_207] : memref<5x40x128xf32, #tpu.memory_space<vmem>> -> memref<1x40x128xf32, #tpu.memory_space<vmem>>
        %dma_start3A_209 = tpu.memref_squeeze %dma_start3A_208 : memref<1x40x128xf32, #tpu.memory_space<vmem>> -> memref<40x128xf32, #tpu.memory_space<vmem>>
        %dma_start3A_210 = tpu.memref_slice %arg7[%mul3A_204] : memref<10000xi32, #tpu.memory_space<vmem>> -> memref<40xi32, #tpu.memory_space<vmem>>
        %dma_start3A_211 = arith.constant 0 : i32
        %dma_start3A_212 = arith.constant 0 : i32
        %dma_start3A_213 = tpu.memref_slice %arg2[%dma_start3A_211, %dma_start3A_212] : memref<10000x128xf32, #tpu.memory_space<hbm>> -> memref<10000x128xf32, #tpu.memory_space<hbm>>
        tpu.enqueue_indirect_dma source(%dma_start3A_213 : memref<10000x128xf32, #tpu.memory_space<hbm>>) target(%dma_start3A_209 : memref<40x128xf32, #tpu.memory_space<vmem>>) offsets(%dma_start3A_210 : memref<40xi32, #tpu.memory_space<vmem>>) semaphore(%arg11 : memref<!tpu.dma_semaphore, #tpu.memory_space<semaphore_mem>>)
      } else {
      }
      %mul3A_101 = arith.constant 5 : i32
      %mul3A_102 = arith.muli %scan3A_78, %mul3A_101 : i32
      %add3A_103 = arith.constant 1 : i32
      %add3A_104 = arith.addi %mul3A_102, %add3A_103 : i32
      %mul3A_105 = arith.constant 40 : i32
      %mul3A_106 = arith.muli %add3A_104, %mul3A_105 : i32
      %dma_wait3A_107 = arith.constant 1 : i32
      %dma_wait3A_108 = arith.constant 0 : i32
      %dma_wait3A_109 = arith.constant 0 : i32
      %dma_wait3A_110 = tpu.memref_slice %arg9[%dma_wait3A_107, %dma_wait3A_108, %dma_wait3A_109] : memref<5x40x128xf32, #tpu.memory_space<vmem>> -> memref<1x40x128xf32, #tpu.memory_space<vmem>>
      %dma_wait3A_111 = tpu.memref_squeeze %dma_wait3A_110 : memref<1x40x128xf32, #tpu.memory_space<vmem>> -> memref<40x128xf32, #tpu.memory_space<vmem>>
      %dma_wait3A_112 = tpu.memref_slice %arg7[%mul3A_106] : memref<10000xi32, #tpu.memory_space<vmem>> -> memref<40xi32, #tpu.memory_space<vmem>>
      %dma_wait3A_113 = arith.constant 0 : i32
      %dma_wait3A_114 = arith.constant 0 : i32
      %dma_wait3A_115 = tpu.memref_slice %arg2[%dma_wait3A_113, %dma_wait3A_114] : memref<10000x128xf32, #tpu.memory_space<hbm>> -> memref<10000x128xf32, #tpu.memory_space<hbm>>
      tpu.wait_indirect_dma semaphore(%arg12 : memref<!tpu.dma_semaphore, #tpu.memory_space<semaphore_mem>>) src(%dma_wait3A_115 : memref<10000x128xf32, #tpu.memory_space<hbm>>) dst(%dma_wait3A_111 : memref<40x128xf32, #tpu.memory_space<vmem>>)
      %mul3A_116 = arith.constant 40 : i32
      %mul3A_117 = arith.muli %add3A_104, %mul3A_116 : i32
      %run_scoped3A_118 = arith.constant 1 : i32
      "tpu.region"() ({
        %run_scoped3A_201 = tpu.sem_alloc : memref<!tpu.dma_semaphore, #tpu.memory_space<semaphore_mem>>
        %dma_start3A_202 = arith.constant 0 : i32
        %dma_start3A_203 = arith.constant 0 : i32
        %dma_start3A_204 = tpu.memref_slice %arg9[%run_scoped3A_118, %dma_start3A_202, %dma_start3A_203] : memref<5x40x128xf32, #tpu.memory_space<vmem>> -> memref<1x40x128xf32, #tpu.memory_space<vmem>>
        %dma_start3A_205 = tpu.memref_squeeze %dma_start3A_204 : memref<1x40x128xf32, #tpu.memory_space<vmem>> -> memref<40x128xf32, #tpu.memory_space<vmem>>
        %dma_start3A_206 = tpu.memref_slice %arg8[%mul3A_117] : memref<10000xi32, #tpu.memory_space<vmem>> -> memref<40xi32, #tpu.memory_space<vmem>>
        %dma_start3A_207 = arith.constant 0 : i32
        %dma_start3A_208 = arith.constant 0 : i32
        %dma_start3A_209 = tpu.memref_slice %arg10[%dma_start3A_207, %dma_start3A_208] : memref<10000x128xf32, #tpu.memory_space<vmem_shared>> -> memref<10000x128xf32, #tpu.memory_space<vmem_shared>>
        tpu.enqueue_indirect_dma source(%dma_start3A_205 : memref<40x128xf32, #tpu.memory_space<vmem>>) target(%dma_start3A_209 : memref<10000x128xf32, #tpu.memory_space<vmem_shared>>) offsets(%dma_start3A_206 : memref<40xi32, #tpu.memory_space<vmem>>) semaphore(%run_scoped3A_201 : memref<!tpu.dma_semaphore, #tpu.memory_space<semaphore_mem>>) {add = true}
        %dma_wait3A_210 = arith.constant 0 : i32
        %dma_wait3A_211 = arith.constant 0 : i32
        %dma_wait3A_212 = tpu.memref_slice %arg9[%run_scoped3A_118, %dma_wait3A_210, %dma_wait3A_211] : memref<5x40x128xf32, #tpu.memory_space<vmem>> -> memref<1x40x128xf32, #tpu.memory_space<vmem>>
        %dma_wait3A_213 = tpu.memref_squeeze %dma_wait3A_212 : memref<1x40x128xf32, #tpu.memory_space<vmem>> -> memref<40x128xf32, #tpu.memory_space<vmem>>
        %dma_wait3A_214 = tpu.memref_slice %arg8[%mul3A_117] : memref<10000xi32, #tpu.memory_space<vmem>> -> memref<40xi32, #tpu.memory_space<vmem>>
        %dma_wait3A_215 = arith.constant 0 : i32
        %dma_wait3A_216 = arith.constant 0 : i32
        %dma_wait3A_217 = tpu.memref_slice %arg10[%dma_wait3A_215, %dma_wait3A_216] : memref<10000x128xf32, #tpu.memory_space<vmem_shared>> -> memref<10000x128xf32, #tpu.memory_space<vmem_shared>>
        tpu.wait_indirect_dma semaphore(%run_scoped3A_201 : memref<!tpu.dma_semaphore, #tpu.memory_space<semaphore_mem>>) src(%dma_wait3A_213 : memref<40x128xf32, #tpu.memory_space<vmem>>) dst(%dma_wait3A_217 : memref<10000x128xf32, #tpu.memory_space<vmem_shared>>)
        tpu.yield
      }) : () -> ()
      %add3A_119 = arith.constant 1 : i32
      %add3A_120 = arith.addi %scan3A_78, %add3A_119 : i32
      %lt3A_121 = arith.constant 50 : i32
      %lt3A_122 = arith.cmpi slt, %add3A_120, %lt3A_121 : i32
      %convert_element_type3A_123 = arith.extui %lt3A_122 : i1 to i32
      %cond3A_124 = arith.constant 0 : i32
      %cond3A_125 = arith.cmpi ne, %convert_element_type3A_123, %cond3A_124 : i32
      scf.if %cond3A_125 {
        %add3A_201 = arith.constant 5 : i32
        %add3A_202 = arith.addi %add3A_104, %add3A_201 : i32
        %mul3A_203 = arith.constant 40 : i32
        %mul3A_204 = arith.muli %add3A_202, %mul3A_203 : i32
        %dma_start3A_205 = arith.constant 1 : i32
        %dma_start3A_206 = arith.constant 0 : i32
        %dma_start3A_207 = arith.constant 0 : i32
        %dma_start3A_208 = tpu.memref_slice %arg9[%dma_start3A_205, %dma_start3A_206, %dma_start3A_207] : memref<5x40x128xf32, #tpu.memory_space<vmem>> -> memref<1x40x128xf32, #tpu.memory_space<vmem>>
        %dma_start3A_209 = tpu.memref_squeeze %dma_start3A_208 : memref<1x40x128xf32, #tpu.memory_space<vmem>> -> memref<40x128xf32, #tpu.memory_space<vmem>>
        %dma_start3A_210 = tpu.memref_slice %arg7[%mul3A_204] : memref<10000xi32, #tpu.memory_space<vmem>> -> memref<40xi32, #tpu.memory_space<vmem>>
        %dma_start3A_211 = arith.constant 0 : i32
        %dma_start3A_212 = arith.constant 0 : i32
        %dma_start3A_213 = tpu.memref_slice %arg2[%dma_start3A_211, %dma_start3A_212] : memref<10000x128xf32, #tpu.memory_space<hbm>> -> memref<10000x128xf32, #tpu.memory_space<hbm>>
        tpu.enqueue_indirect_dma source(%dma_start3A_213 : memref<10000x128xf32, #tpu.memory_space<hbm>>) target(%dma_start3A_209 : memref<40x128xf32, #tpu.memory_space<vmem>>) offsets(%dma_start3A_210 : memref<40xi32, #tpu.memory_space<vmem>>) semaphore(%arg12 : memref<!tpu.dma_semaphore, #tpu.memory_space<semaphore_mem>>)
      } else {
      }
      %mul3A_126 = arith.constant 5 : i32
      %mul3A_127 = arith.muli %scan3A_78, %mul3A_126 : i32
      %add3A_128 = arith.constant 2 : i32
      %add3A_129 = arith.addi %mul3A_127, %add3A_128 : i32
      %mul3A_130 = arith.constant 40 : i32
      %mul3A_131 = arith.muli %add3A_129, %mul3A_130 : i32
      %dma_wait3A_132 = arith.constant 2 : i32
      %dma_wait3A_133 = arith.constant 0 : i32
      %dma_wait3A_134 = arith.constant 0 : i32
      %dma_wait3A_135 = tpu.memref_slice %arg9[%dma_wait3A_132, %dma_wait3A_133, %dma_wait3A_134] : memref<5x40x128xf32, #tpu.memory_space<vmem>> -> memref<1x40x128xf32, #tpu.memory_space<vmem>>
      %dma_wait3A_136 = tpu.memref_squeeze %dma_wait3A_135 : memref<1x40x128xf32, #tpu.memory_space<vmem>> -> memref<40x128xf32, #tpu.memory_space<vmem>>
      %dma_wait3A_137 = tpu.memref_slice %arg7[%mul3A_131] : memref<10000xi32, #tpu.memory_space<vmem>> -> memref<40xi32, #tpu.memory_space<vmem>>
      %dma_wait3A_138 = arith.constant 0 : i32
      %dma_wait3A_139 = arith.constant 0 : i32
      %dma_wait3A_140 = tpu.memref_slice %arg2[%dma_wait3A_138, %dma_wait3A_139] : memref<10000x128xf32, #tpu.memory_space<hbm>> -> memref<10000x128xf32, #tpu.memory_space<hbm>>
      tpu.wait_indirect_dma semaphore(%arg13 : memref<!tpu.dma_semaphore, #tpu.memory_space<semaphore_mem>>) src(%dma_wait3A_140 : memref<10000x128xf32, #tpu.memory_space<hbm>>) dst(%dma_wait3A_136 : memref<40x128xf32, #tpu.memory_space<vmem>>)
      %mul3A_141 = arith.constant 40 : i32
      %mul3A_142 = arith.muli %add3A_129, %mul3A_141 : i32
      %run_scoped3A_143 = arith.constant 2 : i32
      "tpu.region"() ({
        %run_scoped3A_201 = tpu.sem_alloc : memref<!tpu.dma_semaphore, #tpu.memory_space<semaphore_mem>>
        %dma_start3A_202 = arith.constant 0 : i32
        %dma_start3A_203 = arith.constant 0 : i32
        %dma_start3A_204 = tpu.memref_slice %arg9[%run_scoped3A_143, %dma_start3A_202, %dma_start3A_203] : memref<5x40x128xf32, #tpu.memory_space<vmem>> -> memref<1x40x128xf32, #tpu.memory_space<vmem>>
        %dma_start3A_205 = tpu.memref_squeeze %dma_start3A_204 : memref<1x40x128xf32, #tpu.memory_space<vmem>> -> memref<40x128xf32, #tpu.memory_space<vmem>>
        %dma_start3A_206 = tpu.memref_slice %arg8[%mul3A_142] : memref<10000xi32, #tpu.memory_space<vmem>> -> memref<40xi32, #tpu.memory_space<vmem>>
        %dma_start3A_207 = arith.constant 0 : i32
        %dma_start3A_208 = arith.constant 0 : i32
        %dma_start3A_209 = tpu.memref_slice %arg10[%dma_start3A_207, %dma_start3A_208] : memref<10000x128xf32, #tpu.memory_space<vmem_shared>> -> memref<10000x128xf32, #tpu.memory_space<vmem_shared>>
        tpu.enqueue_indirect_dma source(%dma_start3A_205 : memref<40x128xf32, #tpu.memory_space<vmem>>) target(%dma_start3A_209 : memref<10000x128xf32, #tpu.memory_space<vmem_shared>>) offsets(%dma_start3A_206 : memref<40xi32, #tpu.memory_space<vmem>>) semaphore(%run_scoped3A_201 : memref<!tpu.dma_semaphore, #tpu.memory_space<semaphore_mem>>) {add = true}
        %dma_wait3A_210 = arith.constant 0 : i32
        %dma_wait3A_211 = arith.constant 0 : i32
        %dma_wait3A_212 = tpu.memref_slice %arg9[%run_scoped3A_143, %dma_wait3A_210, %dma_wait3A_211] : memref<5x40x128xf32, #tpu.memory_space<vmem>> -> memref<1x40x128xf32, #tpu.memory_space<vmem>>
        %dma_wait3A_213 = tpu.memref_squeeze %dma_wait3A_212 : memref<1x40x128xf32, #tpu.memory_space<vmem>> -> memref<40x128xf32, #tpu.memory_space<vmem>>
        %dma_wait3A_214 = tpu.memref_slice %arg8[%mul3A_142] : memref<10000xi32, #tpu.memory_space<vmem>> -> memref<40xi32, #tpu.memory_space<vmem>>
        %dma_wait3A_215 = arith.constant 0 : i32
        %dma_wait3A_216 = arith.constant 0 : i32
        %dma_wait3A_217 = tpu.memref_slice %arg10[%dma_wait3A_215, %dma_wait3A_216] : memref<10000x128xf32, #tpu.memory_space<vmem_shared>> -> memref<10000x128xf32, #tpu.memory_space<vmem_shared>>
        tpu.wait_indirect_dma semaphore(%run_scoped3A_201 : memref<!tpu.dma_semaphore, #tpu.memory_space<semaphore_mem>>) src(%dma_wait3A_213 : memref<40x128xf32, #tpu.memory_space<vmem>>) dst(%dma_wait3A_217 : memref<10000x128xf32, #tpu.memory_space<vmem_shared>>)
        tpu.yield
      }) : () -> ()
      %add3A_144 = arith.constant 1 : i32
      %add3A_145 = arith.addi %scan3A_78, %add3A_144 : i32
      %lt3A_146 = arith.constant 50 : i32
      %lt3A_147 = arith.cmpi slt, %add3A_145, %lt3A_146 : i32
      %convert_element_type3A_148 = arith.extui %lt3A_147 : i1 to i32
      %cond3A_149 = arith.constant 0 : i32
      %cond3A_150 = arith.cmpi ne, %convert_element_type3A_148, %cond3A_149 : i32
      scf.if %cond3A_150 {
        %add3A_201 = arith.constant 5 : i32
        %add3A_202 = arith.addi %add3A_129, %add3A_201 : i32
        %mul3A_203 = arith.constant 40 : i32
        %mul3A_204 = arith.muli %add3A_202, %mul3A_203 : i32
        %dma_start3A_205 = arith.constant 2 : i32
        %dma_start3A_206 = arith.constant 0 : i32
        %dma_start3A_207 = arith.constant 0 : i32
        %dma_start3A_208 = tpu.memref_slice %arg9[%dma_start3A_205, %dma_start3A_206, %dma_start3A_207] : memref<5x40x128xf32, #tpu.memory_space<vmem>> -> memref<1x40x128xf32, #tpu.memory_space<vmem>>
        %dma_start3A_209 = tpu.memref_squeeze %dma_start3A_208 : memref<1x40x128xf32, #tpu.memory_space<vmem>> -> memref<40x128xf32, #tpu.memory_space<vmem>>
        %dma_start3A_210 = tpu.memref_slice %arg7[%mul3A_204] : memref<10000xi32, #tpu.memory_space<vmem>> -> memref<40xi32, #tpu.memory_space<vmem>>
        %dma_start3A_211 = arith.constant 0 : i32
        %dma_start3A_212 = arith.constant 0 : i32
        %dma_start3A_213 = tpu.memref_slice %arg2[%dma_start3A_211, %dma_start3A_212] : memref<10000x128xf32, #tpu.memory_space<hbm>> -> memref<10000x128xf32, #tpu.memory_space<hbm>>
        tpu.enqueue_indirect_dma source(%dma_start3A_213 : memref<10000x128xf32, #tpu.memory_space<hbm>>) target(%dma_start3A_209 : memref<40x128xf32, #tpu.memory_space<vmem>>) offsets(%dma_start3A_210 : memref<40xi32, #tpu.memory_space<vmem>>) semaphore(%arg13 : memref<!tpu.dma_semaphore, #tpu.memory_space<semaphore_mem>>)
      } else {
      }
      %mul3A_151 = arith.constant 5 : i32
      %mul3A_152 = arith.muli %scan3A_78, %mul3A_151 : i32
      %add3A_153 = arith.constant 3 : i32
      %add3A_154 = arith.addi %mul3A_152, %add3A_153 : i32
      %mul3A_155 = arith.constant 40 : i32
      %mul3A_156 = arith.muli %add3A_154, %mul3A_155 : i32
      %dma_wait3A_157 = arith.constant 3 : i32
      %dma_wait3A_158 = arith.constant 0 : i32
      %dma_wait3A_159 = arith.constant 0 : i32
      %dma_wait3A_160 = tpu.memref_slice %arg9[%dma_wait3A_157, %dma_wait3A_158, %dma_wait3A_159] : memref<5x40x128xf32, #tpu.memory_space<vmem>> -> memref<1x40x128xf32, #tpu.memory_space<vmem>>
      %dma_wait3A_161 = tpu.memref_squeeze %dma_wait3A_160 : memref<1x40x128xf32, #tpu.memory_space<vmem>> -> memref<40x128xf32, #tpu.memory_space<vmem>>
      %dma_wait3A_162 = tpu.memref_slice %arg7[%mul3A_156] : memref<10000xi32, #tpu.memory_space<vmem>> -> memref<40xi32, #tpu.memory_space<vmem>>
      %dma_wait3A_163 = arith.constant 0 : i32
      %dma_wait3A_164 = arith.constant 0 : i32
      %dma_wait3A_165 = tpu.memref_slice %arg2[%dma_wait3A_163, %dma_wait3A_164] : memref<10000x128xf32, #tpu.memory_space<hbm>> -> memref<10000x128xf32, #tpu.memory_space<hbm>>
      tpu.wait_indirect_dma semaphore(%arg14 : memref<!tpu.dma_semaphore, #tpu.memory_space<semaphore_mem>>) src(%dma_wait3A_165 : memref<10000x128xf32, #tpu.memory_space<hbm>>) dst(%dma_wait3A_161 : memref<40x128xf32, #tpu.memory_space<vmem>>)
      %mul3A_166 = arith.constant 40 : i32
      %mul3A_167 = arith.muli %add3A_154, %mul3A_166 : i32
      %run_scoped3A_168 = arith.constant 3 : i32
      "tpu.region"() ({
        %run_scoped3A_201 = tpu.sem_alloc : memref<!tpu.dma_semaphore, #tpu.memory_space<semaphore_mem>>
        %dma_start3A_202 = arith.constant 0 : i32
        %dma_start3A_203 = arith.constant 0 : i32
        %dma_start3A_204 = tpu.memref_slice %arg9[%run_scoped3A_168, %dma_start3A_202, %dma_start3A_203] : memref<5x40x128xf32, #tpu.memory_space<vmem>> -> memref<1x40x128xf32, #tpu.memory_space<vmem>>
        %dma_start3A_205 = tpu.memref_squeeze %dma_start3A_204 : memref<1x40x128xf32, #tpu.memory_space<vmem>> -> memref<40x128xf32, #tpu.memory_space<vmem>>
        %dma_start3A_206 = tpu.memref_slice %arg8[%mul3A_167] : memref<10000xi32, #tpu.memory_space<vmem>> -> memref<40xi32, #tpu.memory_space<vmem>>
        %dma_start3A_207 = arith.constant 0 : i32
        %dma_start3A_208 = arith.constant 0 : i32
        %dma_start3A_209 = tpu.memref_slice %arg10[%dma_start3A_207, %dma_start3A_208] : memref<10000x128xf32, #tpu.memory_space<vmem_shared>> -> memref<10000x128xf32, #tpu.memory_space<vmem_shared>>
        tpu.enqueue_indirect_dma source(%dma_start3A_205 : memref<40x128xf32, #tpu.memory_space<vmem>>) target(%dma_start3A_209 : memref<10000x128xf32, #tpu.memory_space<vmem_shared>>) offsets(%dma_start3A_206 : memref<40xi32, #tpu.memory_space<vmem>>) semaphore(%run_scoped3A_201 : memref<!tpu.dma_semaphore, #tpu.memory_space<semaphore_mem>>) {add = true}
        %dma_wait3A_210 = arith.constant 0 : i32
        %dma_wait3A_211 = arith.constant 0 : i32
        %dma_wait3A_212 = tpu.memref_slice %arg9[%run_scoped3A_168, %dma_wait3A_210, %dma_wait3A_211] : memref<5x40x128xf32, #tpu.memory_space<vmem>> -> memref<1x40x128xf32, #tpu.memory_space<vmem>>
        %dma_wait3A_213 = tpu.memref_squeeze %dma_wait3A_212 : memref<1x40x128xf32, #tpu.memory_space<vmem>> -> memref<40x128xf32, #tpu.memory_space<vmem>>
        %dma_wait3A_214 = tpu.memref_slice %arg8[%mul3A_167] : memref<10000xi32, #tpu.memory_space<vmem>> -> memref<40xi32, #tpu.memory_space<vmem>>
        %dma_wait3A_215 = arith.constant 0 : i32
        %dma_wait3A_216 = arith.constant 0 : i32
        %dma_wait3A_217 = tpu.memref_slice %arg10[%dma_wait3A_215, %dma_wait3A_216] : memref<10000x128xf32, #tpu.memory_space<vmem_shared>> -> memref<10000x128xf32, #tpu.memory_space<vmem_shared>>
        tpu.wait_indirect_dma semaphore(%run_scoped3A_201 : memref<!tpu.dma_semaphore, #tpu.memory_space<semaphore_mem>>) src(%dma_wait3A_213 : memref<40x128xf32, #tpu.memory_space<vmem>>) dst(%dma_wait3A_217 : memref<10000x128xf32, #tpu.memory_space<vmem_shared>>)
        tpu.yield
      }) : () -> ()
      %add3A_169 = arith.constant 1 : i32
      %add3A_170 = arith.addi %scan3A_78, %add3A_169 : i32
      %lt3A_171 = arith.constant 50 : i32
      %lt3A_172 = arith.cmpi slt, %add3A_170, %lt3A_171 : i32
      %convert_element_type3A_173 = arith.extui %lt3A_172 : i1 to i32
      %cond3A_174 = arith.constant 0 : i32
      %cond3A_175 = arith.cmpi ne, %convert_element_type3A_173, %cond3A_174 : i32
      scf.if %cond3A_175 {
        %add3A_201 = arith.constant 5 : i32
        %add3A_202 = arith.addi %add3A_154, %add3A_201 : i32
        %mul3A_203 = arith.constant 40 : i32
        %mul3A_204 = arith.muli %add3A_202, %mul3A_203 : i32
        %dma_start3A_205 = arith.constant 3 : i32
        %dma_start3A_206 = arith.constant 0 : i32
        %dma_start3A_207 = arith.constant 0 : i32
        %dma_start3A_208 = tpu.memref_slice %arg9[%dma_start3A_205, %dma_start3A_206, %dma_start3A_207] : memref<5x40x128xf32, #tpu.memory_space<vmem>> -> memref<1x40x128xf32, #tpu.memory_space<vmem>>
        %dma_start3A_209 = tpu.memref_squeeze %dma_start3A_208 : memref<1x40x128xf32, #tpu.memory_space<vmem>> -> memref<40x128xf32, #tpu.memory_space<vmem>>
        %dma_start3A_210 = tpu.memref_slice %arg7[%mul3A_204] : memref<10000xi32, #tpu.memory_space<vmem>> -> memref<40xi32, #tpu.memory_space<vmem>>
        %dma_start3A_211 = arith.constant 0 : i32
        %dma_start3A_212 = arith.constant 0 : i32
        %dma_start3A_213 = tpu.memref_slice %arg2[%dma_start3A_211, %dma_start3A_212] : memref<10000x128xf32, #tpu.memory_space<hbm>> -> memref<10000x128xf32, #tpu.memory_space<hbm>>
        tpu.enqueue_indirect_dma source(%dma_start3A_213 : memref<10000x128xf32, #tpu.memory_space<hbm>>) target(%dma_start3A_209 : memref<40x128xf32, #tpu.memory_space<vmem>>) offsets(%dma_start3A_210 : memref<40xi32, #tpu.memory_space<vmem>>) semaphore(%arg14 : memref<!tpu.dma_semaphore, #tpu.memory_space<semaphore_mem>>)
      } else {
      }
      %mul3A_176 = arith.constant 5 : i32
      %mul3A_177 = arith.muli %scan3A_78, %mul3A_176 : i32
      %add3A_178 = arith.constant 4 : i32
      %add3A_179 = arith.addi %mul3A_177, %add3A_178 : i32
      %mul3A_180 = arith.constant 40 : i32
      %mul3A_181 = arith.muli %add3A_179, %mul3A_180 : i32
      %dma_wait3A_182 = arith.constant 4 : i32
      %dma_wait3A_183 = arith.constant 0 : i32
      %dma_wait3A_184 = arith.constant 0 : i32
      %dma_wait3A_185 = tpu.memref_slice %arg9[%dma_wait3A_182, %dma_wait3A_183, %dma_wait3A_184] : memref<5x40x128xf32, #tpu.memory_space<vmem>> -> memref<1x40x128xf32, #tpu.memory_space<vmem>>
      %dma_wait3A_186 = tpu.memref_squeeze %dma_wait3A_185 : memref<1x40x128xf32, #tpu.memory_space<vmem>> -> memref<40x128xf32, #tpu.memory_space<vmem>>
      %dma_wait3A_187 = tpu.memref_slice %arg7[%mul3A_181] : memref<10000xi32, #tpu.memory_space<vmem>> -> memref<40xi32, #tpu.memory_space<vmem>>
      %dma_wait3A_188 = arith.constant 0 : i32
      %dma_wait3A_189 = arith.constant 0 : i32
      %dma_wait3A_190 = tpu.memref_slice %arg2[%dma_wait3A_188, %dma_wait3A_189] : memref<10000x128xf32, #tpu.memory_space<hbm>> -> memref<10000x128xf32, #tpu.memory_space<hbm>>
      tpu.wait_indirect_dma semaphore(%arg15 : memref<!tpu.dma_semaphore, #tpu.memory_space<semaphore_mem>>) src(%dma_wait3A_190 : memref<10000x128xf32, #tpu.memory_space<hbm>>) dst(%dma_wait3A_186 : memref<40x128xf32, #tpu.memory_space<vmem>>)
      %mul3A_191 = arith.constant 40 : i32
      %mul3A_192 = arith.muli %add3A_179, %mul3A_191 : i32
      %run_scoped3A_193 = arith.constant 4 : i32
      "tpu.region"() ({
        %run_scoped3A_201 = tpu.sem_alloc : memref<!tpu.dma_semaphore, #tpu.memory_space<semaphore_mem>>
        %dma_start3A_202 = arith.constant 0 : i32
        %dma_start3A_203 = arith.constant 0 : i32
        %dma_start3A_204 = tpu.memref_slice %arg9[%run_scoped3A_193, %dma_start3A_202, %dma_start3A_203] : memref<5x40x128xf32, #tpu.memory_space<vmem>> -> memref<1x40x128xf32, #tpu.memory_space<vmem>>
        %dma_start3A_205 = tpu.memref_squeeze %dma_start3A_204 : memref<1x40x128xf32, #tpu.memory_space<vmem>> -> memref<40x128xf32, #tpu.memory_space<vmem>>
        %dma_start3A_206 = tpu.memref_slice %arg8[%mul3A_192] : memref<10000xi32, #tpu.memory_space<vmem>> -> memref<40xi32, #tpu.memory_space<vmem>>
        %dma_start3A_207 = arith.constant 0 : i32
        %dma_start3A_208 = arith.constant 0 : i32
        %dma_start3A_209 = tpu.memref_slice %arg10[%dma_start3A_207, %dma_start3A_208] : memref<10000x128xf32, #tpu.memory_space<vmem_shared>> -> memref<10000x128xf32, #tpu.memory_space<vmem_shared>>
        tpu.enqueue_indirect_dma source(%dma_start3A_205 : memref<40x128xf32, #tpu.memory_space<vmem>>) target(%dma_start3A_209 : memref<10000x128xf32, #tpu.memory_space<vmem_shared>>) offsets(%dma_start3A_206 : memref<40xi32, #tpu.memory_space<vmem>>) semaphore(%run_scoped3A_201 : memref<!tpu.dma_semaphore, #tpu.memory_space<semaphore_mem>>) {add = true}
        %dma_wait3A_210 = arith.constant 0 : i32
        %dma_wait3A_211 = arith.constant 0 : i32
        %dma_wait3A_212 = tpu.memref_slice %arg9[%run_scoped3A_193, %dma_wait3A_210, %dma_wait3A_211] : memref<5x40x128xf32, #tpu.memory_space<vmem>> -> memref<1x40x128xf32, #tpu.memory_space<vmem>>
        %dma_wait3A_213 = tpu.memref_squeeze %dma_wait3A_212 : memref<1x40x128xf32, #tpu.memory_space<vmem>> -> memref<40x128xf32, #tpu.memory_space<vmem>>
        %dma_wait3A_214 = tpu.memref_slice %arg8[%mul3A_192] : memref<10000xi32, #tpu.memory_space<vmem>> -> memref<40xi32, #tpu.memory_space<vmem>>
        %dma_wait3A_215 = arith.constant 0 : i32
        %dma_wait3A_216 = arith.constant 0 : i32
        %dma_wait3A_217 = tpu.memref_slice %arg10[%dma_wait3A_215, %dma_wait3A_216] : memref<10000x128xf32, #tpu.memory_space<vmem_shared>> -> memref<10000x128xf32, #tpu.memory_space<vmem_shared>>
        tpu.wait_indirect_dma semaphore(%run_scoped3A_201 : memref<!tpu.dma_semaphore, #tpu.memory_space<semaphore_mem>>) src(%dma_wait3A_213 : memref<40x128xf32, #tpu.memory_space<vmem>>) dst(%dma_wait3A_217 : memref<10000x128xf32, #tpu.memory_space<vmem_shared>>)
        tpu.yield
      }) : () -> ()
      %add3A_194 = arith.constant 1 : i32
      %add3A_195 = arith.addi %scan3A_78, %add3A_194 : i32
      %lt3A_196 = arith.constant 50 : i32
      %lt3A_197 = arith.cmpi slt, %add3A_195, %lt3A_196 : i32
      %convert_element_type3A_198 = arith.extui %lt3A_197 : i1 to i32
      %cond3A_199 = arith.constant 0 : i32
      %cond3A_200 = arith.cmpi ne, %convert_element_type3A_198, %cond3A_199 : i32
      scf.if %cond3A_200 {
        %add3A_201 = arith.constant 5 : i32
        %add3A_202 = arith.addi %add3A_179, %add3A_201 : i32
        %mul3A_203 = arith.constant 40 : i32
        %mul3A_204 = arith.muli %add3A_202, %mul3A_203 : i32
        %dma_start3A_205 = arith.constant 4 : i32
        %dma_start3A_206 = arith.constant 0 : i32
        %dma_start3A_207 = arith.constant 0 : i32
        %dma_start3A_208 = tpu.memref_slice %arg9[%dma_start3A_205, %dma_start3A_206, %dma_start3A_207] : memref<5x40x128xf32, #tpu.memory_space<vmem>> -> memref<1x40x128xf32, #tpu.memory_space<vmem>>
        %dma_start3A_209 = tpu.memref_squeeze %dma_start3A_208 : memref<1x40x128xf32, #tpu.memory_space<vmem>> -> memref<40x128xf32, #tpu.memory_space<vmem>>
        %dma_start3A_210 = tpu.memref_slice %arg7[%mul3A_204] : memref<10000xi32, #tpu.memory_space<vmem>> -> memref<40xi32, #tpu.memory_space<vmem>>
        %dma_start3A_211 = arith.constant 0 : i32
        %dma_start3A_212 = arith.constant 0 : i32
        %dma_start3A_213 = tpu.memref_slice %arg2[%dma_start3A_211, %dma_start3A_212] : memref<10000x128xf32, #tpu.memory_space<hbm>> -> memref<10000x128xf32, #tpu.memory_space<hbm>>
        tpu.enqueue_indirect_dma source(%dma_start3A_213 : memref<10000x128xf32, #tpu.memory_space<hbm>>) target(%dma_start3A_209 : memref<40x128xf32, #tpu.memory_space<vmem>>) offsets(%dma_start3A_210 : memref<40xi32, #tpu.memory_space<vmem>>) semaphore(%arg15 : memref<!tpu.dma_semaphore, #tpu.memory_space<semaphore_mem>>)
      } else {
      }
    }
    %scan3A_64 = arith.constant 50 : i32
    %barrier3A_65 = arith.constant 0 : index
    tpu.barrier barrier_id(%barrier3A_65)
    %mul3A_66 = arith.constant 624 : i32
    %mul3A_67 = arith.muli %arg1, %mul3A_66 : i32
    %mul3A_68 = arith.constant 10000 : i32
    %mul3A_69 = arith.muli %arg0, %mul3A_68 : i32
    %mul3A_70 = arith.constant 624 : i32
    %mul3A_71 = arith.muli %arg1, %mul3A_70 : i32
    %add3A_72 = arith.addi %mul3A_69, %mul3A_71 : i32
    "tpu.region"() ({
      %run_scoped3A = tpu.sem_alloc : memref<!tpu.dma_semaphore, #tpu.memory_space<semaphore_mem>>
      %dma_start3A_78 = arith.constant 0 : i32
      %dma_start3A_79 = tpu.memref_slice %arg6[%add3A_72, %dma_start3A_78] : memref<20000x128xf32, #tpu.memory_space<hbm>> -> memref<624x128xf32, #tpu.memory_space<hbm>>
      %dma_start3A_80 = arith.constant 0 : i32
      %dma_start3A_81 = tpu.memref_slice %arg10[%mul3A_67, %dma_start3A_80] : memref<10000x128xf32, #tpu.memory_space<vmem_shared>> -> memref<624x128xf32, #tpu.memory_space<vmem_shared>>
      tpu.enqueue_dma source(%dma_start3A_81 : memref<624x128xf32, #tpu.memory_space<vmem_shared>>) target(%dma_start3A_79 : memref<624x128xf32, #tpu.memory_space<hbm>>) target_semaphore(%run_scoped3A : memref<!tpu.dma_semaphore, #tpu.memory_space<semaphore_mem>>)
      %dma_wait3A = arith.constant 0 : i32
      %dma_wait3A_82 = tpu.memref_slice %arg6[%add3A_72, %dma_wait3A] : memref<20000x128xf32, #tpu.memory_space<hbm>> -> memref<624x128xf32, #tpu.memory_space<hbm>>
      %dma_wait3A_83 = arith.constant 0 : i32
      %dma_wait3A_84 = tpu.memref_slice %arg10[%mul3A_67, %dma_wait3A_83] : memref<10000x128xf32, #tpu.memory_space<vmem_shared>> -> memref<624x128xf32, #tpu.memory_space<vmem_shared>>
      tpu.wait_dma2 semaphore(%run_scoped3A : memref<!tpu.dma_semaphore, #tpu.memory_space<semaphore_mem>>) src(%dma_wait3A_84 : memref<624x128xf32, #tpu.memory_space<vmem_shared>>) dst(%dma_wait3A_82 : memref<624x128xf32, #tpu.memory_space<hbm>>)
      tpu.yield
    }) : () -> ()
    %eq3A_73 = arith.constant 0 : i32
    %eq3A_74 = arith.cmpi eq, %arg1, %eq3A_73 : i32
    %convert_element_type3A_75 = arith.extui %eq3A_74 : i1 to i32
    %cond3A_76 = arith.constant 0 : i32
    %cond3A_77 = arith.cmpi ne, %convert_element_type3A_75, %cond3A_76 : i32
    scf.if %cond3A_77 {
      %mul3A_78 = arith.constant 10000 : i32
      %mul3A_79 = arith.muli %arg0, %mul3A_78 : i32
      %add3A_80 = arith.constant 9984 : i32
      %add3A_81 = arith.addi %mul3A_79, %add3A_80 : i32
      "tpu.region"() ({
        %run_scoped3A = tpu.sem_alloc : memref<!tpu.dma_semaphore, #tpu.memory_space<semaphore_mem>>
        %dma_start3A_82 = arith.constant 0 : i32
        %dma_start3A_83 = tpu.memref_slice %arg6[%add3A_81, %dma_start3A_82] : memref<20000x128xf32, #tpu.memory_space<hbm>> -> memref<16x128xf32, #tpu.memory_space<hbm>>
        %dma_start3A_84 = arith.constant 9984 : i32
        %dma_start3A_85 = arith.constant 0 : i32
        %dma_start3A_86 = tpu.memref_slice %arg10[%dma_start3A_84, %dma_start3A_85] : memref<10000x128xf32, #tpu.memory_space<vmem_shared>> -> memref<16x128xf32, #tpu.memory_space<vmem_shared>>
        tpu.enqueue_dma source(%dma_start3A_86 : memref<16x128xf32, #tpu.memory_space<vmem_shared>>) target(%dma_start3A_83 : memref<16x128xf32, #tpu.memory_space<hbm>>) target_semaphore(%run_scoped3A : memref<!tpu.dma_semaphore, #tpu.memory_space<semaphore_mem>>)
        %dma_wait3A = arith.constant 0 : i32
        %dma_wait3A_87 = tpu.memref_slice %arg6[%add3A_81, %dma_wait3A] : memref<20000x128xf32, #tpu.memory_space<hbm>> -> memref<16x128xf32, #tpu.memory_space<hbm>>
        %dma_wait3A_88 = arith.constant 9984 : i32
        %dma_wait3A_89 = arith.constant 0 : i32
        %dma_wait3A_90 = tpu.memref_slice %arg10[%dma_wait3A_88, %dma_wait3A_89] : memref<10000x128xf32, #tpu.memory_space<vmem_shared>> -> memref<16x128xf32, #tpu.memory_space<vmem_shared>>
        tpu.wait_dma2 semaphore(%run_scoped3A : memref<!tpu.dma_semaphore, #tpu.memory_space<semaphore_mem>>) src(%dma_wait3A_90 : memref<16x128xf32, #tpu.memory_space<vmem_shared>>) dst(%dma_wait3A_87 : memref<16x128xf32, #tpu.memory_space<hbm>>)
        tpu.yield
      }) : () -> ()
    } else {
    }
    return
  }
}

#map = affine_map<(d0, d1) -> (0, 0)>
#map1 = affine_map<(d0, d1) -> (0)>
module attributes {stable_mosaic.version = 14 : i64} {
  func.func @agg(%arg0: i32, %arg1: i32, %arg2: memref<10000x128xf32, #tpu.memory_space<hbm>>, %arg3: memref<320000xi32, #tpu.memory_space<hbm>>, %arg4: memref<320000xi32, #tpu.memory_space<hbm>>, %arg5: memref<10000x128xf32, #tpu.memory_space<hbm>>, %arg6: memref<20000x128xf32, #tpu.memory_space<hbm>>, %arg7: memref<10000xi32, #tpu.memory_space<vmem>>, %arg8: memref<10000xi32, #tpu.memory_space<vmem>>, %arg9: memref<5x40x128xf32, #tpu.memory_space<vmem>>, %arg10: memref<10000x128xf32, #tpu.memory_space<vmem_shared>>, %arg11: memref<!tpu.dma_semaphore, #tpu.memory_space<semaphore_mem>>, %arg12: memref<!tpu.dma_semaphore, #tpu.memory_space<semaphore_mem>>, %arg13: memref<!tpu.dma_semaphore, #tpu.memory_space<semaphore_mem>>, %arg14: memref<!tpu.dma_semaphore, #tpu.memory_space<semaphore_mem>>, %arg15: memref<!tpu.dma_semaphore, #tpu.memory_space<semaphore_mem>>) attributes {dimension_semantics = [#tpu.dimension_semantics<core_parallel>, #tpu.dimension_semantics<subcore_parallel>], iteration_bounds = array<i64: 2, 16>, scalar_prefetch = 0 : i64, scratch_operands = 9 : i64, tpu.core_type = #tpu.core_type<sc_vector_subcore>, window_params = [{transform_indices = #map}, {transform_indices = #map1}, {transform_indices = #map1}, {transform_indices = #map}, {transform_indices = #map}]} {
    %mul3A = arith.constant 16 : i32
    %mul3A_0 = arith.muli %arg0, %mul3A : i32
    %add3A = arith.addi %mul3A_0, %arg1 : i32
    %mul3A_1 = arith.constant 10000 : i32
    %mul3A_2 = arith.muli %add3A, %mul3A_1 : i32
    "tpu.region"() ({
      %run_scoped3A = tpu.sem_alloc : memref<!tpu.dma_semaphore, #tpu.memory_space<semaphore_mem>>
      %dma_start3A_78 = tpu.memref_slice %arg3[%mul3A_2] : memref<320000xi32, #tpu.memory_space<hbm>> -> memref<10000xi32, #tpu.memory_space<hbm>>
      %dma_start3A_79 = tpu.memref_slice %arg3[%mul3A_2] : memref<320000xi32, #tpu.memory_space<hbm>> -> memref<10000xi32, #tpu.memory_space<hbm>>
      tpu.enqueue_dma source(%dma_start3A_79 : memref<10000xi32, #tpu.memory_space<hbm>>) target(%arg7 : memref<10000xi32, #tpu.memory_space<vmem>>) target_semaphore(%run_scoped3A : memref<!tpu.dma_semaphore, #tpu.memory_space<semaphore_mem>>)
      %dma_wait3A = tpu.memref_slice %arg3[%mul3A_2] : memref<320000xi32, #tpu.memory_space<hbm>> -> memref<10000xi32, #tpu.memory_space<hbm>>
      %dma_wait3A_80 = tpu.memref_slice %arg3[%mul3A_2] : memref<320000xi32, #tpu.memory_space<hbm>> -> memref<10000xi32, #tpu.memory_space<hbm>>
      tpu.wait_dma2 semaphore(%run_scoped3A : memref<!tpu.dma_semaphore, #tpu.memory_space<semaphore_mem>>) src(%dma_wait3A_80 : memref<10000xi32, #tpu.memory_space<hbm>>) dst(%arg7 : memref<10000xi32, #tpu.memory_space<vmem>>)
      tpu.yield
    }) : () -> ()
    %mul3A_3 = arith.constant 10000 : i32
    %mul3A_4 = arith.muli %add3A, %mul3A_3 : i32
    "tpu.region"() ({
      %run_scoped3A = tpu.sem_alloc : memref<!tpu.dma_semaphore, #tpu.memory_space<semaphore_mem>>
      %dma_start3A_78 = tpu.memref_slice %arg4[%mul3A_4] : memref<320000xi32, #tpu.memory_space<hbm>> -> memref<10000xi32, #tpu.memory_space<hbm>>
      %dma_start3A_79 = tpu.memref_slice %arg4[%mul3A_4] : memref<320000xi32, #tpu.memory_space<hbm>> -> memref<10000xi32, #tpu.memory_space<hbm>>
      tpu.enqueue_dma source(%dma_start3A_79 : memref<10000xi32, #tpu.memory_space<hbm>>) target(%arg8 : memref<10000xi32, #tpu.memory_space<vmem>>) target_semaphore(%run_scoped3A : memref<!tpu.dma_semaphore, #tpu.memory_space<semaphore_mem>>)
      %dma_wait3A = tpu.memref_slice %arg4[%mul3A_4] : memref<320000xi32, #tpu.memory_space<hbm>> -> memref<10000xi32, #tpu.memory_space<hbm>>
      %dma_wait3A_80 = tpu.memref_slice %arg4[%mul3A_4] : memref<320000xi32, #tpu.memory_space<hbm>> -> memref<10000xi32, #tpu.memory_space<hbm>>
      tpu.wait_dma2 semaphore(%run_scoped3A : memref<!tpu.dma_semaphore, #tpu.memory_space<semaphore_mem>>) src(%dma_wait3A_80 : memref<10000xi32, #tpu.memory_space<hbm>>) dst(%arg8 : memref<10000xi32, #tpu.memory_space<vmem>>)
      tpu.yield
    }) : () -> ()
    %mul3A_5 = arith.constant 624 : i32
    %mul3A_6 = arith.muli %arg1, %mul3A_5 : i32
    %mul3A_7 = arith.constant 624 : i32
    %mul3A_8 = arith.muli %arg1, %mul3A_7 : i32
    "tpu.region"() ({
      %run_scoped3A = tpu.sem_alloc : memref<!tpu.dma_semaphore, #tpu.memory_space<semaphore_mem>>
      %dma_start3A_78 = arith.constant 0 : i32
      %dma_start3A_79 = tpu.memref_slice %arg10[%mul3A_8, %dma_start3A_78] : memref<10000x128xf32, #tpu.memory_space<vmem_shared>> -> memref<624x128xf32, #tpu.memory_space<vmem_shared>>
      %dma_start3A_80 = arith.constant 0 : i32
      %dma_start3A_81 = tpu.memref_slice %arg5[%mul3A_6, %dma_start3A_80] : memref<10000x128xf32, #tpu.memory_space<hbm>> -> memref<624x128xf32, #tpu.memory_space<hbm>>
      tpu.enqueue_dma source(%dma_start3A_81 : memref<624x128xf32, #tpu.memory_space<hbm>>) target(%dma_start3A_79 : memref<624x128xf32, #tpu.memory_space<vmem_shared>>) target_semaphore(%run_scoped3A : memref<!tpu.dma_semaphore, #tpu.memory_space<semaphore_mem>>)
      %dma_wait3A = arith.constant 0 : i32
      %dma_wait3A_82 = tpu.memref_slice %arg10[%mul3A_8, %dma_wait3A] : memref<10000x128xf32, #tpu.memory_space<vmem_shared>> -> memref<624x128xf32, #tpu.memory_space<vmem_shared>>
      %dma_wait3A_83 = arith.constant 0 : i32
      %dma_wait3A_84 = tpu.memref_slice %arg5[%mul3A_6, %dma_wait3A_83] : memref<10000x128xf32, #tpu.memory_space<hbm>> -> memref<624x128xf32, #tpu.memory_space<hbm>>
      tpu.wait_dma2 semaphore(%run_scoped3A : memref<!tpu.dma_semaphore, #tpu.memory_space<semaphore_mem>>) src(%dma_wait3A_84 : memref<624x128xf32, #tpu.memory_space<hbm>>) dst(%dma_wait3A_82 : memref<624x128xf32, #tpu.memory_space<vmem_shared>>)
      tpu.yield
    }) : () -> ()
    %eq3A = arith.constant 0 : i32
    %eq3A_9 = arith.cmpi eq, %arg1, %eq3A : i32
    %convert_element_type3A = arith.extui %eq3A_9 : i1 to i32
    %cond3A = arith.constant 0 : i32
    %cond3A_10 = arith.cmpi ne, %convert_element_type3A, %cond3A : i32
    scf.if %cond3A_10 {
      "tpu.region"() ({
        %run_scoped3A = tpu.sem_alloc : memref<!tpu.dma_semaphore, #tpu.memory_space<semaphore_mem>>
        %dma_start3A_78 = arith.constant 9984 : i32
        %dma_start3A_79 = arith.constant 0 : i32
        %dma_start3A_80 = tpu.memref_slice %arg10[%dma_start3A_78, %dma_start3A_79] : memref<10000x128xf32, #tpu.memory_space<vmem_shared>> -> memref<16x128xf32, #tpu.memory_space<vmem_shared>>
        %dma_start3A_81 = arith.constant 9984 : i32
        %dma_start3A_82 = arith.constant 0 : i32
        %dma_start3A_83 = tpu.memref_slice %arg5[%dma_start3A_81, %dma_start3A_82] : memref<10000x128xf32, #tpu.memory_space<hbm>> -> memref<16x128xf32, #tpu.memory_space<hbm>>
        tpu.enqueue_dma source(%dma_start3A_83 : memref<16x128xf32, #tpu.memory_space<hbm>>) target(%dma_start3A_80 : memref<16x128xf32, #tpu.memory_space<vmem_shared>>) target_semaphore(%run_scoped3A : memref<!tpu.dma_semaphore, #tpu.memory_space<semaphore_mem>>)
        %dma_wait3A = arith.constant 9984 : i32
        %dma_wait3A_84 = arith.constant 0 : i32
        %dma_wait3A_85 = tpu.memref_slice %arg10[%dma_wait3A, %dma_wait3A_84] : memref<10000x128xf32, #tpu.memory_space<vmem_shared>> -> memref<16x128xf32, #tpu.memory_space<vmem_shared>>
        %dma_wait3A_86 = arith.constant 9984 : i32
        %dma_wait3A_87 = arith.constant 0 : i32
        %dma_wait3A_88 = tpu.memref_slice %arg5[%dma_wait3A_86, %dma_wait3A_87] : memref<10000x128xf32, #tpu.memory_space<hbm>> -> memref<16x128xf32, #tpu.memory_space<hbm>>
        tpu.wait_dma2 semaphore(%run_scoped3A : memref<!tpu.dma_semaphore, #tpu.memory_space<semaphore_mem>>) src(%dma_wait3A_88 : memref<16x128xf32, #tpu.memory_space<hbm>>) dst(%dma_wait3A_85 : memref<16x128xf32, #tpu.memory_space<vmem_shared>>)
        tpu.yield
      }) : () -> ()
    } else {
    }
    %dma_start3A = arith.constant 0 : i32
    %dma_start3A_11 = arith.constant 0 : i32
    %dma_start3A_12 = arith.constant 0 : i32
    %dma_start3A_13 = tpu.memref_slice %arg9[%dma_start3A, %dma_start3A_11, %dma_start3A_12] : memref<5x40x128xf32, #tpu.memory_space<vmem>> -> memref<1x40x128xf32, #tpu.memory_space<vmem>>
    %dma_start3A_14 = tpu.memref_squeeze %dma_start3A_13 : memref<1x40x128xf32, #tpu.memory_space<vmem>> -> memref<40x128xf32, #tpu.memory_space<vmem>>
    %dma_start3A_15 = arith.constant 0 : i32
    %dma_start3A_16 = tpu.memref_slice %arg7[%dma_start3A_15] : memref<10000xi32, #tpu.memory_space<vmem>> -> memref<40xi32, #tpu.memory_space<vmem>>
    %dma_start3A_17 = arith.constant 0 : i32
    %dma_start3A_18 = arith.constant 0 : i32
    %dma_start3A_19 = tpu.memref_slice %arg2[%dma_start3A_17, %dma_start3A_18] : memref<10000x128xf32, #tpu.memory_space<hbm>> -> memref<10000x128xf32, #tpu.memory_space<hbm>>
    tpu.enqueue_indirect_dma source(%dma_start3A_19 : memref<10000x128xf32, #tpu.memory_space<hbm>>) target(%dma_start3A_14 : memref<40x128xf32, #tpu.memory_space<vmem>>) offsets(%dma_start3A_16 : memref<40xi32, #tpu.memory_space<vmem>>) semaphore(%arg11 : memref<!tpu.dma_semaphore, #tpu.memory_space<semaphore_mem>>)
    %dma_start3A_20 = arith.constant 1 : i32
    %dma_start3A_21 = arith.constant 0 : i32
    %dma_start3A_22 = arith.constant 0 : i32
    %dma_start3A_23 = tpu.memref_slice %arg9[%dma_start3A_20, %dma_start3A_21, %dma_start3A_22] : memref<5x40x128xf32, #tpu.memory_space<vmem>> -> memref<1x40x128xf32, #tpu.memory_space<vmem>>
    %dma_start3A_24 = tpu.memref_squeeze %dma_start3A_23 : memref<1x40x128xf32, #tpu.memory_space<vmem>> -> memref<40x128xf32, #tpu.memory_space<vmem>>
    %dma_start3A_25 = arith.constant 40 : i32
    %dma_start3A_26 = tpu.memref_slice %arg7[%dma_start3A_25] : memref<10000xi32, #tpu.memory_space<vmem>> -> memref<40xi32, #tpu.memory_space<vmem>>
    %dma_start3A_27 = arith.constant 0 : i32
    %dma_start3A_28 = arith.constant 0 : i32
    %dma_start3A_29 = tpu.memref_slice %arg2[%dma_start3A_27, %dma_start3A_28] : memref<10000x128xf32, #tpu.memory_space<hbm>> -> memref<10000x128xf32, #tpu.memory_space<hbm>>
    tpu.enqueue_indirect_dma source(%dma_start3A_29 : memref<10000x128xf32, #tpu.memory_space<hbm>>) target(%dma_start3A_24 : memref<40x128xf32, #tpu.memory_space<vmem>>) offsets(%dma_start3A_26 : memref<40xi32, #tpu.memory_space<vmem>>) semaphore(%arg12 : memref<!tpu.dma_semaphore, #tpu.memory_space<semaphore_mem>>)
    %dma_start3A_30 = arith.constant 2 : i32
    %dma_start3A_31 = arith.constant 0 : i32
    %dma_start3A_32 = arith.constant 0 : i32
    %dma_start3A_33 = tpu.memref_slice %arg9[%dma_start3A_30, %dma_start3A_31, %dma_start3A_32] : memref<5x40x128xf32, #tpu.memory_space<vmem>> -> memref<1x40x128xf32, #tpu.memory_space<vmem>>
    %dma_start3A_34 = tpu.memref_squeeze %dma_start3A_33 : memref<1x40x128xf32, #tpu.memory_space<vmem>> -> memref<40x128xf32, #tpu.memory_space<vmem>>
    %dma_start3A_35 = arith.constant 80 : i32
    %dma_start3A_36 = tpu.memref_slice %arg7[%dma_start3A_35] : memref<10000xi32, #tpu.memory_space<vmem>> -> memref<40xi32, #tpu.memory_space<vmem>>
    %dma_start3A_37 = arith.constant 0 : i32
    %dma_start3A_38 = arith.constant 0 : i32
    %dma_start3A_39 = tpu.memref_slice %arg2[%dma_start3A_37, %dma_start3A_38] : memref<10000x128xf32, #tpu.memory_space<hbm>> -> memref<10000x128xf32, #tpu.memory_space<hbm>>
    tpu.enqueue_indirect_dma source(%dma_start3A_39 : memref<10000x128xf32, #tpu.memory_space<hbm>>) target(%dma_start3A_34 : memref<40x128xf32, #tpu.memory_space<vmem>>) offsets(%dma_start3A_36 : memref<40xi32, #tpu.memory_space<vmem>>) semaphore(%arg13 : memref<!tpu.dma_semaphore, #tpu.memory_space<semaphore_mem>>)
    %dma_start3A_40 = arith.constant 3 : i32
    %dma_start3A_41 = arith.constant 0 : i32
    %dma_start3A_42 = arith.constant 0 : i32
    %dma_start3A_43 = tpu.memref_slice %arg9[%dma_start3A_40, %dma_start3A_41, %dma_start3A_42] : memref<5x40x128xf32, #tpu.memory_space<vmem>> -> memref<1x40x128xf32, #tpu.memory_space<vmem>>
    %dma_start3A_44 = tpu.memref_squeeze %dma_start3A_43 : memref<1x40x128xf32, #tpu.memory_space<vmem>> -> memref<40x128xf32, #tpu.memory_space<vmem>>
    %dma_start3A_45 = arith.constant 120 : i32
    %dma_start3A_46 = tpu.memref_slice %arg7[%dma_start3A_45] : memref<10000xi32, #tpu.memory_space<vmem>> -> memref<40xi32, #tpu.memory_space<vmem>>
    %dma_start3A_47 = arith.constant 0 : i32
    %dma_start3A_48 = arith.constant 0 : i32
    %dma_start3A_49 = tpu.memref_slice %arg2[%dma_start3A_47, %dma_start3A_48] : memref<10000x128xf32, #tpu.memory_space<hbm>> -> memref<10000x128xf32, #tpu.memory_space<hbm>>
    tpu.enqueue_indirect_dma source(%dma_start3A_49 : memref<10000x128xf32, #tpu.memory_space<hbm>>) target(%dma_start3A_44 : memref<40x128xf32, #tpu.memory_space<vmem>>) offsets(%dma_start3A_46 : memref<40xi32, #tpu.memory_space<vmem>>) semaphore(%arg14 : memref<!tpu.dma_semaphore, #tpu.memory_space<semaphore_mem>>)
    %dma_start3A_50 = arith.constant 4 : i32
    %dma_start3A_51 = arith.constant 0 : i32
    %dma_start3A_52 = arith.constant 0 : i32
    %dma_start3A_53 = tpu.memref_slice %arg9[%dma_start3A_50, %dma_start3A_51, %dma_start3A_52] : memref<5x40x128xf32, #tpu.memory_space<vmem>> -> memref<1x40x128xf32, #tpu.memory_space<vmem>>
    %dma_start3A_54 = tpu.memref_squeeze %dma_start3A_53 : memref<1x40x128xf32, #tpu.memory_space<vmem>> -> memref<40x128xf32, #tpu.memory_space<vmem>>
    %dma_start3A_55 = arith.constant 160 : i32
    %dma_start3A_56 = tpu.memref_slice %arg7[%dma_start3A_55] : memref<10000xi32, #tpu.memory_space<vmem>> -> memref<40xi32, #tpu.memory_space<vmem>>
    %dma_start3A_57 = arith.constant 0 : i32
    %dma_start3A_58 = arith.constant 0 : i32
    %dma_start3A_59 = tpu.memref_slice %arg2[%dma_start3A_57, %dma_start3A_58] : memref<10000x128xf32, #tpu.memory_space<hbm>> -> memref<10000x128xf32, #tpu.memory_space<hbm>>
    tpu.enqueue_indirect_dma source(%dma_start3A_59 : memref<10000x128xf32, #tpu.memory_space<hbm>>) target(%dma_start3A_54 : memref<40x128xf32, #tpu.memory_space<vmem>>) offsets(%dma_start3A_56 : memref<40xi32, #tpu.memory_space<vmem>>) semaphore(%arg15 : memref<!tpu.dma_semaphore, #tpu.memory_space<semaphore_mem>>)
    %barrier3A = arith.constant 0 : index
    tpu.barrier barrier_id(%barrier3A)
    %scan3A = arith.constant 0 : i32
    %scan3A_60 = arith.constant 0 : i32
    %scan3A_61 = arith.constant 50 : i32
    %scan3A_62 = arith.addi %scan3A_60, %scan3A_61 : i32
    %scan3A_63 = arith.constant 1 : i32
    scf.for %scan3A_78 = %scan3A_60 to %scan3A_62 step %scan3A_63  : i32 {
      %mul3A_79 = arith.constant 5 : i32
      %mul3A_80 = arith.muli %scan3A_78, %mul3A_79 : i32
      %add3A_81 = arith.constant 0 : i32
      %add3A_82 = arith.addi %mul3A_80, %add3A_81 : i32
      %mul3A_83 = arith.constant 40 : i32
      %mul3A_84 = arith.muli %add3A_82, %mul3A_83 : i32
      %dma_wait3A = arith.constant 0 : i32
      %dma_wait3A_85 = arith.constant 0 : i32
      %dma_wait3A_86 = arith.constant 0 : i32
      %dma_wait3A_87 = tpu.memref_slice %arg9[%dma_wait3A, %dma_wait3A_85, %dma_wait3A_86] : memref<5x40x128xf32, #tpu.memory_space<vmem>> -> memref<1x40x128xf32, #tpu.memory_space<vmem>>
      %dma_wait3A_88 = tpu.memref_squeeze %dma_wait3A_87 : memref<1x40x128xf32, #tpu.memory_space<vmem>> -> memref<40x128xf32, #tpu.memory_space<vmem>>
      %dma_wait3A_89 = tpu.memref_slice %arg7[%mul3A_84] : memref<10000xi32, #tpu.memory_space<vmem>> -> memref<40xi32, #tpu.memory_space<vmem>>
      %dma_wait3A_90 = arith.constant 0 : i32
      %dma_wait3A_91 = arith.constant 0 : i32
      %dma_wait3A_92 = tpu.memref_slice %arg2[%dma_wait3A_90, %dma_wait3A_91] : memref<10000x128xf32, #tpu.memory_space<hbm>> -> memref<10000x128xf32, #tpu.memory_space<hbm>>
      tpu.wait_indirect_dma semaphore(%arg11 : memref<!tpu.dma_semaphore, #tpu.memory_space<semaphore_mem>>) src(%dma_wait3A_92 : memref<10000x128xf32, #tpu.memory_space<hbm>>) dst(%dma_wait3A_88 : memref<40x128xf32, #tpu.memory_space<vmem>>)
      %mul3A_93 = arith.constant 40 : i32
      %mul3A_94 = arith.muli %add3A_82, %mul3A_93 : i32
      %run_scoped3A = arith.constant 0 : i32
      "tpu.region"() ({
        %run_scoped3A_201 = tpu.sem_alloc : memref<!tpu.dma_semaphore, #tpu.memory_space<semaphore_mem>>
        %dma_start3A_202 = arith.constant 0 : i32
        %dma_start3A_203 = arith.constant 0 : i32
        %dma_start3A_204 = tpu.memref_slice %arg9[%run_scoped3A, %dma_start3A_202, %dma_start3A_203] : memref<5x40x128xf32, #tpu.memory_space<vmem>> -> memref<1x40x128xf32, #tpu.memory_space<vmem>>
        %dma_start3A_205 = tpu.memref_squeeze %dma_start3A_204 : memref<1x40x128xf32, #tpu.memory_space<vmem>> -> memref<40x128xf32, #tpu.memory_space<vmem>>
        %dma_start3A_206 = tpu.memref_slice %arg8[%mul3A_94] : memref<10000xi32, #tpu.memory_space<vmem>> -> memref<40xi32, #tpu.memory_space<vmem>>
        %dma_start3A_207 = arith.constant 0 : i32
        %dma_start3A_208 = arith.constant 0 : i32
        %dma_start3A_209 = tpu.memref_slice %arg10[%dma_start3A_207, %dma_start3A_208] : memref<10000x128xf32, #tpu.memory_space<vmem_shared>> -> memref<10000x128xf32, #tpu.memory_space<vmem_shared>>
        tpu.enqueue_indirect_dma source(%dma_start3A_205 : memref<40x128xf32, #tpu.memory_space<vmem>>) target(%dma_start3A_209 : memref<10000x128xf32, #tpu.memory_space<vmem_shared>>) offsets(%dma_start3A_206 : memref<40xi32, #tpu.memory_space<vmem>>) semaphore(%run_scoped3A_201 : memref<!tpu.dma_semaphore, #tpu.memory_space<semaphore_mem>>) {add = true}
        %dma_wait3A_210 = arith.constant 0 : i32
        %dma_wait3A_211 = arith.constant 0 : i32
        %dma_wait3A_212 = tpu.memref_slice %arg9[%run_scoped3A, %dma_wait3A_210, %dma_wait3A_211] : memref<5x40x128xf32, #tpu.memory_space<vmem>> -> memref<1x40x128xf32, #tpu.memory_space<vmem>>
        %dma_wait3A_213 = tpu.memref_squeeze %dma_wait3A_212 : memref<1x40x128xf32, #tpu.memory_space<vmem>> -> memref<40x128xf32, #tpu.memory_space<vmem>>
        %dma_wait3A_214 = tpu.memref_slice %arg8[%mul3A_94] : memref<10000xi32, #tpu.memory_space<vmem>> -> memref<40xi32, #tpu.memory_space<vmem>>
        %dma_wait3A_215 = arith.constant 0 : i32
        %dma_wait3A_216 = arith.constant 0 : i32
        %dma_wait3A_217 = tpu.memref_slice %arg10[%dma_wait3A_215, %dma_wait3A_216] : memref<10000x128xf32, #tpu.memory_space<vmem_shared>> -> memref<10000x128xf32, #tpu.memory_space<vmem_shared>>
        tpu.wait_indirect_dma semaphore(%run_scoped3A_201 : memref<!tpu.dma_semaphore, #tpu.memory_space<semaphore_mem>>) src(%dma_wait3A_213 : memref<40x128xf32, #tpu.memory_space<vmem>>) dst(%dma_wait3A_217 : memref<10000x128xf32, #tpu.memory_space<vmem_shared>>)
        tpu.yield
      }) : () -> ()
      %add3A_95 = arith.constant 1 : i32
      %add3A_96 = arith.addi %scan3A_78, %add3A_95 : i32
      %lt3A = arith.constant 50 : i32
      %lt3A_97 = arith.cmpi slt, %add3A_96, %lt3A : i32
      %convert_element_type3A_98 = arith.extui %lt3A_97 : i1 to i32
      %cond3A_99 = arith.constant 0 : i32
      %cond3A_100 = arith.cmpi ne, %convert_element_type3A_98, %cond3A_99 : i32
      scf.if %cond3A_100 {
        %add3A_201 = arith.constant 5 : i32
        %add3A_202 = arith.addi %add3A_82, %add3A_201 : i32
        %mul3A_203 = arith.constant 40 : i32
        %mul3A_204 = arith.muli %add3A_202, %mul3A_203 : i32
        %dma_start3A_205 = arith.constant 0 : i32
        %dma_start3A_206 = arith.constant 0 : i32
        %dma_start3A_207 = arith.constant 0 : i32
        %dma_start3A_208 = tpu.memref_slice %arg9[%dma_start3A_205, %dma_start3A_206, %dma_start3A_207] : memref<5x40x128xf32, #tpu.memory_space<vmem>> -> memref<1x40x128xf32, #tpu.memory_space<vmem>>
        %dma_start3A_209 = tpu.memref_squeeze %dma_start3A_208 : memref<1x40x128xf32, #tpu.memory_space<vmem>> -> memref<40x128xf32, #tpu.memory_space<vmem>>
        %dma_start3A_210 = tpu.memref_slice %arg7[%mul3A_204] : memref<10000xi32, #tpu.memory_space<vmem>> -> memref<40xi32, #tpu.memory_space<vmem>>
        %dma_start3A_211 = arith.constant 0 : i32
        %dma_start3A_212 = arith.constant 0 : i32
        %dma_start3A_213 = tpu.memref_slice %arg2[%dma_start3A_211, %dma_start3A_212] : memref<10000x128xf32, #tpu.memory_space<hbm>> -> memref<10000x128xf32, #tpu.memory_space<hbm>>
        tpu.enqueue_indirect_dma source(%dma_start3A_213 : memref<10000x128xf32, #tpu.memory_space<hbm>>) target(%dma_start3A_209 : memref<40x128xf32, #tpu.memory_space<vmem>>) offsets(%dma_start3A_210 : memref<40xi32, #tpu.memory_space<vmem>>) semaphore(%arg11 : memref<!tpu.dma_semaphore, #tpu.memory_space<semaphore_mem>>)
      } else {
      }
      %mul3A_101 = arith.constant 5 : i32
      %mul3A_102 = arith.muli %scan3A_78, %mul3A_101 : i32
      %add3A_103 = arith.constant 1 : i32
      %add3A_104 = arith.addi %mul3A_102, %add3A_103 : i32
      %mul3A_105 = arith.constant 40 : i32
      %mul3A_106 = arith.muli %add3A_104, %mul3A_105 : i32
      %dma_wait3A_107 = arith.constant 1 : i32
      %dma_wait3A_108 = arith.constant 0 : i32
      %dma_wait3A_109 = arith.constant 0 : i32
      %dma_wait3A_110 = tpu.memref_slice %arg9[%dma_wait3A_107, %dma_wait3A_108, %dma_wait3A_109] : memref<5x40x128xf32, #tpu.memory_space<vmem>> -> memref<1x40x128xf32, #tpu.memory_space<vmem>>
      %dma_wait3A_111 = tpu.memref_squeeze %dma_wait3A_110 : memref<1x40x128xf32, #tpu.memory_space<vmem>> -> memref<40x128xf32, #tpu.memory_space<vmem>>
      %dma_wait3A_112 = tpu.memref_slice %arg7[%mul3A_106] : memref<10000xi32, #tpu.memory_space<vmem>> -> memref<40xi32, #tpu.memory_space<vmem>>
      %dma_wait3A_113 = arith.constant 0 : i32
      %dma_wait3A_114 = arith.constant 0 : i32
      %dma_wait3A_115 = tpu.memref_slice %arg2[%dma_wait3A_113, %dma_wait3A_114] : memref<10000x128xf32, #tpu.memory_space<hbm>> -> memref<10000x128xf32, #tpu.memory_space<hbm>>
      tpu.wait_indirect_dma semaphore(%arg12 : memref<!tpu.dma_semaphore, #tpu.memory_space<semaphore_mem>>) src(%dma_wait3A_115 : memref<10000x128xf32, #tpu.memory_space<hbm>>) dst(%dma_wait3A_111 : memref<40x128xf32, #tpu.memory_space<vmem>>)
      %mul3A_116 = arith.constant 40 : i32
      %mul3A_117 = arith.muli %add3A_104, %mul3A_116 : i32
      %run_scoped3A_118 = arith.constant 1 : i32
      "tpu.region"() ({
        %run_scoped3A_201 = tpu.sem_alloc : memref<!tpu.dma_semaphore, #tpu.memory_space<semaphore_mem>>
        %dma_start3A_202 = arith.constant 0 : i32
        %dma_start3A_203 = arith.constant 0 : i32
        %dma_start3A_204 = tpu.memref_slice %arg9[%run_scoped3A_118, %dma_start3A_202, %dma_start3A_203] : memref<5x40x128xf32, #tpu.memory_space<vmem>> -> memref<1x40x128xf32, #tpu.memory_space<vmem>>
        %dma_start3A_205 = tpu.memref_squeeze %dma_start3A_204 : memref<1x40x128xf32, #tpu.memory_space<vmem>> -> memref<40x128xf32, #tpu.memory_space<vmem>>
        %dma_start3A_206 = tpu.memref_slice %arg8[%mul3A_117] : memref<10000xi32, #tpu.memory_space<vmem>> -> memref<40xi32, #tpu.memory_space<vmem>>
        %dma_start3A_207 = arith.constant 0 : i32
        %dma_start3A_208 = arith.constant 0 : i32
        %dma_start3A_209 = tpu.memref_slice %arg10[%dma_start3A_207, %dma_start3A_208] : memref<10000x128xf32, #tpu.memory_space<vmem_shared>> -> memref<10000x128xf32, #tpu.memory_space<vmem_shared>>
        tpu.enqueue_indirect_dma source(%dma_start3A_205 : memref<40x128xf32, #tpu.memory_space<vmem>>) target(%dma_start3A_209 : memref<10000x128xf32, #tpu.memory_space<vmem_shared>>) offsets(%dma_start3A_206 : memref<40xi32, #tpu.memory_space<vmem>>) semaphore(%run_scoped3A_201 : memref<!tpu.dma_semaphore, #tpu.memory_space<semaphore_mem>>) {add = true}
        %dma_wait3A_210 = arith.constant 0 : i32
        %dma_wait3A_211 = arith.constant 0 : i32
        %dma_wait3A_212 = tpu.memref_slice %arg9[%run_scoped3A_118, %dma_wait3A_210, %dma_wait3A_211] : memref<5x40x128xf32, #tpu.memory_space<vmem>> -> memref<1x40x128xf32, #tpu.memory_space<vmem>>
        %dma_wait3A_213 = tpu.memref_squeeze %dma_wait3A_212 : memref<1x40x128xf32, #tpu.memory_space<vmem>> -> memref<40x128xf32, #tpu.memory_space<vmem>>
        %dma_wait3A_214 = tpu.memref_slice %arg8[%mul3A_117] : memref<10000xi32, #tpu.memory_space<vmem>> -> memref<40xi32, #tpu.memory_space<vmem>>
        %dma_wait3A_215 = arith.constant 0 : i32
        %dma_wait3A_216 = arith.constant 0 : i32
        %dma_wait3A_217 = tpu.memref_slice %arg10[%dma_wait3A_215, %dma_wait3A_216] : memref<10000x128xf32, #tpu.memory_space<vmem_shared>> -> memref<10000x128xf32, #tpu.memory_space<vmem_shared>>
        tpu.wait_indirect_dma semaphore(%run_scoped3A_201 : memref<!tpu.dma_semaphore, #tpu.memory_space<semaphore_mem>>) src(%dma_wait3A_213 : memref<40x128xf32, #tpu.memory_space<vmem>>) dst(%dma_wait3A_217 : memref<10000x128xf32, #tpu.memory_space<vmem_shared>>)
        tpu.yield
      }) : () -> ()
      %add3A_119 = arith.constant 1 : i32
      %add3A_120 = arith.addi %scan3A_78, %add3A_119 : i32
      %lt3A_121 = arith.constant 50 : i32
      %lt3A_122 = arith.cmpi slt, %add3A_120, %lt3A_121 : i32
      %convert_element_type3A_123 = arith.extui %lt3A_122 : i1 to i32
      %cond3A_124 = arith.constant 0 : i32
      %cond3A_125 = arith.cmpi ne, %convert_element_type3A_123, %cond3A_124 : i32
      scf.if %cond3A_125 {
        %add3A_201 = arith.constant 5 : i32
        %add3A_202 = arith.addi %add3A_104, %add3A_201 : i32
        %mul3A_203 = arith.constant 40 : i32
        %mul3A_204 = arith.muli %add3A_202, %mul3A_203 : i32
        %dma_start3A_205 = arith.constant 1 : i32
        %dma_start3A_206 = arith.constant 0 : i32
        %dma_start3A_207 = arith.constant 0 : i32
        %dma_start3A_208 = tpu.memref_slice %arg9[%dma_start3A_205, %dma_start3A_206, %dma_start3A_207] : memref<5x40x128xf32, #tpu.memory_space<vmem>> -> memref<1x40x128xf32, #tpu.memory_space<vmem>>
        %dma_start3A_209 = tpu.memref_squeeze %dma_start3A_208 : memref<1x40x128xf32, #tpu.memory_space<vmem>> -> memref<40x128xf32, #tpu.memory_space<vmem>>
        %dma_start3A_210 = tpu.memref_slice %arg7[%mul3A_204] : memref<10000xi32, #tpu.memory_space<vmem>> -> memref<40xi32, #tpu.memory_space<vmem>>
        %dma_start3A_211 = arith.constant 0 : i32
        %dma_start3A_212 = arith.constant 0 : i32
        %dma_start3A_213 = tpu.memref_slice %arg2[%dma_start3A_211, %dma_start3A_212] : memref<10000x128xf32, #tpu.memory_space<hbm>> -> memref<10000x128xf32, #tpu.memory_space<hbm>>
        tpu.enqueue_indirect_dma source(%dma_start3A_213 : memref<10000x128xf32, #tpu.memory_space<hbm>>) target(%dma_start3A_209 : memref<40x128xf32, #tpu.memory_space<vmem>>) offsets(%dma_start3A_210 : memref<40xi32, #tpu.memory_space<vmem>>) semaphore(%arg12 : memref<!tpu.dma_semaphore, #tpu.memory_space<semaphore_mem>>)
      } else {
      }
      %mul3A_126 = arith.constant 5 : i32
      %mul3A_127 = arith.muli %scan3A_78, %mul3A_126 : i32
      %add3A_128 = arith.constant 2 : i32
      %add3A_129 = arith.addi %mul3A_127, %add3A_128 : i32
      %mul3A_130 = arith.constant 40 : i32
      %mul3A_131 = arith.muli %add3A_129, %mul3A_130 : i32
      %dma_wait3A_132 = arith.constant 2 : i32
      %dma_wait3A_133 = arith.constant 0 : i32
      %dma_wait3A_134 = arith.constant 0 : i32
      %dma_wait3A_135 = tpu.memref_slice %arg9[%dma_wait3A_132, %dma_wait3A_133, %dma_wait3A_134] : memref<5x40x128xf32, #tpu.memory_space<vmem>> -> memref<1x40x128xf32, #tpu.memory_space<vmem>>
      %dma_wait3A_136 = tpu.memref_squeeze %dma_wait3A_135 : memref<1x40x128xf32, #tpu.memory_space<vmem>> -> memref<40x128xf32, #tpu.memory_space<vmem>>
      %dma_wait3A_137 = tpu.memref_slice %arg7[%mul3A_131] : memref<10000xi32, #tpu.memory_space<vmem>> -> memref<40xi32, #tpu.memory_space<vmem>>
      %dma_wait3A_138 = arith.constant 0 : i32
      %dma_wait3A_139 = arith.constant 0 : i32
      %dma_wait3A_140 = tpu.memref_slice %arg2[%dma_wait3A_138, %dma_wait3A_139] : memref<10000x128xf32, #tpu.memory_space<hbm>> -> memref<10000x128xf32, #tpu.memory_space<hbm>>
      tpu.wait_indirect_dma semaphore(%arg13 : memref<!tpu.dma_semaphore, #tpu.memory_space<semaphore_mem>>) src(%dma_wait3A_140 : memref<10000x128xf32, #tpu.memory_space<hbm>>) dst(%dma_wait3A_136 : memref<40x128xf32, #tpu.memory_space<vmem>>)
      %mul3A_141 = arith.constant 40 : i32
      %mul3A_142 = arith.muli %add3A_129, %mul3A_141 : i32
      %run_scoped3A_143 = arith.constant 2 : i32
      "tpu.region"() ({
        %run_scoped3A_201 = tpu.sem_alloc : memref<!tpu.dma_semaphore, #tpu.memory_space<semaphore_mem>>
        %dma_start3A_202 = arith.constant 0 : i32
        %dma_start3A_203 = arith.constant 0 : i32
        %dma_start3A_204 = tpu.memref_slice %arg9[%run_scoped3A_143, %dma_start3A_202, %dma_start3A_203] : memref<5x40x128xf32, #tpu.memory_space<vmem>> -> memref<1x40x128xf32, #tpu.memory_space<vmem>>
        %dma_start3A_205 = tpu.memref_squeeze %dma_start3A_204 : memref<1x40x128xf32, #tpu.memory_space<vmem>> -> memref<40x128xf32, #tpu.memory_space<vmem>>
        %dma_start3A_206 = tpu.memref_slice %arg8[%mul3A_142] : memref<10000xi32, #tpu.memory_space<vmem>> -> memref<40xi32, #tpu.memory_space<vmem>>
        %dma_start3A_207 = arith.constant 0 : i32
        %dma_start3A_208 = arith.constant 0 : i32
        %dma_start3A_209 = tpu.memref_slice %arg10[%dma_start3A_207, %dma_start3A_208] : memref<10000x128xf32, #tpu.memory_space<vmem_shared>> -> memref<10000x128xf32, #tpu.memory_space<vmem_shared>>
        tpu.enqueue_indirect_dma source(%dma_start3A_205 : memref<40x128xf32, #tpu.memory_space<vmem>>) target(%dma_start3A_209 : memref<10000x128xf32, #tpu.memory_space<vmem_shared>>) offsets(%dma_start3A_206 : memref<40xi32, #tpu.memory_space<vmem>>) semaphore(%run_scoped3A_201 : memref<!tpu.dma_semaphore, #tpu.memory_space<semaphore_mem>>) {add = true}
        %dma_wait3A_210 = arith.constant 0 : i32
        %dma_wait3A_211 = arith.constant 0 : i32
        %dma_wait3A_212 = tpu.memref_slice %arg9[%run_scoped3A_143, %dma_wait3A_210, %dma_wait3A_211] : memref<5x40x128xf32, #tpu.memory_space<vmem>> -> memref<1x40x128xf32, #tpu.memory_space<vmem>>
        %dma_wait3A_213 = tpu.memref_squeeze %dma_wait3A_212 : memref<1x40x128xf32, #tpu.memory_space<vmem>> -> memref<40x128xf32, #tpu.memory_space<vmem>>
        %dma_wait3A_214 = tpu.memref_slice %arg8[%mul3A_142] : memref<10000xi32, #tpu.memory_space<vmem>> -> memref<40xi32, #tpu.memory_space<vmem>>
        %dma_wait3A_215 = arith.constant 0 : i32
        %dma_wait3A_216 = arith.constant 0 : i32
        %dma_wait3A_217 = tpu.memref_slice %arg10[%dma_wait3A_215, %dma_wait3A_216] : memref<10000x128xf32, #tpu.memory_space<vmem_shared>> -> memref<10000x128xf32, #tpu.memory_space<vmem_shared>>
        tpu.wait_indirect_dma semaphore(%run_scoped3A_201 : memref<!tpu.dma_semaphore, #tpu.memory_space<semaphore_mem>>) src(%dma_wait3A_213 : memref<40x128xf32, #tpu.memory_space<vmem>>) dst(%dma_wait3A_217 : memref<10000x128xf32, #tpu.memory_space<vmem_shared>>)
        tpu.yield
      }) : () -> ()
      %add3A_144 = arith.constant 1 : i32
      %add3A_145 = arith.addi %scan3A_78, %add3A_144 : i32
      %lt3A_146 = arith.constant 50 : i32
      %lt3A_147 = arith.cmpi slt, %add3A_145, %lt3A_146 : i32
      %convert_element_type3A_148 = arith.extui %lt3A_147 : i1 to i32
      %cond3A_149 = arith.constant 0 : i32
      %cond3A_150 = arith.cmpi ne, %convert_element_type3A_148, %cond3A_149 : i32
      scf.if %cond3A_150 {
        %add3A_201 = arith.constant 5 : i32
        %add3A_202 = arith.addi %add3A_129, %add3A_201 : i32
        %mul3A_203 = arith.constant 40 : i32
        %mul3A_204 = arith.muli %add3A_202, %mul3A_203 : i32
        %dma_start3A_205 = arith.constant 2 : i32
        %dma_start3A_206 = arith.constant 0 : i32
        %dma_start3A_207 = arith.constant 0 : i32
        %dma_start3A_208 = tpu.memref_slice %arg9[%dma_start3A_205, %dma_start3A_206, %dma_start3A_207] : memref<5x40x128xf32, #tpu.memory_space<vmem>> -> memref<1x40x128xf32, #tpu.memory_space<vmem>>
        %dma_start3A_209 = tpu.memref_squeeze %dma_start3A_208 : memref<1x40x128xf32, #tpu.memory_space<vmem>> -> memref<40x128xf32, #tpu.memory_space<vmem>>
        %dma_start3A_210 = tpu.memref_slice %arg7[%mul3A_204] : memref<10000xi32, #tpu.memory_space<vmem>> -> memref<40xi32, #tpu.memory_space<vmem>>
        %dma_start3A_211 = arith.constant 0 : i32
        %dma_start3A_212 = arith.constant 0 : i32
        %dma_start3A_213 = tpu.memref_slice %arg2[%dma_start3A_211, %dma_start3A_212] : memref<10000x128xf32, #tpu.memory_space<hbm>> -> memref<10000x128xf32, #tpu.memory_space<hbm>>
        tpu.enqueue_indirect_dma source(%dma_start3A_213 : memref<10000x128xf32, #tpu.memory_space<hbm>>) target(%dma_start3A_209 : memref<40x128xf32, #tpu.memory_space<vmem>>) offsets(%dma_start3A_210 : memref<40xi32, #tpu.memory_space<vmem>>) semaphore(%arg13 : memref<!tpu.dma_semaphore, #tpu.memory_space<semaphore_mem>>)
      } else {
      }
      %mul3A_151 = arith.constant 5 : i32
      %mul3A_152 = arith.muli %scan3A_78, %mul3A_151 : i32
      %add3A_153 = arith.constant 3 : i32
      %add3A_154 = arith.addi %mul3A_152, %add3A_153 : i32
      %mul3A_155 = arith.constant 40 : i32
      %mul3A_156 = arith.muli %add3A_154, %mul3A_155 : i32
      %dma_wait3A_157 = arith.constant 3 : i32
      %dma_wait3A_158 = arith.constant 0 : i32
      %dma_wait3A_159 = arith.constant 0 : i32
      %dma_wait3A_160 = tpu.memref_slice %arg9[%dma_wait3A_157, %dma_wait3A_158, %dma_wait3A_159] : memref<5x40x128xf32, #tpu.memory_space<vmem>> -> memref<1x40x128xf32, #tpu.memory_space<vmem>>
      %dma_wait3A_161 = tpu.memref_squeeze %dma_wait3A_160 : memref<1x40x128xf32, #tpu.memory_space<vmem>> -> memref<40x128xf32, #tpu.memory_space<vmem>>
      %dma_wait3A_162 = tpu.memref_slice %arg7[%mul3A_156] : memref<10000xi32, #tpu.memory_space<vmem>> -> memref<40xi32, #tpu.memory_space<vmem>>
      %dma_wait3A_163 = arith.constant 0 : i32
      %dma_wait3A_164 = arith.constant 0 : i32
      %dma_wait3A_165 = tpu.memref_slice %arg2[%dma_wait3A_163, %dma_wait3A_164] : memref<10000x128xf32, #tpu.memory_space<hbm>> -> memref<10000x128xf32, #tpu.memory_space<hbm>>
      tpu.wait_indirect_dma semaphore(%arg14 : memref<!tpu.dma_semaphore, #tpu.memory_space<semaphore_mem>>) src(%dma_wait3A_165 : memref<10000x128xf32, #tpu.memory_space<hbm>>) dst(%dma_wait3A_161 : memref<40x128xf32, #tpu.memory_space<vmem>>)
      %mul3A_166 = arith.constant 40 : i32
      %mul3A_167 = arith.muli %add3A_154, %mul3A_166 : i32
      %run_scoped3A_168 = arith.constant 3 : i32
      "tpu.region"() ({
        %run_scoped3A_201 = tpu.sem_alloc : memref<!tpu.dma_semaphore, #tpu.memory_space<semaphore_mem>>
        %dma_start3A_202 = arith.constant 0 : i32
        %dma_start3A_203 = arith.constant 0 : i32
        %dma_start3A_204 = tpu.memref_slice %arg9[%run_scoped3A_168, %dma_start3A_202, %dma_start3A_203] : memref<5x40x128xf32, #tpu.memory_space<vmem>> -> memref<1x40x128xf32, #tpu.memory_space<vmem>>
        %dma_start3A_205 = tpu.memref_squeeze %dma_start3A_204 : memref<1x40x128xf32, #tpu.memory_space<vmem>> -> memref<40x128xf32, #tpu.memory_space<vmem>>
        %dma_start3A_206 = tpu.memref_slice %arg8[%mul3A_167] : memref<10000xi32, #tpu.memory_space<vmem>> -> memref<40xi32, #tpu.memory_space<vmem>>
        %dma_start3A_207 = arith.constant 0 : i32
        %dma_start3A_208 = arith.constant 0 : i32
        %dma_start3A_209 = tpu.memref_slice %arg10[%dma_start3A_207, %dma_start3A_208] : memref<10000x128xf32, #tpu.memory_space<vmem_shared>> -> memref<10000x128xf32, #tpu.memory_space<vmem_shared>>
        tpu.enqueue_indirect_dma source(%dma_start3A_205 : memref<40x128xf32, #tpu.memory_space<vmem>>) target(%dma_start3A_209 : memref<10000x128xf32, #tpu.memory_space<vmem_shared>>) offsets(%dma_start3A_206 : memref<40xi32, #tpu.memory_space<vmem>>) semaphore(%run_scoped3A_201 : memref<!tpu.dma_semaphore, #tpu.memory_space<semaphore_mem>>) {add = true}
        %dma_wait3A_210 = arith.constant 0 : i32
        %dma_wait3A_211 = arith.constant 0 : i32
        %dma_wait3A_212 = tpu.memref_slice %arg9[%run_scoped3A_168, %dma_wait3A_210, %dma_wait3A_211] : memref<5x40x128xf32, #tpu.memory_space<vmem>> -> memref<1x40x128xf32, #tpu.memory_space<vmem>>
        %dma_wait3A_213 = tpu.memref_squeeze %dma_wait3A_212 : memref<1x40x128xf32, #tpu.memory_space<vmem>> -> memref<40x128xf32, #tpu.memory_space<vmem>>
        %dma_wait3A_214 = tpu.memref_slice %arg8[%mul3A_167] : memref<10000xi32, #tpu.memory_space<vmem>> -> memref<40xi32, #tpu.memory_space<vmem>>
        %dma_wait3A_215 = arith.constant 0 : i32
        %dma_wait3A_216 = arith.constant 0 : i32
        %dma_wait3A_217 = tpu.memref_slice %arg10[%dma_wait3A_215, %dma_wait3A_216] : memref<10000x128xf32, #tpu.memory_space<vmem_shared>> -> memref<10000x128xf32, #tpu.memory_space<vmem_shared>>
        tpu.wait_indirect_dma semaphore(%run_scoped3A_201 : memref<!tpu.dma_semaphore, #tpu.memory_space<semaphore_mem>>) src(%dma_wait3A_213 : memref<40x128xf32, #tpu.memory_space<vmem>>) dst(%dma_wait3A_217 : memref<10000x128xf32, #tpu.memory_space<vmem_shared>>)
        tpu.yield
      }) : () -> ()
      %add3A_169 = arith.constant 1 : i32
      %add3A_170 = arith.addi %scan3A_78, %add3A_169 : i32
      %lt3A_171 = arith.constant 50 : i32
      %lt3A_172 = arith.cmpi slt, %add3A_170, %lt3A_171 : i32
      %convert_element_type3A_173 = arith.extui %lt3A_172 : i1 to i32
      %cond3A_174 = arith.constant 0 : i32
      %cond3A_175 = arith.cmpi ne, %convert_element_type3A_173, %cond3A_174 : i32
      scf.if %cond3A_175 {
        %add3A_201 = arith.constant 5 : i32
        %add3A_202 = arith.addi %add3A_154, %add3A_201 : i32
        %mul3A_203 = arith.constant 40 : i32
        %mul3A_204 = arith.muli %add3A_202, %mul3A_203 : i32
        %dma_start3A_205 = arith.constant 3 : i32
        %dma_start3A_206 = arith.constant 0 : i32
        %dma_start3A_207 = arith.constant 0 : i32
        %dma_start3A_208 = tpu.memref_slice %arg9[%dma_start3A_205, %dma_start3A_206, %dma_start3A_207] : memref<5x40x128xf32, #tpu.memory_space<vmem>> -> memref<1x40x128xf32, #tpu.memory_space<vmem>>
        %dma_start3A_209 = tpu.memref_squeeze %dma_start3A_208 : memref<1x40x128xf32, #tpu.memory_space<vmem>> -> memref<40x128xf32, #tpu.memory_space<vmem>>
        %dma_start3A_210 = tpu.memref_slice %arg7[%mul3A_204] : memref<10000xi32, #tpu.memory_space<vmem>> -> memref<40xi32, #tpu.memory_space<vmem>>
        %dma_start3A_211 = arith.constant 0 : i32
        %dma_start3A_212 = arith.constant 0 : i32
        %dma_start3A_213 = tpu.memref_slice %arg2[%dma_start3A_211, %dma_start3A_212] : memref<10000x128xf32, #tpu.memory_space<hbm>> -> memref<10000x128xf32, #tpu.memory_space<hbm>>
        tpu.enqueue_indirect_dma source(%dma_start3A_213 : memref<10000x128xf32, #tpu.memory_space<hbm>>) target(%dma_start3A_209 : memref<40x128xf32, #tpu.memory_space<vmem>>) offsets(%dma_start3A_210 : memref<40xi32, #tpu.memory_space<vmem>>) semaphore(%arg14 : memref<!tpu.dma_semaphore, #tpu.memory_space<semaphore_mem>>)
      } else {
      }
      %mul3A_176 = arith.constant 5 : i32
      %mul3A_177 = arith.muli %scan3A_78, %mul3A_176 : i32
      %add3A_178 = arith.constant 4 : i32
      %add3A_179 = arith.addi %mul3A_177, %add3A_178 : i32
      %mul3A_180 = arith.constant 40 : i32
      %mul3A_181 = arith.muli %add3A_179, %mul3A_180 : i32
      %dma_wait3A_182 = arith.constant 4 : i32
      %dma_wait3A_183 = arith.constant 0 : i32
      %dma_wait3A_184 = arith.constant 0 : i32
      %dma_wait3A_185 = tpu.memref_slice %arg9[%dma_wait3A_182, %dma_wait3A_183, %dma_wait3A_184] : memref<5x40x128xf32, #tpu.memory_space<vmem>> -> memref<1x40x128xf32, #tpu.memory_space<vmem>>
      %dma_wait3A_186 = tpu.memref_squeeze %dma_wait3A_185 : memref<1x40x128xf32, #tpu.memory_space<vmem>> -> memref<40x128xf32, #tpu.memory_space<vmem>>
      %dma_wait3A_187 = tpu.memref_slice %arg7[%mul3A_181] : memref<10000xi32, #tpu.memory_space<vmem>> -> memref<40xi32, #tpu.memory_space<vmem>>
      %dma_wait3A_188 = arith.constant 0 : i32
      %dma_wait3A_189 = arith.constant 0 : i32
      %dma_wait3A_190 = tpu.memref_slice %arg2[%dma_wait3A_188, %dma_wait3A_189] : memref<10000x128xf32, #tpu.memory_space<hbm>> -> memref<10000x128xf32, #tpu.memory_space<hbm>>
      tpu.wait_indirect_dma semaphore(%arg15 : memref<!tpu.dma_semaphore, #tpu.memory_space<semaphore_mem>>) src(%dma_wait3A_190 : memref<10000x128xf32, #tpu.memory_space<hbm>>) dst(%dma_wait3A_186 : memref<40x128xf32, #tpu.memory_space<vmem>>)
      %mul3A_191 = arith.constant 40 : i32
      %mul3A_192 = arith.muli %add3A_179, %mul3A_191 : i32
      %run_scoped3A_193 = arith.constant 4 : i32
      "tpu.region"() ({
        %run_scoped3A_201 = tpu.sem_alloc : memref<!tpu.dma_semaphore, #tpu.memory_space<semaphore_mem>>
        %dma_start3A_202 = arith.constant 0 : i32
        %dma_start3A_203 = arith.constant 0 : i32
        %dma_start3A_204 = tpu.memref_slice %arg9[%run_scoped3A_193, %dma_start3A_202, %dma_start3A_203] : memref<5x40x128xf32, #tpu.memory_space<vmem>> -> memref<1x40x128xf32, #tpu.memory_space<vmem>>
        %dma_start3A_205 = tpu.memref_squeeze %dma_start3A_204 : memref<1x40x128xf32, #tpu.memory_space<vmem>> -> memref<40x128xf32, #tpu.memory_space<vmem>>
        %dma_start3A_206 = tpu.memref_slice %arg8[%mul3A_192] : memref<10000xi32, #tpu.memory_space<vmem>> -> memref<40xi32, #tpu.memory_space<vmem>>
        %dma_start3A_207 = arith.constant 0 : i32
        %dma_start3A_208 = arith.constant 0 : i32
        %dma_start3A_209 = tpu.memref_slice %arg10[%dma_start3A_207, %dma_start3A_208] : memref<10000x128xf32, #tpu.memory_space<vmem_shared>> -> memref<10000x128xf32, #tpu.memory_space<vmem_shared>>
        tpu.enqueue_indirect_dma source(%dma_start3A_205 : memref<40x128xf32, #tpu.memory_space<vmem>>) target(%dma_start3A_209 : memref<10000x128xf32, #tpu.memory_space<vmem_shared>>) offsets(%dma_start3A_206 : memref<40xi32, #tpu.memory_space<vmem>>) semaphore(%run_scoped3A_201 : memref<!tpu.dma_semaphore, #tpu.memory_space<semaphore_mem>>) {add = true}
        %dma_wait3A_210 = arith.constant 0 : i32
        %dma_wait3A_211 = arith.constant 0 : i32
        %dma_wait3A_212 = tpu.memref_slice %arg9[%run_scoped3A_193, %dma_wait3A_210, %dma_wait3A_211] : memref<5x40x128xf32, #tpu.memory_space<vmem>> -> memref<1x40x128xf32, #tpu.memory_space<vmem>>
        %dma_wait3A_213 = tpu.memref_squeeze %dma_wait3A_212 : memref<1x40x128xf32, #tpu.memory_space<vmem>> -> memref<40x128xf32, #tpu.memory_space<vmem>>
        %dma_wait3A_214 = tpu.memref_slice %arg8[%mul3A_192] : memref<10000xi32, #tpu.memory_space<vmem>> -> memref<40xi32, #tpu.memory_space<vmem>>
        %dma_wait3A_215 = arith.constant 0 : i32
        %dma_wait3A_216 = arith.constant 0 : i32
        %dma_wait3A_217 = tpu.memref_slice %arg10[%dma_wait3A_215, %dma_wait3A_216] : memref<10000x128xf32, #tpu.memory_space<vmem_shared>> -> memref<10000x128xf32, #tpu.memory_space<vmem_shared>>
        tpu.wait_indirect_dma semaphore(%run_scoped3A_201 : memref<!tpu.dma_semaphore, #tpu.memory_space<semaphore_mem>>) src(%dma_wait3A_213 : memref<40x128xf32, #tpu.memory_space<vmem>>) dst(%dma_wait3A_217 : memref<10000x128xf32, #tpu.memory_space<vmem_shared>>)
        tpu.yield
      }) : () -> ()
      %add3A_194 = arith.constant 1 : i32
      %add3A_195 = arith.addi %scan3A_78, %add3A_194 : i32
      %lt3A_196 = arith.constant 50 : i32
      %lt3A_197 = arith.cmpi slt, %add3A_195, %lt3A_196 : i32
      %convert_element_type3A_198 = arith.extui %lt3A_197 : i1 to i32
      %cond3A_199 = arith.constant 0 : i32
      %cond3A_200 = arith.cmpi ne, %convert_element_type3A_198, %cond3A_199 : i32
      scf.if %cond3A_200 {
        %add3A_201 = arith.constant 5 : i32
        %add3A_202 = arith.addi %add3A_179, %add3A_201 : i32
        %mul3A_203 = arith.constant 40 : i32
        %mul3A_204 = arith.muli %add3A_202, %mul3A_203 : i32
        %dma_start3A_205 = arith.constant 4 : i32
        %dma_start3A_206 = arith.constant 0 : i32
        %dma_start3A_207 = arith.constant 0 : i32
        %dma_start3A_208 = tpu.memref_slice %arg9[%dma_start3A_205, %dma_start3A_206, %dma_start3A_207] : memref<5x40x128xf32, #tpu.memory_space<vmem>> -> memref<1x40x128xf32, #tpu.memory_space<vmem>>
        %dma_start3A_209 = tpu.memref_squeeze %dma_start3A_208 : memref<1x40x128xf32, #tpu.memory_space<vmem>> -> memref<40x128xf32, #tpu.memory_space<vmem>>
        %dma_start3A_210 = tpu.memref_slice %arg7[%mul3A_204] : memref<10000xi32, #tpu.memory_space<vmem>> -> memref<40xi32, #tpu.memory_space<vmem>>
        %dma_start3A_211 = arith.constant 0 : i32
        %dma_start3A_212 = arith.constant 0 : i32
        %dma_start3A_213 = tpu.memref_slice %arg2[%dma_start3A_211, %dma_start3A_212] : memref<10000x128xf32, #tpu.memory_space<hbm>> -> memref<10000x128xf32, #tpu.memory_space<hbm>>
        tpu.enqueue_indirect_dma source(%dma_start3A_213 : memref<10000x128xf32, #tpu.memory_space<hbm>>) target(%dma_start3A_209 : memref<40x128xf32, #tpu.memory_space<vmem>>) offsets(%dma_start3A_210 : memref<40xi32, #tpu.memory_space<vmem>>) semaphore(%arg15 : memref<!tpu.dma_semaphore, #tpu.memory_space<semaphore_mem>>)
      } else {
      }
    }
    %scan3A_64 = arith.constant 50 : i32
    %barrier3A_65 = arith.constant 0 : index
    tpu.barrier barrier_id(%barrier3A_65)
    %mul3A_66 = arith.constant 624 : i32
    %mul3A_67 = arith.muli %arg1, %mul3A_66 : i32
    %mul3A_68 = arith.constant 10000 : i32
    %mul3A_69 = arith.muli %arg0, %mul3A_68 : i32
    %mul3A_70 = arith.constant 624 : i32
    %mul3A_71 = arith.muli %arg1, %mul3A_70 : i32
    %add3A_72 = arith.addi %mul3A_69, %mul3A_71 : i32
    "tpu.region"() ({
      %run_scoped3A = tpu.sem_alloc : memref<!tpu.dma_semaphore, #tpu.memory_space<semaphore_mem>>
      %dma_start3A_78 = arith.constant 0 : i32
      %dma_start3A_79 = tpu.memref_slice %arg6[%add3A_72, %dma_start3A_78] : memref<20000x128xf32, #tpu.memory_space<hbm>> -> memref<624x128xf32, #tpu.memory_space<hbm>>
      %dma_start3A_80 = arith.constant 0 : i32
      %dma_start3A_81 = tpu.memref_slice %arg10[%mul3A_67, %dma_start3A_80] : memref<10000x128xf32, #tpu.memory_space<vmem_shared>> -> memref<624x128xf32, #tpu.memory_space<vmem_shared>>
      tpu.enqueue_dma source(%dma_start3A_81 : memref<624x128xf32, #tpu.memory_space<vmem_shared>>) target(%dma_start3A_79 : memref<624x128xf32, #tpu.memory_space<hbm>>) target_semaphore(%run_scoped3A : memref<!tpu.dma_semaphore, #tpu.memory_space<semaphore_mem>>)
      %dma_wait3A = arith.constant 0 : i32
      %dma_wait3A_82 = tpu.memref_slice %arg6[%add3A_72, %dma_wait3A] : memref<20000x128xf32, #tpu.memory_space<hbm>> -> memref<624x128xf32, #tpu.memory_space<hbm>>
      %dma_wait3A_83 = arith.constant 0 : i32
      %dma_wait3A_84 = tpu.memref_slice %arg10[%mul3A_67, %dma_wait3A_83] : memref<10000x128xf32, #tpu.memory_space<vmem_shared>> -> memref<624x128xf32, #tpu.memory_space<vmem_shared>>
      tpu.wait_dma2 semaphore(%run_scoped3A : memref<!tpu.dma_semaphore, #tpu.memory_space<semaphore_mem>>) src(%dma_wait3A_84 : memref<624x128xf32, #tpu.memory_space<vmem_shared>>) dst(%dma_wait3A_82 : memref<624x128xf32, #tpu.memory_space<hbm>>)
      tpu.yield
    }) : () -> ()
    %eq3A_73 = arith.constant 0 : i32
    %eq3A_74 = arith.cmpi eq, %arg1, %eq3A_73 : i32
    %convert_element_type3A_75 = arith.extui %eq3A_74 : i1 to i32
    %cond3A_76 = arith.constant 0 : i32
    %cond3A_77 = arith.cmpi ne, %convert_element_type3A_75, %cond3A_76 : i32
    scf.if %cond3A_77 {
      %mul3A_78 = arith.constant 10000 : i32
      %mul3A_79 = arith.muli %arg0, %mul3A_78 : i32
      %add3A_80 = arith.constant 9984 : i32
      %add3A_81 = arith.addi %mul3A_79, %add3A_80 : i32
      "tpu.region"() ({
        %run_scoped3A = tpu.sem_alloc : memref<!tpu.dma_semaphore, #tpu.memory_space<semaphore_mem>>
        %dma_start3A_82 = arith.constant 0 : i32
        %dma_start3A_83 = tpu.memref_slice %arg6[%add3A_81, %dma_start3A_82] : memref<20000x128xf32, #tpu.memory_space<hbm>> -> memref<16x128xf32, #tpu.memory_space<hbm>>
        %dma_start3A_84 = arith.constant 9984 : i32
        %dma_start3A_85 = arith.constant 0 : i32
        %dma_start3A_86 = tpu.memref_slice %arg10[%dma_start3A_84, %dma_start3A_85] : memref<10000x128xf32, #tpu.memory_space<vmem_shared>> -> memref<16x128xf32, #tpu.memory_space<vmem_shared>>
        tpu.enqueue_dma source(%dma_start3A_86 : memref<16x128xf32, #tpu.memory_space<vmem_shared>>) target(%dma_start3A_83 : memref<16x128xf32, #tpu.memory_space<hbm>>) target_semaphore(%run_scoped3A : memref<!tpu.dma_semaphore, #tpu.memory_space<semaphore_mem>>)
        %dma_wait3A = arith.constant 0 : i32
        %dma_wait3A_87 = tpu.memref_slice %arg6[%add3A_81, %dma_wait3A] : memref<20000x128xf32, #tpu.memory_space<hbm>> -> memref<16x128xf32, #tpu.memory_space<hbm>>
        %dma_wait3A_88 = arith.constant 9984 : i32
        %dma_wait3A_89 = arith.constant 0 : i32
        %dma_wait3A_90 = tpu.memref_slice %arg10[%dma_wait3A_88, %dma_wait3A_89] : memref<10000x128xf32, #tpu.memory_space<vmem_shared>> -> memref<16x128xf32, #tpu.memory_space<vmem_shared>>
        tpu.wait_dma2 semaphore(%run_scoped3A : memref<!tpu.dma_semaphore, #tpu.memory_space<semaphore_mem>>) src(%dma_wait3A_90 : memref<16x128xf32, #tpu.memory_space<vmem_shared>>) dst(%dma_wait3A_87 : memref<16x128xf32, #tpu.memory_space<hbm>>)
        tpu.yield
      }) : () -> ()
    } else {
    }
    return
  }
}

#map = affine_map<(d0, d1) -> (0, 0)>
#map1 = affine_map<(d0, d1) -> (0)>
module attributes {stable_mosaic.version = 14 : i64} {
  func.func @agg(%arg0: i32, %arg1: i32, %arg2: memref<10000x128xf32, #tpu.memory_space<hbm>>, %arg3: memref<320000xi32, #tpu.memory_space<hbm>>, %arg4: memref<320000xi32, #tpu.memory_space<hbm>>, %arg5: memref<10000x128xf32, #tpu.memory_space<hbm>>, %arg6: memref<20000x128xf32, #tpu.memory_space<hbm>>, %arg7: memref<10000xi32, #tpu.memory_space<vmem>>, %arg8: memref<10000xi32, #tpu.memory_space<vmem>>, %arg9: memref<5x40x128xf32, #tpu.memory_space<vmem>>, %arg10: memref<10000x128xf32, #tpu.memory_space<vmem_shared>>, %arg11: memref<!tpu.dma_semaphore, #tpu.memory_space<semaphore_mem>>, %arg12: memref<!tpu.dma_semaphore, #tpu.memory_space<semaphore_mem>>, %arg13: memref<!tpu.dma_semaphore, #tpu.memory_space<semaphore_mem>>, %arg14: memref<!tpu.dma_semaphore, #tpu.memory_space<semaphore_mem>>, %arg15: memref<!tpu.dma_semaphore, #tpu.memory_space<semaphore_mem>>) attributes {dimension_semantics = [#tpu.dimension_semantics<core_parallel>, #tpu.dimension_semantics<subcore_parallel>], iteration_bounds = array<i64: 2, 16>, scalar_prefetch = 0 : i64, scratch_operands = 9 : i64, tpu.core_type = #tpu.core_type<sc_vector_subcore>, window_params = [{transform_indices = #map}, {transform_indices = #map1}, {transform_indices = #map1}, {transform_indices = #map}, {transform_indices = #map}]} {
    %mul3A = arith.constant 16 : i32
    %mul3A_0 = arith.muli %arg0, %mul3A : i32
    %add3A = arith.addi %mul3A_0, %arg1 : i32
    %mul3A_1 = arith.constant 10000 : i32
    %mul3A_2 = arith.muli %add3A, %mul3A_1 : i32
    "tpu.region"() ({
      %run_scoped3A = tpu.sem_alloc : memref<!tpu.dma_semaphore, #tpu.memory_space<semaphore_mem>>
      %dma_start3A_78 = tpu.memref_slice %arg3[%mul3A_2] : memref<320000xi32, #tpu.memory_space<hbm>> -> memref<10000xi32, #tpu.memory_space<hbm>>
      %dma_start3A_79 = tpu.memref_slice %arg3[%mul3A_2] : memref<320000xi32, #tpu.memory_space<hbm>> -> memref<10000xi32, #tpu.memory_space<hbm>>
      tpu.enqueue_dma source(%dma_start3A_79 : memref<10000xi32, #tpu.memory_space<hbm>>) target(%arg7 : memref<10000xi32, #tpu.memory_space<vmem>>) target_semaphore(%run_scoped3A : memref<!tpu.dma_semaphore, #tpu.memory_space<semaphore_mem>>)
      %dma_wait3A = tpu.memref_slice %arg3[%mul3A_2] : memref<320000xi32, #tpu.memory_space<hbm>> -> memref<10000xi32, #tpu.memory_space<hbm>>
      %dma_wait3A_80 = tpu.memref_slice %arg3[%mul3A_2] : memref<320000xi32, #tpu.memory_space<hbm>> -> memref<10000xi32, #tpu.memory_space<hbm>>
      tpu.wait_dma2 semaphore(%run_scoped3A : memref<!tpu.dma_semaphore, #tpu.memory_space<semaphore_mem>>) src(%dma_wait3A_80 : memref<10000xi32, #tpu.memory_space<hbm>>) dst(%arg7 : memref<10000xi32, #tpu.memory_space<vmem>>)
      tpu.yield
    }) : () -> ()
    %mul3A_3 = arith.constant 10000 : i32
    %mul3A_4 = arith.muli %add3A, %mul3A_3 : i32
    "tpu.region"() ({
      %run_scoped3A = tpu.sem_alloc : memref<!tpu.dma_semaphore, #tpu.memory_space<semaphore_mem>>
      %dma_start3A_78 = tpu.memref_slice %arg4[%mul3A_4] : memref<320000xi32, #tpu.memory_space<hbm>> -> memref<10000xi32, #tpu.memory_space<hbm>>
      %dma_start3A_79 = tpu.memref_slice %arg4[%mul3A_4] : memref<320000xi32, #tpu.memory_space<hbm>> -> memref<10000xi32, #tpu.memory_space<hbm>>
      tpu.enqueue_dma source(%dma_start3A_79 : memref<10000xi32, #tpu.memory_space<hbm>>) target(%arg8 : memref<10000xi32, #tpu.memory_space<vmem>>) target_semaphore(%run_scoped3A : memref<!tpu.dma_semaphore, #tpu.memory_space<semaphore_mem>>)
      %dma_wait3A = tpu.memref_slice %arg4[%mul3A_4] : memref<320000xi32, #tpu.memory_space<hbm>> -> memref<10000xi32, #tpu.memory_space<hbm>>
      %dma_wait3A_80 = tpu.memref_slice %arg4[%mul3A_4] : memref<320000xi32, #tpu.memory_space<hbm>> -> memref<10000xi32, #tpu.memory_space<hbm>>
      tpu.wait_dma2 semaphore(%run_scoped3A : memref<!tpu.dma_semaphore, #tpu.memory_space<semaphore_mem>>) src(%dma_wait3A_80 : memref<10000xi32, #tpu.memory_space<hbm>>) dst(%arg8 : memref<10000xi32, #tpu.memory_space<vmem>>)
      tpu.yield
    }) : () -> ()
    %mul3A_5 = arith.constant 624 : i32
    %mul3A_6 = arith.muli %arg1, %mul3A_5 : i32
    %mul3A_7 = arith.constant 624 : i32
    %mul3A_8 = arith.muli %arg1, %mul3A_7 : i32
    "tpu.region"() ({
      %run_scoped3A = tpu.sem_alloc : memref<!tpu.dma_semaphore, #tpu.memory_space<semaphore_mem>>
      %dma_start3A_78 = arith.constant 0 : i32
      %dma_start3A_79 = tpu.memref_slice %arg10[%mul3A_8, %dma_start3A_78] : memref<10000x128xf32, #tpu.memory_space<vmem_shared>> -> memref<624x128xf32, #tpu.memory_space<vmem_shared>>
      %dma_start3A_80 = arith.constant 0 : i32
      %dma_start3A_81 = tpu.memref_slice %arg5[%mul3A_6, %dma_start3A_80] : memref<10000x128xf32, #tpu.memory_space<hbm>> -> memref<624x128xf32, #tpu.memory_space<hbm>>
      tpu.enqueue_dma source(%dma_start3A_81 : memref<624x128xf32, #tpu.memory_space<hbm>>) target(%dma_start3A_79 : memref<624x128xf32, #tpu.memory_space<vmem_shared>>) target_semaphore(%run_scoped3A : memref<!tpu.dma_semaphore, #tpu.memory_space<semaphore_mem>>)
      %dma_wait3A = arith.constant 0 : i32
      %dma_wait3A_82 = tpu.memref_slice %arg10[%mul3A_8, %dma_wait3A] : memref<10000x128xf32, #tpu.memory_space<vmem_shared>> -> memref<624x128xf32, #tpu.memory_space<vmem_shared>>
      %dma_wait3A_83 = arith.constant 0 : i32
      %dma_wait3A_84 = tpu.memref_slice %arg5[%mul3A_6, %dma_wait3A_83] : memref<10000x128xf32, #tpu.memory_space<hbm>> -> memref<624x128xf32, #tpu.memory_space<hbm>>
      tpu.wait_dma2 semaphore(%run_scoped3A : memref<!tpu.dma_semaphore, #tpu.memory_space<semaphore_mem>>) src(%dma_wait3A_84 : memref<624x128xf32, #tpu.memory_space<hbm>>) dst(%dma_wait3A_82 : memref<624x128xf32, #tpu.memory_space<vmem_shared>>)
      tpu.yield
    }) : () -> ()
    %eq3A = arith.constant 0 : i32
    %eq3A_9 = arith.cmpi eq, %arg1, %eq3A : i32
    %convert_element_type3A = arith.extui %eq3A_9 : i1 to i32
    %cond3A = arith.constant 0 : i32
    %cond3A_10 = arith.cmpi ne, %convert_element_type3A, %cond3A : i32
    scf.if %cond3A_10 {
      "tpu.region"() ({
        %run_scoped3A = tpu.sem_alloc : memref<!tpu.dma_semaphore, #tpu.memory_space<semaphore_mem>>
        %dma_start3A_78 = arith.constant 9984 : i32
        %dma_start3A_79 = arith.constant 0 : i32
        %dma_start3A_80 = tpu.memref_slice %arg10[%dma_start3A_78, %dma_start3A_79] : memref<10000x128xf32, #tpu.memory_space<vmem_shared>> -> memref<16x128xf32, #tpu.memory_space<vmem_shared>>
        %dma_start3A_81 = arith.constant 9984 : i32
        %dma_start3A_82 = arith.constant 0 : i32
        %dma_start3A_83 = tpu.memref_slice %arg5[%dma_start3A_81, %dma_start3A_82] : memref<10000x128xf32, #tpu.memory_space<hbm>> -> memref<16x128xf32, #tpu.memory_space<hbm>>
        tpu.enqueue_dma source(%dma_start3A_83 : memref<16x128xf32, #tpu.memory_space<hbm>>) target(%dma_start3A_80 : memref<16x128xf32, #tpu.memory_space<vmem_shared>>) target_semaphore(%run_scoped3A : memref<!tpu.dma_semaphore, #tpu.memory_space<semaphore_mem>>)
        %dma_wait3A = arith.constant 9984 : i32
        %dma_wait3A_84 = arith.constant 0 : i32
        %dma_wait3A_85 = tpu.memref_slice %arg10[%dma_wait3A, %dma_wait3A_84] : memref<10000x128xf32, #tpu.memory_space<vmem_shared>> -> memref<16x128xf32, #tpu.memory_space<vmem_shared>>
        %dma_wait3A_86 = arith.constant 9984 : i32
        %dma_wait3A_87 = arith.constant 0 : i32
        %dma_wait3A_88 = tpu.memref_slice %arg5[%dma_wait3A_86, %dma_wait3A_87] : memref<10000x128xf32, #tpu.memory_space<hbm>> -> memref<16x128xf32, #tpu.memory_space<hbm>>
        tpu.wait_dma2 semaphore(%run_scoped3A : memref<!tpu.dma_semaphore, #tpu.memory_space<semaphore_mem>>) src(%dma_wait3A_88 : memref<16x128xf32, #tpu.memory_space<hbm>>) dst(%dma_wait3A_85 : memref<16x128xf32, #tpu.memory_space<vmem_shared>>)
        tpu.yield
      }) : () -> ()
    } else {
    }
    %dma_start3A = arith.constant 0 : i32
    %dma_start3A_11 = arith.constant 0 : i32
    %dma_start3A_12 = arith.constant 0 : i32
    %dma_start3A_13 = tpu.memref_slice %arg9[%dma_start3A, %dma_start3A_11, %dma_start3A_12] : memref<5x40x128xf32, #tpu.memory_space<vmem>> -> memref<1x40x128xf32, #tpu.memory_space<vmem>>
    %dma_start3A_14 = tpu.memref_squeeze %dma_start3A_13 : memref<1x40x128xf32, #tpu.memory_space<vmem>> -> memref<40x128xf32, #tpu.memory_space<vmem>>
    %dma_start3A_15 = arith.constant 0 : i32
    %dma_start3A_16 = tpu.memref_slice %arg7[%dma_start3A_15] : memref<10000xi32, #tpu.memory_space<vmem>> -> memref<40xi32, #tpu.memory_space<vmem>>
    %dma_start3A_17 = arith.constant 0 : i32
    %dma_start3A_18 = arith.constant 0 : i32
    %dma_start3A_19 = tpu.memref_slice %arg2[%dma_start3A_17, %dma_start3A_18] : memref<10000x128xf32, #tpu.memory_space<hbm>> -> memref<10000x128xf32, #tpu.memory_space<hbm>>
    tpu.enqueue_indirect_dma source(%dma_start3A_19 : memref<10000x128xf32, #tpu.memory_space<hbm>>) target(%dma_start3A_14 : memref<40x128xf32, #tpu.memory_space<vmem>>) offsets(%dma_start3A_16 : memref<40xi32, #tpu.memory_space<vmem>>) semaphore(%arg11 : memref<!tpu.dma_semaphore, #tpu.memory_space<semaphore_mem>>)
    %dma_start3A_20 = arith.constant 1 : i32
    %dma_start3A_21 = arith.constant 0 : i32
    %dma_start3A_22 = arith.constant 0 : i32
    %dma_start3A_23 = tpu.memref_slice %arg9[%dma_start3A_20, %dma_start3A_21, %dma_start3A_22] : memref<5x40x128xf32, #tpu.memory_space<vmem>> -> memref<1x40x128xf32, #tpu.memory_space<vmem>>
    %dma_start3A_24 = tpu.memref_squeeze %dma_start3A_23 : memref<1x40x128xf32, #tpu.memory_space<vmem>> -> memref<40x128xf32, #tpu.memory_space<vmem>>
    %dma_start3A_25 = arith.constant 40 : i32
    %dma_start3A_26 = tpu.memref_slice %arg7[%dma_start3A_25] : memref<10000xi32, #tpu.memory_space<vmem>> -> memref<40xi32, #tpu.memory_space<vmem>>
    %dma_start3A_27 = arith.constant 0 : i32
    %dma_start3A_28 = arith.constant 0 : i32
    %dma_start3A_29 = tpu.memref_slice %arg2[%dma_start3A_27, %dma_start3A_28] : memref<10000x128xf32, #tpu.memory_space<hbm>> -> memref<10000x128xf32, #tpu.memory_space<hbm>>
    tpu.enqueue_indirect_dma source(%dma_start3A_29 : memref<10000x128xf32, #tpu.memory_space<hbm>>) target(%dma_start3A_24 : memref<40x128xf32, #tpu.memory_space<vmem>>) offsets(%dma_start3A_26 : memref<40xi32, #tpu.memory_space<vmem>>) semaphore(%arg12 : memref<!tpu.dma_semaphore, #tpu.memory_space<semaphore_mem>>)
    %dma_start3A_30 = arith.constant 2 : i32
    %dma_start3A_31 = arith.constant 0 : i32
    %dma_start3A_32 = arith.constant 0 : i32
    %dma_start3A_33 = tpu.memref_slice %arg9[%dma_start3A_30, %dma_start3A_31, %dma_start3A_32] : memref<5x40x128xf32, #tpu.memory_space<vmem>> -> memref<1x40x128xf32, #tpu.memory_space<vmem>>
    %dma_start3A_34 = tpu.memref_squeeze %dma_start3A_33 : memref<1x40x128xf32, #tpu.memory_space<vmem>> -> memref<40x128xf32, #tpu.memory_space<vmem>>
    %dma_start3A_35 = arith.constant 80 : i32
    %dma_start3A_36 = tpu.memref_slice %arg7[%dma_start3A_35] : memref<10000xi32, #tpu.memory_space<vmem>> -> memref<40xi32, #tpu.memory_space<vmem>>
    %dma_start3A_37 = arith.constant 0 : i32
    %dma_start3A_38 = arith.constant 0 : i32
    %dma_start3A_39 = tpu.memref_slice %arg2[%dma_start3A_37, %dma_start3A_38] : memref<10000x128xf32, #tpu.memory_space<hbm>> -> memref<10000x128xf32, #tpu.memory_space<hbm>>
    tpu.enqueue_indirect_dma source(%dma_start3A_39 : memref<10000x128xf32, #tpu.memory_space<hbm>>) target(%dma_start3A_34 : memref<40x128xf32, #tpu.memory_space<vmem>>) offsets(%dma_start3A_36 : memref<40xi32, #tpu.memory_space<vmem>>) semaphore(%arg13 : memref<!tpu.dma_semaphore, #tpu.memory_space<semaphore_mem>>)
    %dma_start3A_40 = arith.constant 3 : i32
    %dma_start3A_41 = arith.constant 0 : i32
    %dma_start3A_42 = arith.constant 0 : i32
    %dma_start3A_43 = tpu.memref_slice %arg9[%dma_start3A_40, %dma_start3A_41, %dma_start3A_42] : memref<5x40x128xf32, #tpu.memory_space<vmem>> -> memref<1x40x128xf32, #tpu.memory_space<vmem>>
    %dma_start3A_44 = tpu.memref_squeeze %dma_start3A_43 : memref<1x40x128xf32, #tpu.memory_space<vmem>> -> memref<40x128xf32, #tpu.memory_space<vmem>>
    %dma_start3A_45 = arith.constant 120 : i32
    %dma_start3A_46 = tpu.memref_slice %arg7[%dma_start3A_45] : memref<10000xi32, #tpu.memory_space<vmem>> -> memref<40xi32, #tpu.memory_space<vmem>>
    %dma_start3A_47 = arith.constant 0 : i32
    %dma_start3A_48 = arith.constant 0 : i32
    %dma_start3A_49 = tpu.memref_slice %arg2[%dma_start3A_47, %dma_start3A_48] : memref<10000x128xf32, #tpu.memory_space<hbm>> -> memref<10000x128xf32, #tpu.memory_space<hbm>>
    tpu.enqueue_indirect_dma source(%dma_start3A_49 : memref<10000x128xf32, #tpu.memory_space<hbm>>) target(%dma_start3A_44 : memref<40x128xf32, #tpu.memory_space<vmem>>) offsets(%dma_start3A_46 : memref<40xi32, #tpu.memory_space<vmem>>) semaphore(%arg14 : memref<!tpu.dma_semaphore, #tpu.memory_space<semaphore_mem>>)
    %dma_start3A_50 = arith.constant 4 : i32
    %dma_start3A_51 = arith.constant 0 : i32
    %dma_start3A_52 = arith.constant 0 : i32
    %dma_start3A_53 = tpu.memref_slice %arg9[%dma_start3A_50, %dma_start3A_51, %dma_start3A_52] : memref<5x40x128xf32, #tpu.memory_space<vmem>> -> memref<1x40x128xf32, #tpu.memory_space<vmem>>
    %dma_start3A_54 = tpu.memref_squeeze %dma_start3A_53 : memref<1x40x128xf32, #tpu.memory_space<vmem>> -> memref<40x128xf32, #tpu.memory_space<vmem>>
    %dma_start3A_55 = arith.constant 160 : i32
    %dma_start3A_56 = tpu.memref_slice %arg7[%dma_start3A_55] : memref<10000xi32, #tpu.memory_space<vmem>> -> memref<40xi32, #tpu.memory_space<vmem>>
    %dma_start3A_57 = arith.constant 0 : i32
    %dma_start3A_58 = arith.constant 0 : i32
    %dma_start3A_59 = tpu.memref_slice %arg2[%dma_start3A_57, %dma_start3A_58] : memref<10000x128xf32, #tpu.memory_space<hbm>> -> memref<10000x128xf32, #tpu.memory_space<hbm>>
    tpu.enqueue_indirect_dma source(%dma_start3A_59 : memref<10000x128xf32, #tpu.memory_space<hbm>>) target(%dma_start3A_54 : memref<40x128xf32, #tpu.memory_space<vmem>>) offsets(%dma_start3A_56 : memref<40xi32, #tpu.memory_space<vmem>>) semaphore(%arg15 : memref<!tpu.dma_semaphore, #tpu.memory_space<semaphore_mem>>)
    %barrier3A = arith.constant 0 : index
    tpu.barrier barrier_id(%barrier3A)
    %scan3A = arith.constant 0 : i32
    %scan3A_60 = arith.constant 0 : i32
    %scan3A_61 = arith.constant 50 : i32
    %scan3A_62 = arith.addi %scan3A_60, %scan3A_61 : i32
    %scan3A_63 = arith.constant 1 : i32
    scf.for %scan3A_78 = %scan3A_60 to %scan3A_62 step %scan3A_63  : i32 {
      %mul3A_79 = arith.constant 5 : i32
      %mul3A_80 = arith.muli %scan3A_78, %mul3A_79 : i32
      %add3A_81 = arith.constant 0 : i32
      %add3A_82 = arith.addi %mul3A_80, %add3A_81 : i32
      %mul3A_83 = arith.constant 40 : i32
      %mul3A_84 = arith.muli %add3A_82, %mul3A_83 : i32
      %dma_wait3A = arith.constant 0 : i32
      %dma_wait3A_85 = arith.constant 0 : i32
      %dma_wait3A_86 = arith.constant 0 : i32
      %dma_wait3A_87 = tpu.memref_slice %arg9[%dma_wait3A, %dma_wait3A_85, %dma_wait3A_86] : memref<5x40x128xf32, #tpu.memory_space<vmem>> -> memref<1x40x128xf32, #tpu.memory_space<vmem>>
      %dma_wait3A_88 = tpu.memref_squeeze %dma_wait3A_87 : memref<1x40x128xf32, #tpu.memory_space<vmem>> -> memref<40x128xf32, #tpu.memory_space<vmem>>
      %dma_wait3A_89 = tpu.memref_slice %arg7[%mul3A_84] : memref<10000xi32, #tpu.memory_space<vmem>> -> memref<40xi32, #tpu.memory_space<vmem>>
      %dma_wait3A_90 = arith.constant 0 : i32
      %dma_wait3A_91 = arith.constant 0 : i32
      %dma_wait3A_92 = tpu.memref_slice %arg2[%dma_wait3A_90, %dma_wait3A_91] : memref<10000x128xf32, #tpu.memory_space<hbm>> -> memref<10000x128xf32, #tpu.memory_space<hbm>>
      tpu.wait_indirect_dma semaphore(%arg11 : memref<!tpu.dma_semaphore, #tpu.memory_space<semaphore_mem>>) src(%dma_wait3A_92 : memref<10000x128xf32, #tpu.memory_space<hbm>>) dst(%dma_wait3A_88 : memref<40x128xf32, #tpu.memory_space<vmem>>)
      %mul3A_93 = arith.constant 40 : i32
      %mul3A_94 = arith.muli %add3A_82, %mul3A_93 : i32
      %run_scoped3A = arith.constant 0 : i32
      "tpu.region"() ({
        %run_scoped3A_201 = tpu.sem_alloc : memref<!tpu.dma_semaphore, #tpu.memory_space<semaphore_mem>>
        %dma_start3A_202 = arith.constant 0 : i32
        %dma_start3A_203 = arith.constant 0 : i32
        %dma_start3A_204 = tpu.memref_slice %arg9[%run_scoped3A, %dma_start3A_202, %dma_start3A_203] : memref<5x40x128xf32, #tpu.memory_space<vmem>> -> memref<1x40x128xf32, #tpu.memory_space<vmem>>
        %dma_start3A_205 = tpu.memref_squeeze %dma_start3A_204 : memref<1x40x128xf32, #tpu.memory_space<vmem>> -> memref<40x128xf32, #tpu.memory_space<vmem>>
        %dma_start3A_206 = tpu.memref_slice %arg8[%mul3A_94] : memref<10000xi32, #tpu.memory_space<vmem>> -> memref<40xi32, #tpu.memory_space<vmem>>
        %dma_start3A_207 = arith.constant 0 : i32
        %dma_start3A_208 = arith.constant 0 : i32
        %dma_start3A_209 = tpu.memref_slice %arg10[%dma_start3A_207, %dma_start3A_208] : memref<10000x128xf32, #tpu.memory_space<vmem_shared>> -> memref<10000x128xf32, #tpu.memory_space<vmem_shared>>
        tpu.enqueue_indirect_dma source(%dma_start3A_205 : memref<40x128xf32, #tpu.memory_space<vmem>>) target(%dma_start3A_209 : memref<10000x128xf32, #tpu.memory_space<vmem_shared>>) offsets(%dma_start3A_206 : memref<40xi32, #tpu.memory_space<vmem>>) semaphore(%run_scoped3A_201 : memref<!tpu.dma_semaphore, #tpu.memory_space<semaphore_mem>>) {add = true}
        %dma_wait3A_210 = arith.constant 0 : i32
        %dma_wait3A_211 = arith.constant 0 : i32
        %dma_wait3A_212 = tpu.memref_slice %arg9[%run_scoped3A, %dma_wait3A_210, %dma_wait3A_211] : memref<5x40x128xf32, #tpu.memory_space<vmem>> -> memref<1x40x128xf32, #tpu.memory_space<vmem>>
        %dma_wait3A_213 = tpu.memref_squeeze %dma_wait3A_212 : memref<1x40x128xf32, #tpu.memory_space<vmem>> -> memref<40x128xf32, #tpu.memory_space<vmem>>
        %dma_wait3A_214 = tpu.memref_slice %arg8[%mul3A_94] : memref<10000xi32, #tpu.memory_space<vmem>> -> memref<40xi32, #tpu.memory_space<vmem>>
        %dma_wait3A_215 = arith.constant 0 : i32
        %dma_wait3A_216 = arith.constant 0 : i32
        %dma_wait3A_217 = tpu.memref_slice %arg10[%dma_wait3A_215, %dma_wait3A_216] : memref<10000x128xf32, #tpu.memory_space<vmem_shared>> -> memref<10000x128xf32, #tpu.memory_space<vmem_shared>>
        tpu.wait_indirect_dma semaphore(%run_scoped3A_201 : memref<!tpu.dma_semaphore, #tpu.memory_space<semaphore_mem>>) src(%dma_wait3A_213 : memref<40x128xf32, #tpu.memory_space<vmem>>) dst(%dma_wait3A_217 : memref<10000x128xf32, #tpu.memory_space<vmem_shared>>)
        tpu.yield
      }) : () -> ()
      %add3A_95 = arith.constant 1 : i32
      %add3A_96 = arith.addi %scan3A_78, %add3A_95 : i32
      %lt3A = arith.constant 50 : i32
      %lt3A_97 = arith.cmpi slt, %add3A_96, %lt3A : i32
      %convert_element_type3A_98 = arith.extui %lt3A_97 : i1 to i32
      %cond3A_99 = arith.constant 0 : i32
      %cond3A_100 = arith.cmpi ne, %convert_element_type3A_98, %cond3A_99 : i32
      scf.if %cond3A_100 {
        %add3A_201 = arith.constant 5 : i32
        %add3A_202 = arith.addi %add3A_82, %add3A_201 : i32
        %mul3A_203 = arith.constant 40 : i32
        %mul3A_204 = arith.muli %add3A_202, %mul3A_203 : i32
        %dma_start3A_205 = arith.constant 0 : i32
        %dma_start3A_206 = arith.constant 0 : i32
        %dma_start3A_207 = arith.constant 0 : i32
        %dma_start3A_208 = tpu.memref_slice %arg9[%dma_start3A_205, %dma_start3A_206, %dma_start3A_207] : memref<5x40x128xf32, #tpu.memory_space<vmem>> -> memref<1x40x128xf32, #tpu.memory_space<vmem>>
        %dma_start3A_209 = tpu.memref_squeeze %dma_start3A_208 : memref<1x40x128xf32, #tpu.memory_space<vmem>> -> memref<40x128xf32, #tpu.memory_space<vmem>>
        %dma_start3A_210 = tpu.memref_slice %arg7[%mul3A_204] : memref<10000xi32, #tpu.memory_space<vmem>> -> memref<40xi32, #tpu.memory_space<vmem>>
        %dma_start3A_211 = arith.constant 0 : i32
        %dma_start3A_212 = arith.constant 0 : i32
        %dma_start3A_213 = tpu.memref_slice %arg2[%dma_start3A_211, %dma_start3A_212] : memref<10000x128xf32, #tpu.memory_space<hbm>> -> memref<10000x128xf32, #tpu.memory_space<hbm>>
        tpu.enqueue_indirect_dma source(%dma_start3A_213 : memref<10000x128xf32, #tpu.memory_space<hbm>>) target(%dma_start3A_209 : memref<40x128xf32, #tpu.memory_space<vmem>>) offsets(%dma_start3A_210 : memref<40xi32, #tpu.memory_space<vmem>>) semaphore(%arg11 : memref<!tpu.dma_semaphore, #tpu.memory_space<semaphore_mem>>)
      } else {
      }
      %mul3A_101 = arith.constant 5 : i32
      %mul3A_102 = arith.muli %scan3A_78, %mul3A_101 : i32
      %add3A_103 = arith.constant 1 : i32
      %add3A_104 = arith.addi %mul3A_102, %add3A_103 : i32
      %mul3A_105 = arith.constant 40 : i32
      %mul3A_106 = arith.muli %add3A_104, %mul3A_105 : i32
      %dma_wait3A_107 = arith.constant 1 : i32
      %dma_wait3A_108 = arith.constant 0 : i32
      %dma_wait3A_109 = arith.constant 0 : i32
      %dma_wait3A_110 = tpu.memref_slice %arg9[%dma_wait3A_107, %dma_wait3A_108, %dma_wait3A_109] : memref<5x40x128xf32, #tpu.memory_space<vmem>> -> memref<1x40x128xf32, #tpu.memory_space<vmem>>
      %dma_wait3A_111 = tpu.memref_squeeze %dma_wait3A_110 : memref<1x40x128xf32, #tpu.memory_space<vmem>> -> memref<40x128xf32, #tpu.memory_space<vmem>>
      %dma_wait3A_112 = tpu.memref_slice %arg7[%mul3A_106] : memref<10000xi32, #tpu.memory_space<vmem>> -> memref<40xi32, #tpu.memory_space<vmem>>
      %dma_wait3A_113 = arith.constant 0 : i32
      %dma_wait3A_114 = arith.constant 0 : i32
      %dma_wait3A_115 = tpu.memref_slice %arg2[%dma_wait3A_113, %dma_wait3A_114] : memref<10000x128xf32, #tpu.memory_space<hbm>> -> memref<10000x128xf32, #tpu.memory_space<hbm>>
      tpu.wait_indirect_dma semaphore(%arg12 : memref<!tpu.dma_semaphore, #tpu.memory_space<semaphore_mem>>) src(%dma_wait3A_115 : memref<10000x128xf32, #tpu.memory_space<hbm>>) dst(%dma_wait3A_111 : memref<40x128xf32, #tpu.memory_space<vmem>>)
      %mul3A_116 = arith.constant 40 : i32
      %mul3A_117 = arith.muli %add3A_104, %mul3A_116 : i32
      %run_scoped3A_118 = arith.constant 1 : i32
      "tpu.region"() ({
        %run_scoped3A_201 = tpu.sem_alloc : memref<!tpu.dma_semaphore, #tpu.memory_space<semaphore_mem>>
        %dma_start3A_202 = arith.constant 0 : i32
        %dma_start3A_203 = arith.constant 0 : i32
        %dma_start3A_204 = tpu.memref_slice %arg9[%run_scoped3A_118, %dma_start3A_202, %dma_start3A_203] : memref<5x40x128xf32, #tpu.memory_space<vmem>> -> memref<1x40x128xf32, #tpu.memory_space<vmem>>
        %dma_start3A_205 = tpu.memref_squeeze %dma_start3A_204 : memref<1x40x128xf32, #tpu.memory_space<vmem>> -> memref<40x128xf32, #tpu.memory_space<vmem>>
        %dma_start3A_206 = tpu.memref_slice %arg8[%mul3A_117] : memref<10000xi32, #tpu.memory_space<vmem>> -> memref<40xi32, #tpu.memory_space<vmem>>
        %dma_start3A_207 = arith.constant 0 : i32
        %dma_start3A_208 = arith.constant 0 : i32
        %dma_start3A_209 = tpu.memref_slice %arg10[%dma_start3A_207, %dma_start3A_208] : memref<10000x128xf32, #tpu.memory_space<vmem_shared>> -> memref<10000x128xf32, #tpu.memory_space<vmem_shared>>
        tpu.enqueue_indirect_dma source(%dma_start3A_205 : memref<40x128xf32, #tpu.memory_space<vmem>>) target(%dma_start3A_209 : memref<10000x128xf32, #tpu.memory_space<vmem_shared>>) offsets(%dma_start3A_206 : memref<40xi32, #tpu.memory_space<vmem>>) semaphore(%run_scoped3A_201 : memref<!tpu.dma_semaphore, #tpu.memory_space<semaphore_mem>>) {add = true}
        %dma_wait3A_210 = arith.constant 0 : i32
        %dma_wait3A_211 = arith.constant 0 : i32
        %dma_wait3A_212 = tpu.memref_slice %arg9[%run_scoped3A_118, %dma_wait3A_210, %dma_wait3A_211] : memref<5x40x128xf32, #tpu.memory_space<vmem>> -> memref<1x40x128xf32, #tpu.memory_space<vmem>>
        %dma_wait3A_213 = tpu.memref_squeeze %dma_wait3A_212 : memref<1x40x128xf32, #tpu.memory_space<vmem>> -> memref<40x128xf32, #tpu.memory_space<vmem>>
        %dma_wait3A_214 = tpu.memref_slice %arg8[%mul3A_117] : memref<10000xi32, #tpu.memory_space<vmem>> -> memref<40xi32, #tpu.memory_space<vmem>>
        %dma_wait3A_215 = arith.constant 0 : i32
        %dma_wait3A_216 = arith.constant 0 : i32
        %dma_wait3A_217 = tpu.memref_slice %arg10[%dma_wait3A_215, %dma_wait3A_216] : memref<10000x128xf32, #tpu.memory_space<vmem_shared>> -> memref<10000x128xf32, #tpu.memory_space<vmem_shared>>
        tpu.wait_indirect_dma semaphore(%run_scoped3A_201 : memref<!tpu.dma_semaphore, #tpu.memory_space<semaphore_mem>>) src(%dma_wait3A_213 : memref<40x128xf32, #tpu.memory_space<vmem>>) dst(%dma_wait3A_217 : memref<10000x128xf32, #tpu.memory_space<vmem_shared>>)
        tpu.yield
      }) : () -> ()
      %add3A_119 = arith.constant 1 : i32
      %add3A_120 = arith.addi %scan3A_78, %add3A_119 : i32
      %lt3A_121 = arith.constant 50 : i32
      %lt3A_122 = arith.cmpi slt, %add3A_120, %lt3A_121 : i32
      %convert_element_type3A_123 = arith.extui %lt3A_122 : i1 to i32
      %cond3A_124 = arith.constant 0 : i32
      %cond3A_125 = arith.cmpi ne, %convert_element_type3A_123, %cond3A_124 : i32
      scf.if %cond3A_125 {
        %add3A_201 = arith.constant 5 : i32
        %add3A_202 = arith.addi %add3A_104, %add3A_201 : i32
        %mul3A_203 = arith.constant 40 : i32
        %mul3A_204 = arith.muli %add3A_202, %mul3A_203 : i32
        %dma_start3A_205 = arith.constant 1 : i32
        %dma_start3A_206 = arith.constant 0 : i32
        %dma_start3A_207 = arith.constant 0 : i32
        %dma_start3A_208 = tpu.memref_slice %arg9[%dma_start3A_205, %dma_start3A_206, %dma_start3A_207] : memref<5x40x128xf32, #tpu.memory_space<vmem>> -> memref<1x40x128xf32, #tpu.memory_space<vmem>>
        %dma_start3A_209 = tpu.memref_squeeze %dma_start3A_208 : memref<1x40x128xf32, #tpu.memory_space<vmem>> -> memref<40x128xf32, #tpu.memory_space<vmem>>
        %dma_start3A_210 = tpu.memref_slice %arg7[%mul3A_204] : memref<10000xi32, #tpu.memory_space<vmem>> -> memref<40xi32, #tpu.memory_space<vmem>>
        %dma_start3A_211 = arith.constant 0 : i32
        %dma_start3A_212 = arith.constant 0 : i32
        %dma_start3A_213 = tpu.memref_slice %arg2[%dma_start3A_211, %dma_start3A_212] : memref<10000x128xf32, #tpu.memory_space<hbm>> -> memref<10000x128xf32, #tpu.memory_space<hbm>>
        tpu.enqueue_indirect_dma source(%dma_start3A_213 : memref<10000x128xf32, #tpu.memory_space<hbm>>) target(%dma_start3A_209 : memref<40x128xf32, #tpu.memory_space<vmem>>) offsets(%dma_start3A_210 : memref<40xi32, #tpu.memory_space<vmem>>) semaphore(%arg12 : memref<!tpu.dma_semaphore, #tpu.memory_space<semaphore_mem>>)
      } else {
      }
      %mul3A_126 = arith.constant 5 : i32
      %mul3A_127 = arith.muli %scan3A_78, %mul3A_126 : i32
      %add3A_128 = arith.constant 2 : i32
      %add3A_129 = arith.addi %mul3A_127, %add3A_128 : i32
      %mul3A_130 = arith.constant 40 : i32
      %mul3A_131 = arith.muli %add3A_129, %mul3A_130 : i32
      %dma_wait3A_132 = arith.constant 2 : i32
      %dma_wait3A_133 = arith.constant 0 : i32
      %dma_wait3A_134 = arith.constant 0 : i32
      %dma_wait3A_135 = tpu.memref_slice %arg9[%dma_wait3A_132, %dma_wait3A_133, %dma_wait3A_134] : memref<5x40x128xf32, #tpu.memory_space<vmem>> -> memref<1x40x128xf32, #tpu.memory_space<vmem>>
      %dma_wait3A_136 = tpu.memref_squeeze %dma_wait3A_135 : memref<1x40x128xf32, #tpu.memory_space<vmem>> -> memref<40x128xf32, #tpu.memory_space<vmem>>
      %dma_wait3A_137 = tpu.memref_slice %arg7[%mul3A_131] : memref<10000xi32, #tpu.memory_space<vmem>> -> memref<40xi32, #tpu.memory_space<vmem>>
      %dma_wait3A_138 = arith.constant 0 : i32
      %dma_wait3A_139 = arith.constant 0 : i32
      %dma_wait3A_140 = tpu.memref_slice %arg2[%dma_wait3A_138, %dma_wait3A_139] : memref<10000x128xf32, #tpu.memory_space<hbm>> -> memref<10000x128xf32, #tpu.memory_space<hbm>>
      tpu.wait_indirect_dma semaphore(%arg13 : memref<!tpu.dma_semaphore, #tpu.memory_space<semaphore_mem>>) src(%dma_wait3A_140 : memref<10000x128xf32, #tpu.memory_space<hbm>>) dst(%dma_wait3A_136 : memref<40x128xf32, #tpu.memory_space<vmem>>)
      %mul3A_141 = arith.constant 40 : i32
      %mul3A_142 = arith.muli %add3A_129, %mul3A_141 : i32
      %run_scoped3A_143 = arith.constant 2 : i32
      "tpu.region"() ({
        %run_scoped3A_201 = tpu.sem_alloc : memref<!tpu.dma_semaphore, #tpu.memory_space<semaphore_mem>>
        %dma_start3A_202 = arith.constant 0 : i32
        %dma_start3A_203 = arith.constant 0 : i32
        %dma_start3A_204 = tpu.memref_slice %arg9[%run_scoped3A_143, %dma_start3A_202, %dma_start3A_203] : memref<5x40x128xf32, #tpu.memory_space<vmem>> -> memref<1x40x128xf32, #tpu.memory_space<vmem>>
        %dma_start3A_205 = tpu.memref_squeeze %dma_start3A_204 : memref<1x40x128xf32, #tpu.memory_space<vmem>> -> memref<40x128xf32, #tpu.memory_space<vmem>>
        %dma_start3A_206 = tpu.memref_slice %arg8[%mul3A_142] : memref<10000xi32, #tpu.memory_space<vmem>> -> memref<40xi32, #tpu.memory_space<vmem>>
        %dma_start3A_207 = arith.constant 0 : i32
        %dma_start3A_208 = arith.constant 0 : i32
        %dma_start3A_209 = tpu.memref_slice %arg10[%dma_start3A_207, %dma_start3A_208] : memref<10000x128xf32, #tpu.memory_space<vmem_shared>> -> memref<10000x128xf32, #tpu.memory_space<vmem_shared>>
        tpu.enqueue_indirect_dma source(%dma_start3A_205 : memref<40x128xf32, #tpu.memory_space<vmem>>) target(%dma_start3A_209 : memref<10000x128xf32, #tpu.memory_space<vmem_shared>>) offsets(%dma_start3A_206 : memref<40xi32, #tpu.memory_space<vmem>>) semaphore(%run_scoped3A_201 : memref<!tpu.dma_semaphore, #tpu.memory_space<semaphore_mem>>) {add = true}
        %dma_wait3A_210 = arith.constant 0 : i32
        %dma_wait3A_211 = arith.constant 0 : i32
        %dma_wait3A_212 = tpu.memref_slice %arg9[%run_scoped3A_143, %dma_wait3A_210, %dma_wait3A_211] : memref<5x40x128xf32, #tpu.memory_space<vmem>> -> memref<1x40x128xf32, #tpu.memory_space<vmem>>
        %dma_wait3A_213 = tpu.memref_squeeze %dma_wait3A_212 : memref<1x40x128xf32, #tpu.memory_space<vmem>> -> memref<40x128xf32, #tpu.memory_space<vmem>>
        %dma_wait3A_214 = tpu.memref_slice %arg8[%mul3A_142] : memref<10000xi32, #tpu.memory_space<vmem>> -> memref<40xi32, #tpu.memory_space<vmem>>
        %dma_wait3A_215 = arith.constant 0 : i32
        %dma_wait3A_216 = arith.constant 0 : i32
        %dma_wait3A_217 = tpu.memref_slice %arg10[%dma_wait3A_215, %dma_wait3A_216] : memref<10000x128xf32, #tpu.memory_space<vmem_shared>> -> memref<10000x128xf32, #tpu.memory_space<vmem_shared>>
        tpu.wait_indirect_dma semaphore(%run_scoped3A_201 : memref<!tpu.dma_semaphore, #tpu.memory_space<semaphore_mem>>) src(%dma_wait3A_213 : memref<40x128xf32, #tpu.memory_space<vmem>>) dst(%dma_wait3A_217 : memref<10000x128xf32, #tpu.memory_space<vmem_shared>>)
        tpu.yield
      }) : () -> ()
      %add3A_144 = arith.constant 1 : i32
      %add3A_145 = arith.addi %scan3A_78, %add3A_144 : i32
      %lt3A_146 = arith.constant 50 : i32
      %lt3A_147 = arith.cmpi slt, %add3A_145, %lt3A_146 : i32
      %convert_element_type3A_148 = arith.extui %lt3A_147 : i1 to i32
      %cond3A_149 = arith.constant 0 : i32
      %cond3A_150 = arith.cmpi ne, %convert_element_type3A_148, %cond3A_149 : i32
      scf.if %cond3A_150 {
        %add3A_201 = arith.constant 5 : i32
        %add3A_202 = arith.addi %add3A_129, %add3A_201 : i32
        %mul3A_203 = arith.constant 40 : i32
        %mul3A_204 = arith.muli %add3A_202, %mul3A_203 : i32
        %dma_start3A_205 = arith.constant 2 : i32
        %dma_start3A_206 = arith.constant 0 : i32
        %dma_start3A_207 = arith.constant 0 : i32
        %dma_start3A_208 = tpu.memref_slice %arg9[%dma_start3A_205, %dma_start3A_206, %dma_start3A_207] : memref<5x40x128xf32, #tpu.memory_space<vmem>> -> memref<1x40x128xf32, #tpu.memory_space<vmem>>
        %dma_start3A_209 = tpu.memref_squeeze %dma_start3A_208 : memref<1x40x128xf32, #tpu.memory_space<vmem>> -> memref<40x128xf32, #tpu.memory_space<vmem>>
        %dma_start3A_210 = tpu.memref_slice %arg7[%mul3A_204] : memref<10000xi32, #tpu.memory_space<vmem>> -> memref<40xi32, #tpu.memory_space<vmem>>
        %dma_start3A_211 = arith.constant 0 : i32
        %dma_start3A_212 = arith.constant 0 : i32
        %dma_start3A_213 = tpu.memref_slice %arg2[%dma_start3A_211, %dma_start3A_212] : memref<10000x128xf32, #tpu.memory_space<hbm>> -> memref<10000x128xf32, #tpu.memory_space<hbm>>
        tpu.enqueue_indirect_dma source(%dma_start3A_213 : memref<10000x128xf32, #tpu.memory_space<hbm>>) target(%dma_start3A_209 : memref<40x128xf32, #tpu.memory_space<vmem>>) offsets(%dma_start3A_210 : memref<40xi32, #tpu.memory_space<vmem>>) semaphore(%arg13 : memref<!tpu.dma_semaphore, #tpu.memory_space<semaphore_mem>>)
      } else {
      }
      %mul3A_151 = arith.constant 5 : i32
      %mul3A_152 = arith.muli %scan3A_78, %mul3A_151 : i32
      %add3A_153 = arith.constant 3 : i32
      %add3A_154 = arith.addi %mul3A_152, %add3A_153 : i32
      %mul3A_155 = arith.constant 40 : i32
      %mul3A_156 = arith.muli %add3A_154, %mul3A_155 : i32
      %dma_wait3A_157 = arith.constant 3 : i32
      %dma_wait3A_158 = arith.constant 0 : i32
      %dma_wait3A_159 = arith.constant 0 : i32
      %dma_wait3A_160 = tpu.memref_slice %arg9[%dma_wait3A_157, %dma_wait3A_158, %dma_wait3A_159] : memref<5x40x128xf32, #tpu.memory_space<vmem>> -> memref<1x40x128xf32, #tpu.memory_space<vmem>>
      %dma_wait3A_161 = tpu.memref_squeeze %dma_wait3A_160 : memref<1x40x128xf32, #tpu.memory_space<vmem>> -> memref<40x128xf32, #tpu.memory_space<vmem>>
      %dma_wait3A_162 = tpu.memref_slice %arg7[%mul3A_156] : memref<10000xi32, #tpu.memory_space<vmem>> -> memref<40xi32, #tpu.memory_space<vmem>>
      %dma_wait3A_163 = arith.constant 0 : i32
      %dma_wait3A_164 = arith.constant 0 : i32
      %dma_wait3A_165 = tpu.memref_slice %arg2[%dma_wait3A_163, %dma_wait3A_164] : memref<10000x128xf32, #tpu.memory_space<hbm>> -> memref<10000x128xf32, #tpu.memory_space<hbm>>
      tpu.wait_indirect_dma semaphore(%arg14 : memref<!tpu.dma_semaphore, #tpu.memory_space<semaphore_mem>>) src(%dma_wait3A_165 : memref<10000x128xf32, #tpu.memory_space<hbm>>) dst(%dma_wait3A_161 : memref<40x128xf32, #tpu.memory_space<vmem>>)
      %mul3A_166 = arith.constant 40 : i32
      %mul3A_167 = arith.muli %add3A_154, %mul3A_166 : i32
      %run_scoped3A_168 = arith.constant 3 : i32
      "tpu.region"() ({
        %run_scoped3A_201 = tpu.sem_alloc : memref<!tpu.dma_semaphore, #tpu.memory_space<semaphore_mem>>
        %dma_start3A_202 = arith.constant 0 : i32
        %dma_start3A_203 = arith.constant 0 : i32
        %dma_start3A_204 = tpu.memref_slice %arg9[%run_scoped3A_168, %dma_start3A_202, %dma_start3A_203] : memref<5x40x128xf32, #tpu.memory_space<vmem>> -> memref<1x40x128xf32, #tpu.memory_space<vmem>>
        %dma_start3A_205 = tpu.memref_squeeze %dma_start3A_204 : memref<1x40x128xf32, #tpu.memory_space<vmem>> -> memref<40x128xf32, #tpu.memory_space<vmem>>
        %dma_start3A_206 = tpu.memref_slice %arg8[%mul3A_167] : memref<10000xi32, #tpu.memory_space<vmem>> -> memref<40xi32, #tpu.memory_space<vmem>>
        %dma_start3A_207 = arith.constant 0 : i32
        %dma_start3A_208 = arith.constant 0 : i32
        %dma_start3A_209 = tpu.memref_slice %arg10[%dma_start3A_207, %dma_start3A_208] : memref<10000x128xf32, #tpu.memory_space<vmem_shared>> -> memref<10000x128xf32, #tpu.memory_space<vmem_shared>>
        tpu.enqueue_indirect_dma source(%dma_start3A_205 : memref<40x128xf32, #tpu.memory_space<vmem>>) target(%dma_start3A_209 : memref<10000x128xf32, #tpu.memory_space<vmem_shared>>) offsets(%dma_start3A_206 : memref<40xi32, #tpu.memory_space<vmem>>) semaphore(%run_scoped3A_201 : memref<!tpu.dma_semaphore, #tpu.memory_space<semaphore_mem>>) {add = true}
        %dma_wait3A_210 = arith.constant 0 : i32
        %dma_wait3A_211 = arith.constant 0 : i32
        %dma_wait3A_212 = tpu.memref_slice %arg9[%run_scoped3A_168, %dma_wait3A_210, %dma_wait3A_211] : memref<5x40x128xf32, #tpu.memory_space<vmem>> -> memref<1x40x128xf32, #tpu.memory_space<vmem>>
        %dma_wait3A_213 = tpu.memref_squeeze %dma_wait3A_212 : memref<1x40x128xf32, #tpu.memory_space<vmem>> -> memref<40x128xf32, #tpu.memory_space<vmem>>
        %dma_wait3A_214 = tpu.memref_slice %arg8[%mul3A_167] : memref<10000xi32, #tpu.memory_space<vmem>> -> memref<40xi32, #tpu.memory_space<vmem>>
        %dma_wait3A_215 = arith.constant 0 : i32
        %dma_wait3A_216 = arith.constant 0 : i32
        %dma_wait3A_217 = tpu.memref_slice %arg10[%dma_wait3A_215, %dma_wait3A_216] : memref<10000x128xf32, #tpu.memory_space<vmem_shared>> -> memref<10000x128xf32, #tpu.memory_space<vmem_shared>>
        tpu.wait_indirect_dma semaphore(%run_scoped3A_201 : memref<!tpu.dma_semaphore, #tpu.memory_space<semaphore_mem>>) src(%dma_wait3A_213 : memref<40x128xf32, #tpu.memory_space<vmem>>) dst(%dma_wait3A_217 : memref<10000x128xf32, #tpu.memory_space<vmem_shared>>)
        tpu.yield
      }) : () -> ()
      %add3A_169 = arith.constant 1 : i32
      %add3A_170 = arith.addi %scan3A_78, %add3A_169 : i32
      %lt3A_171 = arith.constant 50 : i32
      %lt3A_172 = arith.cmpi slt, %add3A_170, %lt3A_171 : i32
      %convert_element_type3A_173 = arith.extui %lt3A_172 : i1 to i32
      %cond3A_174 = arith.constant 0 : i32
      %cond3A_175 = arith.cmpi ne, %convert_element_type3A_173, %cond3A_174 : i32
      scf.if %cond3A_175 {
        %add3A_201 = arith.constant 5 : i32
        %add3A_202 = arith.addi %add3A_154, %add3A_201 : i32
        %mul3A_203 = arith.constant 40 : i32
        %mul3A_204 = arith.muli %add3A_202, %mul3A_203 : i32
        %dma_start3A_205 = arith.constant 3 : i32
        %dma_start3A_206 = arith.constant 0 : i32
        %dma_start3A_207 = arith.constant 0 : i32
        %dma_start3A_208 = tpu.memref_slice %arg9[%dma_start3A_205, %dma_start3A_206, %dma_start3A_207] : memref<5x40x128xf32, #tpu.memory_space<vmem>> -> memref<1x40x128xf32, #tpu.memory_space<vmem>>
        %dma_start3A_209 = tpu.memref_squeeze %dma_start3A_208 : memref<1x40x128xf32, #tpu.memory_space<vmem>> -> memref<40x128xf32, #tpu.memory_space<vmem>>
        %dma_start3A_210 = tpu.memref_slice %arg7[%mul3A_204] : memref<10000xi32, #tpu.memory_space<vmem>> -> memref<40xi32, #tpu.memory_space<vmem>>
        %dma_start3A_211 = arith.constant 0 : i32
        %dma_start3A_212 = arith.constant 0 : i32
        %dma_start3A_213 = tpu.memref_slice %arg2[%dma_start3A_211, %dma_start3A_212] : memref<10000x128xf32, #tpu.memory_space<hbm>> -> memref<10000x128xf32, #tpu.memory_space<hbm>>
        tpu.enqueue_indirect_dma source(%dma_start3A_213 : memref<10000x128xf32, #tpu.memory_space<hbm>>) target(%dma_start3A_209 : memref<40x128xf32, #tpu.memory_space<vmem>>) offsets(%dma_start3A_210 : memref<40xi32, #tpu.memory_space<vmem>>) semaphore(%arg14 : memref<!tpu.dma_semaphore, #tpu.memory_space<semaphore_mem>>)
      } else {
      }
      %mul3A_176 = arith.constant 5 : i32
      %mul3A_177 = arith.muli %scan3A_78, %mul3A_176 : i32
      %add3A_178 = arith.constant 4 : i32
      %add3A_179 = arith.addi %mul3A_177, %add3A_178 : i32
      %mul3A_180 = arith.constant 40 : i32
      %mul3A_181 = arith.muli %add3A_179, %mul3A_180 : i32
      %dma_wait3A_182 = arith.constant 4 : i32
      %dma_wait3A_183 = arith.constant 0 : i32
      %dma_wait3A_184 = arith.constant 0 : i32
      %dma_wait3A_185 = tpu.memref_slice %arg9[%dma_wait3A_182, %dma_wait3A_183, %dma_wait3A_184] : memref<5x40x128xf32, #tpu.memory_space<vmem>> -> memref<1x40x128xf32, #tpu.memory_space<vmem>>
      %dma_wait3A_186 = tpu.memref_squeeze %dma_wait3A_185 : memref<1x40x128xf32, #tpu.memory_space<vmem>> -> memref<40x128xf32, #tpu.memory_space<vmem>>
      %dma_wait3A_187 = tpu.memref_slice %arg7[%mul3A_181] : memref<10000xi32, #tpu.memory_space<vmem>> -> memref<40xi32, #tpu.memory_space<vmem>>
      %dma_wait3A_188 = arith.constant 0 : i32
      %dma_wait3A_189 = arith.constant 0 : i32
      %dma_wait3A_190 = tpu.memref_slice %arg2[%dma_wait3A_188, %dma_wait3A_189] : memref<10000x128xf32, #tpu.memory_space<hbm>> -> memref<10000x128xf32, #tpu.memory_space<hbm>>
      tpu.wait_indirect_dma semaphore(%arg15 : memref<!tpu.dma_semaphore, #tpu.memory_space<semaphore_mem>>) src(%dma_wait3A_190 : memref<10000x128xf32, #tpu.memory_space<hbm>>) dst(%dma_wait3A_186 : memref<40x128xf32, #tpu.memory_space<vmem>>)
      %mul3A_191 = arith.constant 40 : i32
      %mul3A_192 = arith.muli %add3A_179, %mul3A_191 : i32
      %run_scoped3A_193 = arith.constant 4 : i32
      "tpu.region"() ({
        %run_scoped3A_201 = tpu.sem_alloc : memref<!tpu.dma_semaphore, #tpu.memory_space<semaphore_mem>>
        %dma_start3A_202 = arith.constant 0 : i32
        %dma_start3A_203 = arith.constant 0 : i32
        %dma_start3A_204 = tpu.memref_slice %arg9[%run_scoped3A_193, %dma_start3A_202, %dma_start3A_203] : memref<5x40x128xf32, #tpu.memory_space<vmem>> -> memref<1x40x128xf32, #tpu.memory_space<vmem>>
        %dma_start3A_205 = tpu.memref_squeeze %dma_start3A_204 : memref<1x40x128xf32, #tpu.memory_space<vmem>> -> memref<40x128xf32, #tpu.memory_space<vmem>>
        %dma_start3A_206 = tpu.memref_slice %arg8[%mul3A_192] : memref<10000xi32, #tpu.memory_space<vmem>> -> memref<40xi32, #tpu.memory_space<vmem>>
        %dma_start3A_207 = arith.constant 0 : i32
        %dma_start3A_208 = arith.constant 0 : i32
        %dma_start3A_209 = tpu.memref_slice %arg10[%dma_start3A_207, %dma_start3A_208] : memref<10000x128xf32, #tpu.memory_space<vmem_shared>> -> memref<10000x128xf32, #tpu.memory_space<vmem_shared>>
        tpu.enqueue_indirect_dma source(%dma_start3A_205 : memref<40x128xf32, #tpu.memory_space<vmem>>) target(%dma_start3A_209 : memref<10000x128xf32, #tpu.memory_space<vmem_shared>>) offsets(%dma_start3A_206 : memref<40xi32, #tpu.memory_space<vmem>>) semaphore(%run_scoped3A_201 : memref<!tpu.dma_semaphore, #tpu.memory_space<semaphore_mem>>) {add = true}
        %dma_wait3A_210 = arith.constant 0 : i32
        %dma_wait3A_211 = arith.constant 0 : i32
        %dma_wait3A_212 = tpu.memref_slice %arg9[%run_scoped3A_193, %dma_wait3A_210, %dma_wait3A_211] : memref<5x40x128xf32, #tpu.memory_space<vmem>> -> memref<1x40x128xf32, #tpu.memory_space<vmem>>
        %dma_wait3A_213 = tpu.memref_squeeze %dma_wait3A_212 : memref<1x40x128xf32, #tpu.memory_space<vmem>> -> memref<40x128xf32, #tpu.memory_space<vmem>>
        %dma_wait3A_214 = tpu.memref_slice %arg8[%mul3A_192] : memref<10000xi32, #tpu.memory_space<vmem>> -> memref<40xi32, #tpu.memory_space<vmem>>
        %dma_wait3A_215 = arith.constant 0 : i32
        %dma_wait3A_216 = arith.constant 0 : i32
        %dma_wait3A_217 = tpu.memref_slice %arg10[%dma_wait3A_215, %dma_wait3A_216] : memref<10000x128xf32, #tpu.memory_space<vmem_shared>> -> memref<10000x128xf32, #tpu.memory_space<vmem_shared>>
        tpu.wait_indirect_dma semaphore(%run_scoped3A_201 : memref<!tpu.dma_semaphore, #tpu.memory_space<semaphore_mem>>) src(%dma_wait3A_213 : memref<40x128xf32, #tpu.memory_space<vmem>>) dst(%dma_wait3A_217 : memref<10000x128xf32, #tpu.memory_space<vmem_shared>>)
        tpu.yield
      }) : () -> ()
      %add3A_194 = arith.constant 1 : i32
      %add3A_195 = arith.addi %scan3A_78, %add3A_194 : i32
      %lt3A_196 = arith.constant 50 : i32
      %lt3A_197 = arith.cmpi slt, %add3A_195, %lt3A_196 : i32
      %convert_element_type3A_198 = arith.extui %lt3A_197 : i1 to i32
      %cond3A_199 = arith.constant 0 : i32
      %cond3A_200 = arith.cmpi ne, %convert_element_type3A_198, %cond3A_199 : i32
      scf.if %cond3A_200 {
        %add3A_201 = arith.constant 5 : i32
        %add3A_202 = arith.addi %add3A_179, %add3A_201 : i32
        %mul3A_203 = arith.constant 40 : i32
        %mul3A_204 = arith.muli %add3A_202, %mul3A_203 : i32
        %dma_start3A_205 = arith.constant 4 : i32
        %dma_start3A_206 = arith.constant 0 : i32
        %dma_start3A_207 = arith.constant 0 : i32
        %dma_start3A_208 = tpu.memref_slice %arg9[%dma_start3A_205, %dma_start3A_206, %dma_start3A_207] : memref<5x40x128xf32, #tpu.memory_space<vmem>> -> memref<1x40x128xf32, #tpu.memory_space<vmem>>
        %dma_start3A_209 = tpu.memref_squeeze %dma_start3A_208 : memref<1x40x128xf32, #tpu.memory_space<vmem>> -> memref<40x128xf32, #tpu.memory_space<vmem>>
        %dma_start3A_210 = tpu.memref_slice %arg7[%mul3A_204] : memref<10000xi32, #tpu.memory_space<vmem>> -> memref<40xi32, #tpu.memory_space<vmem>>
        %dma_start3A_211 = arith.constant 0 : i32
        %dma_start3A_212 = arith.constant 0 : i32
        %dma_start3A_213 = tpu.memref_slice %arg2[%dma_start3A_211, %dma_start3A_212] : memref<10000x128xf32, #tpu.memory_space<hbm>> -> memref<10000x128xf32, #tpu.memory_space<hbm>>
        tpu.enqueue_indirect_dma source(%dma_start3A_213 : memref<10000x128xf32, #tpu.memory_space<hbm>>) target(%dma_start3A_209 : memref<40x128xf32, #tpu.memory_space<vmem>>) offsets(%dma_start3A_210 : memref<40xi32, #tpu.memory_space<vmem>>) semaphore(%arg15 : memref<!tpu.dma_semaphore, #tpu.memory_space<semaphore_mem>>)
      } else {
      }
    }
    %scan3A_64 = arith.constant 50 : i32
    %barrier3A_65 = arith.constant 0 : index
    tpu.barrier barrier_id(%barrier3A_65)
    %mul3A_66 = arith.constant 624 : i32
    %mul3A_67 = arith.muli %arg1, %mul3A_66 : i32
    %mul3A_68 = arith.constant 10000 : i32
    %mul3A_69 = arith.muli %arg0, %mul3A_68 : i32
    %mul3A_70 = arith.constant 624 : i32
    %mul3A_71 = arith.muli %arg1, %mul3A_70 : i32
    %add3A_72 = arith.addi %mul3A_69, %mul3A_71 : i32
    "tpu.region"() ({
      %run_scoped3A = tpu.sem_alloc : memref<!tpu.dma_semaphore, #tpu.memory_space<semaphore_mem>>
      %dma_start3A_78 = arith.constant 0 : i32
      %dma_start3A_79 = tpu.memref_slice %arg6[%add3A_72, %dma_start3A_78] : memref<20000x128xf32, #tpu.memory_space<hbm>> -> memref<624x128xf32, #tpu.memory_space<hbm>>
      %dma_start3A_80 = arith.constant 0 : i32
      %dma_start3A_81 = tpu.memref_slice %arg10[%mul3A_67, %dma_start3A_80] : memref<10000x128xf32, #tpu.memory_space<vmem_shared>> -> memref<624x128xf32, #tpu.memory_space<vmem_shared>>
      tpu.enqueue_dma source(%dma_start3A_81 : memref<624x128xf32, #tpu.memory_space<vmem_shared>>) target(%dma_start3A_79 : memref<624x128xf32, #tpu.memory_space<hbm>>) target_semaphore(%run_scoped3A : memref<!tpu.dma_semaphore, #tpu.memory_space<semaphore_mem>>)
      %dma_wait3A = arith.constant 0 : i32
      %dma_wait3A_82 = tpu.memref_slice %arg6[%add3A_72, %dma_wait3A] : memref<20000x128xf32, #tpu.memory_space<hbm>> -> memref<624x128xf32, #tpu.memory_space<hbm>>
      %dma_wait3A_83 = arith.constant 0 : i32
      %dma_wait3A_84 = tpu.memref_slice %arg10[%mul3A_67, %dma_wait3A_83] : memref<10000x128xf32, #tpu.memory_space<vmem_shared>> -> memref<624x128xf32, #tpu.memory_space<vmem_shared>>
      tpu.wait_dma2 semaphore(%run_scoped3A : memref<!tpu.dma_semaphore, #tpu.memory_space<semaphore_mem>>) src(%dma_wait3A_84 : memref<624x128xf32, #tpu.memory_space<vmem_shared>>) dst(%dma_wait3A_82 : memref<624x128xf32, #tpu.memory_space<hbm>>)
      tpu.yield
    }) : () -> ()
    %eq3A_73 = arith.constant 0 : i32
    %eq3A_74 = arith.cmpi eq, %arg1, %eq3A_73 : i32
    %convert_element_type3A_75 = arith.extui %eq3A_74 : i1 to i32
    %cond3A_76 = arith.constant 0 : i32
    %cond3A_77 = arith.cmpi ne, %convert_element_type3A_75, %cond3A_76 : i32
    scf.if %cond3A_77 {
      %mul3A_78 = arith.constant 10000 : i32
      %mul3A_79 = arith.muli %arg0, %mul3A_78 : i32
      %add3A_80 = arith.constant 9984 : i32
      %add3A_81 = arith.addi %mul3A_79, %add3A_80 : i32
      "tpu.region"() ({
        %run_scoped3A = tpu.sem_alloc : memref<!tpu.dma_semaphore, #tpu.memory_space<semaphore_mem>>
        %dma_start3A_82 = arith.constant 0 : i32
        %dma_start3A_83 = tpu.memref_slice %arg6[%add3A_81, %dma_start3A_82] : memref<20000x128xf32, #tpu.memory_space<hbm>> -> memref<16x128xf32, #tpu.memory_space<hbm>>
        %dma_start3A_84 = arith.constant 9984 : i32
        %dma_start3A_85 = arith.constant 0 : i32
        %dma_start3A_86 = tpu.memref_slice %arg10[%dma_start3A_84, %dma_start3A_85] : memref<10000x128xf32, #tpu.memory_space<vmem_shared>> -> memref<16x128xf32, #tpu.memory_space<vmem_shared>>
        tpu.enqueue_dma source(%dma_start3A_86 : memref<16x128xf32, #tpu.memory_space<vmem_shared>>) target(%dma_start3A_83 : memref<16x128xf32, #tpu.memory_space<hbm>>) target_semaphore(%run_scoped3A : memref<!tpu.dma_semaphore, #tpu.memory_space<semaphore_mem>>)
        %dma_wait3A = arith.constant 0 : i32
        %dma_wait3A_87 = tpu.memref_slice %arg6[%add3A_81, %dma_wait3A] : memref<20000x128xf32, #tpu.memory_space<hbm>> -> memref<16x128xf32, #tpu.memory_space<hbm>>
        %dma_wait3A_88 = arith.constant 9984 : i32
        %dma_wait3A_89 = arith.constant 0 : i32
        %dma_wait3A_90 = tpu.memref_slice %arg10[%dma_wait3A_88, %dma_wait3A_89] : memref<10000x128xf32, #tpu.memory_space<vmem_shared>> -> memref<16x128xf32, #tpu.memory_space<vmem_shared>>
        tpu.wait_dma2 semaphore(%run_scoped3A : memref<!tpu.dma_semaphore, #tpu.memory_space<semaphore_mem>>) src(%dma_wait3A_90 : memref<16x128xf32, #tpu.memory_space<vmem_shared>>) dst(%dma_wait3A_87 : memref<16x128xf32, #tpu.memory_space<hbm>>)
        tpu.yield
      }) : () -> ()
    } else {
    }
    return
  }
}

#map = affine_map<(d0, d1) -> (0, 0)>
#map1 = affine_map<(d0, d1) -> (0)>
module attributes {stable_mosaic.version = 14 : i64} {
  func.func @agg(%arg0: i32, %arg1: i32, %arg2: memref<10000x128xf32, #tpu.memory_space<hbm>>, %arg3: memref<320000xi32, #tpu.memory_space<hbm>>, %arg4: memref<320000xi32, #tpu.memory_space<hbm>>, %arg5: memref<10000x128xf32, #tpu.memory_space<hbm>>, %arg6: memref<20000x128xf32, #tpu.memory_space<hbm>>, %arg7: memref<10000xi32, #tpu.memory_space<vmem>>, %arg8: memref<10000xi32, #tpu.memory_space<vmem>>, %arg9: memref<5x40x128xf32, #tpu.memory_space<vmem>>, %arg10: memref<10000x128xf32, #tpu.memory_space<vmem_shared>>, %arg11: memref<!tpu.dma_semaphore, #tpu.memory_space<semaphore_mem>>, %arg12: memref<!tpu.dma_semaphore, #tpu.memory_space<semaphore_mem>>, %arg13: memref<!tpu.dma_semaphore, #tpu.memory_space<semaphore_mem>>, %arg14: memref<!tpu.dma_semaphore, #tpu.memory_space<semaphore_mem>>, %arg15: memref<!tpu.dma_semaphore, #tpu.memory_space<semaphore_mem>>) attributes {dimension_semantics = [#tpu.dimension_semantics<core_parallel>, #tpu.dimension_semantics<subcore_parallel>], iteration_bounds = array<i64: 2, 16>, scalar_prefetch = 0 : i64, scratch_operands = 9 : i64, tpu.core_type = #tpu.core_type<sc_vector_subcore>, window_params = [{transform_indices = #map}, {transform_indices = #map1}, {transform_indices = #map1}, {transform_indices = #map}, {transform_indices = #map}]} {
    %mul3A = arith.constant 16 : i32
    %mul3A_0 = arith.muli %arg0, %mul3A : i32
    %add3A = arith.addi %mul3A_0, %arg1 : i32
    %mul3A_1 = arith.constant 10000 : i32
    %mul3A_2 = arith.muli %add3A, %mul3A_1 : i32
    "tpu.region"() ({
      %run_scoped3A = tpu.sem_alloc : memref<!tpu.dma_semaphore, #tpu.memory_space<semaphore_mem>>
      %dma_start3A_78 = tpu.memref_slice %arg3[%mul3A_2] : memref<320000xi32, #tpu.memory_space<hbm>> -> memref<10000xi32, #tpu.memory_space<hbm>>
      %dma_start3A_79 = tpu.memref_slice %arg3[%mul3A_2] : memref<320000xi32, #tpu.memory_space<hbm>> -> memref<10000xi32, #tpu.memory_space<hbm>>
      tpu.enqueue_dma source(%dma_start3A_79 : memref<10000xi32, #tpu.memory_space<hbm>>) target(%arg7 : memref<10000xi32, #tpu.memory_space<vmem>>) target_semaphore(%run_scoped3A : memref<!tpu.dma_semaphore, #tpu.memory_space<semaphore_mem>>)
      %dma_wait3A = tpu.memref_slice %arg3[%mul3A_2] : memref<320000xi32, #tpu.memory_space<hbm>> -> memref<10000xi32, #tpu.memory_space<hbm>>
      %dma_wait3A_80 = tpu.memref_slice %arg3[%mul3A_2] : memref<320000xi32, #tpu.memory_space<hbm>> -> memref<10000xi32, #tpu.memory_space<hbm>>
      tpu.wait_dma2 semaphore(%run_scoped3A : memref<!tpu.dma_semaphore, #tpu.memory_space<semaphore_mem>>) src(%dma_wait3A_80 : memref<10000xi32, #tpu.memory_space<hbm>>) dst(%arg7 : memref<10000xi32, #tpu.memory_space<vmem>>)
      tpu.yield
    }) : () -> ()
    %mul3A_3 = arith.constant 10000 : i32
    %mul3A_4 = arith.muli %add3A, %mul3A_3 : i32
    "tpu.region"() ({
      %run_scoped3A = tpu.sem_alloc : memref<!tpu.dma_semaphore, #tpu.memory_space<semaphore_mem>>
      %dma_start3A_78 = tpu.memref_slice %arg4[%mul3A_4] : memref<320000xi32, #tpu.memory_space<hbm>> -> memref<10000xi32, #tpu.memory_space<hbm>>
      %dma_start3A_79 = tpu.memref_slice %arg4[%mul3A_4] : memref<320000xi32, #tpu.memory_space<hbm>> -> memref<10000xi32, #tpu.memory_space<hbm>>
      tpu.enqueue_dma source(%dma_start3A_79 : memref<10000xi32, #tpu.memory_space<hbm>>) target(%arg8 : memref<10000xi32, #tpu.memory_space<vmem>>) target_semaphore(%run_scoped3A : memref<!tpu.dma_semaphore, #tpu.memory_space<semaphore_mem>>)
      %dma_wait3A = tpu.memref_slice %arg4[%mul3A_4] : memref<320000xi32, #tpu.memory_space<hbm>> -> memref<10000xi32, #tpu.memory_space<hbm>>
      %dma_wait3A_80 = tpu.memref_slice %arg4[%mul3A_4] : memref<320000xi32, #tpu.memory_space<hbm>> -> memref<10000xi32, #tpu.memory_space<hbm>>
      tpu.wait_dma2 semaphore(%run_scoped3A : memref<!tpu.dma_semaphore, #tpu.memory_space<semaphore_mem>>) src(%dma_wait3A_80 : memref<10000xi32, #tpu.memory_space<hbm>>) dst(%arg8 : memref<10000xi32, #tpu.memory_space<vmem>>)
      tpu.yield
    }) : () -> ()
    %mul3A_5 = arith.constant 624 : i32
    %mul3A_6 = arith.muli %arg1, %mul3A_5 : i32
    %mul3A_7 = arith.constant 624 : i32
    %mul3A_8 = arith.muli %arg1, %mul3A_7 : i32
    "tpu.region"() ({
      %run_scoped3A = tpu.sem_alloc : memref<!tpu.dma_semaphore, #tpu.memory_space<semaphore_mem>>
      %dma_start3A_78 = arith.constant 0 : i32
      %dma_start3A_79 = tpu.memref_slice %arg10[%mul3A_8, %dma_start3A_78] : memref<10000x128xf32, #tpu.memory_space<vmem_shared>> -> memref<624x128xf32, #tpu.memory_space<vmem_shared>>
      %dma_start3A_80 = arith.constant 0 : i32
      %dma_start3A_81 = tpu.memref_slice %arg5[%mul3A_6, %dma_start3A_80] : memref<10000x128xf32, #tpu.memory_space<hbm>> -> memref<624x128xf32, #tpu.memory_space<hbm>>
      tpu.enqueue_dma source(%dma_start3A_81 : memref<624x128xf32, #tpu.memory_space<hbm>>) target(%dma_start3A_79 : memref<624x128xf32, #tpu.memory_space<vmem_shared>>) target_semaphore(%run_scoped3A : memref<!tpu.dma_semaphore, #tpu.memory_space<semaphore_mem>>)
      %dma_wait3A = arith.constant 0 : i32
      %dma_wait3A_82 = tpu.memref_slice %arg10[%mul3A_8, %dma_wait3A] : memref<10000x128xf32, #tpu.memory_space<vmem_shared>> -> memref<624x128xf32, #tpu.memory_space<vmem_shared>>
      %dma_wait3A_83 = arith.constant 0 : i32
      %dma_wait3A_84 = tpu.memref_slice %arg5[%mul3A_6, %dma_wait3A_83] : memref<10000x128xf32, #tpu.memory_space<hbm>> -> memref<624x128xf32, #tpu.memory_space<hbm>>
      tpu.wait_dma2 semaphore(%run_scoped3A : memref<!tpu.dma_semaphore, #tpu.memory_space<semaphore_mem>>) src(%dma_wait3A_84 : memref<624x128xf32, #tpu.memory_space<hbm>>) dst(%dma_wait3A_82 : memref<624x128xf32, #tpu.memory_space<vmem_shared>>)
      tpu.yield
    }) : () -> ()
    %eq3A = arith.constant 0 : i32
    %eq3A_9 = arith.cmpi eq, %arg1, %eq3A : i32
    %convert_element_type3A = arith.extui %eq3A_9 : i1 to i32
    %cond3A = arith.constant 0 : i32
    %cond3A_10 = arith.cmpi ne, %convert_element_type3A, %cond3A : i32
    scf.if %cond3A_10 {
      "tpu.region"() ({
        %run_scoped3A = tpu.sem_alloc : memref<!tpu.dma_semaphore, #tpu.memory_space<semaphore_mem>>
        %dma_start3A_78 = arith.constant 9984 : i32
        %dma_start3A_79 = arith.constant 0 : i32
        %dma_start3A_80 = tpu.memref_slice %arg10[%dma_start3A_78, %dma_start3A_79] : memref<10000x128xf32, #tpu.memory_space<vmem_shared>> -> memref<16x128xf32, #tpu.memory_space<vmem_shared>>
        %dma_start3A_81 = arith.constant 9984 : i32
        %dma_start3A_82 = arith.constant 0 : i32
        %dma_start3A_83 = tpu.memref_slice %arg5[%dma_start3A_81, %dma_start3A_82] : memref<10000x128xf32, #tpu.memory_space<hbm>> -> memref<16x128xf32, #tpu.memory_space<hbm>>
        tpu.enqueue_dma source(%dma_start3A_83 : memref<16x128xf32, #tpu.memory_space<hbm>>) target(%dma_start3A_80 : memref<16x128xf32, #tpu.memory_space<vmem_shared>>) target_semaphore(%run_scoped3A : memref<!tpu.dma_semaphore, #tpu.memory_space<semaphore_mem>>)
        %dma_wait3A = arith.constant 9984 : i32
        %dma_wait3A_84 = arith.constant 0 : i32
        %dma_wait3A_85 = tpu.memref_slice %arg10[%dma_wait3A, %dma_wait3A_84] : memref<10000x128xf32, #tpu.memory_space<vmem_shared>> -> memref<16x128xf32, #tpu.memory_space<vmem_shared>>
        %dma_wait3A_86 = arith.constant 9984 : i32
        %dma_wait3A_87 = arith.constant 0 : i32
        %dma_wait3A_88 = tpu.memref_slice %arg5[%dma_wait3A_86, %dma_wait3A_87] : memref<10000x128xf32, #tpu.memory_space<hbm>> -> memref<16x128xf32, #tpu.memory_space<hbm>>
        tpu.wait_dma2 semaphore(%run_scoped3A : memref<!tpu.dma_semaphore, #tpu.memory_space<semaphore_mem>>) src(%dma_wait3A_88 : memref<16x128xf32, #tpu.memory_space<hbm>>) dst(%dma_wait3A_85 : memref<16x128xf32, #tpu.memory_space<vmem_shared>>)
        tpu.yield
      }) : () -> ()
    } else {
    }
    %dma_start3A = arith.constant 0 : i32
    %dma_start3A_11 = arith.constant 0 : i32
    %dma_start3A_12 = arith.constant 0 : i32
    %dma_start3A_13 = tpu.memref_slice %arg9[%dma_start3A, %dma_start3A_11, %dma_start3A_12] : memref<5x40x128xf32, #tpu.memory_space<vmem>> -> memref<1x40x128xf32, #tpu.memory_space<vmem>>
    %dma_start3A_14 = tpu.memref_squeeze %dma_start3A_13 : memref<1x40x128xf32, #tpu.memory_space<vmem>> -> memref<40x128xf32, #tpu.memory_space<vmem>>
    %dma_start3A_15 = arith.constant 0 : i32
    %dma_start3A_16 = tpu.memref_slice %arg7[%dma_start3A_15] : memref<10000xi32, #tpu.memory_space<vmem>> -> memref<40xi32, #tpu.memory_space<vmem>>
    %dma_start3A_17 = arith.constant 0 : i32
    %dma_start3A_18 = arith.constant 0 : i32
    %dma_start3A_19 = tpu.memref_slice %arg2[%dma_start3A_17, %dma_start3A_18] : memref<10000x128xf32, #tpu.memory_space<hbm>> -> memref<10000x128xf32, #tpu.memory_space<hbm>>
    tpu.enqueue_indirect_dma source(%dma_start3A_19 : memref<10000x128xf32, #tpu.memory_space<hbm>>) target(%dma_start3A_14 : memref<40x128xf32, #tpu.memory_space<vmem>>) offsets(%dma_start3A_16 : memref<40xi32, #tpu.memory_space<vmem>>) semaphore(%arg11 : memref<!tpu.dma_semaphore, #tpu.memory_space<semaphore_mem>>)
    %dma_start3A_20 = arith.constant 1 : i32
    %dma_start3A_21 = arith.constant 0 : i32
    %dma_start3A_22 = arith.constant 0 : i32
    %dma_start3A_23 = tpu.memref_slice %arg9[%dma_start3A_20, %dma_start3A_21, %dma_start3A_22] : memref<5x40x128xf32, #tpu.memory_space<vmem>> -> memref<1x40x128xf32, #tpu.memory_space<vmem>>
    %dma_start3A_24 = tpu.memref_squeeze %dma_start3A_23 : memref<1x40x128xf32, #tpu.memory_space<vmem>> -> memref<40x128xf32, #tpu.memory_space<vmem>>
    %dma_start3A_25 = arith.constant 40 : i32
    %dma_start3A_26 = tpu.memref_slice %arg7[%dma_start3A_25] : memref<10000xi32, #tpu.memory_space<vmem>> -> memref<40xi32, #tpu.memory_space<vmem>>
    %dma_start3A_27 = arith.constant 0 : i32
    %dma_start3A_28 = arith.constant 0 : i32
    %dma_start3A_29 = tpu.memref_slice %arg2[%dma_start3A_27, %dma_start3A_28] : memref<10000x128xf32, #tpu.memory_space<hbm>> -> memref<10000x128xf32, #tpu.memory_space<hbm>>
    tpu.enqueue_indirect_dma source(%dma_start3A_29 : memref<10000x128xf32, #tpu.memory_space<hbm>>) target(%dma_start3A_24 : memref<40x128xf32, #tpu.memory_space<vmem>>) offsets(%dma_start3A_26 : memref<40xi32, #tpu.memory_space<vmem>>) semaphore(%arg12 : memref<!tpu.dma_semaphore, #tpu.memory_space<semaphore_mem>>)
    %dma_start3A_30 = arith.constant 2 : i32
    %dma_start3A_31 = arith.constant 0 : i32
    %dma_start3A_32 = arith.constant 0 : i32
    %dma_start3A_33 = tpu.memref_slice %arg9[%dma_start3A_30, %dma_start3A_31, %dma_start3A_32] : memref<5x40x128xf32, #tpu.memory_space<vmem>> -> memref<1x40x128xf32, #tpu.memory_space<vmem>>
    %dma_start3A_34 = tpu.memref_squeeze %dma_start3A_33 : memref<1x40x128xf32, #tpu.memory_space<vmem>> -> memref<40x128xf32, #tpu.memory_space<vmem>>
    %dma_start3A_35 = arith.constant 80 : i32
    %dma_start3A_36 = tpu.memref_slice %arg7[%dma_start3A_35] : memref<10000xi32, #tpu.memory_space<vmem>> -> memref<40xi32, #tpu.memory_space<vmem>>
    %dma_start3A_37 = arith.constant 0 : i32
    %dma_start3A_38 = arith.constant 0 : i32
    %dma_start3A_39 = tpu.memref_slice %arg2[%dma_start3A_37, %dma_start3A_38] : memref<10000x128xf32, #tpu.memory_space<hbm>> -> memref<10000x128xf32, #tpu.memory_space<hbm>>
    tpu.enqueue_indirect_dma source(%dma_start3A_39 : memref<10000x128xf32, #tpu.memory_space<hbm>>) target(%dma_start3A_34 : memref<40x128xf32, #tpu.memory_space<vmem>>) offsets(%dma_start3A_36 : memref<40xi32, #tpu.memory_space<vmem>>) semaphore(%arg13 : memref<!tpu.dma_semaphore, #tpu.memory_space<semaphore_mem>>)
    %dma_start3A_40 = arith.constant 3 : i32
    %dma_start3A_41 = arith.constant 0 : i32
    %dma_start3A_42 = arith.constant 0 : i32
    %dma_start3A_43 = tpu.memref_slice %arg9[%dma_start3A_40, %dma_start3A_41, %dma_start3A_42] : memref<5x40x128xf32, #tpu.memory_space<vmem>> -> memref<1x40x128xf32, #tpu.memory_space<vmem>>
    %dma_start3A_44 = tpu.memref_squeeze %dma_start3A_43 : memref<1x40x128xf32, #tpu.memory_space<vmem>> -> memref<40x128xf32, #tpu.memory_space<vmem>>
    %dma_start3A_45 = arith.constant 120 : i32
    %dma_start3A_46 = tpu.memref_slice %arg7[%dma_start3A_45] : memref<10000xi32, #tpu.memory_space<vmem>> -> memref<40xi32, #tpu.memory_space<vmem>>
    %dma_start3A_47 = arith.constant 0 : i32
    %dma_start3A_48 = arith.constant 0 : i32
    %dma_start3A_49 = tpu.memref_slice %arg2[%dma_start3A_47, %dma_start3A_48] : memref<10000x128xf32, #tpu.memory_space<hbm>> -> memref<10000x128xf32, #tpu.memory_space<hbm>>
    tpu.enqueue_indirect_dma source(%dma_start3A_49 : memref<10000x128xf32, #tpu.memory_space<hbm>>) target(%dma_start3A_44 : memref<40x128xf32, #tpu.memory_space<vmem>>) offsets(%dma_start3A_46 : memref<40xi32, #tpu.memory_space<vmem>>) semaphore(%arg14 : memref<!tpu.dma_semaphore, #tpu.memory_space<semaphore_mem>>)
    %dma_start3A_50 = arith.constant 4 : i32
    %dma_start3A_51 = arith.constant 0 : i32
    %dma_start3A_52 = arith.constant 0 : i32
    %dma_start3A_53 = tpu.memref_slice %arg9[%dma_start3A_50, %dma_start3A_51, %dma_start3A_52] : memref<5x40x128xf32, #tpu.memory_space<vmem>> -> memref<1x40x128xf32, #tpu.memory_space<vmem>>
    %dma_start3A_54 = tpu.memref_squeeze %dma_start3A_53 : memref<1x40x128xf32, #tpu.memory_space<vmem>> -> memref<40x128xf32, #tpu.memory_space<vmem>>
    %dma_start3A_55 = arith.constant 160 : i32
    %dma_start3A_56 = tpu.memref_slice %arg7[%dma_start3A_55] : memref<10000xi32, #tpu.memory_space<vmem>> -> memref<40xi32, #tpu.memory_space<vmem>>
    %dma_start3A_57 = arith.constant 0 : i32
    %dma_start3A_58 = arith.constant 0 : i32
    %dma_start3A_59 = tpu.memref_slice %arg2[%dma_start3A_57, %dma_start3A_58] : memref<10000x128xf32, #tpu.memory_space<hbm>> -> memref<10000x128xf32, #tpu.memory_space<hbm>>
    tpu.enqueue_indirect_dma source(%dma_start3A_59 : memref<10000x128xf32, #tpu.memory_space<hbm>>) target(%dma_start3A_54 : memref<40x128xf32, #tpu.memory_space<vmem>>) offsets(%dma_start3A_56 : memref<40xi32, #tpu.memory_space<vmem>>) semaphore(%arg15 : memref<!tpu.dma_semaphore, #tpu.memory_space<semaphore_mem>>)
    %barrier3A = arith.constant 0 : index
    tpu.barrier barrier_id(%barrier3A)
    %scan3A = arith.constant 0 : i32
    %scan3A_60 = arith.constant 0 : i32
    %scan3A_61 = arith.constant 50 : i32
    %scan3A_62 = arith.addi %scan3A_60, %scan3A_61 : i32
    %scan3A_63 = arith.constant 1 : i32
    scf.for %scan3A_78 = %scan3A_60 to %scan3A_62 step %scan3A_63  : i32 {
      %mul3A_79 = arith.constant 5 : i32
      %mul3A_80 = arith.muli %scan3A_78, %mul3A_79 : i32
      %add3A_81 = arith.constant 0 : i32
      %add3A_82 = arith.addi %mul3A_80, %add3A_81 : i32
      %mul3A_83 = arith.constant 40 : i32
      %mul3A_84 = arith.muli %add3A_82, %mul3A_83 : i32
      %dma_wait3A = arith.constant 0 : i32
      %dma_wait3A_85 = arith.constant 0 : i32
      %dma_wait3A_86 = arith.constant 0 : i32
      %dma_wait3A_87 = tpu.memref_slice %arg9[%dma_wait3A, %dma_wait3A_85, %dma_wait3A_86] : memref<5x40x128xf32, #tpu.memory_space<vmem>> -> memref<1x40x128xf32, #tpu.memory_space<vmem>>
      %dma_wait3A_88 = tpu.memref_squeeze %dma_wait3A_87 : memref<1x40x128xf32, #tpu.memory_space<vmem>> -> memref<40x128xf32, #tpu.memory_space<vmem>>
      %dma_wait3A_89 = tpu.memref_slice %arg7[%mul3A_84] : memref<10000xi32, #tpu.memory_space<vmem>> -> memref<40xi32, #tpu.memory_space<vmem>>
      %dma_wait3A_90 = arith.constant 0 : i32
      %dma_wait3A_91 = arith.constant 0 : i32
      %dma_wait3A_92 = tpu.memref_slice %arg2[%dma_wait3A_90, %dma_wait3A_91] : memref<10000x128xf32, #tpu.memory_space<hbm>> -> memref<10000x128xf32, #tpu.memory_space<hbm>>
      tpu.wait_indirect_dma semaphore(%arg11 : memref<!tpu.dma_semaphore, #tpu.memory_space<semaphore_mem>>) src(%dma_wait3A_92 : memref<10000x128xf32, #tpu.memory_space<hbm>>) dst(%dma_wait3A_88 : memref<40x128xf32, #tpu.memory_space<vmem>>)
      %mul3A_93 = arith.constant 40 : i32
      %mul3A_94 = arith.muli %add3A_82, %mul3A_93 : i32
      %run_scoped3A = arith.constant 0 : i32
      "tpu.region"() ({
        %run_scoped3A_201 = tpu.sem_alloc : memref<!tpu.dma_semaphore, #tpu.memory_space<semaphore_mem>>
        %dma_start3A_202 = arith.constant 0 : i32
        %dma_start3A_203 = arith.constant 0 : i32
        %dma_start3A_204 = tpu.memref_slice %arg9[%run_scoped3A, %dma_start3A_202, %dma_start3A_203] : memref<5x40x128xf32, #tpu.memory_space<vmem>> -> memref<1x40x128xf32, #tpu.memory_space<vmem>>
        %dma_start3A_205 = tpu.memref_squeeze %dma_start3A_204 : memref<1x40x128xf32, #tpu.memory_space<vmem>> -> memref<40x128xf32, #tpu.memory_space<vmem>>
        %dma_start3A_206 = tpu.memref_slice %arg8[%mul3A_94] : memref<10000xi32, #tpu.memory_space<vmem>> -> memref<40xi32, #tpu.memory_space<vmem>>
        %dma_start3A_207 = arith.constant 0 : i32
        %dma_start3A_208 = arith.constant 0 : i32
        %dma_start3A_209 = tpu.memref_slice %arg10[%dma_start3A_207, %dma_start3A_208] : memref<10000x128xf32, #tpu.memory_space<vmem_shared>> -> memref<10000x128xf32, #tpu.memory_space<vmem_shared>>
        tpu.enqueue_indirect_dma source(%dma_start3A_205 : memref<40x128xf32, #tpu.memory_space<vmem>>) target(%dma_start3A_209 : memref<10000x128xf32, #tpu.memory_space<vmem_shared>>) offsets(%dma_start3A_206 : memref<40xi32, #tpu.memory_space<vmem>>) semaphore(%run_scoped3A_201 : memref<!tpu.dma_semaphore, #tpu.memory_space<semaphore_mem>>) {add = true}
        %dma_wait3A_210 = arith.constant 0 : i32
        %dma_wait3A_211 = arith.constant 0 : i32
        %dma_wait3A_212 = tpu.memref_slice %arg9[%run_scoped3A, %dma_wait3A_210, %dma_wait3A_211] : memref<5x40x128xf32, #tpu.memory_space<vmem>> -> memref<1x40x128xf32, #tpu.memory_space<vmem>>
        %dma_wait3A_213 = tpu.memref_squeeze %dma_wait3A_212 : memref<1x40x128xf32, #tpu.memory_space<vmem>> -> memref<40x128xf32, #tpu.memory_space<vmem>>
        %dma_wait3A_214 = tpu.memref_slice %arg8[%mul3A_94] : memref<10000xi32, #tpu.memory_space<vmem>> -> memref<40xi32, #tpu.memory_space<vmem>>
        %dma_wait3A_215 = arith.constant 0 : i32
        %dma_wait3A_216 = arith.constant 0 : i32
        %dma_wait3A_217 = tpu.memref_slice %arg10[%dma_wait3A_215, %dma_wait3A_216] : memref<10000x128xf32, #tpu.memory_space<vmem_shared>> -> memref<10000x128xf32, #tpu.memory_space<vmem_shared>>
        tpu.wait_indirect_dma semaphore(%run_scoped3A_201 : memref<!tpu.dma_semaphore, #tpu.memory_space<semaphore_mem>>) src(%dma_wait3A_213 : memref<40x128xf32, #tpu.memory_space<vmem>>) dst(%dma_wait3A_217 : memref<10000x128xf32, #tpu.memory_space<vmem_shared>>)
        tpu.yield
      }) : () -> ()
      %add3A_95 = arith.constant 1 : i32
      %add3A_96 = arith.addi %scan3A_78, %add3A_95 : i32
      %lt3A = arith.constant 50 : i32
      %lt3A_97 = arith.cmpi slt, %add3A_96, %lt3A : i32
      %convert_element_type3A_98 = arith.extui %lt3A_97 : i1 to i32
      %cond3A_99 = arith.constant 0 : i32
      %cond3A_100 = arith.cmpi ne, %convert_element_type3A_98, %cond3A_99 : i32
      scf.if %cond3A_100 {
        %add3A_201 = arith.constant 5 : i32
        %add3A_202 = arith.addi %add3A_82, %add3A_201 : i32
        %mul3A_203 = arith.constant 40 : i32
        %mul3A_204 = arith.muli %add3A_202, %mul3A_203 : i32
        %dma_start3A_205 = arith.constant 0 : i32
        %dma_start3A_206 = arith.constant 0 : i32
        %dma_start3A_207 = arith.constant 0 : i32
        %dma_start3A_208 = tpu.memref_slice %arg9[%dma_start3A_205, %dma_start3A_206, %dma_start3A_207] : memref<5x40x128xf32, #tpu.memory_space<vmem>> -> memref<1x40x128xf32, #tpu.memory_space<vmem>>
        %dma_start3A_209 = tpu.memref_squeeze %dma_start3A_208 : memref<1x40x128xf32, #tpu.memory_space<vmem>> -> memref<40x128xf32, #tpu.memory_space<vmem>>
        %dma_start3A_210 = tpu.memref_slice %arg7[%mul3A_204] : memref<10000xi32, #tpu.memory_space<vmem>> -> memref<40xi32, #tpu.memory_space<vmem>>
        %dma_start3A_211 = arith.constant 0 : i32
        %dma_start3A_212 = arith.constant 0 : i32
        %dma_start3A_213 = tpu.memref_slice %arg2[%dma_start3A_211, %dma_start3A_212] : memref<10000x128xf32, #tpu.memory_space<hbm>> -> memref<10000x128xf32, #tpu.memory_space<hbm>>
        tpu.enqueue_indirect_dma source(%dma_start3A_213 : memref<10000x128xf32, #tpu.memory_space<hbm>>) target(%dma_start3A_209 : memref<40x128xf32, #tpu.memory_space<vmem>>) offsets(%dma_start3A_210 : memref<40xi32, #tpu.memory_space<vmem>>) semaphore(%arg11 : memref<!tpu.dma_semaphore, #tpu.memory_space<semaphore_mem>>)
      } else {
      }
      %mul3A_101 = arith.constant 5 : i32
      %mul3A_102 = arith.muli %scan3A_78, %mul3A_101 : i32
      %add3A_103 = arith.constant 1 : i32
      %add3A_104 = arith.addi %mul3A_102, %add3A_103 : i32
      %mul3A_105 = arith.constant 40 : i32
      %mul3A_106 = arith.muli %add3A_104, %mul3A_105 : i32
      %dma_wait3A_107 = arith.constant 1 : i32
      %dma_wait3A_108 = arith.constant 0 : i32
      %dma_wait3A_109 = arith.constant 0 : i32
      %dma_wait3A_110 = tpu.memref_slice %arg9[%dma_wait3A_107, %dma_wait3A_108, %dma_wait3A_109] : memref<5x40x128xf32, #tpu.memory_space<vmem>> -> memref<1x40x128xf32, #tpu.memory_space<vmem>>
      %dma_wait3A_111 = tpu.memref_squeeze %dma_wait3A_110 : memref<1x40x128xf32, #tpu.memory_space<vmem>> -> memref<40x128xf32, #tpu.memory_space<vmem>>
      %dma_wait3A_112 = tpu.memref_slice %arg7[%mul3A_106] : memref<10000xi32, #tpu.memory_space<vmem>> -> memref<40xi32, #tpu.memory_space<vmem>>
      %dma_wait3A_113 = arith.constant 0 : i32
      %dma_wait3A_114 = arith.constant 0 : i32
      %dma_wait3A_115 = tpu.memref_slice %arg2[%dma_wait3A_113, %dma_wait3A_114] : memref<10000x128xf32, #tpu.memory_space<hbm>> -> memref<10000x128xf32, #tpu.memory_space<hbm>>
      tpu.wait_indirect_dma semaphore(%arg12 : memref<!tpu.dma_semaphore, #tpu.memory_space<semaphore_mem>>) src(%dma_wait3A_115 : memref<10000x128xf32, #tpu.memory_space<hbm>>) dst(%dma_wait3A_111 : memref<40x128xf32, #tpu.memory_space<vmem>>)
      %mul3A_116 = arith.constant 40 : i32
      %mul3A_117 = arith.muli %add3A_104, %mul3A_116 : i32
      %run_scoped3A_118 = arith.constant 1 : i32
      "tpu.region"() ({
        %run_scoped3A_201 = tpu.sem_alloc : memref<!tpu.dma_semaphore, #tpu.memory_space<semaphore_mem>>
        %dma_start3A_202 = arith.constant 0 : i32
        %dma_start3A_203 = arith.constant 0 : i32
        %dma_start3A_204 = tpu.memref_slice %arg9[%run_scoped3A_118, %dma_start3A_202, %dma_start3A_203] : memref<5x40x128xf32, #tpu.memory_space<vmem>> -> memref<1x40x128xf32, #tpu.memory_space<vmem>>
        %dma_start3A_205 = tpu.memref_squeeze %dma_start3A_204 : memref<1x40x128xf32, #tpu.memory_space<vmem>> -> memref<40x128xf32, #tpu.memory_space<vmem>>
        %dma_start3A_206 = tpu.memref_slice %arg8[%mul3A_117] : memref<10000xi32, #tpu.memory_space<vmem>> -> memref<40xi32, #tpu.memory_space<vmem>>
        %dma_start3A_207 = arith.constant 0 : i32
        %dma_start3A_208 = arith.constant 0 : i32
        %dma_start3A_209 = tpu.memref_slice %arg10[%dma_start3A_207, %dma_start3A_208] : memref<10000x128xf32, #tpu.memory_space<vmem_shared>> -> memref<10000x128xf32, #tpu.memory_space<vmem_shared>>
        tpu.enqueue_indirect_dma source(%dma_start3A_205 : memref<40x128xf32, #tpu.memory_space<vmem>>) target(%dma_start3A_209 : memref<10000x128xf32, #tpu.memory_space<vmem_shared>>) offsets(%dma_start3A_206 : memref<40xi32, #tpu.memory_space<vmem>>) semaphore(%run_scoped3A_201 : memref<!tpu.dma_semaphore, #tpu.memory_space<semaphore_mem>>) {add = true}
        %dma_wait3A_210 = arith.constant 0 : i32
        %dma_wait3A_211 = arith.constant 0 : i32
        %dma_wait3A_212 = tpu.memref_slice %arg9[%run_scoped3A_118, %dma_wait3A_210, %dma_wait3A_211] : memref<5x40x128xf32, #tpu.memory_space<vmem>> -> memref<1x40x128xf32, #tpu.memory_space<vmem>>
        %dma_wait3A_213 = tpu.memref_squeeze %dma_wait3A_212 : memref<1x40x128xf32, #tpu.memory_space<vmem>> -> memref<40x128xf32, #tpu.memory_space<vmem>>
        %dma_wait3A_214 = tpu.memref_slice %arg8[%mul3A_117] : memref<10000xi32, #tpu.memory_space<vmem>> -> memref<40xi32, #tpu.memory_space<vmem>>
        %dma_wait3A_215 = arith.constant 0 : i32
        %dma_wait3A_216 = arith.constant 0 : i32
        %dma_wait3A_217 = tpu.memref_slice %arg10[%dma_wait3A_215, %dma_wait3A_216] : memref<10000x128xf32, #tpu.memory_space<vmem_shared>> -> memref<10000x128xf32, #tpu.memory_space<vmem_shared>>
        tpu.wait_indirect_dma semaphore(%run_scoped3A_201 : memref<!tpu.dma_semaphore, #tpu.memory_space<semaphore_mem>>) src(%dma_wait3A_213 : memref<40x128xf32, #tpu.memory_space<vmem>>) dst(%dma_wait3A_217 : memref<10000x128xf32, #tpu.memory_space<vmem_shared>>)
        tpu.yield
      }) : () -> ()
      %add3A_119 = arith.constant 1 : i32
      %add3A_120 = arith.addi %scan3A_78, %add3A_119 : i32
      %lt3A_121 = arith.constant 50 : i32
      %lt3A_122 = arith.cmpi slt, %add3A_120, %lt3A_121 : i32
      %convert_element_type3A_123 = arith.extui %lt3A_122 : i1 to i32
      %cond3A_124 = arith.constant 0 : i32
      %cond3A_125 = arith.cmpi ne, %convert_element_type3A_123, %cond3A_124 : i32
      scf.if %cond3A_125 {
        %add3A_201 = arith.constant 5 : i32
        %add3A_202 = arith.addi %add3A_104, %add3A_201 : i32
        %mul3A_203 = arith.constant 40 : i32
        %mul3A_204 = arith.muli %add3A_202, %mul3A_203 : i32
        %dma_start3A_205 = arith.constant 1 : i32
        %dma_start3A_206 = arith.constant 0 : i32
        %dma_start3A_207 = arith.constant 0 : i32
        %dma_start3A_208 = tpu.memref_slice %arg9[%dma_start3A_205, %dma_start3A_206, %dma_start3A_207] : memref<5x40x128xf32, #tpu.memory_space<vmem>> -> memref<1x40x128xf32, #tpu.memory_space<vmem>>
        %dma_start3A_209 = tpu.memref_squeeze %dma_start3A_208 : memref<1x40x128xf32, #tpu.memory_space<vmem>> -> memref<40x128xf32, #tpu.memory_space<vmem>>
        %dma_start3A_210 = tpu.memref_slice %arg7[%mul3A_204] : memref<10000xi32, #tpu.memory_space<vmem>> -> memref<40xi32, #tpu.memory_space<vmem>>
        %dma_start3A_211 = arith.constant 0 : i32
        %dma_start3A_212 = arith.constant 0 : i32
        %dma_start3A_213 = tpu.memref_slice %arg2[%dma_start3A_211, %dma_start3A_212] : memref<10000x128xf32, #tpu.memory_space<hbm>> -> memref<10000x128xf32, #tpu.memory_space<hbm>>
        tpu.enqueue_indirect_dma source(%dma_start3A_213 : memref<10000x128xf32, #tpu.memory_space<hbm>>) target(%dma_start3A_209 : memref<40x128xf32, #tpu.memory_space<vmem>>) offsets(%dma_start3A_210 : memref<40xi32, #tpu.memory_space<vmem>>) semaphore(%arg12 : memref<!tpu.dma_semaphore, #tpu.memory_space<semaphore_mem>>)
      } else {
      }
      %mul3A_126 = arith.constant 5 : i32
      %mul3A_127 = arith.muli %scan3A_78, %mul3A_126 : i32
      %add3A_128 = arith.constant 2 : i32
      %add3A_129 = arith.addi %mul3A_127, %add3A_128 : i32
      %mul3A_130 = arith.constant 40 : i32
      %mul3A_131 = arith.muli %add3A_129, %mul3A_130 : i32
      %dma_wait3A_132 = arith.constant 2 : i32
      %dma_wait3A_133 = arith.constant 0 : i32
      %dma_wait3A_134 = arith.constant 0 : i32
      %dma_wait3A_135 = tpu.memref_slice %arg9[%dma_wait3A_132, %dma_wait3A_133, %dma_wait3A_134] : memref<5x40x128xf32, #tpu.memory_space<vmem>> -> memref<1x40x128xf32, #tpu.memory_space<vmem>>
      %dma_wait3A_136 = tpu.memref_squeeze %dma_wait3A_135 : memref<1x40x128xf32, #tpu.memory_space<vmem>> -> memref<40x128xf32, #tpu.memory_space<vmem>>
      %dma_wait3A_137 = tpu.memref_slice %arg7[%mul3A_131] : memref<10000xi32, #tpu.memory_space<vmem>> -> memref<40xi32, #tpu.memory_space<vmem>>
      %dma_wait3A_138 = arith.constant 0 : i32
      %dma_wait3A_139 = arith.constant 0 : i32
      %dma_wait3A_140 = tpu.memref_slice %arg2[%dma_wait3A_138, %dma_wait3A_139] : memref<10000x128xf32, #tpu.memory_space<hbm>> -> memref<10000x128xf32, #tpu.memory_space<hbm>>
      tpu.wait_indirect_dma semaphore(%arg13 : memref<!tpu.dma_semaphore, #tpu.memory_space<semaphore_mem>>) src(%dma_wait3A_140 : memref<10000x128xf32, #tpu.memory_space<hbm>>) dst(%dma_wait3A_136 : memref<40x128xf32, #tpu.memory_space<vmem>>)
      %mul3A_141 = arith.constant 40 : i32
      %mul3A_142 = arith.muli %add3A_129, %mul3A_141 : i32
      %run_scoped3A_143 = arith.constant 2 : i32
      "tpu.region"() ({
        %run_scoped3A_201 = tpu.sem_alloc : memref<!tpu.dma_semaphore, #tpu.memory_space<semaphore_mem>>
        %dma_start3A_202 = arith.constant 0 : i32
        %dma_start3A_203 = arith.constant 0 : i32
        %dma_start3A_204 = tpu.memref_slice %arg9[%run_scoped3A_143, %dma_start3A_202, %dma_start3A_203] : memref<5x40x128xf32, #tpu.memory_space<vmem>> -> memref<1x40x128xf32, #tpu.memory_space<vmem>>
        %dma_start3A_205 = tpu.memref_squeeze %dma_start3A_204 : memref<1x40x128xf32, #tpu.memory_space<vmem>> -> memref<40x128xf32, #tpu.memory_space<vmem>>
        %dma_start3A_206 = tpu.memref_slice %arg8[%mul3A_142] : memref<10000xi32, #tpu.memory_space<vmem>> -> memref<40xi32, #tpu.memory_space<vmem>>
        %dma_start3A_207 = arith.constant 0 : i32
        %dma_start3A_208 = arith.constant 0 : i32
        %dma_start3A_209 = tpu.memref_slice %arg10[%dma_start3A_207, %dma_start3A_208] : memref<10000x128xf32, #tpu.memory_space<vmem_shared>> -> memref<10000x128xf32, #tpu.memory_space<vmem_shared>>
        tpu.enqueue_indirect_dma source(%dma_start3A_205 : memref<40x128xf32, #tpu.memory_space<vmem>>) target(%dma_start3A_209 : memref<10000x128xf32, #tpu.memory_space<vmem_shared>>) offsets(%dma_start3A_206 : memref<40xi32, #tpu.memory_space<vmem>>) semaphore(%run_scoped3A_201 : memref<!tpu.dma_semaphore, #tpu.memory_space<semaphore_mem>>) {add = true}
        %dma_wait3A_210 = arith.constant 0 : i32
        %dma_wait3A_211 = arith.constant 0 : i32
        %dma_wait3A_212 = tpu.memref_slice %arg9[%run_scoped3A_143, %dma_wait3A_210, %dma_wait3A_211] : memref<5x40x128xf32, #tpu.memory_space<vmem>> -> memref<1x40x128xf32, #tpu.memory_space<vmem>>
        %dma_wait3A_213 = tpu.memref_squeeze %dma_wait3A_212 : memref<1x40x128xf32, #tpu.memory_space<vmem>> -> memref<40x128xf32, #tpu.memory_space<vmem>>
        %dma_wait3A_214 = tpu.memref_slice %arg8[%mul3A_142] : memref<10000xi32, #tpu.memory_space<vmem>> -> memref<40xi32, #tpu.memory_space<vmem>>
        %dma_wait3A_215 = arith.constant 0 : i32
        %dma_wait3A_216 = arith.constant 0 : i32
        %dma_wait3A_217 = tpu.memref_slice %arg10[%dma_wait3A_215, %dma_wait3A_216] : memref<10000x128xf32, #tpu.memory_space<vmem_shared>> -> memref<10000x128xf32, #tpu.memory_space<vmem_shared>>
        tpu.wait_indirect_dma semaphore(%run_scoped3A_201 : memref<!tpu.dma_semaphore, #tpu.memory_space<semaphore_mem>>) src(%dma_wait3A_213 : memref<40x128xf32, #tpu.memory_space<vmem>>) dst(%dma_wait3A_217 : memref<10000x128xf32, #tpu.memory_space<vmem_shared>>)
        tpu.yield
      }) : () -> ()
      %add3A_144 = arith.constant 1 : i32
      %add3A_145 = arith.addi %scan3A_78, %add3A_144 : i32
      %lt3A_146 = arith.constant 50 : i32
      %lt3A_147 = arith.cmpi slt, %add3A_145, %lt3A_146 : i32
      %convert_element_type3A_148 = arith.extui %lt3A_147 : i1 to i32
      %cond3A_149 = arith.constant 0 : i32
      %cond3A_150 = arith.cmpi ne, %convert_element_type3A_148, %cond3A_149 : i32
      scf.if %cond3A_150 {
        %add3A_201 = arith.constant 5 : i32
        %add3A_202 = arith.addi %add3A_129, %add3A_201 : i32
        %mul3A_203 = arith.constant 40 : i32
        %mul3A_204 = arith.muli %add3A_202, %mul3A_203 : i32
        %dma_start3A_205 = arith.constant 2 : i32
        %dma_start3A_206 = arith.constant 0 : i32
        %dma_start3A_207 = arith.constant 0 : i32
        %dma_start3A_208 = tpu.memref_slice %arg9[%dma_start3A_205, %dma_start3A_206, %dma_start3A_207] : memref<5x40x128xf32, #tpu.memory_space<vmem>> -> memref<1x40x128xf32, #tpu.memory_space<vmem>>
        %dma_start3A_209 = tpu.memref_squeeze %dma_start3A_208 : memref<1x40x128xf32, #tpu.memory_space<vmem>> -> memref<40x128xf32, #tpu.memory_space<vmem>>
        %dma_start3A_210 = tpu.memref_slice %arg7[%mul3A_204] : memref<10000xi32, #tpu.memory_space<vmem>> -> memref<40xi32, #tpu.memory_space<vmem>>
        %dma_start3A_211 = arith.constant 0 : i32
        %dma_start3A_212 = arith.constant 0 : i32
        %dma_start3A_213 = tpu.memref_slice %arg2[%dma_start3A_211, %dma_start3A_212] : memref<10000x128xf32, #tpu.memory_space<hbm>> -> memref<10000x128xf32, #tpu.memory_space<hbm>>
        tpu.enqueue_indirect_dma source(%dma_start3A_213 : memref<10000x128xf32, #tpu.memory_space<hbm>>) target(%dma_start3A_209 : memref<40x128xf32, #tpu.memory_space<vmem>>) offsets(%dma_start3A_210 : memref<40xi32, #tpu.memory_space<vmem>>) semaphore(%arg13 : memref<!tpu.dma_semaphore, #tpu.memory_space<semaphore_mem>>)
      } else {
      }
      %mul3A_151 = arith.constant 5 : i32
      %mul3A_152 = arith.muli %scan3A_78, %mul3A_151 : i32
      %add3A_153 = arith.constant 3 : i32
      %add3A_154 = arith.addi %mul3A_152, %add3A_153 : i32
      %mul3A_155 = arith.constant 40 : i32
      %mul3A_156 = arith.muli %add3A_154, %mul3A_155 : i32
      %dma_wait3A_157 = arith.constant 3 : i32
      %dma_wait3A_158 = arith.constant 0 : i32
      %dma_wait3A_159 = arith.constant 0 : i32
      %dma_wait3A_160 = tpu.memref_slice %arg9[%dma_wait3A_157, %dma_wait3A_158, %dma_wait3A_159] : memref<5x40x128xf32, #tpu.memory_space<vmem>> -> memref<1x40x128xf32, #tpu.memory_space<vmem>>
      %dma_wait3A_161 = tpu.memref_squeeze %dma_wait3A_160 : memref<1x40x128xf32, #tpu.memory_space<vmem>> -> memref<40x128xf32, #tpu.memory_space<vmem>>
      %dma_wait3A_162 = tpu.memref_slice %arg7[%mul3A_156] : memref<10000xi32, #tpu.memory_space<vmem>> -> memref<40xi32, #tpu.memory_space<vmem>>
      %dma_wait3A_163 = arith.constant 0 : i32
      %dma_wait3A_164 = arith.constant 0 : i32
      %dma_wait3A_165 = tpu.memref_slice %arg2[%dma_wait3A_163, %dma_wait3A_164] : memref<10000x128xf32, #tpu.memory_space<hbm>> -> memref<10000x128xf32, #tpu.memory_space<hbm>>
      tpu.wait_indirect_dma semaphore(%arg14 : memref<!tpu.dma_semaphore, #tpu.memory_space<semaphore_mem>>) src(%dma_wait3A_165 : memref<10000x128xf32, #tpu.memory_space<hbm>>) dst(%dma_wait3A_161 : memref<40x128xf32, #tpu.memory_space<vmem>>)
      %mul3A_166 = arith.constant 40 : i32
      %mul3A_167 = arith.muli %add3A_154, %mul3A_166 : i32
      %run_scoped3A_168 = arith.constant 3 : i32
      "tpu.region"() ({
        %run_scoped3A_201 = tpu.sem_alloc : memref<!tpu.dma_semaphore, #tpu.memory_space<semaphore_mem>>
        %dma_start3A_202 = arith.constant 0 : i32
        %dma_start3A_203 = arith.constant 0 : i32
        %dma_start3A_204 = tpu.memref_slice %arg9[%run_scoped3A_168, %dma_start3A_202, %dma_start3A_203] : memref<5x40x128xf32, #tpu.memory_space<vmem>> -> memref<1x40x128xf32, #tpu.memory_space<vmem>>
        %dma_start3A_205 = tpu.memref_squeeze %dma_start3A_204 : memref<1x40x128xf32, #tpu.memory_space<vmem>> -> memref<40x128xf32, #tpu.memory_space<vmem>>
        %dma_start3A_206 = tpu.memref_slice %arg8[%mul3A_167] : memref<10000xi32, #tpu.memory_space<vmem>> -> memref<40xi32, #tpu.memory_space<vmem>>
        %dma_start3A_207 = arith.constant 0 : i32
        %dma_start3A_208 = arith.constant 0 : i32
        %dma_start3A_209 = tpu.memref_slice %arg10[%dma_start3A_207, %dma_start3A_208] : memref<10000x128xf32, #tpu.memory_space<vmem_shared>> -> memref<10000x128xf32, #tpu.memory_space<vmem_shared>>
        tpu.enqueue_indirect_dma source(%dma_start3A_205 : memref<40x128xf32, #tpu.memory_space<vmem>>) target(%dma_start3A_209 : memref<10000x128xf32, #tpu.memory_space<vmem_shared>>) offsets(%dma_start3A_206 : memref<40xi32, #tpu.memory_space<vmem>>) semaphore(%run_scoped3A_201 : memref<!tpu.dma_semaphore, #tpu.memory_space<semaphore_mem>>) {add = true}
        %dma_wait3A_210 = arith.constant 0 : i32
        %dma_wait3A_211 = arith.constant 0 : i32
        %dma_wait3A_212 = tpu.memref_slice %arg9[%run_scoped3A_168, %dma_wait3A_210, %dma_wait3A_211] : memref<5x40x128xf32, #tpu.memory_space<vmem>> -> memref<1x40x128xf32, #tpu.memory_space<vmem>>
        %dma_wait3A_213 = tpu.memref_squeeze %dma_wait3A_212 : memref<1x40x128xf32, #tpu.memory_space<vmem>> -> memref<40x128xf32, #tpu.memory_space<vmem>>
        %dma_wait3A_214 = tpu.memref_slice %arg8[%mul3A_167] : memref<10000xi32, #tpu.memory_space<vmem>> -> memref<40xi32, #tpu.memory_space<vmem>>
        %dma_wait3A_215 = arith.constant 0 : i32
        %dma_wait3A_216 = arith.constant 0 : i32
        %dma_wait3A_217 = tpu.memref_slice %arg10[%dma_wait3A_215, %dma_wait3A_216] : memref<10000x128xf32, #tpu.memory_space<vmem_shared>> -> memref<10000x128xf32, #tpu.memory_space<vmem_shared>>
        tpu.wait_indirect_dma semaphore(%run_scoped3A_201 : memref<!tpu.dma_semaphore, #tpu.memory_space<semaphore_mem>>) src(%dma_wait3A_213 : memref<40x128xf32, #tpu.memory_space<vmem>>) dst(%dma_wait3A_217 : memref<10000x128xf32, #tpu.memory_space<vmem_shared>>)
        tpu.yield
      }) : () -> ()
      %add3A_169 = arith.constant 1 : i32
      %add3A_170 = arith.addi %scan3A_78, %add3A_169 : i32
      %lt3A_171 = arith.constant 50 : i32
      %lt3A_172 = arith.cmpi slt, %add3A_170, %lt3A_171 : i32
      %convert_element_type3A_173 = arith.extui %lt3A_172 : i1 to i32
      %cond3A_174 = arith.constant 0 : i32
      %cond3A_175 = arith.cmpi ne, %convert_element_type3A_173, %cond3A_174 : i32
      scf.if %cond3A_175 {
        %add3A_201 = arith.constant 5 : i32
        %add3A_202 = arith.addi %add3A_154, %add3A_201 : i32
        %mul3A_203 = arith.constant 40 : i32
        %mul3A_204 = arith.muli %add3A_202, %mul3A_203 : i32
        %dma_start3A_205 = arith.constant 3 : i32
        %dma_start3A_206 = arith.constant 0 : i32
        %dma_start3A_207 = arith.constant 0 : i32
        %dma_start3A_208 = tpu.memref_slice %arg9[%dma_start3A_205, %dma_start3A_206, %dma_start3A_207] : memref<5x40x128xf32, #tpu.memory_space<vmem>> -> memref<1x40x128xf32, #tpu.memory_space<vmem>>
        %dma_start3A_209 = tpu.memref_squeeze %dma_start3A_208 : memref<1x40x128xf32, #tpu.memory_space<vmem>> -> memref<40x128xf32, #tpu.memory_space<vmem>>
        %dma_start3A_210 = tpu.memref_slice %arg7[%mul3A_204] : memref<10000xi32, #tpu.memory_space<vmem>> -> memref<40xi32, #tpu.memory_space<vmem>>
        %dma_start3A_211 = arith.constant 0 : i32
        %dma_start3A_212 = arith.constant 0 : i32
        %dma_start3A_213 = tpu.memref_slice %arg2[%dma_start3A_211, %dma_start3A_212] : memref<10000x128xf32, #tpu.memory_space<hbm>> -> memref<10000x128xf32, #tpu.memory_space<hbm>>
        tpu.enqueue_indirect_dma source(%dma_start3A_213 : memref<10000x128xf32, #tpu.memory_space<hbm>>) target(%dma_start3A_209 : memref<40x128xf32, #tpu.memory_space<vmem>>) offsets(%dma_start3A_210 : memref<40xi32, #tpu.memory_space<vmem>>) semaphore(%arg14 : memref<!tpu.dma_semaphore, #tpu.memory_space<semaphore_mem>>)
      } else {
      }
      %mul3A_176 = arith.constant 5 : i32
      %mul3A_177 = arith.muli %scan3A_78, %mul3A_176 : i32
      %add3A_178 = arith.constant 4 : i32
      %add3A_179 = arith.addi %mul3A_177, %add3A_178 : i32
      %mul3A_180 = arith.constant 40 : i32
      %mul3A_181 = arith.muli %add3A_179, %mul3A_180 : i32
      %dma_wait3A_182 = arith.constant 4 : i32
      %dma_wait3A_183 = arith.constant 0 : i32
      %dma_wait3A_184 = arith.constant 0 : i32
      %dma_wait3A_185 = tpu.memref_slice %arg9[%dma_wait3A_182, %dma_wait3A_183, %dma_wait3A_184] : memref<5x40x128xf32, #tpu.memory_space<vmem>> -> memref<1x40x128xf32, #tpu.memory_space<vmem>>
      %dma_wait3A_186 = tpu.memref_squeeze %dma_wait3A_185 : memref<1x40x128xf32, #tpu.memory_space<vmem>> -> memref<40x128xf32, #tpu.memory_space<vmem>>
      %dma_wait3A_187 = tpu.memref_slice %arg7[%mul3A_181] : memref<10000xi32, #tpu.memory_space<vmem>> -> memref<40xi32, #tpu.memory_space<vmem>>
      %dma_wait3A_188 = arith.constant 0 : i32
      %dma_wait3A_189 = arith.constant 0 : i32
      %dma_wait3A_190 = tpu.memref_slice %arg2[%dma_wait3A_188, %dma_wait3A_189] : memref<10000x128xf32, #tpu.memory_space<hbm>> -> memref<10000x128xf32, #tpu.memory_space<hbm>>
      tpu.wait_indirect_dma semaphore(%arg15 : memref<!tpu.dma_semaphore, #tpu.memory_space<semaphore_mem>>) src(%dma_wait3A_190 : memref<10000x128xf32, #tpu.memory_space<hbm>>) dst(%dma_wait3A_186 : memref<40x128xf32, #tpu.memory_space<vmem>>)
      %mul3A_191 = arith.constant 40 : i32
      %mul3A_192 = arith.muli %add3A_179, %mul3A_191 : i32
      %run_scoped3A_193 = arith.constant 4 : i32
      "tpu.region"() ({
        %run_scoped3A_201 = tpu.sem_alloc : memref<!tpu.dma_semaphore, #tpu.memory_space<semaphore_mem>>
        %dma_start3A_202 = arith.constant 0 : i32
        %dma_start3A_203 = arith.constant 0 : i32
        %dma_start3A_204 = tpu.memref_slice %arg9[%run_scoped3A_193, %dma_start3A_202, %dma_start3A_203] : memref<5x40x128xf32, #tpu.memory_space<vmem>> -> memref<1x40x128xf32, #tpu.memory_space<vmem>>
        %dma_start3A_205 = tpu.memref_squeeze %dma_start3A_204 : memref<1x40x128xf32, #tpu.memory_space<vmem>> -> memref<40x128xf32, #tpu.memory_space<vmem>>
        %dma_start3A_206 = tpu.memref_slice %arg8[%mul3A_192] : memref<10000xi32, #tpu.memory_space<vmem>> -> memref<40xi32, #tpu.memory_space<vmem>>
        %dma_start3A_207 = arith.constant 0 : i32
        %dma_start3A_208 = arith.constant 0 : i32
        %dma_start3A_209 = tpu.memref_slice %arg10[%dma_start3A_207, %dma_start3A_208] : memref<10000x128xf32, #tpu.memory_space<vmem_shared>> -> memref<10000x128xf32, #tpu.memory_space<vmem_shared>>
        tpu.enqueue_indirect_dma source(%dma_start3A_205 : memref<40x128xf32, #tpu.memory_space<vmem>>) target(%dma_start3A_209 : memref<10000x128xf32, #tpu.memory_space<vmem_shared>>) offsets(%dma_start3A_206 : memref<40xi32, #tpu.memory_space<vmem>>) semaphore(%run_scoped3A_201 : memref<!tpu.dma_semaphore, #tpu.memory_space<semaphore_mem>>) {add = true}
        %dma_wait3A_210 = arith.constant 0 : i32
        %dma_wait3A_211 = arith.constant 0 : i32
        %dma_wait3A_212 = tpu.memref_slice %arg9[%run_scoped3A_193, %dma_wait3A_210, %dma_wait3A_211] : memref<5x40x128xf32, #tpu.memory_space<vmem>> -> memref<1x40x128xf32, #tpu.memory_space<vmem>>
        %dma_wait3A_213 = tpu.memref_squeeze %dma_wait3A_212 : memref<1x40x128xf32, #tpu.memory_space<vmem>> -> memref<40x128xf32, #tpu.memory_space<vmem>>
        %dma_wait3A_214 = tpu.memref_slice %arg8[%mul3A_192] : memref<10000xi32, #tpu.memory_space<vmem>> -> memref<40xi32, #tpu.memory_space<vmem>>
        %dma_wait3A_215 = arith.constant 0 : i32
        %dma_wait3A_216 = arith.constant 0 : i32
        %dma_wait3A_217 = tpu.memref_slice %arg10[%dma_wait3A_215, %dma_wait3A_216] : memref<10000x128xf32, #tpu.memory_space<vmem_shared>> -> memref<10000x128xf32, #tpu.memory_space<vmem_shared>>
        tpu.wait_indirect_dma semaphore(%run_scoped3A_201 : memref<!tpu.dma_semaphore, #tpu.memory_space<semaphore_mem>>) src(%dma_wait3A_213 : memref<40x128xf32, #tpu.memory_space<vmem>>) dst(%dma_wait3A_217 : memref<10000x128xf32, #tpu.memory_space<vmem_shared>>)
        tpu.yield
      }) : () -> ()
      %add3A_194 = arith.constant 1 : i32
      %add3A_195 = arith.addi %scan3A_78, %add3A_194 : i32
      %lt3A_196 = arith.constant 50 : i32
      %lt3A_197 = arith.cmpi slt, %add3A_195, %lt3A_196 : i32
      %convert_element_type3A_198 = arith.extui %lt3A_197 : i1 to i32
      %cond3A_199 = arith.constant 0 : i32
      %cond3A_200 = arith.cmpi ne, %convert_element_type3A_198, %cond3A_199 : i32
      scf.if %cond3A_200 {
        %add3A_201 = arith.constant 5 : i32
        %add3A_202 = arith.addi %add3A_179, %add3A_201 : i32
        %mul3A_203 = arith.constant 40 : i32
        %mul3A_204 = arith.muli %add3A_202, %mul3A_203 : i32
        %dma_start3A_205 = arith.constant 4 : i32
        %dma_start3A_206 = arith.constant 0 : i32
        %dma_start3A_207 = arith.constant 0 : i32
        %dma_start3A_208 = tpu.memref_slice %arg9[%dma_start3A_205, %dma_start3A_206, %dma_start3A_207] : memref<5x40x128xf32, #tpu.memory_space<vmem>> -> memref<1x40x128xf32, #tpu.memory_space<vmem>>
        %dma_start3A_209 = tpu.memref_squeeze %dma_start3A_208 : memref<1x40x128xf32, #tpu.memory_space<vmem>> -> memref<40x128xf32, #tpu.memory_space<vmem>>
        %dma_start3A_210 = tpu.memref_slice %arg7[%mul3A_204] : memref<10000xi32, #tpu.memory_space<vmem>> -> memref<40xi32, #tpu.memory_space<vmem>>
        %dma_start3A_211 = arith.constant 0 : i32
        %dma_start3A_212 = arith.constant 0 : i32
        %dma_start3A_213 = tpu.memref_slice %arg2[%dma_start3A_211, %dma_start3A_212] : memref<10000x128xf32, #tpu.memory_space<hbm>> -> memref<10000x128xf32, #tpu.memory_space<hbm>>
        tpu.enqueue_indirect_dma source(%dma_start3A_213 : memref<10000x128xf32, #tpu.memory_space<hbm>>) target(%dma_start3A_209 : memref<40x128xf32, #tpu.memory_space<vmem>>) offsets(%dma_start3A_210 : memref<40xi32, #tpu.memory_space<vmem>>) semaphore(%arg15 : memref<!tpu.dma_semaphore, #tpu.memory_space<semaphore_mem>>)
      } else {
      }
    }
    %scan3A_64 = arith.constant 50 : i32
    %barrier3A_65 = arith.constant 0 : index
    tpu.barrier barrier_id(%barrier3A_65)
    %mul3A_66 = arith.constant 624 : i32
    %mul3A_67 = arith.muli %arg1, %mul3A_66 : i32
    %mul3A_68 = arith.constant 10000 : i32
    %mul3A_69 = arith.muli %arg0, %mul3A_68 : i32
    %mul3A_70 = arith.constant 624 : i32
    %mul3A_71 = arith.muli %arg1, %mul3A_70 : i32
    %add3A_72 = arith.addi %mul3A_69, %mul3A_71 : i32
    "tpu.region"() ({
      %run_scoped3A = tpu.sem_alloc : memref<!tpu.dma_semaphore, #tpu.memory_space<semaphore_mem>>
      %dma_start3A_78 = arith.constant 0 : i32
      %dma_start3A_79 = tpu.memref_slice %arg6[%add3A_72, %dma_start3A_78] : memref<20000x128xf32, #tpu.memory_space<hbm>> -> memref<624x128xf32, #tpu.memory_space<hbm>>
      %dma_start3A_80 = arith.constant 0 : i32
      %dma_start3A_81 = tpu.memref_slice %arg10[%mul3A_67, %dma_start3A_80] : memref<10000x128xf32, #tpu.memory_space<vmem_shared>> -> memref<624x128xf32, #tpu.memory_space<vmem_shared>>
      tpu.enqueue_dma source(%dma_start3A_81 : memref<624x128xf32, #tpu.memory_space<vmem_shared>>) target(%dma_start3A_79 : memref<624x128xf32, #tpu.memory_space<hbm>>) target_semaphore(%run_scoped3A : memref<!tpu.dma_semaphore, #tpu.memory_space<semaphore_mem>>)
      %dma_wait3A = arith.constant 0 : i32
      %dma_wait3A_82 = tpu.memref_slice %arg6[%add3A_72, %dma_wait3A] : memref<20000x128xf32, #tpu.memory_space<hbm>> -> memref<624x128xf32, #tpu.memory_space<hbm>>
      %dma_wait3A_83 = arith.constant 0 : i32
      %dma_wait3A_84 = tpu.memref_slice %arg10[%mul3A_67, %dma_wait3A_83] : memref<10000x128xf32, #tpu.memory_space<vmem_shared>> -> memref<624x128xf32, #tpu.memory_space<vmem_shared>>
      tpu.wait_dma2 semaphore(%run_scoped3A : memref<!tpu.dma_semaphore, #tpu.memory_space<semaphore_mem>>) src(%dma_wait3A_84 : memref<624x128xf32, #tpu.memory_space<vmem_shared>>) dst(%dma_wait3A_82 : memref<624x128xf32, #tpu.memory_space<hbm>>)
      tpu.yield
    }) : () -> ()
    %eq3A_73 = arith.constant 0 : i32
    %eq3A_74 = arith.cmpi eq, %arg1, %eq3A_73 : i32
    %convert_element_type3A_75 = arith.extui %eq3A_74 : i1 to i32
    %cond3A_76 = arith.constant 0 : i32
    %cond3A_77 = arith.cmpi ne, %convert_element_type3A_75, %cond3A_76 : i32
    scf.if %cond3A_77 {
      %mul3A_78 = arith.constant 10000 : i32
      %mul3A_79 = arith.muli %arg0, %mul3A_78 : i32
      %add3A_80 = arith.constant 9984 : i32
      %add3A_81 = arith.addi %mul3A_79, %add3A_80 : i32
      "tpu.region"() ({
        %run_scoped3A = tpu.sem_alloc : memref<!tpu.dma_semaphore, #tpu.memory_space<semaphore_mem>>
        %dma_start3A_82 = arith.constant 0 : i32
        %dma_start3A_83 = tpu.memref_slice %arg6[%add3A_81, %dma_start3A_82] : memref<20000x128xf32, #tpu.memory_space<hbm>> -> memref<16x128xf32, #tpu.memory_space<hbm>>
        %dma_start3A_84 = arith.constant 9984 : i32
        %dma_start3A_85 = arith.constant 0 : i32
        %dma_start3A_86 = tpu.memref_slice %arg10[%dma_start3A_84, %dma_start3A_85] : memref<10000x128xf32, #tpu.memory_space<vmem_shared>> -> memref<16x128xf32, #tpu.memory_space<vmem_shared>>
        tpu.enqueue_dma source(%dma_start3A_86 : memref<16x128xf32, #tpu.memory_space<vmem_shared>>) target(%dma_start3A_83 : memref<16x128xf32, #tpu.memory_space<hbm>>) target_semaphore(%run_scoped3A : memref<!tpu.dma_semaphore, #tpu.memory_space<semaphore_mem>>)
        %dma_wait3A = arith.constant 0 : i32
        %dma_wait3A_87 = tpu.memref_slice %arg6[%add3A_81, %dma_wait3A] : memref<20000x128xf32, #tpu.memory_space<hbm>> -> memref<16x128xf32, #tpu.memory_space<hbm>>
        %dma_wait3A_88 = arith.constant 9984 : i32
        %dma_wait3A_89 = arith.constant 0 : i32
        %dma_wait3A_90 = tpu.memref_slice %arg10[%dma_wait3A_88, %dma_wait3A_89] : memref<10000x128xf32, #tpu.memory_space<vmem_shared>> -> memref<16x128xf32, #tpu.memory_space<vmem_shared>>
        tpu.wait_dma2 semaphore(%run_scoped3A : memref<!tpu.dma_semaphore, #tpu.memory_space<semaphore_mem>>) src(%dma_wait3A_90 : memref<16x128xf32, #tpu.memory_space<vmem_shared>>) dst(%dma_wait3A_87 : memref<16x128xf32, #tpu.memory_space<hbm>>)
        tpu.yield
      }) : () -> ()
    } else {
    }
    return
  }
}

#map = affine_map<(d0, d1) -> (0, 0)>
#map1 = affine_map<(d0, d1) -> (0)>
module attributes {stable_mosaic.version = 14 : i64} {
  func.func @agg(%arg0: i32, %arg1: i32, %arg2: memref<10000x128xf32, #tpu.memory_space<hbm>>, %arg3: memref<320000xi32, #tpu.memory_space<hbm>>, %arg4: memref<320000xi32, #tpu.memory_space<hbm>>, %arg5: memref<10000x128xf32, #tpu.memory_space<hbm>>, %arg6: memref<20000x128xf32, #tpu.memory_space<hbm>>, %arg7: memref<10000xi32, #tpu.memory_space<vmem>>, %arg8: memref<10000xi32, #tpu.memory_space<vmem>>, %arg9: memref<5x40x128xf32, #tpu.memory_space<vmem>>, %arg10: memref<10000x128xf32, #tpu.memory_space<vmem_shared>>, %arg11: memref<!tpu.dma_semaphore, #tpu.memory_space<semaphore_mem>>, %arg12: memref<!tpu.dma_semaphore, #tpu.memory_space<semaphore_mem>>, %arg13: memref<!tpu.dma_semaphore, #tpu.memory_space<semaphore_mem>>, %arg14: memref<!tpu.dma_semaphore, #tpu.memory_space<semaphore_mem>>, %arg15: memref<!tpu.dma_semaphore, #tpu.memory_space<semaphore_mem>>) attributes {dimension_semantics = [#tpu.dimension_semantics<core_parallel>, #tpu.dimension_semantics<subcore_parallel>], iteration_bounds = array<i64: 2, 16>, scalar_prefetch = 0 : i64, scratch_operands = 9 : i64, tpu.core_type = #tpu.core_type<sc_vector_subcore>, window_params = [{transform_indices = #map}, {transform_indices = #map1}, {transform_indices = #map1}, {transform_indices = #map}, {transform_indices = #map}]} {
    %mul3A = arith.constant 16 : i32
    %mul3A_0 = arith.muli %arg0, %mul3A : i32
    %add3A = arith.addi %mul3A_0, %arg1 : i32
    %mul3A_1 = arith.constant 10000 : i32
    %mul3A_2 = arith.muli %add3A, %mul3A_1 : i32
    "tpu.region"() ({
      %run_scoped3A = tpu.sem_alloc : memref<!tpu.dma_semaphore, #tpu.memory_space<semaphore_mem>>
      %dma_start3A_78 = tpu.memref_slice %arg3[%mul3A_2] : memref<320000xi32, #tpu.memory_space<hbm>> -> memref<10000xi32, #tpu.memory_space<hbm>>
      %dma_start3A_79 = tpu.memref_slice %arg3[%mul3A_2] : memref<320000xi32, #tpu.memory_space<hbm>> -> memref<10000xi32, #tpu.memory_space<hbm>>
      tpu.enqueue_dma source(%dma_start3A_79 : memref<10000xi32, #tpu.memory_space<hbm>>) target(%arg7 : memref<10000xi32, #tpu.memory_space<vmem>>) target_semaphore(%run_scoped3A : memref<!tpu.dma_semaphore, #tpu.memory_space<semaphore_mem>>)
      %dma_wait3A = tpu.memref_slice %arg3[%mul3A_2] : memref<320000xi32, #tpu.memory_space<hbm>> -> memref<10000xi32, #tpu.memory_space<hbm>>
      %dma_wait3A_80 = tpu.memref_slice %arg3[%mul3A_2] : memref<320000xi32, #tpu.memory_space<hbm>> -> memref<10000xi32, #tpu.memory_space<hbm>>
      tpu.wait_dma2 semaphore(%run_scoped3A : memref<!tpu.dma_semaphore, #tpu.memory_space<semaphore_mem>>) src(%dma_wait3A_80 : memref<10000xi32, #tpu.memory_space<hbm>>) dst(%arg7 : memref<10000xi32, #tpu.memory_space<vmem>>)
      tpu.yield
    }) : () -> ()
    %mul3A_3 = arith.constant 10000 : i32
    %mul3A_4 = arith.muli %add3A, %mul3A_3 : i32
    "tpu.region"() ({
      %run_scoped3A = tpu.sem_alloc : memref<!tpu.dma_semaphore, #tpu.memory_space<semaphore_mem>>
      %dma_start3A_78 = tpu.memref_slice %arg4[%mul3A_4] : memref<320000xi32, #tpu.memory_space<hbm>> -> memref<10000xi32, #tpu.memory_space<hbm>>
      %dma_start3A_79 = tpu.memref_slice %arg4[%mul3A_4] : memref<320000xi32, #tpu.memory_space<hbm>> -> memref<10000xi32, #tpu.memory_space<hbm>>
      tpu.enqueue_dma source(%dma_start3A_79 : memref<10000xi32, #tpu.memory_space<hbm>>) target(%arg8 : memref<10000xi32, #tpu.memory_space<vmem>>) target_semaphore(%run_scoped3A : memref<!tpu.dma_semaphore, #tpu.memory_space<semaphore_mem>>)
      %dma_wait3A = tpu.memref_slice %arg4[%mul3A_4] : memref<320000xi32, #tpu.memory_space<hbm>> -> memref<10000xi32, #tpu.memory_space<hbm>>
      %dma_wait3A_80 = tpu.memref_slice %arg4[%mul3A_4] : memref<320000xi32, #tpu.memory_space<hbm>> -> memref<10000xi32, #tpu.memory_space<hbm>>
      tpu.wait_dma2 semaphore(%run_scoped3A : memref<!tpu.dma_semaphore, #tpu.memory_space<semaphore_mem>>) src(%dma_wait3A_80 : memref<10000xi32, #tpu.memory_space<hbm>>) dst(%arg8 : memref<10000xi32, #tpu.memory_space<vmem>>)
      tpu.yield
    }) : () -> ()
    %mul3A_5 = arith.constant 624 : i32
    %mul3A_6 = arith.muli %arg1, %mul3A_5 : i32
    %mul3A_7 = arith.constant 624 : i32
    %mul3A_8 = arith.muli %arg1, %mul3A_7 : i32
    "tpu.region"() ({
      %run_scoped3A = tpu.sem_alloc : memref<!tpu.dma_semaphore, #tpu.memory_space<semaphore_mem>>
      %dma_start3A_78 = arith.constant 0 : i32
      %dma_start3A_79 = tpu.memref_slice %arg10[%mul3A_8, %dma_start3A_78] : memref<10000x128xf32, #tpu.memory_space<vmem_shared>> -> memref<624x128xf32, #tpu.memory_space<vmem_shared>>
      %dma_start3A_80 = arith.constant 0 : i32
      %dma_start3A_81 = tpu.memref_slice %arg5[%mul3A_6, %dma_start3A_80] : memref<10000x128xf32, #tpu.memory_space<hbm>> -> memref<624x128xf32, #tpu.memory_space<hbm>>
      tpu.enqueue_dma source(%dma_start3A_81 : memref<624x128xf32, #tpu.memory_space<hbm>>) target(%dma_start3A_79 : memref<624x128xf32, #tpu.memory_space<vmem_shared>>) target_semaphore(%run_scoped3A : memref<!tpu.dma_semaphore, #tpu.memory_space<semaphore_mem>>)
      %dma_wait3A = arith.constant 0 : i32
      %dma_wait3A_82 = tpu.memref_slice %arg10[%mul3A_8, %dma_wait3A] : memref<10000x128xf32, #tpu.memory_space<vmem_shared>> -> memref<624x128xf32, #tpu.memory_space<vmem_shared>>
      %dma_wait3A_83 = arith.constant 0 : i32
      %dma_wait3A_84 = tpu.memref_slice %arg5[%mul3A_6, %dma_wait3A_83] : memref<10000x128xf32, #tpu.memory_space<hbm>> -> memref<624x128xf32, #tpu.memory_space<hbm>>
      tpu.wait_dma2 semaphore(%run_scoped3A : memref<!tpu.dma_semaphore, #tpu.memory_space<semaphore_mem>>) src(%dma_wait3A_84 : memref<624x128xf32, #tpu.memory_space<hbm>>) dst(%dma_wait3A_82 : memref<624x128xf32, #tpu.memory_space<vmem_shared>>)
      tpu.yield
    }) : () -> ()
    %eq3A = arith.constant 0 : i32
    %eq3A_9 = arith.cmpi eq, %arg1, %eq3A : i32
    %convert_element_type3A = arith.extui %eq3A_9 : i1 to i32
    %cond3A = arith.constant 0 : i32
    %cond3A_10 = arith.cmpi ne, %convert_element_type3A, %cond3A : i32
    scf.if %cond3A_10 {
      "tpu.region"() ({
        %run_scoped3A = tpu.sem_alloc : memref<!tpu.dma_semaphore, #tpu.memory_space<semaphore_mem>>
        %dma_start3A_78 = arith.constant 9984 : i32
        %dma_start3A_79 = arith.constant 0 : i32
        %dma_start3A_80 = tpu.memref_slice %arg10[%dma_start3A_78, %dma_start3A_79] : memref<10000x128xf32, #tpu.memory_space<vmem_shared>> -> memref<16x128xf32, #tpu.memory_space<vmem_shared>>
        %dma_start3A_81 = arith.constant 9984 : i32
        %dma_start3A_82 = arith.constant 0 : i32
        %dma_start3A_83 = tpu.memref_slice %arg5[%dma_start3A_81, %dma_start3A_82] : memref<10000x128xf32, #tpu.memory_space<hbm>> -> memref<16x128xf32, #tpu.memory_space<hbm>>
        tpu.enqueue_dma source(%dma_start3A_83 : memref<16x128xf32, #tpu.memory_space<hbm>>) target(%dma_start3A_80 : memref<16x128xf32, #tpu.memory_space<vmem_shared>>) target_semaphore(%run_scoped3A : memref<!tpu.dma_semaphore, #tpu.memory_space<semaphore_mem>>)
        %dma_wait3A = arith.constant 9984 : i32
        %dma_wait3A_84 = arith.constant 0 : i32
        %dma_wait3A_85 = tpu.memref_slice %arg10[%dma_wait3A, %dma_wait3A_84] : memref<10000x128xf32, #tpu.memory_space<vmem_shared>> -> memref<16x128xf32, #tpu.memory_space<vmem_shared>>
        %dma_wait3A_86 = arith.constant 9984 : i32
        %dma_wait3A_87 = arith.constant 0 : i32
        %dma_wait3A_88 = tpu.memref_slice %arg5[%dma_wait3A_86, %dma_wait3A_87] : memref<10000x128xf32, #tpu.memory_space<hbm>> -> memref<16x128xf32, #tpu.memory_space<hbm>>
        tpu.wait_dma2 semaphore(%run_scoped3A : memref<!tpu.dma_semaphore, #tpu.memory_space<semaphore_mem>>) src(%dma_wait3A_88 : memref<16x128xf32, #tpu.memory_space<hbm>>) dst(%dma_wait3A_85 : memref<16x128xf32, #tpu.memory_space<vmem_shared>>)
        tpu.yield
      }) : () -> ()
    } else {
    }
    %dma_start3A = arith.constant 0 : i32
    %dma_start3A_11 = arith.constant 0 : i32
    %dma_start3A_12 = arith.constant 0 : i32
    %dma_start3A_13 = tpu.memref_slice %arg9[%dma_start3A, %dma_start3A_11, %dma_start3A_12] : memref<5x40x128xf32, #tpu.memory_space<vmem>> -> memref<1x40x128xf32, #tpu.memory_space<vmem>>
    %dma_start3A_14 = tpu.memref_squeeze %dma_start3A_13 : memref<1x40x128xf32, #tpu.memory_space<vmem>> -> memref<40x128xf32, #tpu.memory_space<vmem>>
    %dma_start3A_15 = arith.constant 0 : i32
    %dma_start3A_16 = tpu.memref_slice %arg7[%dma_start3A_15] : memref<10000xi32, #tpu.memory_space<vmem>> -> memref<40xi32, #tpu.memory_space<vmem>>
    %dma_start3A_17 = arith.constant 0 : i32
    %dma_start3A_18 = arith.constant 0 : i32
    %dma_start3A_19 = tpu.memref_slice %arg2[%dma_start3A_17, %dma_start3A_18] : memref<10000x128xf32, #tpu.memory_space<hbm>> -> memref<10000x128xf32, #tpu.memory_space<hbm>>
    tpu.enqueue_indirect_dma source(%dma_start3A_19 : memref<10000x128xf32, #tpu.memory_space<hbm>>) target(%dma_start3A_14 : memref<40x128xf32, #tpu.memory_space<vmem>>) offsets(%dma_start3A_16 : memref<40xi32, #tpu.memory_space<vmem>>) semaphore(%arg11 : memref<!tpu.dma_semaphore, #tpu.memory_space<semaphore_mem>>)
    %dma_start3A_20 = arith.constant 1 : i32
    %dma_start3A_21 = arith.constant 0 : i32
    %dma_start3A_22 = arith.constant 0 : i32
    %dma_start3A_23 = tpu.memref_slice %arg9[%dma_start3A_20, %dma_start3A_21, %dma_start3A_22] : memref<5x40x128xf32, #tpu.memory_space<vmem>> -> memref<1x40x128xf32, #tpu.memory_space<vmem>>
    %dma_start3A_24 = tpu.memref_squeeze %dma_start3A_23 : memref<1x40x128xf32, #tpu.memory_space<vmem>> -> memref<40x128xf32, #tpu.memory_space<vmem>>
    %dma_start3A_25 = arith.constant 40 : i32
    %dma_start3A_26 = tpu.memref_slice %arg7[%dma_start3A_25] : memref<10000xi32, #tpu.memory_space<vmem>> -> memref<40xi32, #tpu.memory_space<vmem>>
    %dma_start3A_27 = arith.constant 0 : i32
    %dma_start3A_28 = arith.constant 0 : i32
    %dma_start3A_29 = tpu.memref_slice %arg2[%dma_start3A_27, %dma_start3A_28] : memref<10000x128xf32, #tpu.memory_space<hbm>> -> memref<10000x128xf32, #tpu.memory_space<hbm>>
    tpu.enqueue_indirect_dma source(%dma_start3A_29 : memref<10000x128xf32, #tpu.memory_space<hbm>>) target(%dma_start3A_24 : memref<40x128xf32, #tpu.memory_space<vmem>>) offsets(%dma_start3A_26 : memref<40xi32, #tpu.memory_space<vmem>>) semaphore(%arg12 : memref<!tpu.dma_semaphore, #tpu.memory_space<semaphore_mem>>)
    %dma_start3A_30 = arith.constant 2 : i32
    %dma_start3A_31 = arith.constant 0 : i32
    %dma_start3A_32 = arith.constant 0 : i32
    %dma_start3A_33 = tpu.memref_slice %arg9[%dma_start3A_30, %dma_start3A_31, %dma_start3A_32] : memref<5x40x128xf32, #tpu.memory_space<vmem>> -> memref<1x40x128xf32, #tpu.memory_space<vmem>>
    %dma_start3A_34 = tpu.memref_squeeze %dma_start3A_33 : memref<1x40x128xf32, #tpu.memory_space<vmem>> -> memref<40x128xf32, #tpu.memory_space<vmem>>
    %dma_start3A_35 = arith.constant 80 : i32
    %dma_start3A_36 = tpu.memref_slice %arg7[%dma_start3A_35] : memref<10000xi32, #tpu.memory_space<vmem>> -> memref<40xi32, #tpu.memory_space<vmem>>
    %dma_start3A_37 = arith.constant 0 : i32
    %dma_start3A_38 = arith.constant 0 : i32
    %dma_start3A_39 = tpu.memref_slice %arg2[%dma_start3A_37, %dma_start3A_38] : memref<10000x128xf32, #tpu.memory_space<hbm>> -> memref<10000x128xf32, #tpu.memory_space<hbm>>
    tpu.enqueue_indirect_dma source(%dma_start3A_39 : memref<10000x128xf32, #tpu.memory_space<hbm>>) target(%dma_start3A_34 : memref<40x128xf32, #tpu.memory_space<vmem>>) offsets(%dma_start3A_36 : memref<40xi32, #tpu.memory_space<vmem>>) semaphore(%arg13 : memref<!tpu.dma_semaphore, #tpu.memory_space<semaphore_mem>>)
    %dma_start3A_40 = arith.constant 3 : i32
    %dma_start3A_41 = arith.constant 0 : i32
    %dma_start3A_42 = arith.constant 0 : i32
    %dma_start3A_43 = tpu.memref_slice %arg9[%dma_start3A_40, %dma_start3A_41, %dma_start3A_42] : memref<5x40x128xf32, #tpu.memory_space<vmem>> -> memref<1x40x128xf32, #tpu.memory_space<vmem>>
    %dma_start3A_44 = tpu.memref_squeeze %dma_start3A_43 : memref<1x40x128xf32, #tpu.memory_space<vmem>> -> memref<40x128xf32, #tpu.memory_space<vmem>>
    %dma_start3A_45 = arith.constant 120 : i32
    %dma_start3A_46 = tpu.memref_slice %arg7[%dma_start3A_45] : memref<10000xi32, #tpu.memory_space<vmem>> -> memref<40xi32, #tpu.memory_space<vmem>>
    %dma_start3A_47 = arith.constant 0 : i32
    %dma_start3A_48 = arith.constant 0 : i32
    %dma_start3A_49 = tpu.memref_slice %arg2[%dma_start3A_47, %dma_start3A_48] : memref<10000x128xf32, #tpu.memory_space<hbm>> -> memref<10000x128xf32, #tpu.memory_space<hbm>>
    tpu.enqueue_indirect_dma source(%dma_start3A_49 : memref<10000x128xf32, #tpu.memory_space<hbm>>) target(%dma_start3A_44 : memref<40x128xf32, #tpu.memory_space<vmem>>) offsets(%dma_start3A_46 : memref<40xi32, #tpu.memory_space<vmem>>) semaphore(%arg14 : memref<!tpu.dma_semaphore, #tpu.memory_space<semaphore_mem>>)
    %dma_start3A_50 = arith.constant 4 : i32
    %dma_start3A_51 = arith.constant 0 : i32
    %dma_start3A_52 = arith.constant 0 : i32
    %dma_start3A_53 = tpu.memref_slice %arg9[%dma_start3A_50, %dma_start3A_51, %dma_start3A_52] : memref<5x40x128xf32, #tpu.memory_space<vmem>> -> memref<1x40x128xf32, #tpu.memory_space<vmem>>
    %dma_start3A_54 = tpu.memref_squeeze %dma_start3A_53 : memref<1x40x128xf32, #tpu.memory_space<vmem>> -> memref<40x128xf32, #tpu.memory_space<vmem>>
    %dma_start3A_55 = arith.constant 160 : i32
    %dma_start3A_56 = tpu.memref_slice %arg7[%dma_start3A_55] : memref<10000xi32, #tpu.memory_space<vmem>> -> memref<40xi32, #tpu.memory_space<vmem>>
    %dma_start3A_57 = arith.constant 0 : i32
    %dma_start3A_58 = arith.constant 0 : i32
    %dma_start3A_59 = tpu.memref_slice %arg2[%dma_start3A_57, %dma_start3A_58] : memref<10000x128xf32, #tpu.memory_space<hbm>> -> memref<10000x128xf32, #tpu.memory_space<hbm>>
    tpu.enqueue_indirect_dma source(%dma_start3A_59 : memref<10000x128xf32, #tpu.memory_space<hbm>>) target(%dma_start3A_54 : memref<40x128xf32, #tpu.memory_space<vmem>>) offsets(%dma_start3A_56 : memref<40xi32, #tpu.memory_space<vmem>>) semaphore(%arg15 : memref<!tpu.dma_semaphore, #tpu.memory_space<semaphore_mem>>)
    %barrier3A = arith.constant 0 : index
    tpu.barrier barrier_id(%barrier3A)
    %scan3A = arith.constant 0 : i32
    %scan3A_60 = arith.constant 0 : i32
    %scan3A_61 = arith.constant 50 : i32
    %scan3A_62 = arith.addi %scan3A_60, %scan3A_61 : i32
    %scan3A_63 = arith.constant 1 : i32
    scf.for %scan3A_78 = %scan3A_60 to %scan3A_62 step %scan3A_63  : i32 {
      %mul3A_79 = arith.constant 5 : i32
      %mul3A_80 = arith.muli %scan3A_78, %mul3A_79 : i32
      %add3A_81 = arith.constant 0 : i32
      %add3A_82 = arith.addi %mul3A_80, %add3A_81 : i32
      %mul3A_83 = arith.constant 40 : i32
      %mul3A_84 = arith.muli %add3A_82, %mul3A_83 : i32
      %dma_wait3A = arith.constant 0 : i32
      %dma_wait3A_85 = arith.constant 0 : i32
      %dma_wait3A_86 = arith.constant 0 : i32
      %dma_wait3A_87 = tpu.memref_slice %arg9[%dma_wait3A, %dma_wait3A_85, %dma_wait3A_86] : memref<5x40x128xf32, #tpu.memory_space<vmem>> -> memref<1x40x128xf32, #tpu.memory_space<vmem>>
      %dma_wait3A_88 = tpu.memref_squeeze %dma_wait3A_87 : memref<1x40x128xf32, #tpu.memory_space<vmem>> -> memref<40x128xf32, #tpu.memory_space<vmem>>
      %dma_wait3A_89 = tpu.memref_slice %arg7[%mul3A_84] : memref<10000xi32, #tpu.memory_space<vmem>> -> memref<40xi32, #tpu.memory_space<vmem>>
      %dma_wait3A_90 = arith.constant 0 : i32
      %dma_wait3A_91 = arith.constant 0 : i32
      %dma_wait3A_92 = tpu.memref_slice %arg2[%dma_wait3A_90, %dma_wait3A_91] : memref<10000x128xf32, #tpu.memory_space<hbm>> -> memref<10000x128xf32, #tpu.memory_space<hbm>>
      tpu.wait_indirect_dma semaphore(%arg11 : memref<!tpu.dma_semaphore, #tpu.memory_space<semaphore_mem>>) src(%dma_wait3A_92 : memref<10000x128xf32, #tpu.memory_space<hbm>>) dst(%dma_wait3A_88 : memref<40x128xf32, #tpu.memory_space<vmem>>)
      %mul3A_93 = arith.constant 40 : i32
      %mul3A_94 = arith.muli %add3A_82, %mul3A_93 : i32
      %run_scoped3A = arith.constant 0 : i32
      "tpu.region"() ({
        %run_scoped3A_201 = tpu.sem_alloc : memref<!tpu.dma_semaphore, #tpu.memory_space<semaphore_mem>>
        %dma_start3A_202 = arith.constant 0 : i32
        %dma_start3A_203 = arith.constant 0 : i32
        %dma_start3A_204 = tpu.memref_slice %arg9[%run_scoped3A, %dma_start3A_202, %dma_start3A_203] : memref<5x40x128xf32, #tpu.memory_space<vmem>> -> memref<1x40x128xf32, #tpu.memory_space<vmem>>
        %dma_start3A_205 = tpu.memref_squeeze %dma_start3A_204 : memref<1x40x128xf32, #tpu.memory_space<vmem>> -> memref<40x128xf32, #tpu.memory_space<vmem>>
        %dma_start3A_206 = tpu.memref_slice %arg8[%mul3A_94] : memref<10000xi32, #tpu.memory_space<vmem>> -> memref<40xi32, #tpu.memory_space<vmem>>
        %dma_start3A_207 = arith.constant 0 : i32
        %dma_start3A_208 = arith.constant 0 : i32
        %dma_start3A_209 = tpu.memref_slice %arg10[%dma_start3A_207, %dma_start3A_208] : memref<10000x128xf32, #tpu.memory_space<vmem_shared>> -> memref<10000x128xf32, #tpu.memory_space<vmem_shared>>
        tpu.enqueue_indirect_dma source(%dma_start3A_205 : memref<40x128xf32, #tpu.memory_space<vmem>>) target(%dma_start3A_209 : memref<10000x128xf32, #tpu.memory_space<vmem_shared>>) offsets(%dma_start3A_206 : memref<40xi32, #tpu.memory_space<vmem>>) semaphore(%run_scoped3A_201 : memref<!tpu.dma_semaphore, #tpu.memory_space<semaphore_mem>>) {add = true}
        %dma_wait3A_210 = arith.constant 0 : i32
        %dma_wait3A_211 = arith.constant 0 : i32
        %dma_wait3A_212 = tpu.memref_slice %arg9[%run_scoped3A, %dma_wait3A_210, %dma_wait3A_211] : memref<5x40x128xf32, #tpu.memory_space<vmem>> -> memref<1x40x128xf32, #tpu.memory_space<vmem>>
        %dma_wait3A_213 = tpu.memref_squeeze %dma_wait3A_212 : memref<1x40x128xf32, #tpu.memory_space<vmem>> -> memref<40x128xf32, #tpu.memory_space<vmem>>
        %dma_wait3A_214 = tpu.memref_slice %arg8[%mul3A_94] : memref<10000xi32, #tpu.memory_space<vmem>> -> memref<40xi32, #tpu.memory_space<vmem>>
        %dma_wait3A_215 = arith.constant 0 : i32
        %dma_wait3A_216 = arith.constant 0 : i32
        %dma_wait3A_217 = tpu.memref_slice %arg10[%dma_wait3A_215, %dma_wait3A_216] : memref<10000x128xf32, #tpu.memory_space<vmem_shared>> -> memref<10000x128xf32, #tpu.memory_space<vmem_shared>>
        tpu.wait_indirect_dma semaphore(%run_scoped3A_201 : memref<!tpu.dma_semaphore, #tpu.memory_space<semaphore_mem>>) src(%dma_wait3A_213 : memref<40x128xf32, #tpu.memory_space<vmem>>) dst(%dma_wait3A_217 : memref<10000x128xf32, #tpu.memory_space<vmem_shared>>)
        tpu.yield
      }) : () -> ()
      %add3A_95 = arith.constant 1 : i32
      %add3A_96 = arith.addi %scan3A_78, %add3A_95 : i32
      %lt3A = arith.constant 50 : i32
      %lt3A_97 = arith.cmpi slt, %add3A_96, %lt3A : i32
      %convert_element_type3A_98 = arith.extui %lt3A_97 : i1 to i32
      %cond3A_99 = arith.constant 0 : i32
      %cond3A_100 = arith.cmpi ne, %convert_element_type3A_98, %cond3A_99 : i32
      scf.if %cond3A_100 {
        %add3A_201 = arith.constant 5 : i32
        %add3A_202 = arith.addi %add3A_82, %add3A_201 : i32
        %mul3A_203 = arith.constant 40 : i32
        %mul3A_204 = arith.muli %add3A_202, %mul3A_203 : i32
        %dma_start3A_205 = arith.constant 0 : i32
        %dma_start3A_206 = arith.constant 0 : i32
        %dma_start3A_207 = arith.constant 0 : i32
        %dma_start3A_208 = tpu.memref_slice %arg9[%dma_start3A_205, %dma_start3A_206, %dma_start3A_207] : memref<5x40x128xf32, #tpu.memory_space<vmem>> -> memref<1x40x128xf32, #tpu.memory_space<vmem>>
        %dma_start3A_209 = tpu.memref_squeeze %dma_start3A_208 : memref<1x40x128xf32, #tpu.memory_space<vmem>> -> memref<40x128xf32, #tpu.memory_space<vmem>>
        %dma_start3A_210 = tpu.memref_slice %arg7[%mul3A_204] : memref<10000xi32, #tpu.memory_space<vmem>> -> memref<40xi32, #tpu.memory_space<vmem>>
        %dma_start3A_211 = arith.constant 0 : i32
        %dma_start3A_212 = arith.constant 0 : i32
        %dma_start3A_213 = tpu.memref_slice %arg2[%dma_start3A_211, %dma_start3A_212] : memref<10000x128xf32, #tpu.memory_space<hbm>> -> memref<10000x128xf32, #tpu.memory_space<hbm>>
        tpu.enqueue_indirect_dma source(%dma_start3A_213 : memref<10000x128xf32, #tpu.memory_space<hbm>>) target(%dma_start3A_209 : memref<40x128xf32, #tpu.memory_space<vmem>>) offsets(%dma_start3A_210 : memref<40xi32, #tpu.memory_space<vmem>>) semaphore(%arg11 : memref<!tpu.dma_semaphore, #tpu.memory_space<semaphore_mem>>)
      } else {
      }
      %mul3A_101 = arith.constant 5 : i32
      %mul3A_102 = arith.muli %scan3A_78, %mul3A_101 : i32
      %add3A_103 = arith.constant 1 : i32
      %add3A_104 = arith.addi %mul3A_102, %add3A_103 : i32
      %mul3A_105 = arith.constant 40 : i32
      %mul3A_106 = arith.muli %add3A_104, %mul3A_105 : i32
      %dma_wait3A_107 = arith.constant 1 : i32
      %dma_wait3A_108 = arith.constant 0 : i32
      %dma_wait3A_109 = arith.constant 0 : i32
      %dma_wait3A_110 = tpu.memref_slice %arg9[%dma_wait3A_107, %dma_wait3A_108, %dma_wait3A_109] : memref<5x40x128xf32, #tpu.memory_space<vmem>> -> memref<1x40x128xf32, #tpu.memory_space<vmem>>
      %dma_wait3A_111 = tpu.memref_squeeze %dma_wait3A_110 : memref<1x40x128xf32, #tpu.memory_space<vmem>> -> memref<40x128xf32, #tpu.memory_space<vmem>>
      %dma_wait3A_112 = tpu.memref_slice %arg7[%mul3A_106] : memref<10000xi32, #tpu.memory_space<vmem>> -> memref<40xi32, #tpu.memory_space<vmem>>
      %dma_wait3A_113 = arith.constant 0 : i32
      %dma_wait3A_114 = arith.constant 0 : i32
      %dma_wait3A_115 = tpu.memref_slice %arg2[%dma_wait3A_113, %dma_wait3A_114] : memref<10000x128xf32, #tpu.memory_space<hbm>> -> memref<10000x128xf32, #tpu.memory_space<hbm>>
      tpu.wait_indirect_dma semaphore(%arg12 : memref<!tpu.dma_semaphore, #tpu.memory_space<semaphore_mem>>) src(%dma_wait3A_115 : memref<10000x128xf32, #tpu.memory_space<hbm>>) dst(%dma_wait3A_111 : memref<40x128xf32, #tpu.memory_space<vmem>>)
      %mul3A_116 = arith.constant 40 : i32
      %mul3A_117 = arith.muli %add3A_104, %mul3A_116 : i32
      %run_scoped3A_118 = arith.constant 1 : i32
      "tpu.region"() ({
        %run_scoped3A_201 = tpu.sem_alloc : memref<!tpu.dma_semaphore, #tpu.memory_space<semaphore_mem>>
        %dma_start3A_202 = arith.constant 0 : i32
        %dma_start3A_203 = arith.constant 0 : i32
        %dma_start3A_204 = tpu.memref_slice %arg9[%run_scoped3A_118, %dma_start3A_202, %dma_start3A_203] : memref<5x40x128xf32, #tpu.memory_space<vmem>> -> memref<1x40x128xf32, #tpu.memory_space<vmem>>
        %dma_start3A_205 = tpu.memref_squeeze %dma_start3A_204 : memref<1x40x128xf32, #tpu.memory_space<vmem>> -> memref<40x128xf32, #tpu.memory_space<vmem>>
        %dma_start3A_206 = tpu.memref_slice %arg8[%mul3A_117] : memref<10000xi32, #tpu.memory_space<vmem>> -> memref<40xi32, #tpu.memory_space<vmem>>
        %dma_start3A_207 = arith.constant 0 : i32
        %dma_start3A_208 = arith.constant 0 : i32
        %dma_start3A_209 = tpu.memref_slice %arg10[%dma_start3A_207, %dma_start3A_208] : memref<10000x128xf32, #tpu.memory_space<vmem_shared>> -> memref<10000x128xf32, #tpu.memory_space<vmem_shared>>
        tpu.enqueue_indirect_dma source(%dma_start3A_205 : memref<40x128xf32, #tpu.memory_space<vmem>>) target(%dma_start3A_209 : memref<10000x128xf32, #tpu.memory_space<vmem_shared>>) offsets(%dma_start3A_206 : memref<40xi32, #tpu.memory_space<vmem>>) semaphore(%run_scoped3A_201 : memref<!tpu.dma_semaphore, #tpu.memory_space<semaphore_mem>>) {add = true}
        %dma_wait3A_210 = arith.constant 0 : i32
        %dma_wait3A_211 = arith.constant 0 : i32
        %dma_wait3A_212 = tpu.memref_slice %arg9[%run_scoped3A_118, %dma_wait3A_210, %dma_wait3A_211] : memref<5x40x128xf32, #tpu.memory_space<vmem>> -> memref<1x40x128xf32, #tpu.memory_space<vmem>>
        %dma_wait3A_213 = tpu.memref_squeeze %dma_wait3A_212 : memref<1x40x128xf32, #tpu.memory_space<vmem>> -> memref<40x128xf32, #tpu.memory_space<vmem>>
        %dma_wait3A_214 = tpu.memref_slice %arg8[%mul3A_117] : memref<10000xi32, #tpu.memory_space<vmem>> -> memref<40xi32, #tpu.memory_space<vmem>>
        %dma_wait3A_215 = arith.constant 0 : i32
        %dma_wait3A_216 = arith.constant 0 : i32
        %dma_wait3A_217 = tpu.memref_slice %arg10[%dma_wait3A_215, %dma_wait3A_216] : memref<10000x128xf32, #tpu.memory_space<vmem_shared>> -> memref<10000x128xf32, #tpu.memory_space<vmem_shared>>
        tpu.wait_indirect_dma semaphore(%run_scoped3A_201 : memref<!tpu.dma_semaphore, #tpu.memory_space<semaphore_mem>>) src(%dma_wait3A_213 : memref<40x128xf32, #tpu.memory_space<vmem>>) dst(%dma_wait3A_217 : memref<10000x128xf32, #tpu.memory_space<vmem_shared>>)
        tpu.yield
      }) : () -> ()
      %add3A_119 = arith.constant 1 : i32
      %add3A_120 = arith.addi %scan3A_78, %add3A_119 : i32
      %lt3A_121 = arith.constant 50 : i32
      %lt3A_122 = arith.cmpi slt, %add3A_120, %lt3A_121 : i32
      %convert_element_type3A_123 = arith.extui %lt3A_122 : i1 to i32
      %cond3A_124 = arith.constant 0 : i32
      %cond3A_125 = arith.cmpi ne, %convert_element_type3A_123, %cond3A_124 : i32
      scf.if %cond3A_125 {
        %add3A_201 = arith.constant 5 : i32
        %add3A_202 = arith.addi %add3A_104, %add3A_201 : i32
        %mul3A_203 = arith.constant 40 : i32
        %mul3A_204 = arith.muli %add3A_202, %mul3A_203 : i32
        %dma_start3A_205 = arith.constant 1 : i32
        %dma_start3A_206 = arith.constant 0 : i32
        %dma_start3A_207 = arith.constant 0 : i32
        %dma_start3A_208 = tpu.memref_slice %arg9[%dma_start3A_205, %dma_start3A_206, %dma_start3A_207] : memref<5x40x128xf32, #tpu.memory_space<vmem>> -> memref<1x40x128xf32, #tpu.memory_space<vmem>>
        %dma_start3A_209 = tpu.memref_squeeze %dma_start3A_208 : memref<1x40x128xf32, #tpu.memory_space<vmem>> -> memref<40x128xf32, #tpu.memory_space<vmem>>
        %dma_start3A_210 = tpu.memref_slice %arg7[%mul3A_204] : memref<10000xi32, #tpu.memory_space<vmem>> -> memref<40xi32, #tpu.memory_space<vmem>>
        %dma_start3A_211 = arith.constant 0 : i32
        %dma_start3A_212 = arith.constant 0 : i32
        %dma_start3A_213 = tpu.memref_slice %arg2[%dma_start3A_211, %dma_start3A_212] : memref<10000x128xf32, #tpu.memory_space<hbm>> -> memref<10000x128xf32, #tpu.memory_space<hbm>>
        tpu.enqueue_indirect_dma source(%dma_start3A_213 : memref<10000x128xf32, #tpu.memory_space<hbm>>) target(%dma_start3A_209 : memref<40x128xf32, #tpu.memory_space<vmem>>) offsets(%dma_start3A_210 : memref<40xi32, #tpu.memory_space<vmem>>) semaphore(%arg12 : memref<!tpu.dma_semaphore, #tpu.memory_space<semaphore_mem>>)
      } else {
      }
      %mul3A_126 = arith.constant 5 : i32
      %mul3A_127 = arith.muli %scan3A_78, %mul3A_126 : i32
      %add3A_128 = arith.constant 2 : i32
      %add3A_129 = arith.addi %mul3A_127, %add3A_128 : i32
      %mul3A_130 = arith.constant 40 : i32
      %mul3A_131 = arith.muli %add3A_129, %mul3A_130 : i32
      %dma_wait3A_132 = arith.constant 2 : i32
      %dma_wait3A_133 = arith.constant 0 : i32
      %dma_wait3A_134 = arith.constant 0 : i32
      %dma_wait3A_135 = tpu.memref_slice %arg9[%dma_wait3A_132, %dma_wait3A_133, %dma_wait3A_134] : memref<5x40x128xf32, #tpu.memory_space<vmem>> -> memref<1x40x128xf32, #tpu.memory_space<vmem>>
      %dma_wait3A_136 = tpu.memref_squeeze %dma_wait3A_135 : memref<1x40x128xf32, #tpu.memory_space<vmem>> -> memref<40x128xf32, #tpu.memory_space<vmem>>
      %dma_wait3A_137 = tpu.memref_slice %arg7[%mul3A_131] : memref<10000xi32, #tpu.memory_space<vmem>> -> memref<40xi32, #tpu.memory_space<vmem>>
      %dma_wait3A_138 = arith.constant 0 : i32
      %dma_wait3A_139 = arith.constant 0 : i32
      %dma_wait3A_140 = tpu.memref_slice %arg2[%dma_wait3A_138, %dma_wait3A_139] : memref<10000x128xf32, #tpu.memory_space<hbm>> -> memref<10000x128xf32, #tpu.memory_space<hbm>>
      tpu.wait_indirect_dma semaphore(%arg13 : memref<!tpu.dma_semaphore, #tpu.memory_space<semaphore_mem>>) src(%dma_wait3A_140 : memref<10000x128xf32, #tpu.memory_space<hbm>>) dst(%dma_wait3A_136 : memref<40x128xf32, #tpu.memory_space<vmem>>)
      %mul3A_141 = arith.constant 40 : i32
      %mul3A_142 = arith.muli %add3A_129, %mul3A_141 : i32
      %run_scoped3A_143 = arith.constant 2 : i32
      "tpu.region"() ({
        %run_scoped3A_201 = tpu.sem_alloc : memref<!tpu.dma_semaphore, #tpu.memory_space<semaphore_mem>>
        %dma_start3A_202 = arith.constant 0 : i32
        %dma_start3A_203 = arith.constant 0 : i32
        %dma_start3A_204 = tpu.memref_slice %arg9[%run_scoped3A_143, %dma_start3A_202, %dma_start3A_203] : memref<5x40x128xf32, #tpu.memory_space<vmem>> -> memref<1x40x128xf32, #tpu.memory_space<vmem>>
        %dma_start3A_205 = tpu.memref_squeeze %dma_start3A_204 : memref<1x40x128xf32, #tpu.memory_space<vmem>> -> memref<40x128xf32, #tpu.memory_space<vmem>>
        %dma_start3A_206 = tpu.memref_slice %arg8[%mul3A_142] : memref<10000xi32, #tpu.memory_space<vmem>> -> memref<40xi32, #tpu.memory_space<vmem>>
        %dma_start3A_207 = arith.constant 0 : i32
        %dma_start3A_208 = arith.constant 0 : i32
        %dma_start3A_209 = tpu.memref_slice %arg10[%dma_start3A_207, %dma_start3A_208] : memref<10000x128xf32, #tpu.memory_space<vmem_shared>> -> memref<10000x128xf32, #tpu.memory_space<vmem_shared>>
        tpu.enqueue_indirect_dma source(%dma_start3A_205 : memref<40x128xf32, #tpu.memory_space<vmem>>) target(%dma_start3A_209 : memref<10000x128xf32, #tpu.memory_space<vmem_shared>>) offsets(%dma_start3A_206 : memref<40xi32, #tpu.memory_space<vmem>>) semaphore(%run_scoped3A_201 : memref<!tpu.dma_semaphore, #tpu.memory_space<semaphore_mem>>) {add = true}
        %dma_wait3A_210 = arith.constant 0 : i32
        %dma_wait3A_211 = arith.constant 0 : i32
        %dma_wait3A_212 = tpu.memref_slice %arg9[%run_scoped3A_143, %dma_wait3A_210, %dma_wait3A_211] : memref<5x40x128xf32, #tpu.memory_space<vmem>> -> memref<1x40x128xf32, #tpu.memory_space<vmem>>
        %dma_wait3A_213 = tpu.memref_squeeze %dma_wait3A_212 : memref<1x40x128xf32, #tpu.memory_space<vmem>> -> memref<40x128xf32, #tpu.memory_space<vmem>>
        %dma_wait3A_214 = tpu.memref_slice %arg8[%mul3A_142] : memref<10000xi32, #tpu.memory_space<vmem>> -> memref<40xi32, #tpu.memory_space<vmem>>
        %dma_wait3A_215 = arith.constant 0 : i32
        %dma_wait3A_216 = arith.constant 0 : i32
        %dma_wait3A_217 = tpu.memref_slice %arg10[%dma_wait3A_215, %dma_wait3A_216] : memref<10000x128xf32, #tpu.memory_space<vmem_shared>> -> memref<10000x128xf32, #tpu.memory_space<vmem_shared>>
        tpu.wait_indirect_dma semaphore(%run_scoped3A_201 : memref<!tpu.dma_semaphore, #tpu.memory_space<semaphore_mem>>) src(%dma_wait3A_213 : memref<40x128xf32, #tpu.memory_space<vmem>>) dst(%dma_wait3A_217 : memref<10000x128xf32, #tpu.memory_space<vmem_shared>>)
        tpu.yield
      }) : () -> ()
      %add3A_144 = arith.constant 1 : i32
      %add3A_145 = arith.addi %scan3A_78, %add3A_144 : i32
      %lt3A_146 = arith.constant 50 : i32
      %lt3A_147 = arith.cmpi slt, %add3A_145, %lt3A_146 : i32
      %convert_element_type3A_148 = arith.extui %lt3A_147 : i1 to i32
      %cond3A_149 = arith.constant 0 : i32
      %cond3A_150 = arith.cmpi ne, %convert_element_type3A_148, %cond3A_149 : i32
      scf.if %cond3A_150 {
        %add3A_201 = arith.constant 5 : i32
        %add3A_202 = arith.addi %add3A_129, %add3A_201 : i32
        %mul3A_203 = arith.constant 40 : i32
        %mul3A_204 = arith.muli %add3A_202, %mul3A_203 : i32
        %dma_start3A_205 = arith.constant 2 : i32
        %dma_start3A_206 = arith.constant 0 : i32
        %dma_start3A_207 = arith.constant 0 : i32
        %dma_start3A_208 = tpu.memref_slice %arg9[%dma_start3A_205, %dma_start3A_206, %dma_start3A_207] : memref<5x40x128xf32, #tpu.memory_space<vmem>> -> memref<1x40x128xf32, #tpu.memory_space<vmem>>
        %dma_start3A_209 = tpu.memref_squeeze %dma_start3A_208 : memref<1x40x128xf32, #tpu.memory_space<vmem>> -> memref<40x128xf32, #tpu.memory_space<vmem>>
        %dma_start3A_210 = tpu.memref_slice %arg7[%mul3A_204] : memref<10000xi32, #tpu.memory_space<vmem>> -> memref<40xi32, #tpu.memory_space<vmem>>
        %dma_start3A_211 = arith.constant 0 : i32
        %dma_start3A_212 = arith.constant 0 : i32
        %dma_start3A_213 = tpu.memref_slice %arg2[%dma_start3A_211, %dma_start3A_212] : memref<10000x128xf32, #tpu.memory_space<hbm>> -> memref<10000x128xf32, #tpu.memory_space<hbm>>
        tpu.enqueue_indirect_dma source(%dma_start3A_213 : memref<10000x128xf32, #tpu.memory_space<hbm>>) target(%dma_start3A_209 : memref<40x128xf32, #tpu.memory_space<vmem>>) offsets(%dma_start3A_210 : memref<40xi32, #tpu.memory_space<vmem>>) semaphore(%arg13 : memref<!tpu.dma_semaphore, #tpu.memory_space<semaphore_mem>>)
      } else {
      }
      %mul3A_151 = arith.constant 5 : i32
      %mul3A_152 = arith.muli %scan3A_78, %mul3A_151 : i32
      %add3A_153 = arith.constant 3 : i32
      %add3A_154 = arith.addi %mul3A_152, %add3A_153 : i32
      %mul3A_155 = arith.constant 40 : i32
      %mul3A_156 = arith.muli %add3A_154, %mul3A_155 : i32
      %dma_wait3A_157 = arith.constant 3 : i32
      %dma_wait3A_158 = arith.constant 0 : i32
      %dma_wait3A_159 = arith.constant 0 : i32
      %dma_wait3A_160 = tpu.memref_slice %arg9[%dma_wait3A_157, %dma_wait3A_158, %dma_wait3A_159] : memref<5x40x128xf32, #tpu.memory_space<vmem>> -> memref<1x40x128xf32, #tpu.memory_space<vmem>>
      %dma_wait3A_161 = tpu.memref_squeeze %dma_wait3A_160 : memref<1x40x128xf32, #tpu.memory_space<vmem>> -> memref<40x128xf32, #tpu.memory_space<vmem>>
      %dma_wait3A_162 = tpu.memref_slice %arg7[%mul3A_156] : memref<10000xi32, #tpu.memory_space<vmem>> -> memref<40xi32, #tpu.memory_space<vmem>>
      %dma_wait3A_163 = arith.constant 0 : i32
      %dma_wait3A_164 = arith.constant 0 : i32
      %dma_wait3A_165 = tpu.memref_slice %arg2[%dma_wait3A_163, %dma_wait3A_164] : memref<10000x128xf32, #tpu.memory_space<hbm>> -> memref<10000x128xf32, #tpu.memory_space<hbm>>
      tpu.wait_indirect_dma semaphore(%arg14 : memref<!tpu.dma_semaphore, #tpu.memory_space<semaphore_mem>>) src(%dma_wait3A_165 : memref<10000x128xf32, #tpu.memory_space<hbm>>) dst(%dma_wait3A_161 : memref<40x128xf32, #tpu.memory_space<vmem>>)
      %mul3A_166 = arith.constant 40 : i32
      %mul3A_167 = arith.muli %add3A_154, %mul3A_166 : i32
      %run_scoped3A_168 = arith.constant 3 : i32
      "tpu.region"() ({
        %run_scoped3A_201 = tpu.sem_alloc : memref<!tpu.dma_semaphore, #tpu.memory_space<semaphore_mem>>
        %dma_start3A_202 = arith.constant 0 : i32
        %dma_start3A_203 = arith.constant 0 : i32
        %dma_start3A_204 = tpu.memref_slice %arg9[%run_scoped3A_168, %dma_start3A_202, %dma_start3A_203] : memref<5x40x128xf32, #tpu.memory_space<vmem>> -> memref<1x40x128xf32, #tpu.memory_space<vmem>>
        %dma_start3A_205 = tpu.memref_squeeze %dma_start3A_204 : memref<1x40x128xf32, #tpu.memory_space<vmem>> -> memref<40x128xf32, #tpu.memory_space<vmem>>
        %dma_start3A_206 = tpu.memref_slice %arg8[%mul3A_167] : memref<10000xi32, #tpu.memory_space<vmem>> -> memref<40xi32, #tpu.memory_space<vmem>>
        %dma_start3A_207 = arith.constant 0 : i32
        %dma_start3A_208 = arith.constant 0 : i32
        %dma_start3A_209 = tpu.memref_slice %arg10[%dma_start3A_207, %dma_start3A_208] : memref<10000x128xf32, #tpu.memory_space<vmem_shared>> -> memref<10000x128xf32, #tpu.memory_space<vmem_shared>>
        tpu.enqueue_indirect_dma source(%dma_start3A_205 : memref<40x128xf32, #tpu.memory_space<vmem>>) target(%dma_start3A_209 : memref<10000x128xf32, #tpu.memory_space<vmem_shared>>) offsets(%dma_start3A_206 : memref<40xi32, #tpu.memory_space<vmem>>) semaphore(%run_scoped3A_201 : memref<!tpu.dma_semaphore, #tpu.memory_space<semaphore_mem>>) {add = true}
        %dma_wait3A_210 = arith.constant 0 : i32
        %dma_wait3A_211 = arith.constant 0 : i32
        %dma_wait3A_212 = tpu.memref_slice %arg9[%run_scoped3A_168, %dma_wait3A_210, %dma_wait3A_211] : memref<5x40x128xf32, #tpu.memory_space<vmem>> -> memref<1x40x128xf32, #tpu.memory_space<vmem>>
        %dma_wait3A_213 = tpu.memref_squeeze %dma_wait3A_212 : memref<1x40x128xf32, #tpu.memory_space<vmem>> -> memref<40x128xf32, #tpu.memory_space<vmem>>
        %dma_wait3A_214 = tpu.memref_slice %arg8[%mul3A_167] : memref<10000xi32, #tpu.memory_space<vmem>> -> memref<40xi32, #tpu.memory_space<vmem>>
        %dma_wait3A_215 = arith.constant 0 : i32
        %dma_wait3A_216 = arith.constant 0 : i32
        %dma_wait3A_217 = tpu.memref_slice %arg10[%dma_wait3A_215, %dma_wait3A_216] : memref<10000x128xf32, #tpu.memory_space<vmem_shared>> -> memref<10000x128xf32, #tpu.memory_space<vmem_shared>>
        tpu.wait_indirect_dma semaphore(%run_scoped3A_201 : memref<!tpu.dma_semaphore, #tpu.memory_space<semaphore_mem>>) src(%dma_wait3A_213 : memref<40x128xf32, #tpu.memory_space<vmem>>) dst(%dma_wait3A_217 : memref<10000x128xf32, #tpu.memory_space<vmem_shared>>)
        tpu.yield
      }) : () -> ()
      %add3A_169 = arith.constant 1 : i32
      %add3A_170 = arith.addi %scan3A_78, %add3A_169 : i32
      %lt3A_171 = arith.constant 50 : i32
      %lt3A_172 = arith.cmpi slt, %add3A_170, %lt3A_171 : i32
      %convert_element_type3A_173 = arith.extui %lt3A_172 : i1 to i32
      %cond3A_174 = arith.constant 0 : i32
      %cond3A_175 = arith.cmpi ne, %convert_element_type3A_173, %cond3A_174 : i32
      scf.if %cond3A_175 {
        %add3A_201 = arith.constant 5 : i32
        %add3A_202 = arith.addi %add3A_154, %add3A_201 : i32
        %mul3A_203 = arith.constant 40 : i32
        %mul3A_204 = arith.muli %add3A_202, %mul3A_203 : i32
        %dma_start3A_205 = arith.constant 3 : i32
        %dma_start3A_206 = arith.constant 0 : i32
        %dma_start3A_207 = arith.constant 0 : i32
        %dma_start3A_208 = tpu.memref_slice %arg9[%dma_start3A_205, %dma_start3A_206, %dma_start3A_207] : memref<5x40x128xf32, #tpu.memory_space<vmem>> -> memref<1x40x128xf32, #tpu.memory_space<vmem>>
        %dma_start3A_209 = tpu.memref_squeeze %dma_start3A_208 : memref<1x40x128xf32, #tpu.memory_space<vmem>> -> memref<40x128xf32, #tpu.memory_space<vmem>>
        %dma_start3A_210 = tpu.memref_slice %arg7[%mul3A_204] : memref<10000xi32, #tpu.memory_space<vmem>> -> memref<40xi32, #tpu.memory_space<vmem>>
        %dma_start3A_211 = arith.constant 0 : i32
        %dma_start3A_212 = arith.constant 0 : i32
        %dma_start3A_213 = tpu.memref_slice %arg2[%dma_start3A_211, %dma_start3A_212] : memref<10000x128xf32, #tpu.memory_space<hbm>> -> memref<10000x128xf32, #tpu.memory_space<hbm>>
        tpu.enqueue_indirect_dma source(%dma_start3A_213 : memref<10000x128xf32, #tpu.memory_space<hbm>>) target(%dma_start3A_209 : memref<40x128xf32, #tpu.memory_space<vmem>>) offsets(%dma_start3A_210 : memref<40xi32, #tpu.memory_space<vmem>>) semaphore(%arg14 : memref<!tpu.dma_semaphore, #tpu.memory_space<semaphore_mem>>)
      } else {
      }
      %mul3A_176 = arith.constant 5 : i32
      %mul3A_177 = arith.muli %scan3A_78, %mul3A_176 : i32
      %add3A_178 = arith.constant 4 : i32
      %add3A_179 = arith.addi %mul3A_177, %add3A_178 : i32
      %mul3A_180 = arith.constant 40 : i32
      %mul3A_181 = arith.muli %add3A_179, %mul3A_180 : i32
      %dma_wait3A_182 = arith.constant 4 : i32
      %dma_wait3A_183 = arith.constant 0 : i32
      %dma_wait3A_184 = arith.constant 0 : i32
      %dma_wait3A_185 = tpu.memref_slice %arg9[%dma_wait3A_182, %dma_wait3A_183, %dma_wait3A_184] : memref<5x40x128xf32, #tpu.memory_space<vmem>> -> memref<1x40x128xf32, #tpu.memory_space<vmem>>
      %dma_wait3A_186 = tpu.memref_squeeze %dma_wait3A_185 : memref<1x40x128xf32, #tpu.memory_space<vmem>> -> memref<40x128xf32, #tpu.memory_space<vmem>>
      %dma_wait3A_187 = tpu.memref_slice %arg7[%mul3A_181] : memref<10000xi32, #tpu.memory_space<vmem>> -> memref<40xi32, #tpu.memory_space<vmem>>
      %dma_wait3A_188 = arith.constant 0 : i32
      %dma_wait3A_189 = arith.constant 0 : i32
      %dma_wait3A_190 = tpu.memref_slice %arg2[%dma_wait3A_188, %dma_wait3A_189] : memref<10000x128xf32, #tpu.memory_space<hbm>> -> memref<10000x128xf32, #tpu.memory_space<hbm>>
      tpu.wait_indirect_dma semaphore(%arg15 : memref<!tpu.dma_semaphore, #tpu.memory_space<semaphore_mem>>) src(%dma_wait3A_190 : memref<10000x128xf32, #tpu.memory_space<hbm>>) dst(%dma_wait3A_186 : memref<40x128xf32, #tpu.memory_space<vmem>>)
      %mul3A_191 = arith.constant 40 : i32
      %mul3A_192 = arith.muli %add3A_179, %mul3A_191 : i32
      %run_scoped3A_193 = arith.constant 4 : i32
      "tpu.region"() ({
        %run_scoped3A_201 = tpu.sem_alloc : memref<!tpu.dma_semaphore, #tpu.memory_space<semaphore_mem>>
        %dma_start3A_202 = arith.constant 0 : i32
        %dma_start3A_203 = arith.constant 0 : i32
        %dma_start3A_204 = tpu.memref_slice %arg9[%run_scoped3A_193, %dma_start3A_202, %dma_start3A_203] : memref<5x40x128xf32, #tpu.memory_space<vmem>> -> memref<1x40x128xf32, #tpu.memory_space<vmem>>
        %dma_start3A_205 = tpu.memref_squeeze %dma_start3A_204 : memref<1x40x128xf32, #tpu.memory_space<vmem>> -> memref<40x128xf32, #tpu.memory_space<vmem>>
        %dma_start3A_206 = tpu.memref_slice %arg8[%mul3A_192] : memref<10000xi32, #tpu.memory_space<vmem>> -> memref<40xi32, #tpu.memory_space<vmem>>
        %dma_start3A_207 = arith.constant 0 : i32
        %dma_start3A_208 = arith.constant 0 : i32
        %dma_start3A_209 = tpu.memref_slice %arg10[%dma_start3A_207, %dma_start3A_208] : memref<10000x128xf32, #tpu.memory_space<vmem_shared>> -> memref<10000x128xf32, #tpu.memory_space<vmem_shared>>
        tpu.enqueue_indirect_dma source(%dma_start3A_205 : memref<40x128xf32, #tpu.memory_space<vmem>>) target(%dma_start3A_209 : memref<10000x128xf32, #tpu.memory_space<vmem_shared>>) offsets(%dma_start3A_206 : memref<40xi32, #tpu.memory_space<vmem>>) semaphore(%run_scoped3A_201 : memref<!tpu.dma_semaphore, #tpu.memory_space<semaphore_mem>>) {add = true}
        %dma_wait3A_210 = arith.constant 0 : i32
        %dma_wait3A_211 = arith.constant 0 : i32
        %dma_wait3A_212 = tpu.memref_slice %arg9[%run_scoped3A_193, %dma_wait3A_210, %dma_wait3A_211] : memref<5x40x128xf32, #tpu.memory_space<vmem>> -> memref<1x40x128xf32, #tpu.memory_space<vmem>>
        %dma_wait3A_213 = tpu.memref_squeeze %dma_wait3A_212 : memref<1x40x128xf32, #tpu.memory_space<vmem>> -> memref<40x128xf32, #tpu.memory_space<vmem>>
        %dma_wait3A_214 = tpu.memref_slice %arg8[%mul3A_192] : memref<10000xi32, #tpu.memory_space<vmem>> -> memref<40xi32, #tpu.memory_space<vmem>>
        %dma_wait3A_215 = arith.constant 0 : i32
        %dma_wait3A_216 = arith.constant 0 : i32
        %dma_wait3A_217 = tpu.memref_slice %arg10[%dma_wait3A_215, %dma_wait3A_216] : memref<10000x128xf32, #tpu.memory_space<vmem_shared>> -> memref<10000x128xf32, #tpu.memory_space<vmem_shared>>
        tpu.wait_indirect_dma semaphore(%run_scoped3A_201 : memref<!tpu.dma_semaphore, #tpu.memory_space<semaphore_mem>>) src(%dma_wait3A_213 : memref<40x128xf32, #tpu.memory_space<vmem>>) dst(%dma_wait3A_217 : memref<10000x128xf32, #tpu.memory_space<vmem_shared>>)
        tpu.yield
      }) : () -> ()
      %add3A_194 = arith.constant 1 : i32
      %add3A_195 = arith.addi %scan3A_78, %add3A_194 : i32
      %lt3A_196 = arith.constant 50 : i32
      %lt3A_197 = arith.cmpi slt, %add3A_195, %lt3A_196 : i32
      %convert_element_type3A_198 = arith.extui %lt3A_197 : i1 to i32
      %cond3A_199 = arith.constant 0 : i32
      %cond3A_200 = arith.cmpi ne, %convert_element_type3A_198, %cond3A_199 : i32
      scf.if %cond3A_200 {
        %add3A_201 = arith.constant 5 : i32
        %add3A_202 = arith.addi %add3A_179, %add3A_201 : i32
        %mul3A_203 = arith.constant 40 : i32
        %mul3A_204 = arith.muli %add3A_202, %mul3A_203 : i32
        %dma_start3A_205 = arith.constant 4 : i32
        %dma_start3A_206 = arith.constant 0 : i32
        %dma_start3A_207 = arith.constant 0 : i32
        %dma_start3A_208 = tpu.memref_slice %arg9[%dma_start3A_205, %dma_start3A_206, %dma_start3A_207] : memref<5x40x128xf32, #tpu.memory_space<vmem>> -> memref<1x40x128xf32, #tpu.memory_space<vmem>>
        %dma_start3A_209 = tpu.memref_squeeze %dma_start3A_208 : memref<1x40x128xf32, #tpu.memory_space<vmem>> -> memref<40x128xf32, #tpu.memory_space<vmem>>
        %dma_start3A_210 = tpu.memref_slice %arg7[%mul3A_204] : memref<10000xi32, #tpu.memory_space<vmem>> -> memref<40xi32, #tpu.memory_space<vmem>>
        %dma_start3A_211 = arith.constant 0 : i32
        %dma_start3A_212 = arith.constant 0 : i32
        %dma_start3A_213 = tpu.memref_slice %arg2[%dma_start3A_211, %dma_start3A_212] : memref<10000x128xf32, #tpu.memory_space<hbm>> -> memref<10000x128xf32, #tpu.memory_space<hbm>>
        tpu.enqueue_indirect_dma source(%dma_start3A_213 : memref<10000x128xf32, #tpu.memory_space<hbm>>) target(%dma_start3A_209 : memref<40x128xf32, #tpu.memory_space<vmem>>) offsets(%dma_start3A_210 : memref<40xi32, #tpu.memory_space<vmem>>) semaphore(%arg15 : memref<!tpu.dma_semaphore, #tpu.memory_space<semaphore_mem>>)
      } else {
      }
    }
    %scan3A_64 = arith.constant 50 : i32
    %barrier3A_65 = arith.constant 0 : index
    tpu.barrier barrier_id(%barrier3A_65)
    %mul3A_66 = arith.constant 624 : i32
    %mul3A_67 = arith.muli %arg1, %mul3A_66 : i32
    %mul3A_68 = arith.constant 10000 : i32
    %mul3A_69 = arith.muli %arg0, %mul3A_68 : i32
    %mul3A_70 = arith.constant 624 : i32
    %mul3A_71 = arith.muli %arg1, %mul3A_70 : i32
    %add3A_72 = arith.addi %mul3A_69, %mul3A_71 : i32
    "tpu.region"() ({
      %run_scoped3A = tpu.sem_alloc : memref<!tpu.dma_semaphore, #tpu.memory_space<semaphore_mem>>
      %dma_start3A_78 = arith.constant 0 : i32
      %dma_start3A_79 = tpu.memref_slice %arg6[%add3A_72, %dma_start3A_78] : memref<20000x128xf32, #tpu.memory_space<hbm>> -> memref<624x128xf32, #tpu.memory_space<hbm>>
      %dma_start3A_80 = arith.constant 0 : i32
      %dma_start3A_81 = tpu.memref_slice %arg10[%mul3A_67, %dma_start3A_80] : memref<10000x128xf32, #tpu.memory_space<vmem_shared>> -> memref<624x128xf32, #tpu.memory_space<vmem_shared>>
      tpu.enqueue_dma source(%dma_start3A_81 : memref<624x128xf32, #tpu.memory_space<vmem_shared>>) target(%dma_start3A_79 : memref<624x128xf32, #tpu.memory_space<hbm>>) target_semaphore(%run_scoped3A : memref<!tpu.dma_semaphore, #tpu.memory_space<semaphore_mem>>)
      %dma_wait3A = arith.constant 0 : i32
      %dma_wait3A_82 = tpu.memref_slice %arg6[%add3A_72, %dma_wait3A] : memref<20000x128xf32, #tpu.memory_space<hbm>> -> memref<624x128xf32, #tpu.memory_space<hbm>>
      %dma_wait3A_83 = arith.constant 0 : i32
      %dma_wait3A_84 = tpu.memref_slice %arg10[%mul3A_67, %dma_wait3A_83] : memref<10000x128xf32, #tpu.memory_space<vmem_shared>> -> memref<624x128xf32, #tpu.memory_space<vmem_shared>>
      tpu.wait_dma2 semaphore(%run_scoped3A : memref<!tpu.dma_semaphore, #tpu.memory_space<semaphore_mem>>) src(%dma_wait3A_84 : memref<624x128xf32, #tpu.memory_space<vmem_shared>>) dst(%dma_wait3A_82 : memref<624x128xf32, #tpu.memory_space<hbm>>)
      tpu.yield
    }) : () -> ()
    %eq3A_73 = arith.constant 0 : i32
    %eq3A_74 = arith.cmpi eq, %arg1, %eq3A_73 : i32
    %convert_element_type3A_75 = arith.extui %eq3A_74 : i1 to i32
    %cond3A_76 = arith.constant 0 : i32
    %cond3A_77 = arith.cmpi ne, %convert_element_type3A_75, %cond3A_76 : i32
    scf.if %cond3A_77 {
      %mul3A_78 = arith.constant 10000 : i32
      %mul3A_79 = arith.muli %arg0, %mul3A_78 : i32
      %add3A_80 = arith.constant 9984 : i32
      %add3A_81 = arith.addi %mul3A_79, %add3A_80 : i32
      "tpu.region"() ({
        %run_scoped3A = tpu.sem_alloc : memref<!tpu.dma_semaphore, #tpu.memory_space<semaphore_mem>>
        %dma_start3A_82 = arith.constant 0 : i32
        %dma_start3A_83 = tpu.memref_slice %arg6[%add3A_81, %dma_start3A_82] : memref<20000x128xf32, #tpu.memory_space<hbm>> -> memref<16x128xf32, #tpu.memory_space<hbm>>
        %dma_start3A_84 = arith.constant 9984 : i32
        %dma_start3A_85 = arith.constant 0 : i32
        %dma_start3A_86 = tpu.memref_slice %arg10[%dma_start3A_84, %dma_start3A_85] : memref<10000x128xf32, #tpu.memory_space<vmem_shared>> -> memref<16x128xf32, #tpu.memory_space<vmem_shared>>
        tpu.enqueue_dma source(%dma_start3A_86 : memref<16x128xf32, #tpu.memory_space<vmem_shared>>) target(%dma_start3A_83 : memref<16x128xf32, #tpu.memory_space<hbm>>) target_semaphore(%run_scoped3A : memref<!tpu.dma_semaphore, #tpu.memory_space<semaphore_mem>>)
        %dma_wait3A = arith.constant 0 : i32
        %dma_wait3A_87 = tpu.memref_slice %arg6[%add3A_81, %dma_wait3A] : memref<20000x128xf32, #tpu.memory_space<hbm>> -> memref<16x128xf32, #tpu.memory_space<hbm>>
        %dma_wait3A_88 = arith.constant 9984 : i32
        %dma_wait3A_89 = arith.constant 0 : i32
        %dma_wait3A_90 = tpu.memref_slice %arg10[%dma_wait3A_88, %dma_wait3A_89] : memref<10000x128xf32, #tpu.memory_space<vmem_shared>> -> memref<16x128xf32, #tpu.memory_space<vmem_shared>>
        tpu.wait_dma2 semaphore(%run_scoped3A : memref<!tpu.dma_semaphore, #tpu.memory_space<semaphore_mem>>) src(%dma_wait3A_90 : memref<16x128xf32, #tpu.memory_space<vmem_shared>>) dst(%dma_wait3A_87 : memref<16x128xf32, #tpu.memory_space<hbm>>)
        tpu.yield
      }) : () -> ()
    } else {
    }
    return
  }
}

module attributes {stable_mosaic.version = 14 : i64} {
  func.func @_in_body(%arg0: memref<10000x128xf32, #tpu.memory_space<vmem>>, %arg1: memref<128x128xf32, #tpu.memory_space<vmem>>, %arg2: memref<1x128xf32, #tpu.memory_space<vmem>>, %arg3: memref<10000x128xf32, #tpu.memory_space<vmem>>) attributes {dimension_semantics = [], scalar_prefetch = 0 : i64, scratch_operands = 0 : i64, tpu.core_type = #tpu.core_type<tc>} {
    %get3A = arith.constant 0 : index
    %get3A_0 = arith.constant 0 : index
    %get3A_1 = vector.load %arg0[%get3A, %get3A_0] : memref<10000x128xf32, #tpu.memory_space<vmem>>, vector<10000x128xf32>
    %get3A_2 = arith.constant 0 : index
    %get3A_3 = arith.constant 0 : index
    %get3A_4 = vector.load %arg1[%get3A_2, %get3A_3] : memref<128x128xf32, #tpu.memory_space<vmem>>, vector<128x128xf32>
    %dot_general3A = arith.constant dense<0.000000e+00> : vector<10000x128xf32>
    %dot_general3A_5 = tpu.matmul %get3A_1, %get3A_4, %dot_general3A {dimension_numbers = #tpu.dot_dimension_numbers<[1], [0], [0], [1], [0, 0, 1, 1], [], []>, transpose_lhs_hint = false} : vector<10000x128xf32>, vector<128x128xf32>, vector<10000x128xf32> -> vector<10000x128xf32>
    %get3A_6 = arith.constant 0 : index
    %get3A_7 = arith.constant 0 : index
    %get3A_8 = vector.load %arg2[%get3A_6, %get3A_7] : memref<1x128xf32, #tpu.memory_space<vmem>>, vector<1x128xf32>
    %add3A = vector.broadcast %get3A_8 : vector<1x128xf32> to vector<10000x128xf32>
    %add3A_9 = arith.addf %dot_general3A_5, %add3A : vector<10000x128xf32>
    %max3A = arith.constant 0.000000e+00 : f32
    %max3A_10 = vector.broadcast %max3A : f32 to vector<10000x128xf32>
    %max3A_11 = arith.maximumf %add3A_9, %max3A_10 : vector<10000x128xf32>
    %swap3A = arith.constant 0 : index
    %swap3A_12 = arith.constant 0 : index
    %swap3A_13 = vector.load %arg3[%swap3A, %swap3A_12] : memref<10000x128xf32, #tpu.memory_space<vmem>>, vector<10000x128xf32>
    tpu.vector_store %arg3[%swap3A, %swap3A_12], %max3A_11 {strides = array<i32>} : memref<10000x128xf32, #tpu.memory_space<vmem>>, vector<10000x128xf32>,
    return
  }
}

module attributes {stable_mosaic.version = 14 : i64} {
  func.func @_layer_body(%arg0: memref<1x1xf32, #tpu.memory_space<vmem>>, %arg1: memref<10000x128xf32, #tpu.memory_space<vmem>>, %arg2: memref<20000x128xf32, #tpu.memory_space<vmem>>, %arg3: memref<128x128xf32, #tpu.memory_space<vmem>>, %arg4: memref<1x128xf32, #tpu.memory_space<vmem>>, %arg5: memref<1x128xf32, #tpu.memory_space<vmem>>, %arg6: memref<1x128xf32, #tpu.memory_space<vmem>>, %arg7: memref<128x128xf32, #tpu.memory_space<vmem>>, %arg8: memref<1x128xf32, #tpu.memory_space<vmem>>, %arg9: memref<1x128xf32, #tpu.memory_space<vmem>>, %arg10: memref<1x128xf32, #tpu.memory_space<vmem>>, %arg11: memref<10000x128xf32, #tpu.memory_space<vmem>>) attributes {dimension_semantics = [], scalar_prefetch = 0 : i64, scratch_operands = 0 : i64, tpu.core_type = #tpu.core_type<tc>} {
    %get3A = arith.constant 0 : index
    %get3A_0 = arith.constant 0 : index
    %get3A_1 = vector.load %arg0[%get3A, %get3A_0] : memref<1x1xf32, #tpu.memory_space<vmem>>, vector<1x1xf32>
    %get3A_2 = vector.extract %get3A_1[0, 0] : f32 from vector<1x1xf32>
    %add3A = arith.constant 1.000000e+00 : f32
    %add3A_3 = arith.addf %add3A, %get3A_2 : f32
    %get3A_4 = arith.constant 0 : index
    %get3A_5 = arith.constant 0 : index
    %get3A_6 = vector.load %arg1[%get3A_4, %get3A_5] : memref<10000x128xf32, #tpu.memory_space<vmem>>, vector<10000x128xf32>
    %mul3A = vector.broadcast %add3A_3 : f32 to vector<10000x128xf32>
    %mul3A_7 = arith.mulf %mul3A, %get3A_6 : vector<10000x128xf32>
    %get3A_8 = arith.constant 0 : index
    %get3A_9 = arith.constant 0 : index
    %get3A_10 = vector.load %arg2[%get3A_8, %get3A_9] : memref<20000x128xf32, #tpu.memory_space<vmem>>, vector<10000x128xf32>
    %add3A_11 = arith.addf %mul3A_7, %get3A_10 : vector<10000x128xf32>
    %get3A_12 = arith.constant 10000 : index
    %get3A_13 = arith.constant 0 : index
    %get3A_14 = vector.load %arg2[%get3A_12, %get3A_13] : memref<20000x128xf32, #tpu.memory_space<vmem>>, vector<10000x128xf32>
    %add3A_15 = arith.addf %add3A_11, %get3A_14 : vector<10000x128xf32>
    %get3A_16 = arith.constant 0 : index
    %get3A_17 = arith.constant 0 : index
    %get3A_18 = vector.load %arg3[%get3A_16, %get3A_17] : memref<128x128xf32, #tpu.memory_space<vmem>>, vector<128x128xf32>
    %dot_general3A = arith.constant dense<0.000000e+00> : vector<10000x128xf32>
    %dot_general3A_19 = tpu.matmul %add3A_15, %get3A_18, %dot_general3A {dimension_numbers = #tpu.dot_dimension_numbers<[1], [0], [0], [1], [0, 0, 1, 1], [], []>, transpose_lhs_hint = false} : vector<10000x128xf32>, vector<128x128xf32>, vector<10000x128xf32> -> vector<10000x128xf32>
    %get3A_20 = arith.constant 0 : index
    %get3A_21 = arith.constant 0 : index
    %get3A_22 = vector.load %arg4[%get3A_20, %get3A_21] : memref<1x128xf32, #tpu.memory_space<vmem>>, vector<1x128xf32>
    %add3A_23 = vector.broadcast %get3A_22 : vector<1x128xf32> to vector<10000x128xf32>
    %add3A_24 = arith.addf %dot_general3A_19, %add3A_23 : vector<10000x128xf32>
    %reduce_sum3A = arith.constant dense<0.000000e+00> : vector<128xf32>
    %reduce_sum3A_25 = vector.multi_reduction <add>, %add3A_24, %reduce_sum3A [0] : vector<10000x128xf32> to vector<128xf32>
    %broadcast_in_dim3A = vector.shape_cast %reduce_sum3A_25 : vector<128xf32> to vector<1x128xf32>
    %div3A = arith.constant 1.000000e+04 : f32
    %div3A_26 = vector.broadcast %div3A : f32 to vector<1x128xf32>
    %div3A_27 = arith.divf %broadcast_in_dim3A, %div3A_26 : vector<1x128xf32>
    %sub3A = vector.broadcast %div3A_27 : vector<1x128xf32> to vector<10000x128xf32>
    %sub3A_28 = arith.subf %add3A_24, %sub3A : vector<10000x128xf32>
    %mul3A_29 = arith.mulf %sub3A_28, %sub3A_28 : vector<10000x128xf32>
    %reduce_sum3A_30 = arith.constant dense<0.000000e+00> : vector<128xf32>
    %reduce_sum3A_31 = vector.multi_reduction <add>, %mul3A_29, %reduce_sum3A_30 [0] : vector<10000x128xf32> to vector<128xf32>
    %broadcast_in_dim3A_32 = vector.shape_cast %reduce_sum3A_31 : vector<128xf32> to vector<1x128xf32>
    %div3A_33 = arith.constant 1.000000e+04 : f32
    %div3A_34 = vector.broadcast %div3A_33 : f32 to vector<1x128xf32>
    %div3A_35 = arith.divf %broadcast_in_dim3A_32, %div3A_34 : vector<1x128xf32>
    %get3A_36 = arith.constant 0 : index
    %get3A_37 = arith.constant 0 : index
    %get3A_38 = vector.load %arg5[%get3A_36, %get3A_37] : memref<1x128xf32, #tpu.memory_space<vmem>>, vector<1x128xf32>
    %mul3A_39 = vector.broadcast %get3A_38 : vector<1x128xf32> to vector<10000x128xf32>
    %mul3A_40 = arith.mulf %mul3A_39, %sub3A_28 : vector<10000x128xf32>
    %add3A_41 = arith.constant 9.99999974E-6 : f32
    %add3A_42 = vector.broadcast %add3A_41 : f32 to vector<1x128xf32>
    %add3A_43 = arith.addf %div3A_35, %add3A_42 : vector<1x128xf32>
    %sqrt3A = math.sqrt %add3A_43 : vector<1x128xf32>
    %div3A_44 = vector.broadcast %sqrt3A : vector<1x128xf32> to vector<10000x128xf32>
    %div3A_45 = arith.divf %mul3A_40, %div3A_44 : vector<10000x128xf32>
    %get3A_46 = arith.constant 0 : index
    %get3A_47 = arith.constant 0 : index
    %get3A_48 = vector.load %arg6[%get3A_46, %get3A_47] : memref<1x128xf32, #tpu.memory_space<vmem>>, vector<1x128xf32>
    %add3A_49 = vector.broadcast %get3A_48 : vector<1x128xf32> to vector<10000x128xf32>
    %add3A_50 = arith.addf %div3A_45, %add3A_49 : vector<10000x128xf32>
    %max3A = arith.constant 0.000000e+00 : f32
    %max3A_51 = vector.broadcast %max3A : f32 to vector<10000x128xf32>
    %max3A_52 = arith.maximumf %add3A_50, %max3A_51 : vector<10000x128xf32>
    %get3A_53 = arith.constant 0 : index
    %get3A_54 = arith.constant 0 : index
    %get3A_55 = vector.load %arg7[%get3A_53, %get3A_54] : memref<128x128xf32, #tpu.memory_space<vmem>>, vector<128x128xf32>
    %dot_general3A_56 = arith.constant dense<0.000000e+00> : vector<10000x128xf32>
    %dot_general3A_57 = tpu.matmul %max3A_52, %get3A_55, %dot_general3A_56 {dimension_numbers = #tpu.dot_dimension_numbers<[1], [0], [0], [1], [0, 0, 1, 1], [], []>, transpose_lhs_hint = false} : vector<10000x128xf32>, vector<128x128xf32>, vector<10000x128xf32> -> vector<10000x128xf32>
    %get3A_58 = arith.constant 0 : index
    %get3A_59 = arith.constant 0 : index
    %get3A_60 = vector.load %arg8[%get3A_58, %get3A_59] : memref<1x128xf32, #tpu.memory_space<vmem>>, vector<1x128xf32>
    %add3A_61 = vector.broadcast %get3A_60 : vector<1x128xf32> to vector<10000x128xf32>
    %add3A_62 = arith.addf %dot_general3A_57, %add3A_61 : vector<10000x128xf32>
    %reduce_sum3A_63 = arith.constant dense<0.000000e+00> : vector<128xf32>
    %reduce_sum3A_64 = vector.multi_reduction <add>, %add3A_62, %reduce_sum3A_63 [0] : vector<10000x128xf32> to vector<128xf32>
    %broadcast_in_dim3A_65 = vector.shape_cast %reduce_sum3A_64 : vector<128xf32> to vector<1x128xf32>
    %div3A_66 = arith.constant 1.000000e+04 : f32
    %div3A_67 = vector.broadcast %div3A_66 : f32 to vector<1x128xf32>
    %div3A_68 = arith.divf %broadcast_in_dim3A_65, %div3A_67 : vector<1x128xf32>
    %sub3A_69 = vector.broadcast %div3A_68 : vector<1x128xf32> to vector<10000x128xf32>
    %sub3A_70 = arith.subf %add3A_62, %sub3A_69 : vector<10000x128xf32>
    %mul3A_71 = arith.mulf %sub3A_70, %sub3A_70 : vector<10000x128xf32>
    %reduce_sum3A_72 = arith.constant dense<0.000000e+00> : vector<128xf32>
    %reduce_sum3A_73 = vector.multi_reduction <add>, %mul3A_71, %reduce_sum3A_72 [0] : vector<10000x128xf32> to vector<128xf32>
    %broadcast_in_dim3A_74 = vector.shape_cast %reduce_sum3A_73 : vector<128xf32> to vector<1x128xf32>
    %div3A_75 = arith.constant 1.000000e+04 : f32
    %div3A_76 = vector.broadcast %div3A_75 : f32 to vector<1x128xf32>
    %div3A_77 = arith.divf %broadcast_in_dim3A_74, %div3A_76 : vector<1x128xf32>
    %get3A_78 = arith.constant 0 : index
    %get3A_79 = arith.constant 0 : index
    %get3A_80 = vector.load %arg9[%get3A_78, %get3A_79] : memref<1x128xf32, #tpu.memory_space<vmem>>, vector<1x128xf32>
    %mul3A_81 = vector.broadcast %get3A_80 : vector<1x128xf32> to vector<10000x128xf32>
    %mul3A_82 = arith.mulf %mul3A_81, %sub3A_70 : vector<10000x128xf32>
    %add3A_83 = arith.constant 9.99999974E-6 : f32
    %add3A_84 = vector.broadcast %add3A_83 : f32 to vector<1x128xf32>
    %add3A_85 = arith.addf %div3A_77, %add3A_84 : vector<1x128xf32>
    %sqrt3A_86 = math.sqrt %add3A_85 : vector<1x128xf32>
    %div3A_87 = vector.broadcast %sqrt3A_86 : vector<1x128xf32> to vector<10000x128xf32>
    %div3A_88 = arith.divf %mul3A_82, %div3A_87 : vector<10000x128xf32>
    %get3A_89 = arith.constant 0 : index
    %get3A_90 = arith.constant 0 : index
    %get3A_91 = vector.load %arg10[%get3A_89, %get3A_90] : memref<1x128xf32, #tpu.memory_space<vmem>>, vector<1x128xf32>
    %add3A_92 = vector.broadcast %get3A_91 : vector<1x128xf32> to vector<10000x128xf32>
    %add3A_93 = arith.addf %div3A_88, %add3A_92 : vector<10000x128xf32>
    %max3A_94 = arith.constant 0.000000e+00 : f32
    %max3A_95 = vector.broadcast %max3A_94 : f32 to vector<10000x128xf32>
    %max3A_96 = arith.maximumf %add3A_93, %max3A_95 : vector<10000x128xf32>
    %swap3A = arith.constant 0 : index
    %swap3A_97 = arith.constant 0 : index
    %swap3A_98 = vector.load %arg11[%swap3A, %swap3A_97] : memref<10000x128xf32, #tpu.memory_space<vmem>>, vector<10000x128xf32>
    tpu.vector_store %arg11[%swap3A, %swap3A_97], %max3A_96 {strides = array<i32>} : memref<10000x128xf32, #tpu.memory_space<vmem>>, vector<10000x128xf32>,
    return
  }
}

module attributes {stable_mosaic.version = 14 : i64} {
  func.func @_pool_body(%arg0: memref<10000x128xf32, #tpu.memory_space<vmem>>, %arg1: memref<1x10000xi32, #tpu.memory_space<vmem>>, %arg2: memref<128x64xf32, #tpu.memory_space<vmem>>, %arg3: memref<1x64xf32, #tpu.memory_space<vmem>>, %arg4: memref<64x1xf32, #tpu.memory_space<vmem>>, %arg5: memref<1x1xf32, #tpu.memory_space<vmem>>, %arg6: memref<256x1xf32, #tpu.memory_space<vmem>>) attributes {dimension_semantics = [], scalar_prefetch = 0 : i64, scratch_operands = 0 : i64, tpu.core_type = #tpu.core_type<tc>} {
    %iota3A = tpu.iota {dimensions = array<i32: 0>} : vector<256x10000xi32>
    %get3A = arith.constant 0 : index
    %get3A_0 = arith.constant 0 : index
    %get3A_1 = vector.load %arg1[%get3A, %get3A_0] : memref<1x10000xi32, #tpu.memory_space<vmem>>, vector<1x10000xi32>
    %eq3A = vector.broadcast %get3A_1 : vector<1x10000xi32> to vector<256x10000xi32>
    %eq3A_2 = arith.cmpi eq, %iota3A, %eq3A : vector<256x10000xi32>
    %convert_element_type3A = arith.extui %eq3A_2 : vector<256x10000xi1> to vector<256x10000xi32>
    %convert_element_type3A_3 = arith.sitofp %convert_element_type3A : vector<256x10000xi32> to vector<256x10000xf32>
    %reduce_sum3A = arith.constant dense<0.000000e+00> : vector<256xf32>
    %reduce_sum3A_4 = vector.multi_reduction <add>, %convert_element_type3A_3, %reduce_sum3A [1] : vector<256x10000xf32> to vector<256xf32>
    %broadcast_in_dim3A = vector.shape_cast %reduce_sum3A_4 : vector<256xf32> to vector<256x1xf32>
    %max3A = arith.constant 1.000000e+00 : f32
    %max3A_5 = vector.broadcast %max3A : f32 to vector<256x1xf32>
    %max3A_6 = arith.maximumf %broadcast_in_dim3A, %max3A_5 : vector<256x1xf32>
    %get3A_7 = arith.constant 0 : index
    %get3A_8 = arith.constant 0 : index
    %get3A_9 = vector.load %arg0[%get3A_7, %get3A_8] : memref<10000x128xf32, #tpu.memory_space<vmem>>, vector<10000x128xf32>
    %dot_general3A = arith.constant dense<0.000000e+00> : vector<256x128xf32>
    %dot_general3A_10 = tpu.matmul %convert_element_type3A_3, %get3A_9, %dot_general3A {dimension_numbers = #tpu.dot_dimension_numbers<[1], [0], [0], [1], [0, 0, 1, 1], [], []>, precision = #tpu.contract_precision<fp32>, transpose_lhs_hint = false} : vector<256x10000xf32>, vector<10000x128xf32>, vector<256x128xf32> -> vector<256x128xf32>
    %div3A = vector.broadcast %max3A_6 : vector<256x1xf32> to vector<256x128xf32>
    %div3A_11 = arith.divf %dot_general3A_10, %div3A : vector<256x128xf32>
    %get3A_12 = arith.constant 0 : index
    %get3A_13 = arith.constant 0 : index
    %get3A_14 = vector.load %arg2[%get3A_12, %get3A_13] : memref<128x64xf32, #tpu.memory_space<vmem>>, vector<128x64xf32>
    %dot_general3A_15 = arith.constant dense<0.000000e+00> : vector<256x64xf32>
    %dot_general3A_16 = tpu.matmul %div3A_11, %get3A_14, %dot_general3A_15 {dimension_numbers = #tpu.dot_dimension_numbers<[1], [0], [0], [1], [0, 0, 1, 1], [], []>, transpose_lhs_hint = false} : vector<256x128xf32>, vector<128x64xf32>, vector<256x64xf32> -> vector<256x64xf32>
    %get3A_17 = arith.constant 0 : index
    %get3A_18 = arith.constant 0 : index
    %get3A_19 = vector.load %arg3[%get3A_17, %get3A_18] : memref<1x64xf32, #tpu.memory_space<vmem>>, vector<1x64xf32>
    %add3A = vector.broadcast %get3A_19 : vector<1x64xf32> to vector<256x64xf32>
    %add3A_20 = arith.addf %dot_general3A_16, %add3A : vector<256x64xf32>
    %max3A_21 = arith.constant 0.000000e+00 : f32
    %max3A_22 = vector.broadcast %max3A_21 : f32 to vector<256x64xf32>
    %max3A_23 = arith.maximumf %add3A_20, %max3A_22 : vector<256x64xf32>
    %get3A_24 = arith.constant 0 : index
    %get3A_25 = arith.constant 0 : index
    %get3A_26 = vector.load %arg4[%get3A_24, %get3A_25] : memref<64x1xf32, #tpu.memory_space<vmem>>, vector<64x1xf32>
    %dot_general3A_27 = arith.constant dense<0.000000e+00> : vector<256x1xf32>
    %dot_general3A_28 = tpu.matmul %max3A_23, %get3A_26, %dot_general3A_27 {dimension_numbers = #tpu.dot_dimension_numbers<[1], [0], [0], [1], [0, 0, 1, 1], [], []>, transpose_lhs_hint = false} : vector<256x64xf32>, vector<64x1xf32>, vector<256x1xf32> -> vector<256x1xf32>
    %get3A_29 = arith.constant 0 : index
    %get3A_30 = arith.constant 0 : index
    %get3A_31 = vector.load %arg5[%get3A_29, %get3A_30] : memref<1x1xf32, #tpu.memory_space<vmem>>, vector<1x1xf32>
    %add3A_32 = vector.broadcast %get3A_31 : vector<1x1xf32> to vector<256x1xf32>
    %add3A_33 = arith.addf %dot_general3A_28, %add3A_32 : vector<256x1xf32>
    %swap3A = arith.constant 0 : index
    %swap3A_34 = arith.constant 0 : index
    %swap3A_35 = vector.load %arg6[%swap3A, %swap3A_34] : memref<256x1xf32, #tpu.memory_space<vmem>>, vector<256x1xf32>
    tpu.vector_store %arg6[%swap3A, %swap3A_34], %add3A_33 {strides = array<i32>} : memref<256x1xf32, #tpu.memory_space<vmem>>, vector<256x1xf32>,
    return
  }
}

</mosaic_0001>

<sc_bundles>
// kernel: kernel.14.cloned.1.call-start
scs
__scs_entry_jumppad:
0x0: {  	(pc) =	sbr.rel $0x88, $3  }
0x1: {  	(tag) =	ssettag $0x0;
	lr =	simm.s32 $0x1  }
0x2: {  	[smem:$0x3F8F] =	sst lr;
	_ =	strace $0xD0000000  }
0x3: {  	_ = 	snop  }
0x4: {  	_ = 	snop  }
0x5: {  	_ = 	snop  }
0x6: {  	_ = 	snop  }
0x7: {  	_ = 	snop  }
__scs_overlays_trampoline_lowered:
0x8: {  	[smem:$0x3F9E] =	sst s0  }
0x9: {  	[smem:$0x3F9F] =	sst s1  }
0xa: {  	[smem:$0x3FA0] =	sst s2  }
0xb: {  	[smem:$0x3FA1] =	sst s3  }
0xc: {  	[smem:$0x3FA2] =	sst s4  }
0xd: {  	[smem:$0x3FA3] =	sst s5  }
0xe: {  	[smem:$0x3FA4] =	sst s6  }
0xf: {  	[smem:$0x3FA5] =	sst s7  }
0x10: {  	[smem:$0x3FA6] =	sst s8  }
0x11: {  	[smem:$0x3FA7] =	sst s9;
	s0 =	simm.s32 @!p0 $0x0  }
0x12: {  	s1 =	sld [smem:$0x3F8D];
	s0 =	simm.s32 @p0 $0x1  }
0x13: {  	[smem:$0x3FA8] =	sst s0;
	s0 =	simm.s32 @!p1 $0x0  }
0x14: {  	s2 =	sld [smem:$0x3F8C];
	s0 =	simm.s32 @p1 $0x1  }
0x15: {  	[smem:$0x3FA9] =	sst s0;
	s0 =	simm.s32 @!p2 $0x0  }
0x16: {  	s3 =	sld [smem:$0x3FDB];
	s0 =	simm.s32 @p2 $0x1  }
0x17: {  	s4 =	simm.s32 $0x1BF5;
	[smem:$0x3FAB] =	sst s0  }
0x18: {  	s0 =	sld [smem:$0x3F8E];
	_ =	swait.ge [sflag:s4], $0x0  }
0x19: {  	s7 =	sld [smem:$0x3F8F]  }
0x1a: {  	s8 =	sadd.s32 $0xFFFFE003, lr  }
0x1b: {  	s9 =	sadd.s32 $0xFFFFFEF7, lr;
	s5 =	simm.s32 $0xFFFFFFFF;
	p2 =	slt.u32 s8, $0xFFFFF086  }
0x1c: {  	p1 =	slt.u32 s9, $0xF7A;
	s5 =	simm.s32 @!p2 $0x0  }
0x1d: {  	s5 =	simm.s32 @p1 $0x1;
	p0 =	seq.s32 s7, s2  }
0x1e: {  	s7 =	smul.u32 @!p0 $0xF7A, s2;
	p2 =	seq.s32 @!p0 s5, $0x0  }
0x1f: {  	s9 =	smul.u32 $0xF7A, s1;
	s8 =	simm.s32 @!p0 $0x1BF5;
	p2 =	por !p2, p0  }
0x20: {  	[sflag:s8] =	ssyncset.s32 @!p0 $0xFFFFF086;
	s6 =	sadd.s32 @!p0 s3, s7;
	s7 =	simm.s32 @!p0 $0x108  }
0x21: {  	s3 =	sadd.s32 s3, s9;
	s6 =	sadd.s32 @!p0 $0x88, s6;
	s7 =	simm.s32 @p2 $0x1082  }
0x22: {  	[simem:s7], [sflag:s8] =	dma.local @!p0 [hbm:s6], $0xF7A  }
0x23: {  	s9 =	sor.u32 $0xD0000000, s2;
	s6 =	simm.s32 $0x108;
	_ =	swait.ge @!p0 [sflag:s8], $0x0  }
0x24: {  	s3 =	sadd.s32 $0x88, s3;
	s6 =	simm.s32 @!p1 $0x1082;
	[sflag:s4] =	ssyncset.s32 $0xFFFFF086  }
0x25: {  	[simem:s6], [sflag:s4] =	dma.local [hbm:s3], $0xF7A  }
0x26: {  	[smem:$0x3F8F] =	sst s1;
	(tag) =	ssettag s2;
	_ =	strace s9  }
0x27: {  	s1 =	sld [smem:$0x3F9F]  }
0x28: {  	s2 =	sld [smem:$0x3FA0]  }
0x29: {  	s4 =	sld [smem:$0x3FA2]  }
0x2a: {  	p0 =	seq.s32 s5, $0x0;
	s5 =	sld [smem:$0x3FA3]  }
0x2b: {  	s6 =	sld [smem:$0x3FA4]  }
0x2c: {  	s7 =	sld [smem:$0x3FA5]  }
0x2d: {  	s3 =	simm.s32 $0x108;
	s8 =	sld [smem:$0x3FA6]  }
0x2e: {  	s3 =	simm.s32 @!p0 $0x1082;
	s9 =	sld [smem:$0x3FA7]  }
0x2f: {  	lr =	sadd.s32 s0, s3;
	s0 =	sld [smem:$0x3F9E]  }
0x30: {  	s3 =	sld [smem:$0x3FA1]  }
0x31: {  	[smem:$0x3FAA] =	sst s10  }
0x32: {  	s10 =	sld [smem:$0x3FA8];
	_ =	sdelay $0x3  }
0x33: {  	p0 =	seq.s32 s10, $0x1;
	s10 =	sld [smem:$0x3FAA];
	_ =	sdelay $0x3  }
0x34: {  	[smem:$0x3FAA] =	sst s10  }
0x35: {  	s10 =	sld [smem:$0x3FA9];
	_ =	sdelay $0x3  }
0x36: {  	p1 =	seq.s32 s10, $0x1;
	s10 =	sld [smem:$0x3FAA];
	_ =	sdelay $0x3  }
0x37: {  	[smem:$0x3FAA] =	sst s10  }
0x38: {  	s10 =	sld [smem:$0x3FAB]  }
0x39: {  	_ = 	snop;
	(pc) =	sbr.ind lr, $3  }
0x3a: {  	_ = 	snop  }
0x3b: {  	_ = 	snop  }
0x3c: {  	p2 =	seq.s32 s10, $0x1;
	s10 =	sld [smem:$0x3FAA]  }
0x3d: {  	_ =	shalt  }
0x3e: {  	_ =	shalt  }
0x3f: {  	_ =	shalt  }
0x40: {  	_ =	shalt  }
0x41: {  	_ =	shalt  }
0x42: {  	_ =	shalt  }
0x43: {  	_ =	shalt  }
0x44: {  	_ =	shalt  }
0x45: {  	_ =	shalt  }
0x46: {  	_ =	shalt  }
0x47: {  	_ =	shalt  }
0x48: {  	_ =	shalt  }
0x49: {  	_ =	shalt  }
0x4a: {  	_ =	shalt  }
0x4b: {  	_ =	shalt  }
0x4c: {  	_ =	shalt  }
0x4d: {  	_ =	shalt  }
0x4e: {  	_ =	shalt  }
0x4f: {  	_ =	shalt  }
0x50: {  	_ =	shalt  }
0x51: {  	_ =	shalt  }
0x52: {  	_ =	shalt  }
0x53: {  	_ =	shalt  }
0x54: {  	_ =	shalt  }
0x55: {  	_ =	shalt  }
0x56: {  	_ =	shalt  }
0x57: {  	_ =	shalt  }
0x58: {  	_ =	shalt  }
0x59: {  	_ =	shalt  }
0x5a: {  	_ =	shalt  }
0x5b: {  	_ =	shalt  }
0x5c: {  	_ =	shalt  }
0x5d: {  	_ =	shalt  }
0x5e: {  	_ =	shalt  }
0x5f: {  	_ =	shalt  }
0x60: {  	_ =	shalt  }
0x61: {  	_ =	shalt  }
0x62: {  	_ =	shalt  }
0x63: {  	_ =	shalt  }
0x64: {  	_ =	shalt  }
0x65: {  	_ =	shalt  }
0x66: {  	_ =	shalt  }
0x67: {  	_ =	shalt  }
0x68: {  	_ =	shalt  }
0x69: {  	_ =	shalt  }
0x6a: {  	_ =	shalt  }
0x6b: {  	_ =	shalt  }
0x6c: {  	_ =	shalt  }
0x6d: {  	_ =	shalt  }
0x6e: {  	_ =	shalt  }
0x6f: {  	_ =	shalt  }
0x70: {  	_ =	shalt  }
0x71: {  	_ =	shalt  }
0x72: {  	_ =	shalt  }
0x73: {  	_ =	shalt  }
0x74: {  	_ =	shalt  }
0x75: {  	_ =	shalt  }
0x76: {  	_ =	shalt  }
0x77: {  	_ =	shalt  }
0x78: {  	_ =	shalt  }
0x79: {  	_ =	shalt  }
0x7a: {  	_ =	shalt  }
0x7b: {  	_ =	shalt  }
0x7c: {  	_ =	shalt  }
0x7d: {  	_ =	shalt  }
0x7e: {  	_ =	shalt  }
0x7f: {  	_ =	shalt  }
0x80: {  	_ =	shalt  }
0x81: {  	_ =	shalt  }
0x82: {  	_ =	shalt  }
0x83: {  	_ =	shalt  }
0x84: {  	_ =	shalt  }
0x85: {  	_ =	shalt  }
0x86: {  	_ =	shalt  }
0x87: {  	_ =	shalt  }
.Lfunc_end0:
.L_simem_size_0:
called_computation_lowered:
.L_overlay_start_0:
0x88: {  	s2 =	sld [smem:$0x3FD9]  }
0x89: {  	s3 =	sld [smem:$0x3FFE];
	_ =	sdelay $0x1  }
0x8a: {  	s1 =	srdreg.scid  }
0x8b: {  	s0 =	sand.u32 $0x1, s1  }
0x8c: {  	s16 =	sshll.u32 s0, $0xA;
	s2 =	sadd.s32 s3, s2  }
0x8d: {  	s2 =	sadd.s32 s2, s16  }
0x8e: {  	[smem:$0x3FB6] =	sst s2  }
0x8f: {  	_ = 	snop  }
0x90: {  	(tm) =	ssettm $0x1  }
0x91: {  	s17 =	sld [smem:$0x3FFB];
	_ =	sdelay $0x3  }
0x92: {  	_ =	strace s17  }
0x93: {  	s2 =	sld [smem:$0x3FFC];
	_ =	sdelay $0x3  }
0x94: {  	_ =	strace s2  }
0x95: {  	s2 =	sld [smem:$0x3FFD];
	_ =	sdelay $0x3  }
0x96: {  	_ =	strace s2  }
0x97: {  	_ =	strace $0x8FFFFFFF  }
0x98: {  	s18 =	sld [smem:$0x3FDB];
	_ =	sdelay $0x1  }
0x99: {  	s19 =	simm.s32 $_scs_section_size  }
0x9a: {  	s4 =	simm.s32 $_size__tile_overlayer_lowered;
	s5 =	simm.s32 $_tile_overlayer_lowered  }
0x9b: {  	s22 =	simm.s32 $0x1BFF;
	s21 =	sshll.u32 s5, $0x1;
	s2 =	sadd.s32 s19, s18  }
0x9c: {  	s6 =	simm.s32 $0x0;
	s20 =	sshll.u32 s4, $0x1;
	s4 =	sadd.s32 s21, s2  }
0x9d: {  	[timem:s6], [sflag:s22] =	dma.local [hbm:s4], s20  }
0x9e: {  	_ =	swait.ge [sflag:s22], s20  }
0x9f: {  	s3 =	ssub.s32 $0x0, s20;
	[sflag:s22] =	ssyncset.done $0x0  }
0xa0: {  	[sflag:s22] =	ssyncadd.s32 s3;
	_ =	sdelay $0x1  }
0xa1: {  	s23 =	simm.s32 $0x1B8B  }
0xa2: {  	_ =	swait.ge [sflag:s23], $0x1  }
0xa3: {  	[sflag:s23] =	ssyncset.done $0x0  }
0xa4: {  	s25 =	simm.s32 $0x1B8E;
	s24 =	sld [smem:$0x3FFE];
	[sflag:s23] =	ssyncadd.s32 $0xFFFFFFFF  }
0xa5: {  	s26 =	simm.s32 $execute0_lowered;
	[smem:$0x3FD2] =	sst s25  }
0xa6: {  	s4 =	sshll.u32 s26, $0x1;
	_ =	strace $0x80000046;
	[dreg:$0x1] =	wrdreg $0xFFFFFFFF  }
0xa7: {  	s28 =	simm.s32 $_size_execute0_lowered;
	s2 =	sadd.s32 s2, s4;
	[dreg:$0x0] =	wrdreg $0x0  }
0xa8: {  	s4 =	sshll.u32 s28, $0x1;
	[dreg:$0x2] =	wrdreg s2  }
0xa9: {  	[dreg:$0x3] =	wrdreg s4  }
0xaa: {  	[dreg:$0x4] =	wrdreg $0xC0  }
0xab: {  	_ =	task [dreg:s6], $0x5FFFF  }
0xac: {  	[dreg:$0x1] =	wrdreg $0xFFFFFFFF  }
0xad: {  	[dreg:$0x0] =	wrdreg $0x60  }
0xae: {  	[dreg:$0x2] =	wrdreg s24  }
0xaf: {  	[dreg:$0x3] =	wrdreg $0xB3000  }
0xb0: {  	[dreg:$0x4] =	wrdreg $0x9  }
0xb1: {  	_ =	task.clear_ibuf [dreg:s6], $0x5FFFF;
	_ =	strace $0x90000046  }
0xb2: {  	s29 =	simm.s32 $0x9;
	_ =	strace $0x80000048  }
0xb3: {  	_ =	swait.ge [sflag:s29], $0x1  }
0xb4: {  	[sflag:s29] =	ssyncadd.s32 $0xFFFFFFFF  }
0xb5: {  	_ =	strace $0x90000048  }
0xb6: {  	_ =	sfence  }
0xb7: {  	s30 =	sld [smem:$0x0];
	_ =	sdelay $0x2  }
0xb8: {  	s31 =	sshll.u32 s1, $0xD;
	s1 =	sshrl.u32 s1, $0x2  }
0xb9: {  	s3 =	sand.u32 $0x4000, s31;
	s1 =	sadd.s32 s1, s30  }
0xba: {  	s0 =	sor.u32 s3, s0;
	s1 =	sshll.u32 s1, $0x11  }
0xbb: {  	s0 =	sor.u32 s1, s0  }
0xbc: {  	s0 =	sadd.s32 $0x8F2B, s0  }
0xbd: {  	[sflag:s0] =	ssyncadd.remote.s32 $0x1  }
0xbe: {  	_ =	sfence.sel $0xFFFF  }
0xbf: {  	[dreg:$0x0] =	wrdreg $0xFFFFFFFF;
	(pc) =	sbr.abs _section_cstart, $3  }
0xc0: {  	[dreg:$0x1] =	wrdreg $0xFFFFFFFF  }
0xc1: {  	_ =	task.clear_ibuf [dreg:s6], $0x2FFFF;
	_ =	strace $0x9FFFFFFF  }
0xc2: {  	(tm) =	ssettm $0x7FFFFFFF  }
0xc3: {  	_ =	shalt  }
tec
execute0_lowered:
.L_overlay_start_1:
0x0: {  	(tag) =	ssettag $0x1  }
0x1: {  	s0 =	rddreg [dreg:$0x0]  }
0x2: {  	s1 =	rddreg [dreg:$0x1]  }
0x3: {  	s2 =	srdreg.scid;
	s12 =	stileid.u32  }
0x4: {  	s17 =	simm.s32 $0x4F00;
	s18 =	simm.s32 $0x6300;
	s20 =	simm.s32 $0x7700  }
0x5: {  	s28 =	simm.s32 $0x3;
	s29 =	simm.s32 $0x4;
	s30 =	simm.s32 $0x5  }
0x6: {  	s19 =	simm.s32 $0x4E40;
	s21 =	simm.s32 $0x4E68;
	s8 =	smul.u32 $0x2700, s12  }
0x7: {  	s6 =	sand.u32 $0x1, s2;
	s2 =	simm.s32 $0x0;
	s9 =	smul.u32 $0x4E000, s12  }
0x8: {  	s11 =	sadd.s32 $0x67400, s0;
	s16 =	sadd.s32 $0x138000, s1;
	p0 =	sne.s32 s12, $0x0  }
0x9: {  	s31 =	sshll.u32 s12, $0x6;
	s3 =	sshll.u32 s6, $0x4;
	s14 =	smul.u32 $0x138800, s6  }
0xa: {  	[smem:$0x7FF] =	sst s2;
	s5 =	ssub.s32 $0x2, s6;
	s23 =	smul.u32 $0x27100, s6  }
0xb: {  	s3 =	sor.u32 s12, s3;
	_ =	strace $0x80000047;
	s22 =	sshrl.u32 s5, $0x1  }
0xc: {  	s10 =	sadd.s32 s8, s0;
	s9 =	sshrl.u32 s9, $0x2;
	s4 =	smul.u32 $0x4E2, s3  }
0xd: {  	s3 =	sadd.s32 $0x19000, s0;
	s13 =	ssub.s32 s5, s22;
	s15 =	sadd.s32 s9, s1  }
0xe: {  	s6 =	sadd.s32 $0x40200, s10;
	s24 =	sshrl.u32 s14, $0x3;
	s25 =	sadd.s32 s8, s23  }
0xf: {  	s22 =	simm.s32 $0x8B00;
	s23 =	simm.s32 $0x0;
	s26 =	sadd.s32 s11, s24  }
0x10: {  	s8 =	sadd.s32 s11, s25;
	s10 =	smax.u32 s13, $0x1;
	s11 =	simm.s32 $0x6  }
0x11: {  	s13 =	sor.u32 $0x1C06, s31;
	s14 =	sshrl.u32 s15, $0x3;
	s15 =	sshrl.u32 @!p0 s16, $0x3  }
0x12: {  	s16 =	simm.s32 $0x28;
	s24 =	simm.s32 $0x9F00;
	s25 =	simm.s32 $0x1  }
0x13: {  	s7 =	sadd.s32 s4, s0;
	s9 =	sadd.s32 $0x27000, s26;
	s26 =	simm.s32 $0x2  }
0x14: {  	s4 =	sadd.s32 $0xF200, s7;
	s5 =	sadd.s32 $0x5400, s7;
	s7 =	sadd.s32 $0x67200, s0  }
.LBB2_1:
0x15: {  	[tilespmem:s2], [sflag:$0x6] =	stream.linear.gather [hbm4b:s4+s2], $0x2710, $0x38;
	[tilespmem:$0x1EB80] =	vst v63  }
0x16: {  	_ =	swait.ge [sflag:s11], $0x2710  }
0x17: {  	[sflag:s11] =	ssyncset.done $0x0  }
0x18: {  	s0 =	simm.s32 $0x2780;
	[sflag:s11] =	ssyncadd.s32 $0xFFFFD8F0  }
0x19: {  	[tilespmem:s0], [sflag:$0x6] =	stream.linear.gather [hbm4b:s5+s2], $0x2710, $0x38;
	[tilespmem:$0x1EB80] =	vst v63  }
0x1a: {  	_ =	swait.ge [sflag:s11], $0x2710  }
0x1b: {  	[sflag:s11] =	ssyncset.done $0x0  }
0x1c: {  	[sflag:s11] =	ssyncadd.s32 $0xFFFFD8F0  }
0x1d: {  	[spmem:s14], [sflag:s13] =	dma.local [hbm:s6], $0x2700  }
0x1e: {  	_ =	swait.ge [sflag:s11], $0x2700  }
0x1f: {  	[sflag:s11] =	ssyncset.done $0x0  }
0x20: {  	s0 =	simm.s32 @!p0 $0x6;
	[sflag:s11] =	ssyncadd.s32 $0xFFFFD900  }
0x21: {  	[spmem:s15], [sflag:s13] =	dma.local @!p0 [hbm:s7], $0x100  }
0x22: {  	_ =	swait.ge @!p0 [sflag:s0], $0x100  }
0x23: {  	[sflag:s0] =	ssyncset.done @!p0 $0x0  }
0x24: {  	[sflag:s0] =	ssyncadd.s32 @!p0 $0xFFFFFF00  }
0x25: {  	[tilespmem:s17], [sflag:$0x1] =	stream.indirect.gather [hbm4b:s3+s16], $0x80, s2, s16, $0xb8;
	[tilespmem:$0x1EB80] =	vst v63  }
0x26: {  	_ = 	snop  }
0x27: {  	[tilespmem:s18], [sflag:$0x2] =	stream.indirect.gather [hbm4b:s3+s16], $0x80, s16, s16, $0xb8;
	[tilespmem:$0x1EB80] =	vst v63  }
0x28: {  	s12 =	simm.s32 $0x50  }
0x29: {  	[tilespmem:s20], [sflag:$0x3] =	stream.indirect.gather [hbm4b:s3+s16], $0x80, s12, s16, $0xb8;
	[tilespmem:$0x1EB80] =	vst v63  }
0x2a: {  	s12 =	simm.s32 $0x78  }
0x2b: {  	[tilespmem:s22], [sflag:$0x4] =	stream.indirect.gather [hbm4b:s3+s16], $0x80, s12, s16, $0xb8;
	[tilespmem:$0x1EB80] =	vst v63  }
0x2c: {  	s12 =	simm.s32 $0xA0  }
0x2d: {  	[tilespmem:s24], [sflag:$0x5] =	stream.indirect.gather [hbm4b:s3+s16], $0x80, s12, s16, $0xb8;
	[tilespmem:$0x1EB80] =	vst v63  }
0x2e: {  	[bflag:$0x0] =	sbarrier.arrive $0xFFFF  }
0x2f: {  	_ =	swait.ge [sflag:s25], $0x1400  }
0x30: {  	[sflag:s25] =	ssyncset.done $0x0  }
0x31: {  	s12 =	simm.s32 $0x2780;
	[sflag:s25] =	ssyncadd.s32 $0xFFFFEC00  }
0x32: {  	[spmem:s1] =	stream.indirect.scatter.add.f32 [tilespmem:s17], [sflag:$0x6], $0x80, s12, s16, $0xb8;
	[tilespmem:$0x1EB80] =	vst v63  }
0x33: {  	_ =	swait.ge [sflag:s11], $0x1400  }
0x34: {  	[sflag:s11] =	ssyncset.done $0x0  }
0x35: {  	s12 =	simm.s32 $0xC8;
	[sflag:s11] =	ssyncadd.s32 $0xFFFFEC00  }
0x36: {  	[tilespmem:s17], [sflag:$0x1] =	stream.indirect.gather [hbm4b:s3+s16], $0x80, s12, s16, $0xb8;
	[tilespmem:$0x1EB80] =	vst v63  }
0x37: {  	_ =	swait.ge [sflag:s26], $0x1400  }
0x38: {  	[sflag:s26] =	ssyncset.done $0x0  }
0x39: {  	s12 =	simm.s32 $0x27A8;
	[sflag:s26] =	ssyncadd.s32 $0xFFFFEC00  }
0x3a: {  	[spmem:s1] =	stream.indirect.scatter.add.f32 [tilespmem:s18], [sflag:$0x6], $0x80, s12, s16, $0xb8;
	[tilespmem:$0x1EB80] =	vst v63  }
0x3b: {  	_ =	swait.ge [sflag:s11], $0x1400  }
0x3c: {  	[sflag:s11] =	ssyncset.done $0x0  }
0x3d: {  	s12 =	simm.s32 $0xF0;
	[sflag:s11] =	ssyncadd.s32 $0xFFFFEC00  }
0x3e: {  	[tilespmem:s18], [sflag:$0x2] =	stream.indirect.gather [hbm4b:s3+s16], $0x80, s12, s16, $0xb8;
	[tilespmem:$0x1EB80] =	vst v63  }
0x3f: {  	_ =	swait.ge [sflag:s28], $0x1400  }
0x40: {  	[sflag:s28] =	ssyncset.done $0x0  }
0x41: {  	s12 =	simm.s32 $0x27D0;
	[sflag:s28] =	ssyncadd.s32 $0xFFFFEC00  }
0x42: {  	[spmem:s1] =	stream.indirect.scatter.add.f32 [tilespmem:s20], [sflag:$0x6], $0x80, s12, s16, $0xb8;
	[tilespmem:$0x1EB80] =	vst v63  }
0x43: {  	_ =	swait.ge [sflag:s11], $0x1400  }
0x44: {  	[sflag:s11] =	ssyncset.done $0x0  }
0x45: {  	s12 =	simm.s32 $0x118;
	[sflag:s11] =	ssyncadd.s32 $0xFFFFEC00  }
0x46: {  	[tilespmem:s20], [sflag:$0x3] =	stream.indirect.gather [hbm4b:s3+s16], $0x80, s12, s16, $0xb8;
	[tilespmem:$0x1EB80] =	vst v63  }
0x47: {  	_ =	swait.ge [sflag:s29], $0x1400  }
0x48: {  	[sflag:s29] =	ssyncset.done $0x0  }
0x49: {  	s12 =	simm.s32 $0x27F8;
	[sflag:s29] =	ssyncadd.s32 $0xFFFFEC00  }
0x4a: {  	[spmem:s1] =	stream.indirect.scatter.add.f32 [tilespmem:s22], [sflag:$0x6], $0x80, s12, s16, $0xb8;
	[tilespmem:$0x1EB80] =	vst v63  }
0x4b: {  	_ =	swait.ge [sflag:s11], $0x1400  }
0x4c: {  	[sflag:s11] =	ssyncset.done $0x0  }
0x4d: {  	s12 =	simm.s32 $0x140;
	[sflag:s11] =	ssyncadd.s32 $0xFFFFEC00  }
0x4e: {  	[tilespmem:s22], [sflag:$0x4] =	stream.indirect.gather [hbm4b:s3+s16], $0x80, s12, s16, $0xb8;
	[tilespmem:$0x1EB80] =	vst v63  }
0x4f: {  	_ =	swait.ge [sflag:s30], $0x1400  }
0x50: {  	[sflag:s30] =	ssyncset.done $0x0  }
0x51: {  	s12 =	simm.s32 $0x2820;
	[sflag:s30] =	ssyncadd.s32 $0xFFFFEC00  }
0x52: {  	[spmem:s1] =	stream.indirect.scatter.add.f32 [tilespmem:s24], [sflag:$0x6], $0x80, s12, s16, $0xb8;
	[tilespmem:$0x1EB80] =	vst v63  }
0x53: {  	_ =	swait.ge [sflag:s11], $0x1400  }
0x54: {  	[sflag:s11] =	ssyncset.done $0x0  }
0x55: {  	s31 =	simm.s32 $0x320;
	s0 =	simm.s32 $0x168;
	[sflag:s11] =	ssyncadd.s32 $0xFFFFEC00  }
.LBB2_2:
0x56: {  	[tilespmem:s24], [sflag:$0x5] =	stream.indirect.gather [hbm4b:s3+s16], $0x80, s0, s16, $0xb8;
	[tilespmem:$0x1EB80] =	vst v63  }
0x57: {  	s0 =	smov.u32 s31  }
0x58: {  	p1 =	sne.s32 s31, $0x9600;
	s31 =	sadd.s32 $0x320, s31;
	_ =	swait.ge [sflag:s25], $0x1400  }
0x59: {  	s0 =	sshra.s32 s0, $0x2;
	[sflag:s25] =	ssyncset.done $0x0  }
0x5a: {  	s12 =	sadd.s32 $0x2780, s0;
	[sflag:s25] =	ssyncadd.s32 $0xFFFFEC00  }
0x5b: {  	[spmem:s1] =	stream.indirect.scatter.add.f32 [tilespmem:s17], [sflag:$0x6], $0x80, s12, s16, $0xb8;
	[tilespmem:$0x1EB80] =	vst v63  }
0x5c: {  	_ =	swait.ge [sflag:s11], $0x1400  }
0x5d: {  	[sflag:s11] =	ssyncset.done $0x0  }
0x5e: {  	s12 =	sadd.s32 $0xC8, s0;
	[sflag:s11] =	ssyncadd.s32 $0xFFFFEC00  }
0x5f: {  	[tilespmem:s17], [sflag:$0x1] =	stream.indirect.gather [hbm4b:s3+s16], $0x80, s12, s16, $0xb8;
	[tilespmem:$0x1EB80] =	vst v63  }
0x60: {  	_ =	swait.ge [sflag:s26], $0x1400  }
0x61: {  	[sflag:s26] =	ssyncset.done $0x0  }
0x62: {  	s12 =	sadd.s32 $0x27A8, s0;
	[sflag:s26] =	ssyncadd.s32 $0xFFFFEC00  }
0x63: {  	[spmem:s1] =	stream.indirect.scatter.add.f32 [tilespmem:s18], [sflag:$0x6], $0x80, s12, s16, $0xb8;
	[tilespmem:$0x1EB80] =	vst v63  }
0x64: {  	_ =	swait.ge [sflag:s11], $0x1400  }
0x65: {  	[sflag:s11] =	ssyncset.done $0x0  }
0x66: {  	s12 =	sadd.s32 $0xF0, s0;
	[sflag:s11] =	ssyncadd.s32 $0xFFFFEC00  }
0x67: {  	[tilespmem:s18], [sflag:$0x2] =	stream.indirect.gather [hbm4b:s3+s16], $0x80, s12, s16, $0xb8;
	[tilespmem:$0x1EB80] =	vst v63  }
0x68: {  	_ =	swait.ge [sflag:s28], $0x1400  }
0x69: {  	[sflag:s28] =	ssyncset.done $0x0  }
0x6a: {  	s12 =	sadd.s32 $0x27D0, s0;
	[sflag:s28] =	ssyncadd.s32 $0xFFFFEC00  }
0x6b: {  	[spmem:s1] =	stream.indirect.scatter.add.f32 [tilespmem:s20], [sflag:$0x6], $0x80, s12, s16, $0xb8;
	[tilespmem:$0x1EB80] =	vst v63  }
0x6c: {  	_ =	swait.ge [sflag:s11], $0x1400  }
0x6d: {  	[sflag:s11] =	ssyncset.done $0x0  }
0x6e: {  	s12 =	sadd.s32 $0x118, s0;
	[sflag:s11] =	ssyncadd.s32 $0xFFFFEC00  }
0x6f: {  	[tilespmem:s20], [sflag:$0x3] =	stream.indirect.gather [hbm4b:s3+s16], $0x80, s12, s16, $0xb8;
	[tilespmem:$0x1EB80] =	vst v63  }
0x70: {  	_ =	swait.ge [sflag:s29], $0x1400  }
0x71: {  	[sflag:s29] =	ssyncset.done $0x0  }
0x72: {  	s12 =	sadd.s32 $0x27F8, s0;
	[sflag:s29] =	ssyncadd.s32 $0xFFFFEC00  }
0x73: {  	[spmem:s1] =	stream.indirect.scatter.add.f32 [tilespmem:s22], [sflag:$0x6], $0x80, s12, s16, $0xb8;
	[tilespmem:$0x1EB80] =	vst v63  }
0x74: {  	_ =	swait.ge [sflag:s11], $0x1400  }
0x75: {  	[sflag:s11] =	ssyncset.done $0x0  }
0x76: {  	s12 =	sadd.s32 $0x140, s0;
	[sflag:s11] =	ssyncadd.s32 $0xFFFFEC00  }
0x77: {  	[tilespmem:s22], [sflag:$0x4] =	stream.indirect.gather [hbm4b:s3+s16], $0x80, s12, s16, $0xb8;
	[tilespmem:$0x1EB80] =	vst v63  }
0x78: {  	_ =	swait.ge [sflag:s30], $0x1400  }
0x79: {  	[sflag:s30] =	ssyncset.done $0x0  }
.Ltmp0:
0x7a: {  	s12 =	sadd.s32 $0x2820, s0;
	[sflag:s30] =	ssyncadd.s32 $0xFFFFEC00;
	(pc) =	sbr.rel @p1 .LBB2_2-.Ltmp0, $4  }
0x7b: {  	[spmem:s1] =	stream.indirect.scatter.add.f32 [tilespmem:s24], [sflag:$0x6], $0x80, s12, s16, $0xb8;
	[tilespmem:$0x1EB80] =	vst v63  }
0x7c: {  	_ =	swait.ge [sflag:s11], $0x1400  }
0x7d: {  	[sflag:s11] =	ssyncset.done $0x0  }
0x7e: {  	s0 =	sadd.s32 $0x168, s0;
	[sflag:s11] =	ssyncadd.s32 $0xFFFFEC00  }
0x7f: {  	[tilespmem:s24], [sflag:$0x5] =	stream.indirect.gather [hbm4b:s3+s16], $0x80, s0, s16, $0xb8;
	[tilespmem:$0x1EB80] =	vst v63  }
0x80: {  	_ =	swait.ge [sflag:s25], $0x1400  }
0x81: {  	[sflag:s25] =	ssyncset.done $0x0  }
0x82: {  	s31 =	simm.s32 $0x4DC8;
	[sflag:s25] =	ssyncadd.s32 $0xFFFFEC00  }
0x83: {  	[spmem:s1] =	stream.indirect.scatter.add.f32 [tilespmem:s17], [sflag:$0x6], $0x80, s31, s16, $0xb8;
	[tilespmem:$0x1EB80] =	vst v63  }
0x84: {  	_ =	swait.ge [sflag:s11], $0x1400  }
0x85: {  	[sflag:s11] =	ssyncset.done $0x0  }
0x86: {  	[sflag:s11] =	ssyncadd.s32 $0xFFFFEC00  }
0x87: {  	_ =	swait.ge [sflag:s26], $0x1400  }
0x88: {  	[sflag:s26] =	ssyncset.done $0x0  }
0x89: {  	s12 =	simm.s32 $0x4DF0;
	[sflag:s26] =	ssyncadd.s32 $0xFFFFEC00  }
0x8a: {  	[spmem:s1] =	stream.indirect.scatter.add.f32 [tilespmem:s18], [sflag:$0x6], $0x80, s12, s16, $0xb8;
	[tilespmem:$0x1EB80] =	vst v63  }
0x8b: {  	_ =	swait.ge [sflag:s11], $0x1400  }
0x8c: {  	[sflag:s11] =	ssyncset.done $0x0  }
0x8d: {  	[sflag:s11] =	ssyncadd.s32 $0xFFFFEC00  }
0x8e: {  	_ =	swait.ge [sflag:s28], $0x1400  }
0x8f: {  	[sflag:s28] =	ssyncset.done $0x0  }
0x90: {  	s31 =	simm.s32 $0x4E18;
	[sflag:s28] =	ssyncadd.s32 $0xFFFFEC00  }
0x91: {  	[spmem:s1] =	stream.indirect.scatter.add.f32 [tilespmem:s20], [sflag:$0x6], $0x80, s31, s16, $0xb8;
	[tilespmem:$0x1EB80] =	vst v63  }
0x92: {  	_ =	swait.ge [sflag:s11], $0x1400  }
0x93: {  	[sflag:s11] =	ssyncset.done $0x0  }
0x94: {  	[sflag:s11] =	ssyncadd.s32 $0xFFFFEC00  }
0x95: {  	_ =	swait.ge [sflag:s29], $0x1400  }
0x96: {  	[sflag:s29] =	ssyncset.done $0x0  }
0x97: {  	[sflag:s29] =	ssyncadd.s32 $0xFFFFEC00  }
0x98: {  	[spmem:s1] =	stream.indirect.scatter.add.f32 [tilespmem:s22], [sflag:$0x6], $0x80, s19, s16, $0xb8;
	[tilespmem:$0x1EB80] =	vst v63  }
0x99: {  	_ =	swait.ge [sflag:s11], $0x1400  }
0x9a: {  	[sflag:s11] =	ssyncset.done $0x0  }
0x9b: {  	[sflag:s11] =	ssyncadd.s32 $0xFFFFEC00  }
0x9c: {  	_ =	swait.ge [sflag:s30], $0x1400  }
0x9d: {  	[sflag:s30] =	ssyncset.done $0x0  }
0x9e: {  	[sflag:s30] =	ssyncadd.s32 $0xFFFFEC00  }
0x9f: {  	[spmem:s1] =	stream.indirect.scatter.add.f32 [tilespmem:s24], [sflag:$0x6], $0x80, s21, s16, $0xb8;
	[tilespmem:$0x1EB80] =	vst v63  }
0xa0: {  	_ =	swait.ge [sflag:s11], $0x1400  }
0xa1: {  	[sflag:s11] =	ssyncset.done $0x0  }
0xa2: {  	[sflag:s11] =	ssyncadd.s32 $0xFFFFEC00  }
0xa3: {  	[bflag:$0x0] =	sbarrier.arrive $0xFFFF  }
0xa4: {  	[hbm:s8], [sflag:s13] =	dma.local [spmem:s14], $0x2700  }
0xa5: {  	s23 =	sadd.s32 $0x1, s23;
	_ =	swait.ge [sflag:s11], $0x2700  }
0xa6: {  	p1 =	sne.s32 s23, s10;
	[sflag:s11] =	ssyncset.done $0x0  }
.Ltmp1:
0xa7: {  	s0 =	simm.s32 @!p0 $0x6;
	[sflag:s11] =	ssyncadd.s32 $0xFFFFD900;
	(pc) =	sbr.rel @p1 .LBB2_1-.Ltmp1, $4  }
0xa8: {  	[hbm:s9], [sflag:s13] =	dma.local @!p0 [spmem:s15], $0x100  }
0xa9: {  	_ =	swait.ge @!p0 [sflag:s0], $0x100  }
0xaa: {  	[sflag:s0] =	ssyncset.done @!p0 $0x0  }
0xab: {  	[sflag:s0] =	ssyncadd.s32 @!p0 $0xFFFFFF00  }
0xac: {  	_ =	sfence.sel $0x180000  }
0xad: {  	[bflag:$0x0] =	sbarrier.arrive $0xFFFF  }
0xae: {  	_ =	strace $0x90000047  }
0xaf: {  	[bflag:$0x2] =	sbarrier.arrive $0xFFFF  }
0xb0: {  	s0 =	rddreg [dreg:$0x2]  }
0xb1: {  	s0 =	sadd.s32 @!p0 $0x100000, s0  }
0xb2: {  	[sflag:s0] =	ssyncadd.tile.s32 @!p0 $0x1;
	_ =	shalt  }
.Lfunc_end2:
_tile_overlayer_lowered:
.L_overlay_start_2:
0xb3: {  	(tag) =	ssettag $0x2  }
0xb4: {  	s0 =	rddreg [dreg:$0x0];
	s2 =	stileid.u32  }
0xb5: {  	s1 =	rddreg [dreg:$0x1];
	p0 =	sne.s32 s2, $0x0  }
0xb6: {  	s3 =	rddreg [dreg:$0x2];
	[bflag:$0x3] =	sbarrier.arrive $0xFFFF;
	s2 =	simm.s32 @!p0 $0x1C06  }
0xb7: {  	[timem:s3], [sflag:s2] =	dma.local @!p0 [hbm:s0], s1  }
0xb8: {  	s0 =	simm.s32 @!p0 $0x6  }
0xb9: {  	_ =	swait.ge @!p0 [sflag:s0], s1  }
0xba: {  	s1 =	ssub.s32 @!p0 $0x0, s1;
	[sflag:s0] =	ssyncset.done @!p0 $0x0  }
0xbb: {  	[sflag:s0] =	ssyncadd.s32 @!p0 s1  }
0xbc: {  	[bflag:$0x3] =	sbarrier.arrive $0xFFFF  }
0xbd: {  	_ =	shalt  }

// kernel: kernel.17.cloned.1.call-start
scs
__scs_entry_jumppad:
0x0: {  	(pc) =	sbr.rel $0x88, $3  }
0x1: {  	(tag) =	ssettag $0x0;
	lr =	simm.s32 $0x1  }
0x2: {  	[smem:$0x3F8F] =	sst lr;
	_ =	strace $0xD0000000  }
0x3: {  	_ = 	snop  }
0x4: {  	_ = 	snop  }
0x5: {  	_ = 	snop  }
0x6: {  	_ = 	snop  }
0x7: {  	_ = 	snop  }
__scs_overlays_trampoline_lowered:
0x8: {  	[smem:$0x3F9E] =	sst s0  }
0x9: {  	[smem:$0x3F9F] =	sst s1  }
0xa: {  	[smem:$0x3FA0] =	sst s2  }
0xb: {  	[smem:$0x3FA1] =	sst s3  }
0xc: {  	[smem:$0x3FA2] =	sst s4  }
0xd: {  	[smem:$0x3FA3] =	sst s5  }
0xe: {  	[smem:$0x3FA4] =	sst s6  }
0xf: {  	[smem:$0x3FA5] =	sst s7  }
0x10: {  	[smem:$0x3FA6] =	sst s8  }
0x11: {  	[smem:$0x3FA7] =	sst s9;
	s0 =	simm.s32 @!p0 $0x0  }
0x12: {  	s1 =	sld [smem:$0x3F8D];
	s0 =	simm.s32 @p0 $0x1  }
0x13: {  	[smem:$0x3FA8] =	sst s0;
	s0 =	simm.s32 @!p1 $0x0  }
0x14: {  	s2 =	sld [smem:$0x3F8C];
	s0 =	simm.s32 @p1 $0x1  }
0x15: {  	[smem:$0x3FA9] =	sst s0;
	s0 =	simm.s32 @!p2 $0x0  }
0x16: {  	s3 =	sld [smem:$0x3FDB];
	s0 =	simm.s32 @p2 $0x1  }
0x17: {  	s4 =	simm.s32 $0x1BF5;
	[smem:$0x3FAB] =	sst s0  }
0x18: {  	s0 =	sld [smem:$0x3F8E];
	_ =	swait.ge [sflag:s4], $0x0  }
0x19: {  	s7 =	sld [smem:$0x3F8F]  }
0x1a: {  	s8 =	sadd.s32 $0xFFFFE003, lr  }
0x1b: {  	s9 =	sadd.s32 $0xFFFFFEF7, lr;
	s5 =	simm.s32 $0xFFFFFFFF;
	p2 =	slt.u32 s8, $0xFFFFF086  }
0x1c: {  	p1 =	slt.u32 s9, $0xF7A;
	s5 =	simm.s32 @!p2 $0x0  }
0x1d: {  	s5 =	simm.s32 @p1 $0x1;
	p0 =	seq.s32 s7, s2  }
0x1e: {  	s7 =	smul.u32 @!p0 $0xF7A, s2;
	p2 =	seq.s32 @!p0 s5, $0x0  }
0x1f: {  	s9 =	smul.u32 $0xF7A, s1;
	s8 =	simm.s32 @!p0 $0x1BF5;
	p2 =	por !p2, p0  }
0x20: {  	[sflag:s8] =	ssyncset.s32 @!p0 $0xFFFFF086;
	s6 =	sadd.s32 @!p0 s3, s7;
	s7 =	simm.s32 @!p0 $0x108  }
0x21: {  	s3 =	sadd.s32 s3, s9;
	s6 =	sadd.s32 @!p0 $0x88, s6;
	s7 =	simm.s32 @p2 $0x1082  }
0x22: {  	[simem:s7], [sflag:s8] =	dma.local @!p0 [hbm:s6], $0xF7A  }
0x23: {  	s9 =	sor.u32 $0xD0000000, s2;
	s6 =	simm.s32 $0x108;
	_ =	swait.ge @!p0 [sflag:s8], $0x0  }
0x24: {  	s3 =	sadd.s32 $0x88, s3;
	s6 =	simm.s32 @!p1 $0x1082;
	[sflag:s4] =	ssyncset.s32 $0xFFFFF086  }
0x25: {  	[simem:s6], [sflag:s4] =	dma.local [hbm:s3], $0xF7A  }
0x26: {  	[smem:$0x3F8F] =	sst s1;
	(tag) =	ssettag s2;
	_ =	strace s9  }
0x27: {  	s1 =	sld [smem:$0x3F9F]  }
0x28: {  	s2 =	sld [smem:$0x3FA0]  }
0x29: {  	s4 =	sld [smem:$0x3FA2]  }
0x2a: {  	p0 =	seq.s32 s5, $0x0;
	s5 =	sld [smem:$0x3FA3]  }
0x2b: {  	s6 =	sld [smem:$0x3FA4]  }
0x2c: {  	s7 =	sld [smem:$0x3FA5]  }
0x2d: {  	s3 =	simm.s32 $0x108;
	s8 =	sld [smem:$0x3FA6]  }
0x2e: {  	s3 =	simm.s32 @!p0 $0x1082;
	s9 =	sld [smem:$0x3FA7]  }
0x2f: {  	lr =	sadd.s32 s0, s3;
	s0 =	sld [smem:$0x3F9E]  }
0x30: {  	s3 =	sld [smem:$0x3FA1]  }
0x31: {  	[smem:$0x3FAA] =	sst s10  }
0x32: {  	s10 =	sld [smem:$0x3FA8];
	_ =	sdelay $0x3  }
0x33: {  	p0 =	seq.s32 s10, $0x1;
	s10 =	sld [smem:$0x3FAA];
	_ =	sdelay $0x3  }
0x34: {  	[smem:$0x3FAA] =	sst s10  }
0x35: {  	s10 =	sld [smem:$0x3FA9];
	_ =	sdelay $0x3  }
0x36: {  	p1 =	seq.s32 s10, $0x1;
	s10 =	sld [smem:$0x3FAA];
	_ =	sdelay $0x3  }
0x37: {  	[smem:$0x3FAA] =	sst s10  }
0x38: {  	s10 =	sld [smem:$0x3FAB]  }
0x39: {  	_ = 	snop;
	(pc) =	sbr.ind lr, $3  }
0x3a: {  	_ = 	snop  }
0x3b: {  	_ = 	snop  }
0x3c: {  	p2 =	seq.s32 s10, $0x1;
	s10 =	sld [smem:$0x3FAA]  }
0x3d: {  	_ =	shalt  }
0x3e: {  	_ =	shalt  }
0x3f: {  	_ =	shalt  }
0x40: {  	_ =	shalt  }
0x41: {  	_ =	shalt  }
0x42: {  	_ =	shalt  }
0x43: {  	_ =	shalt  }
0x44: {  	_ =	shalt  }
0x45: {  	_ =	shalt  }
0x46: {  	_ =	shalt  }
0x47: {  	_ =	shalt  }
0x48: {  	_ =	shalt  }
0x49: {  	_ =	shalt  }
0x4a: {  	_ =	shalt  }
0x4b: {  	_ =	shalt  }
0x4c: {  	_ =	shalt  }
0x4d: {  	_ =	shalt  }
0x4e: {  	_ =	shalt  }
0x4f: {  	_ =	shalt  }
0x50: {  	_ =	shalt  }
0x51: {  	_ =	shalt  }
0x52: {  	_ =	shalt  }
0x53: {  	_ =	shalt  }
0x54: {  	_ =	shalt  }
0x55: {  	_ =	shalt  }
0x56: {  	_ =	shalt  }
0x57: {  	_ =	shalt  }
0x58: {  	_ =	shalt  }
0x59: {  	_ =	shalt  }
0x5a: {  	_ =	shalt  }
0x5b: {  	_ =	shalt  }
0x5c: {  	_ =	shalt  }
0x5d: {  	_ =	shalt  }
0x5e: {  	_ =	shalt  }
0x5f: {  	_ =	shalt  }
0x60: {  	_ =	shalt  }
0x61: {  	_ =	shalt  }
0x62: {  	_ =	shalt  }
0x63: {  	_ =	shalt  }
0x64: {  	_ =	shalt  }
0x65: {  	_ =	shalt  }
0x66: {  	_ =	shalt  }
0x67: {  	_ =	shalt  }
0x68: {  	_ =	shalt  }
0x69: {  	_ =	shalt  }
0x6a: {  	_ =	shalt  }
0x6b: {  	_ =	shalt  }
0x6c: {  	_ =	shalt  }
0x6d: {  	_ =	shalt  }
0x6e: {  	_ =	shalt  }
0x6f: {  	_ =	shalt  }
0x70: {  	_ =	shalt  }
0x71: {  	_ =	shalt  }
0x72: {  	_ =	shalt  }
0x73: {  	_ =	shalt  }
0x74: {  	_ =	shalt  }
0x75: {  	_ =	shalt  }
0x76: {  	_ =	shalt  }
0x77: {  	_ =	shalt  }
0x78: {  	_ =	shalt  }
0x79: {  	_ =	shalt  }
0x7a: {  	_ =	shalt  }
0x7b: {  	_ =	shalt  }
0x7c: {  	_ =	shalt  }
0x7d: {  	_ =	shalt  }
0x7e: {  	_ =	shalt  }
0x7f: {  	_ =	shalt  }
0x80: {  	_ =	shalt  }
0x81: {  	_ =	shalt  }
0x82: {  	_ =	shalt  }
0x83: {  	_ =	shalt  }
0x84: {  	_ =	shalt  }
0x85: {  	_ =	shalt  }
0x86: {  	_ =	shalt  }
0x87: {  	_ =	shalt  }
.Lfunc_end0:
.L_simem_size_0:
called_computation.1_lowered:
.L_overlay_start_0:
0x88: {  	s2 =	sld [smem:$0x3FD9]  }
0x89: {  	s3 =	sld [smem:$0x3FFE];
	_ =	sdelay $0x1  }
0x8a: {  	s1 =	srdreg.scid  }
0x8b: {  	s0 =	sand.u32 $0x1, s1  }
0x8c: {  	s16 =	sshll.u32 s0, $0xA;
	s2 =	sadd.s32 s3, s2  }
0x8d: {  	s2 =	sadd.s32 s2, s16  }
0x8e: {  	[smem:$0x3FB6] =	sst s2  }
0x8f: {  	_ = 	snop  }
0x90: {  	(tm) =	ssettm $0x1  }
0x91: {  	s17 =	sld [smem:$0x3FFB];
	_ =	sdelay $0x3  }
0x92: {  	_ =	strace s17  }
0x93: {  	s2 =	sld [smem:$0x3FFC];
	_ =	sdelay $0x3  }
0x94: {  	_ =	strace s2  }
0x95: {  	s2 =	sld [smem:$0x3FFD];
	_ =	sdelay $0x3  }
0x96: {  	_ =	strace s2  }
0x97: {  	_ =	strace $0x8FFFFFFF  }
0x98: {  	s18 =	sld [smem:$0x3FDB];
	_ =	sdelay $0x1  }
0x99: {  	s19 =	simm.s32 $_scs_section_size  }
0x9a: {  	s4 =	simm.s32 $_size__tile_overlayer_lowered;
	s5 =	simm.s32 $_tile_overlayer_lowered  }
0x9b: {  	s22 =	simm.s32 $0x1BFF;
	s21 =	sshll.u32 s5, $0x1;
	s2 =	sadd.s32 s19, s18  }
0x9c: {  	s6 =	simm.s32 $0x0;
	s20 =	sshll.u32 s4, $0x1;
	s4 =	sadd.s32 s21, s2  }
0x9d: {  	[timem:s6], [sflag:s22] =	dma.local [hbm:s4], s20  }
0x9e: {  	_ =	swait.ge [sflag:s22], s20  }
0x9f: {  	s3 =	ssub.s32 $0x0, s20;
	[sflag:s22] =	ssyncset.done $0x0  }
0xa0: {  	[sflag:s22] =	ssyncadd.s32 s3;
	_ =	sdelay $0x1  }
0xa1: {  	s23 =	simm.s32 $0x1B8B  }
0xa2: {  	_ =	swait.ge [sflag:s23], $0x1  }
0xa3: {  	[sflag:s23] =	ssyncset.done $0x0  }
0xa4: {  	s25 =	simm.s32 $0x1B8E;
	s24 =	sld [smem:$0x3FFE];
	[sflag:s23] =	ssyncadd.s32 $0xFFFFFFFF  }
0xa5: {  	s26 =	simm.s32 $execute0_lowered;
	[smem:$0x3FD2] =	sst s25  }
0xa6: {  	s4 =	sshll.u32 s26, $0x1;
	_ =	strace $0x80000049;
	[dreg:$0x1] =	wrdreg $0xFFFFFFFF  }
0xa7: {  	s28 =	simm.s32 $_size_execute0_lowered;
	s2 =	sadd.s32 s2, s4;
	[dreg:$0x0] =	wrdreg $0x0  }
0xa8: {  	s4 =	sshll.u32 s28, $0x1;
	[dreg:$0x2] =	wrdreg s2  }
0xa9: {  	[dreg:$0x3] =	wrdreg s4  }
0xaa: {  	[dreg:$0x4] =	wrdreg $0xC0  }
0xab: {  	_ =	task [dreg:s6], $0x5FFFF  }
0xac: {  	[dreg:$0x1] =	wrdreg $0xFFFFFFFF  }
0xad: {  	[dreg:$0x0] =	wrdreg $0x60  }
0xae: {  	[dreg:$0x2] =	wrdreg s24  }
0xaf: {  	[dreg:$0x3] =	wrdreg $0xB3000  }
0xb0: {  	[dreg:$0x4] =	wrdreg $0x9  }
0xb1: {  	_ =	task.clear_ibuf [dreg:s6], $0x5FFFF;
	_ =	strace $0x90000049  }
0xb2: {  	s29 =	simm.s32 $0x9;
	_ =	strace $0x8000004B  }
0xb3: {  	_ =	swait.ge [sflag:s29], $0x1  }
0xb4: {  	[sflag:s29] =	ssyncadd.s32 $0xFFFFFFFF  }
0xb5: {  	_ =	strace $0x9000004B  }
0xb6: {  	_ =	sfence  }
0xb7: {  	s30 =	sld [smem:$0x0];
	_ =	sdelay $0x2  }
0xb8: {  	s31 =	sshll.u32 s1, $0xD;
	s1 =	sshrl.u32 s1, $0x2  }
0xb9: {  	s3 =	sand.u32 $0x4000, s31;
	s1 =	sadd.s32 s1, s30  }
0xba: {  	s0 =	sor.u32 s3, s0;
	s1 =	sshll.u32 s1, $0x11  }
0xbb: {  	s0 =	sor.u32 s1, s0  }
0xbc: {  	s0 =	sadd.s32 $0x8F2B, s0  }
0xbd: {  	[sflag:s0] =	ssyncadd.remote.s32 $0x1  }
0xbe: {  	_ =	sfence.sel $0xFFFF  }
0xbf: {  	[dreg:$0x0] =	wrdreg $0xFFFFFFFF;
	(pc) =	sbr.abs _section_cstart, $3  }
0xc0: {  	[dreg:$0x1] =	wrdreg $0xFFFFFFFF  }
0xc1: {  	_ =	task.clear_ibuf [dreg:s6], $0x2FFFF;
	_ =	strace $0x9FFFFFFF  }
0xc2: {  	(tm) =	ssettm $0x7FFFFFFF  }
0xc3: {  	_ =	shalt  }
tec
execute0_lowered:
.L_overlay_start_1:
0x0: {  	(tag) =	ssettag $0x1  }
0x1: {  	s0 =	rddreg [dreg:$0x0]  }
0x2: {  	s1 =	rddreg [dreg:$0x1]  }
0x3: {  	s2 =	srdreg.scid;
	s12 =	stileid.u32  }
0x4: {  	s17 =	simm.s32 $0x4F00;
	s18 =	simm.s32 $0x6300;
	s20 =	simm.s32 $0x7700  }
0x5: {  	s28 =	simm.s32 $0x3;
	s29 =	simm.s32 $0x4;
	s30 =	simm.s32 $0x5  }
0x6: {  	s19 =	simm.s32 $0x4E40;
	s21 =	simm.s32 $0x4E68;
	s8 =	smul.u32 $0x2700, s12  }
0x7: {  	s6 =	sand.u32 $0x1, s2;
	s2 =	simm.s32 $0x0;
	s9 =	smul.u32 $0x4E000, s12  }
0x8: {  	s11 =	sadd.s32 $0x67400, s0;
	s16 =	sadd.s32 $0x138000, s1;
	p0 =	sne.s32 s12, $0x0  }
0x9: {  	s31 =	sshll.u32 s12, $0x6;
	s3 =	sshll.u32 s6, $0x4;
	s14 =	smul.u32 $0x138800, s6  }
0xa: {  	[smem:$0x7FF] =	sst s2;
	s5 =	ssub.s32 $0x2, s6;
	s23 =	smul.u32 $0x27100, s6  }
0xb: {  	s3 =	sor.u32 s12, s3;
	_ =	strace $0x8000004A;
	s22 =	sshrl.u32 s5, $0x1  }
0xc: {  	s10 =	sadd.s32 s8, s0;
	s9 =	sshrl.u32 s9, $0x2;
	s4 =	smul.u32 $0x4E2, s3  }
0xd: {  	s3 =	sadd.s32 $0x19000, s0;
	s13 =	ssub.s32 s5, s22;
	s15 =	sadd.s32 s9, s1  }
0xe: {  	s6 =	sadd.s32 $0x40200, s10;
	s24 =	sshrl.u32 s14, $0x3;
	s25 =	sadd.s32 s8, s23  }
0xf: {  	s22 =	simm.s32 $0x8B00;
	s23 =	simm.s32 $0x0;
	s26 =	sadd.s32 s11, s24  }
0x10: {  	s8 =	sadd.s32 s11, s25;
	s10 =	smax.u32 s13, $0x1;
	s11 =	simm.s32 $0x6  }
0x11: {  	s13 =	sor.u32 $0x1C06, s31;
	s14 =	sshrl.u32 s15, $0x3;
	s15 =	sshrl.u32 @!p0 s16, $0x3  }
0x12: {  	s16 =	simm.s32 $0x28;
	s24 =	simm.s32 $0x9F00;
	s25 =	simm.s32 $0x1  }
0x13: {  	s7 =	sadd.s32 s4, s0;
	s9 =	sadd.s32 $0x27000, s26;
	s26 =	simm.s32 $0x2  }
0x14: {  	s4 =	sadd.s32 $0xF200, s7;
	s5 =	sadd.s32 $0x5400, s7;
	s7 =	sadd.s32 $0x67200, s0  }
.LBB2_1:
0x15: {  	[tilespmem:s2], [sflag:$0x6] =	stream.linear.gather [hbm4b:s4+s2], $0x2710, $0x38;
	[tilespmem:$0x1EB80] =	vst v63  }
0x16: {  	_ =	swait.ge [sflag:s11], $0x2710  }
0x17: {  	[sflag:s11] =	ssyncset.done $0x0  }
0x18: {  	s0 =	simm.s32 $0x2780;
	[sflag:s11] =	ssyncadd.s32 $0xFFFFD8F0  }
0x19: {  	[tilespmem:s0], [sflag:$0x6] =	stream.linear.gather [hbm4b:s5+s2], $0x2710, $0x38;
	[tilespmem:$0x1EB80] =	vst v63  }
0x1a: {  	_ =	swait.ge [sflag:s11], $0x2710  }
0x1b: {  	[sflag:s11] =	ssyncset.done $0x0  }
0x1c: {  	[sflag:s11] =	ssyncadd.s32 $0xFFFFD8F0  }
0x1d: {  	[spmem:s14], [sflag:s13] =	dma.local [hbm:s6], $0x2700  }
0x1e: {  	_ =	swait.ge [sflag:s11], $0x2700  }
0x1f: {  	[sflag:s11] =	ssyncset.done $0x0  }
0x20: {  	s0 =	simm.s32 @!p0 $0x6;
	[sflag:s11] =	ssyncadd.s32 $0xFFFFD900  }
0x21: {  	[spmem:s15], [sflag:s13] =	dma.local @!p0 [hbm:s7], $0x100  }
0x22: {  	_ =	swait.ge @!p0 [sflag:s0], $0x100  }
0x23: {  	[sflag:s0] =	ssyncset.done @!p0 $0x0  }
0x24: {  	[sflag:s0] =	ssyncadd.s32 @!p0 $0xFFFFFF00  }
0x25: {  	[tilespmem:s17], [sflag:$0x1] =	stream.indirect.gather [hbm4b:s3+s16], $0x80, s2, s16, $0xb8;
	[tilespmem:$0x1EB80] =	vst v63  }
0x26: {  	_ = 	snop  }
0x27: {  	[tilespmem:s18], [sflag:$0x2] =	stream.indirect.gather [hbm4b:s3+s16], $0x80, s16, s16, $0xb8;
	[tilespmem:$0x1EB80] =	vst v63  }
0x28: {  	s12 =	simm.s32 $0x50  }
0x29: {  	[tilespmem:s20], [sflag:$0x3] =	stream.indirect.gather [hbm4b:s3+s16], $0x80, s12, s16, $0xb8;
	[tilespmem:$0x1EB80] =	vst v63  }
0x2a: {  	s12 =	simm.s32 $0x78  }
0x2b: {  	[tilespmem:s22], [sflag:$0x4] =	stream.indirect.gather [hbm4b:s3+s16], $0x80, s12, s16, $0xb8;
	[tilespmem:$0x1EB80] =	vst v63  }
0x2c: {  	s12 =	simm.s32 $0xA0  }
0x2d: {  	[tilespmem:s24], [sflag:$0x5] =	stream.indirect.gather [hbm4b:s3+s16], $0x80, s12, s16, $0xb8;
	[tilespmem:$0x1EB80] =	vst v63  }
0x2e: {  	[bflag:$0x0] =	sbarrier.arrive $0xFFFF  }
0x2f: {  	_ =	swait.ge [sflag:s25], $0x1400  }
0x30: {  	[sflag:s25] =	ssyncset.done $0x0  }
0x31: {  	s12 =	simm.s32 $0x2780;
	[sflag:s25] =	ssyncadd.s32 $0xFFFFEC00  }
0x32: {  	[spmem:s1] =	stream.indirect.scatter.add.f32 [tilespmem:s17], [sflag:$0x6], $0x80, s12, s16, $0xb8;
	[tilespmem:$0x1EB80] =	vst v63  }
0x33: {  	_ =	swait.ge [sflag:s11], $0x1400  }
0x34: {  	[sflag:s11] =	ssyncset.done $0x0  }
0x35: {  	s12 =	simm.s32 $0xC8;
	[sflag:s11] =	ssyncadd.s32 $0xFFFFEC00  }
0x36: {  	[tilespmem:s17], [sflag:$0x1] =	stream.indirect.gather [hbm4b:s3+s16], $0x80, s12, s16, $0xb8;
	[tilespmem:$0x1EB80] =	vst v63  }
0x37: {  	_ =	swait.ge [sflag:s26], $0x1400  }
0x38: {  	[sflag:s26] =	ssyncset.done $0x0  }
0x39: {  	s12 =	simm.s32 $0x27A8;
	[sflag:s26] =	ssyncadd.s32 $0xFFFFEC00  }
0x3a: {  	[spmem:s1] =	stream.indirect.scatter.add.f32 [tilespmem:s18], [sflag:$0x6], $0x80, s12, s16, $0xb8;
	[tilespmem:$0x1EB80] =	vst v63  }
0x3b: {  	_ =	swait.ge [sflag:s11], $0x1400  }
0x3c: {  	[sflag:s11] =	ssyncset.done $0x0  }
0x3d: {  	s12 =	simm.s32 $0xF0;
	[sflag:s11] =	ssyncadd.s32 $0xFFFFEC00  }
0x3e: {  	[tilespmem:s18], [sflag:$0x2] =	stream.indirect.gather [hbm4b:s3+s16], $0x80, s12, s16, $0xb8;
	[tilespmem:$0x1EB80] =	vst v63  }
0x3f: {  	_ =	swait.ge [sflag:s28], $0x1400  }
0x40: {  	[sflag:s28] =	ssyncset.done $0x0  }
0x41: {  	s12 =	simm.s32 $0x27D0;
	[sflag:s28] =	ssyncadd.s32 $0xFFFFEC00  }
0x42: {  	[spmem:s1] =	stream.indirect.scatter.add.f32 [tilespmem:s20], [sflag:$0x6], $0x80, s12, s16, $0xb8;
	[tilespmem:$0x1EB80] =	vst v63  }
0x43: {  	_ =	swait.ge [sflag:s11], $0x1400  }
0x44: {  	[sflag:s11] =	ssyncset.done $0x0  }
0x45: {  	s12 =	simm.s32 $0x118;
	[sflag:s11] =	ssyncadd.s32 $0xFFFFEC00  }
0x46: {  	[tilespmem:s20], [sflag:$0x3] =	stream.indirect.gather [hbm4b:s3+s16], $0x80, s12, s16, $0xb8;
	[tilespmem:$0x1EB80] =	vst v63  }
0x47: {  	_ =	swait.ge [sflag:s29], $0x1400  }
0x48: {  	[sflag:s29] =	ssyncset.done $0x0  }
0x49: {  	s12 =	simm.s32 $0x27F8;
	[sflag:s29] =	ssyncadd.s32 $0xFFFFEC00  }
0x4a: {  	[spmem:s1] =	stream.indirect.scatter.add.f32 [tilespmem:s22], [sflag:$0x6], $0x80, s12, s16, $0xb8;
	[tilespmem:$0x1EB80] =	vst v63  }
0x4b: {  	_ =	swait.ge [sflag:s11], $0x1400  }
0x4c: {  	[sflag:s11] =	ssyncset.done $0x0  }
0x4d: {  	s12 =	simm.s32 $0x140;
	[sflag:s11] =	ssyncadd.s32 $0xFFFFEC00  }
0x4e: {  	[tilespmem:s22], [sflag:$0x4] =	stream.indirect.gather [hbm4b:s3+s16], $0x80, s12, s16, $0xb8;
	[tilespmem:$0x1EB80] =	vst v63  }
0x4f: {  	_ =	swait.ge [sflag:s30], $0x1400  }
0x50: {  	[sflag:s30] =	ssyncset.done $0x0  }
0x51: {  	s12 =	simm.s32 $0x2820;
	[sflag:s30] =	ssyncadd.s32 $0xFFFFEC00  }
0x52: {  	[spmem:s1] =	stream.indirect.scatter.add.f32 [tilespmem:s24], [sflag:$0x6], $0x80, s12, s16, $0xb8;
	[tilespmem:$0x1EB80] =	vst v63  }
0x53: {  	_ =	swait.ge [sflag:s11], $0x1400  }
0x54: {  	[sflag:s11] =	ssyncset.done $0x0  }
0x55: {  	s31 =	simm.s32 $0x320;
	s0 =	simm.s32 $0x168;
	[sflag:s11] =	ssyncadd.s32 $0xFFFFEC00  }
.LBB2_2:
0x56: {  	[tilespmem:s24], [sflag:$0x5] =	stream.indirect.gather [hbm4b:s3+s16], $0x80, s0, s16, $0xb8;
	[tilespmem:$0x1EB80] =	vst v63  }
0x57: {  	s0 =	smov.u32 s31  }
0x58: {  	p1 =	sne.s32 s31, $0x9600;
	s31 =	sadd.s32 $0x320, s31;
	_ =	swait.ge [sflag:s25], $0x1400  }
0x59: {  	s0 =	sshra.s32 s0, $0x2;
	[sflag:s25] =	ssyncset.done $0x0  }
0x5a: {  	s12 =	sadd.s32 $0x2780, s0;
	[sflag:s25] =	ssyncadd.s32 $0xFFFFEC00  }
0x5b: {  	[spmem:s1] =	stream.indirect.scatter.add.f32 [tilespmem:s17], [sflag:$0x6], $0x80, s12, s16, $0xb8;
	[tilespmem:$0x1EB80] =	vst v63  }
0x5c: {  	_ =	swait.ge [sflag:s11], $0x1400  }
0x5d: {  	[sflag:s11] =	ssyncset.done $0x0  }
0x5e: {  	s12 =	sadd.s32 $0xC8, s0;
	[sflag:s11] =	ssyncadd.s32 $0xFFFFEC00  }
0x5f: {  	[tilespmem:s17], [sflag:$0x1] =	stream.indirect.gather [hbm4b:s3+s16], $0x80, s12, s16, $0xb8;
	[tilespmem:$0x1EB80] =	vst v63  }
0x60: {  	_ =	swait.ge [sflag:s26], $0x1400  }
0x61: {  	[sflag:s26] =	ssyncset.done $0x0  }
0x62: {  	s12 =	sadd.s32 $0x27A8, s0;
	[sflag:s26] =	ssyncadd.s32 $0xFFFFEC00  }
0x63: {  	[spmem:s1] =	stream.indirect.scatter.add.f32 [tilespmem:s18], [sflag:$0x6], $0x80, s12, s16, $0xb8;
	[tilespmem:$0x1EB80] =	vst v63  }
0x64: {  	_ =	swait.ge [sflag:s11], $0x1400  }
0x65: {  	[sflag:s11] =	ssyncset.done $0x0  }
0x66: {  	s12 =	sadd.s32 $0xF0, s0;
	[sflag:s11] =	ssyncadd.s32 $0xFFFFEC00  }
0x67: {  	[tilespmem:s18], [sflag:$0x2] =	stream.indirect.gather [hbm4b:s3+s16], $0x80, s12, s16, $0xb8;
	[tilespmem:$0x1EB80] =	vst v63  }
0x68: {  	_ =	swait.ge [sflag:s28], $0x1400  }
0x69: {  	[sflag:s28] =	ssyncset.done $0x0  }
0x6a: {  	s12 =	sadd.s32 $0x27D0, s0;
	[sflag:s28] =	ssyncadd.s32 $0xFFFFEC00  }
0x6b: {  	[spmem:s1] =	stream.indirect.scatter.add.f32 [tilespmem:s20], [sflag:$0x6], $0x80, s12, s16, $0xb8;
	[tilespmem:$0x1EB80] =	vst v63  }
0x6c: {  	_ =	swait.ge [sflag:s11], $0x1400  }
0x6d: {  	[sflag:s11] =	ssyncset.done $0x0  }
0x6e: {  	s12 =	sadd.s32 $0x118, s0;
	[sflag:s11] =	ssyncadd.s32 $0xFFFFEC00  }
0x6f: {  	[tilespmem:s20], [sflag:$0x3] =	stream.indirect.gather [hbm4b:s3+s16], $0x80, s12, s16, $0xb8;
	[tilespmem:$0x1EB80] =	vst v63  }
0x70: {  	_ =	swait.ge [sflag:s29], $0x1400  }
0x71: {  	[sflag:s29] =	ssyncset.done $0x0  }
0x72: {  	s12 =	sadd.s32 $0x27F8, s0;
	[sflag:s29] =	ssyncadd.s32 $0xFFFFEC00  }
0x73: {  	[spmem:s1] =	stream.indirect.scatter.add.f32 [tilespmem:s22], [sflag:$0x6], $0x80, s12, s16, $0xb8;
	[tilespmem:$0x1EB80] =	vst v63  }
0x74: {  	_ =	swait.ge [sflag:s11], $0x1400  }
0x75: {  	[sflag:s11] =	ssyncset.done $0x0  }
0x76: {  	s12 =	sadd.s32 $0x140, s0;
	[sflag:s11] =	ssyncadd.s32 $0xFFFFEC00  }
0x77: {  	[tilespmem:s22], [sflag:$0x4] =	stream.indirect.gather [hbm4b:s3+s16], $0x80, s12, s16, $0xb8;
	[tilespmem:$0x1EB80] =	vst v63  }
0x78: {  	_ =	swait.ge [sflag:s30], $0x1400  }
0x79: {  	[sflag:s30] =	ssyncset.done $0x0  }
.Ltmp0:
0x7a: {  	s12 =	sadd.s32 $0x2820, s0;
	[sflag:s30] =	ssyncadd.s32 $0xFFFFEC00;
	(pc) =	sbr.rel @p1 .LBB2_2-.Ltmp0, $4  }
0x7b: {  	[spmem:s1] =	stream.indirect.scatter.add.f32 [tilespmem:s24], [sflag:$0x6], $0x80, s12, s16, $0xb8;
	[tilespmem:$0x1EB80] =	vst v63  }
0x7c: {  	_ =	swait.ge [sflag:s11], $0x1400  }
0x7d: {  	[sflag:s11] =	ssyncset.done $0x0  }
0x7e: {  	s0 =	sadd.s32 $0x168, s0;
	[sflag:s11] =	ssyncadd.s32 $0xFFFFEC00  }
0x7f: {  	[tilespmem:s24], [sflag:$0x5] =	stream.indirect.gather [hbm4b:s3+s16], $0x80, s0, s16, $0xb8;
	[tilespmem:$0x1EB80] =	vst v63  }
0x80: {  	_ =	swait.ge [sflag:s25], $0x1400  }
0x81: {  	[sflag:s25] =	ssyncset.done $0x0  }
0x82: {  	s31 =	simm.s32 $0x4DC8;
	[sflag:s25] =	ssyncadd.s32 $0xFFFFEC00  }
0x83: {  	[spmem:s1] =	stream.indirect.scatter.add.f32 [tilespmem:s17], [sflag:$0x6], $0x80, s31, s16, $0xb8;
	[tilespmem:$0x1EB80] =	vst v63  }
0x84: {  	_ =	swait.ge [sflag:s11], $0x1400  }
0x85: {  	[sflag:s11] =	ssyncset.done $0x0  }
0x86: {  	[sflag:s11] =	ssyncadd.s32 $0xFFFFEC00  }
0x87: {  	_ =	swait.ge [sflag:s26], $0x1400  }
0x88: {  	[sflag:s26] =	ssyncset.done $0x0  }
0x89: {  	s12 =	simm.s32 $0x4DF0;
	[sflag:s26] =	ssyncadd.s32 $0xFFFFEC00  }
0x8a: {  	[spmem:s1] =	stream.indirect.scatter.add.f32 [tilespmem:s18], [sflag:$0x6], $0x80, s12, s16, $0xb8;
	[tilespmem:$0x1EB80] =	vst v63  }
0x8b: {  	_ =	swait.ge [sflag:s11], $0x1400  }
0x8c: {  	[sflag:s11] =	ssyncset.done $0x0  }
0x8d: {  	[sflag:s11] =	ssyncadd.s32 $0xFFFFEC00  }
0x8e: {  	_ =	swait.ge [sflag:s28], $0x1400  }
0x8f: {  	[sflag:s28] =	ssyncset.done $0x0  }
0x90: {  	s31 =	simm.s32 $0x4E18;
	[sflag:s28] =	ssyncadd.s32 $0xFFFFEC00  }
0x91: {  	[spmem:s1] =	stream.indirect.scatter.add.f32 [tilespmem:s20], [sflag:$0x6], $0x80, s31, s16, $0xb8;
	[tilespmem:$0x1EB80] =	vst v63  }
0x92: {  	_ =	swait.ge [sflag:s11], $0x1400  }
0x93: {  	[sflag:s11] =	ssyncset.done $0x0  }
0x94: {  	[sflag:s11] =	ssyncadd.s32 $0xFFFFEC00  }
0x95: {  	_ =	swait.ge [sflag:s29], $0x1400  }
0x96: {  	[sflag:s29] =	ssyncset.done $0x0  }
0x97: {  	[sflag:s29] =	ssyncadd.s32 $0xFFFFEC00  }
0x98: {  	[spmem:s1] =	stream.indirect.scatter.add.f32 [tilespmem:s22], [sflag:$0x6], $0x80, s19, s16, $0xb8;
	[tilespmem:$0x1EB80] =	vst v63  }
0x99: {  	_ =	swait.ge [sflag:s11], $0x1400  }
0x9a: {  	[sflag:s11] =	ssyncset.done $0x0  }
0x9b: {  	[sflag:s11] =	ssyncadd.s32 $0xFFFFEC00  }
0x9c: {  	_ =	swait.ge [sflag:s30], $0x1400  }
0x9d: {  	[sflag:s30] =	ssyncset.done $0x0  }
0x9e: {  	[sflag:s30] =	ssyncadd.s32 $0xFFFFEC00  }
0x9f: {  	[spmem:s1] =	stream.indirect.scatter.add.f32 [tilespmem:s24], [sflag:$0x6], $0x80, s21, s16, $0xb8;
	[tilespmem:$0x1EB80] =	vst v63  }
0xa0: {  	_ =	swait.ge [sflag:s11], $0x1400  }
0xa1: {  	[sflag:s11] =	ssyncset.done $0x0  }
0xa2: {  	[sflag:s11] =	ssyncadd.s32 $0xFFFFEC00  }
0xa3: {  	[bflag:$0x0] =	sbarrier.arrive $0xFFFF  }
0xa4: {  	[hbm:s8], [sflag:s13] =	dma.local [spmem:s14], $0x2700  }
0xa5: {  	s23 =	sadd.s32 $0x1, s23;
	_ =	swait.ge [sflag:s11], $0x2700  }
0xa6: {  	p1 =	sne.s32 s23, s10;
	[sflag:s11] =	ssyncset.done $0x0  }
.Ltmp1:
0xa7: {  	s0 =	simm.s32 @!p0 $0x6;
	[sflag:s11] =	ssyncadd.s32 $0xFFFFD900;
	(pc) =	sbr.rel @p1 .LBB2_1-.Ltmp1, $4  }
0xa8: {  	[hbm:s9], [sflag:s13] =	dma.local @!p0 [spmem:s15], $0x100  }
0xa9: {  	_ =	swait.ge @!p0 [sflag:s0], $0x100  }
0xaa: {  	[sflag:s0] =	ssyncset.done @!p0 $0x0  }
0xab: {  	[sflag:s0] =	ssyncadd.s32 @!p0 $0xFFFFFF00  }
0xac: {  	_ =	sfence.sel $0x180000  }
0xad: {  	[bflag:$0x0] =	sbarrier.arrive $0xFFFF  }
0xae: {  	_ =	strace $0x9000004A  }
0xaf: {  	[bflag:$0x2] =	sbarrier.arrive $0xFFFF  }
0xb0: {  	s0 =	rddreg [dreg:$0x2]  }
0xb1: {  	s0 =	sadd.s32 @!p0 $0x100000, s0  }
0xb2: {  	[sflag:s0] =	ssyncadd.tile.s32 @!p0 $0x1;
	_ =	shalt  }
.Lfunc_end2:
_tile_overlayer_lowered:
.L_overlay_start_2:
0xb3: {  	(tag) =	ssettag $0x2  }
0xb4: {  	s0 =	rddreg [dreg:$0x0];
	s2 =	stileid.u32  }
0xb5: {  	s1 =	rddreg [dreg:$0x1];
	p0 =	sne.s32 s2, $0x0  }
0xb6: {  	s3 =	rddreg [dreg:$0x2];
	[bflag:$0x3] =	sbarrier.arrive $0xFFFF;
	s2 =	simm.s32 @!p0 $0x1C06  }
0xb7: {  	[timem:s3], [sflag:s2] =	dma.local @!p0 [hbm:s0], s1  }
0xb8: {  	s0 =	simm.s32 @!p0 $0x6  }
0xb9: {  	_ =	swait.ge @!p0 [sflag:s0], s1  }
0xba: {  	s1 =	ssub.s32 @!p0 $0x0, s1;
	[sflag:s0] =	ssyncset.done @!p0 $0x0  }
0xbb: {  	[sflag:s0] =	ssyncadd.s32 @!p0 s1  }
0xbc: {  	[bflag:$0x3] =	sbarrier.arrive $0xFFFF  }
0xbd: {  	_ =	shalt  }

// kernel: kernel.20.cloned.1.call-start
scs
__scs_entry_jumppad:
0x0: {  	(pc) =	sbr.rel $0x88, $3  }
0x1: {  	(tag) =	ssettag $0x0;
	lr =	simm.s32 $0x1  }
0x2: {  	[smem:$0x3F8F] =	sst lr;
	_ =	strace $0xD0000000  }
0x3: {  	_ = 	snop  }
0x4: {  	_ = 	snop  }
0x5: {  	_ = 	snop  }
0x6: {  	_ = 	snop  }
0x7: {  	_ = 	snop  }
__scs_overlays_trampoline_lowered:
0x8: {  	[smem:$0x3F9E] =	sst s0  }
0x9: {  	[smem:$0x3F9F] =	sst s1  }
0xa: {  	[smem:$0x3FA0] =	sst s2  }
0xb: {  	[smem:$0x3FA1] =	sst s3  }
0xc: {  	[smem:$0x3FA2] =	sst s4  }
0xd: {  	[smem:$0x3FA3] =	sst s5  }
0xe: {  	[smem:$0x3FA4] =	sst s6  }
0xf: {  	[smem:$0x3FA5] =	sst s7  }
0x10: {  	[smem:$0x3FA6] =	sst s8  }
0x11: {  	[smem:$0x3FA7] =	sst s9;
	s0 =	simm.s32 @!p0 $0x0  }
0x12: {  	s1 =	sld [smem:$0x3F8D];
	s0 =	simm.s32 @p0 $0x1  }
0x13: {  	[smem:$0x3FA8] =	sst s0;
	s0 =	simm.s32 @!p1 $0x0  }
0x14: {  	s2 =	sld [smem:$0x3F8C];
	s0 =	simm.s32 @p1 $0x1  }
0x15: {  	[smem:$0x3FA9] =	sst s0;
	s0 =	simm.s32 @!p2 $0x0  }
0x16: {  	s3 =	sld [smem:$0x3FDB];
	s0 =	simm.s32 @p2 $0x1  }
0x17: {  	s4 =	simm.s32 $0x1BF5;
	[smem:$0x3FAB] =	sst s0  }
0x18: {  	s0 =	sld [smem:$0x3F8E];
	_ =	swait.ge [sflag:s4], $0x0  }
0x19: {  	s7 =	sld [smem:$0x3F8F]  }
0x1a: {  	s8 =	sadd.s32 $0xFFFFE003, lr  }
0x1b: {  	s9 =	sadd.s32 $0xFFFFFEF7, lr;
	s5 =	simm.s32 $0xFFFFFFFF;
	p2 =	slt.u32 s8, $0xFFFFF086  }
0x1c: {  	p1 =	slt.u32 s9, $0xF7A;
	s5 =	simm.s32 @!p2 $0x0  }
0x1d: {  	s5 =	simm.s32 @p1 $0x1;
	p0 =	seq.s32 s7, s2  }
0x1e: {  	s7 =	smul.u32 @!p0 $0xF7A, s2;
	p2 =	seq.s32 @!p0 s5, $0x0  }
0x1f: {  	s9 =	smul.u32 $0xF7A, s1;
	s8 =	simm.s32 @!p0 $0x1BF5;
	p2 =	por !p2, p0  }
0x20: {  	[sflag:s8] =	ssyncset.s32 @!p0 $0xFFFFF086;
	s6 =	sadd.s32 @!p0 s3, s7;
	s7 =	simm.s32 @!p0 $0x108  }
0x21: {  	s3 =	sadd.s32 s3, s9;
	s6 =	sadd.s32 @!p0 $0x88, s6;
	s7 =	simm.s32 @p2 $0x1082  }
0x22: {  	[simem:s7], [sflag:s8] =	dma.local @!p0 [hbm:s6], $0xF7A  }
0x23: {  	s9 =	sor.u32 $0xD0000000, s2;
	s6 =	simm.s32 $0x108;
	_ =	swait.ge @!p0 [sflag:s8], $0x0  }
0x24: {  	s3 =	sadd.s32 $0x88, s3;
	s6 =	simm.s32 @!p1 $0x1082;
	[sflag:s4] =	ssyncset.s32 $0xFFFFF086  }
0x25: {  	[simem:s6], [sflag:s4] =	dma.local [hbm:s3], $0xF7A  }
0x26: {  	[smem:$0x3F8F] =	sst s1;
	(tag) =	ssettag s2;
	_ =	strace s9  }
0x27: {  	s1 =	sld [smem:$0x3F9F]  }
0x28: {  	s2 =	sld [smem:$0x3FA0]  }
0x29: {  	s4 =	sld [smem:$0x3FA2]  }
0x2a: {  	p0 =	seq.s32 s5, $0x0;
	s5 =	sld [smem:$0x3FA3]  }
0x2b: {  	s6 =	sld [smem:$0x3FA4]  }
0x2c: {  	s7 =	sld [smem:$0x3FA5]  }
0x2d: {  	s3 =	simm.s32 $0x108;
	s8 =	sld [smem:$0x3FA6]  }
0x2e: {  	s3 =	simm.s32 @!p0 $0x1082;
	s9 =	sld [smem:$0x3FA7]  }
0x2f: {  	lr =	sadd.s32 s0, s3;
	s0 =	sld [smem:$0x3F9E]  }
0x30: {  	s3 =	sld [smem:$0x3FA1]  }
0x31: {  	[smem:$0x3FAA] =	sst s10  }
0x32: {  	s10 =	sld [smem:$0x3FA8];
	_ =	sdelay $0x3  }
0x33: {  	p0 =	seq.s32 s10, $0x1;
	s10 =	sld [smem:$0x3FAA];
	_ =	sdelay $0x3  }
0x34: {  	[smem:$0x3FAA] =	sst s10  }
0x35: {  	s10 =	sld [smem:$0x3FA9];
	_ =	sdelay $0x3  }
0x36: {  	p1 =	seq.s32 s10, $0x1;
	s10 =	sld [smem:$0x3FAA];
	_ =	sdelay $0x3  }
0x37: {  	[smem:$0x3FAA] =	sst s10  }
0x38: {  	s10 =	sld [smem:$0x3FAB]  }
0x39: {  	_ = 	snop;
	(pc) =	sbr.ind lr, $3  }
0x3a: {  	_ = 	snop  }
0x3b: {  	_ = 	snop  }
0x3c: {  	p2 =	seq.s32 s10, $0x1;
	s10 =	sld [smem:$0x3FAA]  }
0x3d: {  	_ =	shalt  }
0x3e: {  	_ =	shalt  }
0x3f: {  	_ =	shalt  }
0x40: {  	_ =	shalt  }
0x41: {  	_ =	shalt  }
0x42: {  	_ =	shalt  }
0x43: {  	_ =	shalt  }
0x44: {  	_ =	shalt  }
0x45: {  	_ =	shalt  }
0x46: {  	_ =	shalt  }
0x47: {  	_ =	shalt  }
0x48: {  	_ =	shalt  }
0x49: {  	_ =	shalt  }
0x4a: {  	_ =	shalt  }
0x4b: {  	_ =	shalt  }
0x4c: {  	_ =	shalt  }
0x4d: {  	_ =	shalt  }
0x4e: {  	_ =	shalt  }
0x4f: {  	_ =	shalt  }
0x50: {  	_ =	shalt  }
0x51: {  	_ =	shalt  }
0x52: {  	_ =	shalt  }
0x53: {  	_ =	shalt  }
0x54: {  	_ =	shalt  }
0x55: {  	_ =	shalt  }
0x56: {  	_ =	shalt  }
0x57: {  	_ =	shalt  }
0x58: {  	_ =	shalt  }
0x59: {  	_ =	shalt  }
0x5a: {  	_ =	shalt  }
0x5b: {  	_ =	shalt  }
0x5c: {  	_ =	shalt  }
0x5d: {  	_ =	shalt  }
0x5e: {  	_ =	shalt  }
0x5f: {  	_ =	shalt  }
0x60: {  	_ =	shalt  }
0x61: {  	_ =	shalt  }
0x62: {  	_ =	shalt  }
0x63: {  	_ =	shalt  }
0x64: {  	_ =	shalt  }
0x65: {  	_ =	shalt  }
0x66: {  	_ =	shalt  }
0x67: {  	_ =	shalt  }
0x68: {  	_ =	shalt  }
0x69: {  	_ =	shalt  }
0x6a: {  	_ =	shalt  }
0x6b: {  	_ =	shalt  }
0x6c: {  	_ =	shalt  }
0x6d: {  	_ =	shalt  }
0x6e: {  	_ =	shalt  }
0x6f: {  	_ =	shalt  }
0x70: {  	_ =	shalt  }
0x71: {  	_ =	shalt  }
0x72: {  	_ =	shalt  }
0x73: {  	_ =	shalt  }
0x74: {  	_ =	shalt  }
0x75: {  	_ =	shalt  }
0x76: {  	_ =	shalt  }
0x77: {  	_ =	shalt  }
0x78: {  	_ =	shalt  }
0x79: {  	_ =	shalt  }
0x7a: {  	_ =	shalt  }
0x7b: {  	_ =	shalt  }
0x7c: {  	_ =	shalt  }
0x7d: {  	_ =	shalt  }
0x7e: {  	_ =	shalt  }
0x7f: {  	_ =	shalt  }
0x80: {  	_ =	shalt  }
0x81: {  	_ =	shalt  }
0x82: {  	_ =	shalt  }
0x83: {  	_ =	shalt  }
0x84: {  	_ =	shalt  }
0x85: {  	_ =	shalt  }
0x86: {  	_ =	shalt  }
0x87: {  	_ =	shalt  }
.Lfunc_end0:
.L_simem_size_0:
called_computation.2_lowered:
.L_overlay_start_0:
0x88: {  	s2 =	sld [smem:$0x3FD9]  }
0x89: {  	s3 =	sld [smem:$0x3FFE];
	_ =	sdelay $0x1  }
0x8a: {  	s1 =	srdreg.scid  }
0x8b: {  	s0 =	sand.u32 $0x1, s1  }
0x8c: {  	s16 =	sshll.u32 s0, $0xA;
	s2 =	sadd.s32 s3, s2  }
0x8d: {  	s2 =	sadd.s32 s2, s16  }
0x8e: {  	[smem:$0x3FB6] =	sst s2  }
0x8f: {  	_ = 	snop  }
0x90: {  	(tm) =	ssettm $0x1  }
0x91: {  	s17 =	sld [smem:$0x3FFB];
	_ =	sdelay $0x3  }
0x92: {  	_ =	strace s17  }
0x93: {  	s2 =	sld [smem:$0x3FFC];
	_ =	sdelay $0x3  }
0x94: {  	_ =	strace s2  }
0x95: {  	s2 =	sld [smem:$0x3FFD];
	_ =	sdelay $0x3  }
0x96: {  	_ =	strace s2  }
0x97: {  	_ =	strace $0x8FFFFFFF  }
0x98: {  	s18 =	sld [smem:$0x3FDB];
	_ =	sdelay $0x1  }
0x99: {  	s19 =	simm.s32 $_scs_section_size  }
0x9a: {  	s4 =	simm.s32 $_size__tile_overlayer_lowered;
	s5 =	simm.s32 $_tile_overlayer_lowered  }
0x9b: {  	s22 =	simm.s32 $0x1BFF;
	s21 =	sshll.u32 s5, $0x1;
	s2 =	sadd.s32 s19, s18  }
0x9c: {  	s6 =	simm.s32 $0x0;
	s20 =	sshll.u32 s4, $0x1;
	s4 =	sadd.s32 s21, s2  }
0x9d: {  	[timem:s6], [sflag:s22] =	dma.local [hbm:s4], s20  }
0x9e: {  	_ =	swait.ge [sflag:s22], s20  }
0x9f: {  	s3 =	ssub.s32 $0x0, s20;
	[sflag:s22] =	ssyncset.done $0x0  }
0xa0: {  	[sflag:s22] =	ssyncadd.s32 s3;
	_ =	sdelay $0x1  }
0xa1: {  	s23 =	simm.s32 $0x1B8B  }
0xa2: {  	_ =	swait.ge [sflag:s23], $0x1  }
0xa3: {  	[sflag:s23] =	ssyncset.done $0x0  }
0xa4: {  	s25 =	simm.s32 $0x1B8E;
	s24 =	sld [smem:$0x3FFE];
	[sflag:s23] =	ssyncadd.s32 $0xFFFFFFFF  }
0xa5: {  	s26 =	simm.s32 $execute0_lowered;
	[smem:$0x3FD2] =	sst s25  }
0xa6: {  	s4 =	sshll.u32 s26, $0x1;
	_ =	strace $0x8000004C;
	[dreg:$0x1] =	wrdreg $0xFFFFFFFF  }
0xa7: {  	s28 =	simm.s32 $_size_execute0_lowered;
	s2 =	sadd.s32 s2, s4;
	[dreg:$0x0] =	wrdreg $0x0  }
0xa8: {  	s4 =	sshll.u32 s28, $0x1;
	[dreg:$0x2] =	wrdreg s2  }
0xa9: {  	[dreg:$0x3] =	wrdreg s4  }
0xaa: {  	[dreg:$0x4] =	wrdreg $0xC0  }
0xab: {  	_ =	task [dreg:s6], $0x5FFFF  }
0xac: {  	[dreg:$0x1] =	wrdreg $0xFFFFFFFF  }
0xad: {  	[dreg:$0x0] =	wrdreg $0x60  }
0xae: {  	[dreg:$0x2] =	wrdreg s24  }
0xaf: {  	[dreg:$0x3] =	wrdreg $0xB3000  }
0xb0: {  	[dreg:$0x4] =	wrdreg $0x9  }
0xb1: {  	_ =	task.clear_ibuf [dreg:s6], $0x5FFFF;
	_ =	strace $0x9000004C  }
0xb2: {  	s29 =	simm.s32 $0x9;
	_ =	strace $0x8000004E  }
0xb3: {  	_ =	swait.ge [sflag:s29], $0x1  }
0xb4: {  	[sflag:s29] =	ssyncadd.s32 $0xFFFFFFFF  }
0xb5: {  	_ =	strace $0x9000004E  }
0xb6: {  	_ =	sfence  }
0xb7: {  	s30 =	sld [smem:$0x0];
	_ =	sdelay $0x2  }
0xb8: {  	s31 =	sshll.u32 s1, $0xD;
	s1 =	sshrl.u32 s1, $0x2  }
0xb9: {  	s3 =	sand.u32 $0x4000, s31;
	s1 =	sadd.s32 s1, s30  }
0xba: {  	s0 =	sor.u32 s3, s0;
	s1 =	sshll.u32 s1, $0x11  }
0xbb: {  	s0 =	sor.u32 s1, s0  }
0xbc: {  	s0 =	sadd.s32 $0x8F2B, s0  }
0xbd: {  	[sflag:s0] =	ssyncadd.remote.s32 $0x1  }
0xbe: {  	_ =	sfence.sel $0xFFFF  }
0xbf: {  	[dreg:$0x0] =	wrdreg $0xFFFFFFFF;
	(pc) =	sbr.abs _section_cstart, $3  }
0xc0: {  	[dreg:$0x1] =	wrdreg $0xFFFFFFFF  }
0xc1: {  	_ =	task.clear_ibuf [dreg:s6], $0x2FFFF;
	_ =	strace $0x9FFFFFFF  }
0xc2: {  	(tm) =	ssettm $0x7FFFFFFF  }
0xc3: {  	_ =	shalt  }
tec
execute0_lowered:
.L_overlay_start_1:
0x0: {  	(tag) =	ssettag $0x1  }
0x1: {  	s0 =	rddreg [dreg:$0x0]  }
0x2: {  	s1 =	rddreg [dreg:$0x1]  }
0x3: {  	s2 =	srdreg.scid;
	s12 =	stileid.u32  }
0x4: {  	s17 =	simm.s32 $0x4F00;
	s18 =	simm.s32 $0x6300;
	s20 =	simm.s32 $0x7700  }
0x5: {  	s28 =	simm.s32 $0x3;
	s29 =	simm.s32 $0x4;
	s30 =	simm.s32 $0x5  }
0x6: {  	s19 =	simm.s32 $0x4E40;
	s21 =	simm.s32 $0x4E68;
	s8 =	smul.u32 $0x2700, s12  }
0x7: {  	s6 =	sand.u32 $0x1, s2;
	s2 =	simm.s32 $0x0;
	s9 =	smul.u32 $0x4E000, s12  }
0x8: {  	s11 =	sadd.s32 $0x67400, s0;
	s16 =	sadd.s32 $0x138000, s1;
	p0 =	sne.s32 s12, $0x0  }
0x9: {  	s31 =	sshll.u32 s12, $0x6;
	s3 =	sshll.u32 s6, $0x4;
	s14 =	smul.u32 $0x138800, s6  }
0xa: {  	[smem:$0x7FF] =	sst s2;
	s5 =	ssub.s32 $0x2, s6;
	s23 =	smul.u32 $0x27100, s6  }
0xb: {  	s3 =	sor.u32 s12, s3;
	_ =	strace $0x8000004D;
	s22 =	sshrl.u32 s5, $0x1  }
0xc: {  	s10 =	sadd.s32 s8, s0;
	s9 =	sshrl.u32 s9, $0x2;
	s4 =	smul.u32 $0x4E2, s3  }
0xd: {  	s3 =	sadd.s32 $0x19000, s0;
	s13 =	ssub.s32 s5, s22;
	s15 =	sadd.s32 s9, s1  }
0xe: {  	s6 =	sadd.s32 $0x40200, s10;
	s24 =	sshrl.u32 s14, $0x3;
	s25 =	sadd.s32 s8, s23  }
0xf: {  	s22 =	simm.s32 $0x8B00;
	s23 =	simm.s32 $0x0;
	s26 =	sadd.s32 s11, s24  }
0x10: {  	s8 =	sadd.s32 s11, s25;
	s10 =	smax.u32 s13, $0x1;
	s11 =	simm.s32 $0x6  }
0x11: {  	s13 =	sor.u32 $0x1C06, s31;
	s14 =	sshrl.u32 s15, $0x3;
	s15 =	sshrl.u32 @!p0 s16, $0x3  }
0x12: {  	s16 =	simm.s32 $0x28;
	s24 =	simm.s32 $0x9F00;
	s25 =	simm.s32 $0x1  }
0x13: {  	s7 =	sadd.s32 s4, s0;
	s9 =	sadd.s32 $0x27000, s26;
	s26 =	simm.s32 $0x2  }
0x14: {  	s4 =	sadd.s32 $0xF200, s7;
	s5 =	sadd.s32 $0x5400, s7;
	s7 =	sadd.s32 $0x67200, s0  }
.LBB2_1:
0x15: {  	[tilespmem:s2], [sflag:$0x6] =	stream.linear.gather [hbm4b:s4+s2], $0x2710, $0x38;
	[tilespmem:$0x1EB80] =	vst v63  }
0x16: {  	_ =	swait.ge [sflag:s11], $0x2710  }
0x17: {  	[sflag:s11] =	ssyncset.done $0x0  }
0x18: {  	s0 =	simm.s32 $0x2780;
	[sflag:s11] =	ssyncadd.s32 $0xFFFFD8F0  }
0x19: {  	[tilespmem:s0], [sflag:$0x6] =	stream.linear.gather [hbm4b:s5+s2], $0x2710, $0x38;
	[tilespmem:$0x1EB80] =	vst v63  }
0x1a: {  	_ =	swait.ge [sflag:s11], $0x2710  }
0x1b: {  	[sflag:s11] =	ssyncset.done $0x0  }
0x1c: {  	[sflag:s11] =	ssyncadd.s32 $0xFFFFD8F0  }
0x1d: {  	[spmem:s14], [sflag:s13] =	dma.local [hbm:s6], $0x2700  }
0x1e: {  	_ =	swait.ge [sflag:s11], $0x2700  }
0x1f: {  	[sflag:s11] =	ssyncset.done $0x0  }
0x20: {  	s0 =	simm.s32 @!p0 $0x6;
	[sflag:s11] =	ssyncadd.s32 $0xFFFFD900  }
0x21: {  	[spmem:s15], [sflag:s13] =	dma.local @!p0 [hbm:s7], $0x100  }
0x22: {  	_ =	swait.ge @!p0 [sflag:s0], $0x100  }
0x23: {  	[sflag:s0] =	ssyncset.done @!p0 $0x0  }
0x24: {  	[sflag:s0] =	ssyncadd.s32 @!p0 $0xFFFFFF00  }
0x25: {  	[tilespmem:s17], [sflag:$0x1] =	stream.indirect.gather [hbm4b:s3+s16], $0x80, s2, s16, $0xb8;
	[tilespmem:$0x1EB80] =	vst v63  }
0x26: {  	_ = 	snop  }
0x27: {  	[tilespmem:s18], [sflag:$0x2] =	stream.indirect.gather [hbm4b:s3+s16], $0x80, s16, s16, $0xb8;
	[tilespmem:$0x1EB80] =	vst v63  }
0x28: {  	s12 =	simm.s32 $0x50  }
0x29: {  	[tilespmem:s20], [sflag:$0x3] =	stream.indirect.gather [hbm4b:s3+s16], $0x80, s12, s16, $0xb8;
	[tilespmem:$0x1EB80] =	vst v63  }
0x2a: {  	s12 =	simm.s32 $0x78  }
0x2b: {  	[tilespmem:s22], [sflag:$0x4] =	stream.indirect.gather [hbm4b:s3+s16], $0x80, s12, s16, $0xb8;
	[tilespmem:$0x1EB80] =	vst v63  }
0x2c: {  	s12 =	simm.s32 $0xA0  }
0x2d: {  	[tilespmem:s24], [sflag:$0x5] =	stream.indirect.gather [hbm4b:s3+s16], $0x80, s12, s16, $0xb8;
	[tilespmem:$0x1EB80] =	vst v63  }
0x2e: {  	[bflag:$0x0] =	sbarrier.arrive $0xFFFF  }
0x2f: {  	_ =	swait.ge [sflag:s25], $0x1400  }
0x30: {  	[sflag:s25] =	ssyncset.done $0x0  }
0x31: {  	s12 =	simm.s32 $0x2780;
	[sflag:s25] =	ssyncadd.s32 $0xFFFFEC00  }
0x32: {  	[spmem:s1] =	stream.indirect.scatter.add.f32 [tilespmem:s17], [sflag:$0x6], $0x80, s12, s16, $0xb8;
	[tilespmem:$0x1EB80] =	vst v63  }
0x33: {  	_ =	swait.ge [sflag:s11], $0x1400  }
0x34: {  	[sflag:s11] =	ssyncset.done $0x0  }
0x35: {  	s12 =	simm.s32 $0xC8;
	[sflag:s11] =	ssyncadd.s32 $0xFFFFEC00  }
0x36: {  	[tilespmem:s17], [sflag:$0x1] =	stream.indirect.gather [hbm4b:s3+s16], $0x80, s12, s16, $0xb8;
	[tilespmem:$0x1EB80] =	vst v63  }
0x37: {  	_ =	swait.ge [sflag:s26], $0x1400  }
0x38: {  	[sflag:s26] =	ssyncset.done $0x0  }
0x39: {  	s12 =	simm.s32 $0x27A8;
	[sflag:s26] =	ssyncadd.s32 $0xFFFFEC00  }
0x3a: {  	[spmem:s1] =	stream.indirect.scatter.add.f32 [tilespmem:s18], [sflag:$0x6], $0x80, s12, s16, $0xb8;
	[tilespmem:$0x1EB80] =	vst v63  }
0x3b: {  	_ =	swait.ge [sflag:s11], $0x1400  }
0x3c: {  	[sflag:s11] =	ssyncset.done $0x0  }
0x3d: {  	s12 =	simm.s32 $0xF0;
	[sflag:s11] =	ssyncadd.s32 $0xFFFFEC00  }
0x3e: {  	[tilespmem:s18], [sflag:$0x2] =	stream.indirect.gather [hbm4b:s3+s16], $0x80, s12, s16, $0xb8;
	[tilespmem:$0x1EB80] =	vst v63  }
0x3f: {  	_ =	swait.ge [sflag:s28], $0x1400  }
0x40: {  	[sflag:s28] =	ssyncset.done $0x0  }
0x41: {  	s12 =	simm.s32 $0x27D0;
	[sflag:s28] =	ssyncadd.s32 $0xFFFFEC00  }
0x42: {  	[spmem:s1] =	stream.indirect.scatter.add.f32 [tilespmem:s20], [sflag:$0x6], $0x80, s12, s16, $0xb8;
	[tilespmem:$0x1EB80] =	vst v63  }
0x43: {  	_ =	swait.ge [sflag:s11], $0x1400  }
0x44: {  	[sflag:s11] =	ssyncset.done $0x0  }
0x45: {  	s12 =	simm.s32 $0x118;
	[sflag:s11] =	ssyncadd.s32 $0xFFFFEC00  }
0x46: {  	[tilespmem:s20], [sflag:$0x3] =	stream.indirect.gather [hbm4b:s3+s16], $0x80, s12, s16, $0xb8;
	[tilespmem:$0x1EB80] =	vst v63  }
0x47: {  	_ =	swait.ge [sflag:s29], $0x1400  }
0x48: {  	[sflag:s29] =	ssyncset.done $0x0  }
0x49: {  	s12 =	simm.s32 $0x27F8;
	[sflag:s29] =	ssyncadd.s32 $0xFFFFEC00  }
0x4a: {  	[spmem:s1] =	stream.indirect.scatter.add.f32 [tilespmem:s22], [sflag:$0x6], $0x80, s12, s16, $0xb8;
	[tilespmem:$0x1EB80] =	vst v63  }
0x4b: {  	_ =	swait.ge [sflag:s11], $0x1400  }
0x4c: {  	[sflag:s11] =	ssyncset.done $0x0  }
0x4d: {  	s12 =	simm.s32 $0x140;
	[sflag:s11] =	ssyncadd.s32 $0xFFFFEC00  }
0x4e: {  	[tilespmem:s22], [sflag:$0x4] =	stream.indirect.gather [hbm4b:s3+s16], $0x80, s12, s16, $0xb8;
	[tilespmem:$0x1EB80] =	vst v63  }
0x4f: {  	_ =	swait.ge [sflag:s30], $0x1400  }
0x50: {  	[sflag:s30] =	ssyncset.done $0x0  }
0x51: {  	s12 =	simm.s32 $0x2820;
	[sflag:s30] =	ssyncadd.s32 $0xFFFFEC00  }
0x52: {  	[spmem:s1] =	stream.indirect.scatter.add.f32 [tilespmem:s24], [sflag:$0x6], $0x80, s12, s16, $0xb8;
	[tilespmem:$0x1EB80] =	vst v63  }
0x53: {  	_ =	swait.ge [sflag:s11], $0x1400  }
0x54: {  	[sflag:s11] =	ssyncset.done $0x0  }
0x55: {  	s31 =	simm.s32 $0x320;
	s0 =	simm.s32 $0x168;
	[sflag:s11] =	ssyncadd.s32 $0xFFFFEC00  }
.LBB2_2:
0x56: {  	[tilespmem:s24], [sflag:$0x5] =	stream.indirect.gather [hbm4b:s3+s16], $0x80, s0, s16, $0xb8;
	[tilespmem:$0x1EB80] =	vst v63  }
0x57: {  	s0 =	smov.u32 s31  }
0x58: {  	p1 =	sne.s32 s31, $0x9600;
	s31 =	sadd.s32 $0x320, s31;
	_ =	swait.ge [sflag:s25], $0x1400  }
0x59: {  	s0 =	sshra.s32 s0, $0x2;
	[sflag:s25] =	ssyncset.done $0x0  }
0x5a: {  	s12 =	sadd.s32 $0x2780, s0;
	[sflag:s25] =	ssyncadd.s32 $0xFFFFEC00  }
0x5b: {  	[spmem:s1] =	stream.indirect.scatter.add.f32 [tilespmem:s17], [sflag:$0x6], $0x80, s12, s16, $0xb8;
	[tilespmem:$0x1EB80] =	vst v63  }
0x5c: {  	_ =	swait.ge [sflag:s11], $0x1400  }
0x5d: {  	[sflag:s11] =	ssyncset.done $0x0  }
0x5e: {  	s12 =	sadd.s32 $0xC8, s0;
	[sflag:s11] =	ssyncadd.s32 $0xFFFFEC00  }
0x5f: {  	[tilespmem:s17], [sflag:$0x1] =	stream.indirect.gather [hbm4b:s3+s16], $0x80, s12, s16, $0xb8;
	[tilespmem:$0x1EB80] =	vst v63  }
0x60: {  	_ =	swait.ge [sflag:s26], $0x1400  }
0x61: {  	[sflag:s26] =	ssyncset.done $0x0  }
0x62: {  	s12 =	sadd.s32 $0x27A8, s0;
	[sflag:s26] =	ssyncadd.s32 $0xFFFFEC00  }
0x63: {  	[spmem:s1] =	stream.indirect.scatter.add.f32 [tilespmem:s18], [sflag:$0x6], $0x80, s12, s16, $0xb8;
	[tilespmem:$0x1EB80] =	vst v63  }
0x64: {  	_ =	swait.ge [sflag:s11], $0x1400  }
0x65: {  	[sflag:s11] =	ssyncset.done $0x0  }
0x66: {  	s12 =	sadd.s32 $0xF0, s0;
	[sflag:s11] =	ssyncadd.s32 $0xFFFFEC00  }
0x67: {  	[tilespmem:s18], [sflag:$0x2] =	stream.indirect.gather [hbm4b:s3+s16], $0x80, s12, s16, $0xb8;
	[tilespmem:$0x1EB80] =	vst v63  }
0x68: {  	_ =	swait.ge [sflag:s28], $0x1400  }
0x69: {  	[sflag:s28] =	ssyncset.done $0x0  }
0x6a: {  	s12 =	sadd.s32 $0x27D0, s0;
	[sflag:s28] =	ssyncadd.s32 $0xFFFFEC00  }
0x6b: {  	[spmem:s1] =	stream.indirect.scatter.add.f32 [tilespmem:s20], [sflag:$0x6], $0x80, s12, s16, $0xb8;
	[tilespmem:$0x1EB80] =	vst v63  }
0x6c: {  	_ =	swait.ge [sflag:s11], $0x1400  }
0x6d: {  	[sflag:s11] =	ssyncset.done $0x0  }
0x6e: {  	s12 =	sadd.s32 $0x118, s0;
	[sflag:s11] =	ssyncadd.s32 $0xFFFFEC00  }
0x6f: {  	[tilespmem:s20], [sflag:$0x3] =	stream.indirect.gather [hbm4b:s3+s16], $0x80, s12, s16, $0xb8;
	[tilespmem:$0x1EB80] =	vst v63  }
0x70: {  	_ =	swait.ge [sflag:s29], $0x1400  }
0x71: {  	[sflag:s29] =	ssyncset.done $0x0  }
0x72: {  	s12 =	sadd.s32 $0x27F8, s0;
	[sflag:s29] =	ssyncadd.s32 $0xFFFFEC00  }
0x73: {  	[spmem:s1] =	stream.indirect.scatter.add.f32 [tilespmem:s22], [sflag:$0x6], $0x80, s12, s16, $0xb8;
	[tilespmem:$0x1EB80] =	vst v63  }
0x74: {  	_ =	swait.ge [sflag:s11], $0x1400  }
0x75: {  	[sflag:s11] =	ssyncset.done $0x0  }
0x76: {  	s12 =	sadd.s32 $0x140, s0;
	[sflag:s11] =	ssyncadd.s32 $0xFFFFEC00  }
0x77: {  	[tilespmem:s22], [sflag:$0x4] =	stream.indirect.gather [hbm4b:s3+s16], $0x80, s12, s16, $0xb8;
	[tilespmem:$0x1EB80] =	vst v63  }
0x78: {  	_ =	swait.ge [sflag:s30], $0x1400  }
0x79: {  	[sflag:s30] =	ssyncset.done $0x0  }
.Ltmp0:
0x7a: {  	s12 =	sadd.s32 $0x2820, s0;
	[sflag:s30] =	ssyncadd.s32 $0xFFFFEC00;
	(pc) =	sbr.rel @p1 .LBB2_2-.Ltmp0, $4  }
0x7b: {  	[spmem:s1] =	stream.indirect.scatter.add.f32 [tilespmem:s24], [sflag:$0x6], $0x80, s12, s16, $0xb8;
	[tilespmem:$0x1EB80] =	vst v63  }
0x7c: {  	_ =	swait.ge [sflag:s11], $0x1400  }
0x7d: {  	[sflag:s11] =	ssyncset.done $0x0  }
0x7e: {  	s0 =	sadd.s32 $0x168, s0;
	[sflag:s11] =	ssyncadd.s32 $0xFFFFEC00  }
0x7f: {  	[tilespmem:s24], [sflag:$0x5] =	stream.indirect.gather [hbm4b:s3+s16], $0x80, s0, s16, $0xb8;
	[tilespmem:$0x1EB80] =	vst v63  }
0x80: {  	_ =	swait.ge [sflag:s25], $0x1400  }
0x81: {  	[sflag:s25] =	ssyncset.done $0x0  }
0x82: {  	s31 =	simm.s32 $0x4DC8;
	[sflag:s25] =	ssyncadd.s32 $0xFFFFEC00  }
0x83: {  	[spmem:s1] =	stream.indirect.scatter.add.f32 [tilespmem:s17], [sflag:$0x6], $0x80, s31, s16, $0xb8;
	[tilespmem:$0x1EB80] =	vst v63  }
0x84: {  	_ =	swait.ge [sflag:s11], $0x1400  }
0x85: {  	[sflag:s11] =	ssyncset.done $0x0  }
0x86: {  	[sflag:s11] =	ssyncadd.s32 $0xFFFFEC00  }
0x87: {  	_ =	swait.ge [sflag:s26], $0x1400  }
0x88: {  	[sflag:s26] =	ssyncset.done $0x0  }
0x89: {  	s12 =	simm.s32 $0x4DF0;
	[sflag:s26] =	ssyncadd.s32 $0xFFFFEC00  }
0x8a: {  	[spmem:s1] =	stream.indirect.scatter.add.f32 [tilespmem:s18], [sflag:$0x6], $0x80, s12, s16, $0xb8;
	[tilespmem:$0x1EB80] =	vst v63  }
0x8b: {  	_ =	swait.ge [sflag:s11], $0x1400  }
0x8c: {  	[sflag:s11] =	ssyncset.done $0x0  }
0x8d: {  	[sflag:s11] =	ssyncadd.s32 $0xFFFFEC00  }
0x8e: {  	_ =	swait.ge [sflag:s28], $0x1400  }
0x8f: {  	[sflag:s28] =	ssyncset.done $0x0  }
0x90: {  	s31 =	simm.s32 $0x4E18;
	[sflag:s28] =	ssyncadd.s32 $0xFFFFEC00  }
0x91: {  	[spmem:s1] =	stream.indirect.scatter.add.f32 [tilespmem:s20], [sflag:$0x6], $0x80, s31, s16, $0xb8;
	[tilespmem:$0x1EB80] =	vst v63  }
0x92: {  	_ =	swait.ge [sflag:s11], $0x1400  }
0x93: {  	[sflag:s11] =	ssyncset.done $0x0  }
0x94: {  	[sflag:s11] =	ssyncadd.s32 $0xFFFFEC00  }
0x95: {  	_ =	swait.ge [sflag:s29], $0x1400  }
0x96: {  	[sflag:s29] =	ssyncset.done $0x0  }
0x97: {  	[sflag:s29] =	ssyncadd.s32 $0xFFFFEC00  }
0x98: {  	[spmem:s1] =	stream.indirect.scatter.add.f32 [tilespmem:s22], [sflag:$0x6], $0x80, s19, s16, $0xb8;
	[tilespmem:$0x1EB80] =	vst v63  }
0x99: {  	_ =	swait.ge [sflag:s11], $0x1400  }
0x9a: {  	[sflag:s11] =	ssyncset.done $0x0  }
0x9b: {  	[sflag:s11] =	ssyncadd.s32 $0xFFFFEC00  }
0x9c: {  	_ =	swait.ge [sflag:s30], $0x1400  }
0x9d: {  	[sflag:s30] =	ssyncset.done $0x0  }
0x9e: {  	[sflag:s30] =	ssyncadd.s32 $0xFFFFEC00  }
0x9f: {  	[spmem:s1] =	stream.indirect.scatter.add.f32 [tilespmem:s24], [sflag:$0x6], $0x80, s21, s16, $0xb8;
	[tilespmem:$0x1EB80] =	vst v63  }
0xa0: {  	_ =	swait.ge [sflag:s11], $0x1400  }
0xa1: {  	[sflag:s11] =	ssyncset.done $0x0  }
0xa2: {  	[sflag:s11] =	ssyncadd.s32 $0xFFFFEC00  }
0xa3: {  	[bflag:$0x0] =	sbarrier.arrive $0xFFFF  }
0xa4: {  	[hbm:s8], [sflag:s13] =	dma.local [spmem:s14], $0x2700  }
0xa5: {  	s23 =	sadd.s32 $0x1, s23;
	_ =	swait.ge [sflag:s11], $0x2700  }
0xa6: {  	p1 =	sne.s32 s23, s10;
	[sflag:s11] =	ssyncset.done $0x0  }
.Ltmp1:
0xa7: {  	s0 =	simm.s32 @!p0 $0x6;
	[sflag:s11] =	ssyncadd.s32 $0xFFFFD900;
	(pc) =	sbr.rel @p1 .LBB2_1-.Ltmp1, $4  }
0xa8: {  	[hbm:s9], [sflag:s13] =	dma.local @!p0 [spmem:s15], $0x100  }
0xa9: {  	_ =	swait.ge @!p0 [sflag:s0], $0x100  }
0xaa: {  	[sflag:s0] =	ssyncset.done @!p0 $0x0  }
0xab: {  	[sflag:s0] =	ssyncadd.s32 @!p0 $0xFFFFFF00  }
0xac: {  	_ =	sfence.sel $0x180000  }
0xad: {  	[bflag:$0x0] =	sbarrier.arrive $0xFFFF  }
0xae: {  	_ =	strace $0x9000004D  }
0xaf: {  	[bflag:$0x2] =	sbarrier.arrive $0xFFFF  }
0xb0: {  	s0 =	rddreg [dreg:$0x2]  }
0xb1: {  	s0 =	sadd.s32 @!p0 $0x100000, s0  }
0xb2: {  	[sflag:s0] =	ssyncadd.tile.s32 @!p0 $0x1;
	_ =	shalt  }
.Lfunc_end2:
_tile_overlayer_lowered:
.L_overlay_start_2:
0xb3: {  	(tag) =	ssettag $0x2  }
0xb4: {  	s0 =	rddreg [dreg:$0x0];
	s2 =	stileid.u32  }
0xb5: {  	s1 =	rddreg [dreg:$0x1];
	p0 =	sne.s32 s2, $0x0  }
0xb6: {  	s3 =	rddreg [dreg:$0x2];
	[bflag:$0x3] =	sbarrier.arrive $0xFFFF;
	s2 =	simm.s32 @!p0 $0x1C06  }
0xb7: {  	[timem:s3], [sflag:s2] =	dma.local @!p0 [hbm:s0], s1  }
0xb8: {  	s0 =	simm.s32 @!p0 $0x6  }
0xb9: {  	_ =	swait.ge @!p0 [sflag:s0], s1  }
0xba: {  	s1 =	ssub.s32 @!p0 $0x0, s1;
	[sflag:s0] =	ssyncset.done @!p0 $0x0  }
0xbb: {  	[sflag:s0] =	ssyncadd.s32 @!p0 s1  }
0xbc: {  	[bflag:$0x3] =	sbarrier.arrive $0xFFFF  }
0xbd: {  	_ =	shalt  }

// kernel: kernel.23.cloned.1.call-start
scs
__scs_entry_jumppad:
0x0: {  	(pc) =	sbr.rel $0x88, $3  }
0x1: {  	(tag) =	ssettag $0x0;
	lr =	simm.s32 $0x1  }
0x2: {  	[smem:$0x3F8F] =	sst lr;
	_ =	strace $0xD0000000  }
0x3: {  	_ = 	snop  }
0x4: {  	_ = 	snop  }
0x5: {  	_ = 	snop  }
0x6: {  	_ = 	snop  }
0x7: {  	_ = 	snop  }
__scs_overlays_trampoline_lowered:
0x8: {  	[smem:$0x3F9E] =	sst s0  }
0x9: {  	[smem:$0x3F9F] =	sst s1  }
0xa: {  	[smem:$0x3FA0] =	sst s2  }
0xb: {  	[smem:$0x3FA1] =	sst s3  }
0xc: {  	[smem:$0x3FA2] =	sst s4  }
0xd: {  	[smem:$0x3FA3] =	sst s5  }
0xe: {  	[smem:$0x3FA4] =	sst s6  }
0xf: {  	[smem:$0x3FA5] =	sst s7  }
0x10: {  	[smem:$0x3FA6] =	sst s8  }
0x11: {  	[smem:$0x3FA7] =	sst s9;
	s0 =	simm.s32 @!p0 $0x0  }
0x12: {  	s1 =	sld [smem:$0x3F8D];
	s0 =	simm.s32 @p0 $0x1  }
0x13: {  	[smem:$0x3FA8] =	sst s0;
	s0 =	simm.s32 @!p1 $0x0  }
0x14: {  	s2 =	sld [smem:$0x3F8C];
	s0 =	simm.s32 @p1 $0x1  }
0x15: {  	[smem:$0x3FA9] =	sst s0;
	s0 =	simm.s32 @!p2 $0x0  }
0x16: {  	s3 =	sld [smem:$0x3FDB];
	s0 =	simm.s32 @p2 $0x1  }
0x17: {  	s4 =	simm.s32 $0x1BF5;
	[smem:$0x3FAB] =	sst s0  }
0x18: {  	s0 =	sld [smem:$0x3F8E];
	_ =	swait.ge [sflag:s4], $0x0  }
0x19: {  	s7 =	sld [smem:$0x3F8F]  }
0x1a: {  	s8 =	sadd.s32 $0xFFFFE003, lr  }
0x1b: {  	s9 =	sadd.s32 $0xFFFFFEF7, lr;
	s5 =	simm.s32 $0xFFFFFFFF;
	p2 =	slt.u32 s8, $0xFFFFF086  }
0x1c: {  	p1 =	slt.u32 s9, $0xF7A;
	s5 =	simm.s32 @!p2 $0x0  }
0x1d: {  	s5 =	simm.s32 @p1 $0x1;
	p0 =	seq.s32 s7, s2  }
0x1e: {  	s7 =	smul.u32 @!p0 $0xF7A, s2;
	p2 =	seq.s32 @!p0 s5, $0x0  }
0x1f: {  	s9 =	smul.u32 $0xF7A, s1;
	s8 =	simm.s32 @!p0 $0x1BF5;
	p2 =	por !p2, p0  }
0x20: {  	[sflag:s8] =	ssyncset.s32 @!p0 $0xFFFFF086;
	s6 =	sadd.s32 @!p0 s3, s7;
	s7 =	simm.s32 @!p0 $0x108  }
0x21: {  	s3 =	sadd.s32 s3, s9;
	s6 =	sadd.s32 @!p0 $0x88, s6;
	s7 =	simm.s32 @p2 $0x1082  }
0x22: {  	[simem:s7], [sflag:s8] =	dma.local @!p0 [hbm:s6], $0xF7A  }
0x23: {  	s9 =	sor.u32 $0xD0000000, s2;
	s6 =	simm.s32 $0x108;
	_ =	swait.ge @!p0 [sflag:s8], $0x0  }
0x24: {  	s3 =	sadd.s32 $0x88, s3;
	s6 =	simm.s32 @!p1 $0x1082;
	[sflag:s4] =	ssyncset.s32 $0xFFFFF086  }
0x25: {  	[simem:s6], [sflag:s4] =	dma.local [hbm:s3], $0xF7A  }
0x26: {  	[smem:$0x3F8F] =	sst s1;
	(tag) =	ssettag s2;
	_ =	strace s9  }
0x27: {  	s1 =	sld [smem:$0x3F9F]  }
0x28: {  	s2 =	sld [smem:$0x3FA0]  }
0x29: {  	s4 =	sld [smem:$0x3FA2]  }
0x2a: {  	p0 =	seq.s32 s5, $0x0;
	s5 =	sld [smem:$0x3FA3]  }
0x2b: {  	s6 =	sld [smem:$0x3FA4]  }
0x2c: {  	s7 =	sld [smem:$0x3FA5]  }
0x2d: {  	s3 =	simm.s32 $0x108;
	s8 =	sld [smem:$0x3FA6]  }
0x2e: {  	s3 =	simm.s32 @!p0 $0x1082;
	s9 =	sld [smem:$0x3FA7]  }
0x2f: {  	lr =	sadd.s32 s0, s3;
	s0 =	sld [smem:$0x3F9E]  }
0x30: {  	s3 =	sld [smem:$0x3FA1]  }
0x31: {  	[smem:$0x3FAA] =	sst s10  }
0x32: {  	s10 =	sld [smem:$0x3FA8];
	_ =	sdelay $0x3  }
0x33: {  	p0 =	seq.s32 s10, $0x1;
	s10 =	sld [smem:$0x3FAA];
	_ =	sdelay $0x3  }
0x34: {  	[smem:$0x3FAA] =	sst s10  }
0x35: {  	s10 =	sld [smem:$0x3FA9];
	_ =	sdelay $0x3  }
0x36: {  	p1 =	seq.s32 s10, $0x1;
	s10 =	sld [smem:$0x3FAA];
	_ =	sdelay $0x3  }
0x37: {  	[smem:$0x3FAA] =	sst s10  }
0x38: {  	s10 =	sld [smem:$0x3FAB]  }
0x39: {  	_ = 	snop;
	(pc) =	sbr.ind lr, $3  }
0x3a: {  	_ = 	snop  }
0x3b: {  	_ = 	snop  }
0x3c: {  	p2 =	seq.s32 s10, $0x1;
	s10 =	sld [smem:$0x3FAA]  }
0x3d: {  	_ =	shalt  }
0x3e: {  	_ =	shalt  }
0x3f: {  	_ =	shalt  }
0x40: {  	_ =	shalt  }
0x41: {  	_ =	shalt  }
0x42: {  	_ =	shalt  }
0x43: {  	_ =	shalt  }
0x44: {  	_ =	shalt  }
0x45: {  	_ =	shalt  }
0x46: {  	_ =	shalt  }
0x47: {  	_ =	shalt  }
0x48: {  	_ =	shalt  }
0x49: {  	_ =	shalt  }
0x4a: {  	_ =	shalt  }
0x4b: {  	_ =	shalt  }
0x4c: {  	_ =	shalt  }
0x4d: {  	_ =	shalt  }
0x4e: {  	_ =	shalt  }
0x4f: {  	_ =	shalt  }
0x50: {  	_ =	shalt  }
0x51: {  	_ =	shalt  }
0x52: {  	_ =	shalt  }
0x53: {  	_ =	shalt  }
0x54: {  	_ =	shalt  }
0x55: {  	_ =	shalt  }
0x56: {  	_ =	shalt  }
0x57: {  	_ =	shalt  }
0x58: {  	_ =	shalt  }
0x59: {  	_ =	shalt  }
0x5a: {  	_ =	shalt  }
0x5b: {  	_ =	shalt  }
0x5c: {  	_ =	shalt  }
0x5d: {  	_ =	shalt  }
0x5e: {  	_ =	shalt  }
0x5f: {  	_ =	shalt  }
0x60: {  	_ =	shalt  }
0x61: {  	_ =	shalt  }
0x62: {  	_ =	shalt  }
0x63: {  	_ =	shalt  }
0x64: {  	_ =	shalt  }
0x65: {  	_ =	shalt  }
0x66: {  	_ =	shalt  }
0x67: {  	_ =	shalt  }
0x68: {  	_ =	shalt  }
0x69: {  	_ =	shalt  }
0x6a: {  	_ =	shalt  }
0x6b: {  	_ =	shalt  }
0x6c: {  	_ =	shalt  }
0x6d: {  	_ =	shalt  }
0x6e: {  	_ =	shalt  }
0x6f: {  	_ =	shalt  }
0x70: {  	_ =	shalt  }
0x71: {  	_ =	shalt  }
0x72: {  	_ =	shalt  }
0x73: {  	_ =	shalt  }
0x74: {  	_ =	shalt  }
0x75: {  	_ =	shalt  }
0x76: {  	_ =	shalt  }
0x77: {  	_ =	shalt  }
0x78: {  	_ =	shalt  }
0x79: {  	_ =	shalt  }
0x7a: {  	_ =	shalt  }
0x7b: {  	_ =	shalt  }
0x7c: {  	_ =	shalt  }
0x7d: {  	_ =	shalt  }
0x7e: {  	_ =	shalt  }
0x7f: {  	_ =	shalt  }
0x80: {  	_ =	shalt  }
0x81: {  	_ =	shalt  }
0x82: {  	_ =	shalt  }
0x83: {  	_ =	shalt  }
0x84: {  	_ =	shalt  }
0x85: {  	_ =	shalt  }
0x86: {  	_ =	shalt  }
0x87: {  	_ =	shalt  }
.Lfunc_end0:
.L_simem_size_0:
called_computation.3_lowered:
.L_overlay_start_0:
0x88: {  	s2 =	sld [smem:$0x3FD9]  }
0x89: {  	s3 =	sld [smem:$0x3FFE];
	_ =	sdelay $0x1  }
0x8a: {  	s1 =	srdreg.scid  }
0x8b: {  	s0 =	sand.u32 $0x1, s1  }
0x8c: {  	s16 =	sshll.u32 s0, $0xA;
	s2 =	sadd.s32 s3, s2  }
0x8d: {  	s2 =	sadd.s32 s2, s16  }
0x8e: {  	[smem:$0x3FB6] =	sst s2  }
0x8f: {  	_ = 	snop  }
0x90: {  	(tm) =	ssettm $0x1  }
0x91: {  	s17 =	sld [smem:$0x3FFB];
	_ =	sdelay $0x3  }
0x92: {  	_ =	strace s17  }
0x93: {  	s2 =	sld [smem:$0x3FFC];
	_ =	sdelay $0x3  }
0x94: {  	_ =	strace s2  }
0x95: {  	s2 =	sld [smem:$0x3FFD];
	_ =	sdelay $0x3  }
0x96: {  	_ =	strace s2  }
0x97: {  	_ =	strace $0x8FFFFFFF  }
0x98: {  	s18 =	sld [smem:$0x3FDB];
	_ =	sdelay $0x1  }
0x99: {  	s19 =	simm.s32 $_scs_section_size  }
0x9a: {  	s4 =	simm.s32 $_size__tile_overlayer_lowered;
	s5 =	simm.s32 $_tile_overlayer_lowered  }
0x9b: {  	s22 =	simm.s32 $0x1BFF;
	s21 =	sshll.u32 s5, $0x1;
	s2 =	sadd.s32 s19, s18  }
0x9c: {  	s6 =	simm.s32 $0x0;
	s20 =	sshll.u32 s4, $0x1;
	s4 =	sadd.s32 s21, s2  }
0x9d: {  	[timem:s6], [sflag:s22] =	dma.local [hbm:s4], s20  }
0x9e: {  	_ =	swait.ge [sflag:s22], s20  }
0x9f: {  	s3 =	ssub.s32 $0x0, s20;
	[sflag:s22] =	ssyncset.done $0x0  }
0xa0: {  	[sflag:s22] =	ssyncadd.s32 s3;
	_ =	sdelay $0x1  }
0xa1: {  	s23 =	simm.s32 $0x1B8B  }
0xa2: {  	_ =	swait.ge [sflag:s23], $0x1  }
0xa3: {  	[sflag:s23] =	ssyncset.done $0x0  }
0xa4: {  	s25 =	simm.s32 $0x1B8E;
	s24 =	sld [smem:$0x3FFE];
	[sflag:s23] =	ssyncadd.s32 $0xFFFFFFFF  }
0xa5: {  	s26 =	simm.s32 $execute0_lowered;
	[smem:$0x3FD2] =	sst s25  }
0xa6: {  	s4 =	sshll.u32 s26, $0x1;
	_ =	strace $0x8000004F;
	[dreg:$0x1] =	wrdreg $0xFFFFFFFF  }
0xa7: {  	s28 =	simm.s32 $_size_execute0_lowered;
	s2 =	sadd.s32 s2, s4;
	[dreg:$0x0] =	wrdreg $0x0  }
0xa8: {  	s4 =	sshll.u32 s28, $0x1;
	[dreg:$0x2] =	wrdreg s2  }
0xa9: {  	[dreg:$0x3] =	wrdreg s4  }
0xaa: {  	[dreg:$0x4] =	wrdreg $0xC0  }
0xab: {  	_ =	task [dreg:s6], $0x5FFFF  }
0xac: {  	[dreg:$0x1] =	wrdreg $0xFFFFFFFF  }
0xad: {  	[dreg:$0x0] =	wrdreg $0x60  }
0xae: {  	[dreg:$0x2] =	wrdreg s24  }
0xaf: {  	[dreg:$0x3] =	wrdreg $0xB3000  }
0xb0: {  	[dreg:$0x4] =	wrdreg $0x9  }
0xb1: {  	_ =	task.clear_ibuf [dreg:s6], $0x5FFFF;
	_ =	strace $0x9000004F  }
0xb2: {  	s29 =	simm.s32 $0x9;
	_ =	strace $0x80000051  }
0xb3: {  	_ =	swait.ge [sflag:s29], $0x1  }
0xb4: {  	[sflag:s29] =	ssyncadd.s32 $0xFFFFFFFF  }
0xb5: {  	_ =	strace $0x90000051  }
0xb6: {  	_ =	sfence  }
0xb7: {  	s30 =	sld [smem:$0x0];
	_ =	sdelay $0x2  }
0xb8: {  	s31 =	sshll.u32 s1, $0xD;
	s1 =	sshrl.u32 s1, $0x2  }
0xb9: {  	s3 =	sand.u32 $0x4000, s31;
	s1 =	sadd.s32 s1, s30  }
0xba: {  	s0 =	sor.u32 s3, s0;
	s1 =	sshll.u32 s1, $0x11  }
0xbb: {  	s0 =	sor.u32 s1, s0  }
0xbc: {  	s0 =	sadd.s32 $0x8F2B, s0  }
0xbd: {  	[sflag:s0] =	ssyncadd.remote.s32 $0x1  }
0xbe: {  	_ =	sfence.sel $0xFFFF  }
0xbf: {  	[dreg:$0x0] =	wrdreg $0xFFFFFFFF;
	(pc) =	sbr.abs _section_cstart, $3  }
0xc0: {  	[dreg:$0x1] =	wrdreg $0xFFFFFFFF  }
0xc1: {  	_ =	task.clear_ibuf [dreg:s6], $0x2FFFF;
	_ =	strace $0x9FFFFFFF  }
0xc2: {  	(tm) =	ssettm $0x7FFFFFFF  }
0xc3: {  	_ =	shalt  }
tec
execute0_lowered:
.L_overlay_start_1:
0x0: {  	(tag) =	ssettag $0x1  }
0x1: {  	s0 =	rddreg [dreg:$0x0]  }
0x2: {  	s1 =	rddreg [dreg:$0x1]  }
0x3: {  	s2 =	srdreg.scid;
	s12 =	stileid.u32  }
0x4: {  	s17 =	simm.s32 $0x4F00;
	s18 =	simm.s32 $0x6300;
	s20 =	simm.s32 $0x7700  }
0x5: {  	s28 =	simm.s32 $0x3;
	s29 =	simm.s32 $0x4;
	s30 =	simm.s32 $0x5  }
0x6: {  	s19 =	simm.s32 $0x4E40;
	s21 =	simm.s32 $0x4E68;
	s8 =	smul.u32 $0x2700, s12  }
0x7: {  	s6 =	sand.u32 $0x1, s2;
	s2 =	simm.s32 $0x0;
	s9 =	smul.u32 $0x4E000, s12  }
0x8: {  	s11 =	sadd.s32 $0x67400, s0;
	s16 =	sadd.s32 $0x138000, s1;
	p0 =	sne.s32 s12, $0x0  }
0x9: {  	s31 =	sshll.u32 s12, $0x6;
	s3 =	sshll.u32 s6, $0x4;
	s14 =	smul.u32 $0x138800, s6  }
0xa: {  	[smem:$0x7FF] =	sst s2;
	s5 =	ssub.s32 $0x2, s6;
	s23 =	smul.u32 $0x27100, s6  }
0xb: {  	s3 =	sor.u32 s12, s3;
	_ =	strace $0x80000050;
	s22 =	sshrl.u32 s5, $0x1  }
0xc: {  	s10 =	sadd.s32 s8, s0;
	s9 =	sshrl.u32 s9, $0x2;
	s4 =	smul.u32 $0x4E2, s3  }
0xd: {  	s3 =	sadd.s32 $0x19000, s0;
	s13 =	ssub.s32 s5, s22;
	s15 =	sadd.s32 s9, s1  }
0xe: {  	s6 =	sadd.s32 $0x40200, s10;
	s24 =	sshrl.u32 s14, $0x3;
	s25 =	sadd.s32 s8, s23  }
0xf: {  	s22 =	simm.s32 $0x8B00;
	s23 =	simm.s32 $0x0;
	s26 =	sadd.s32 s11, s24  }
0x10: {  	s8 =	sadd.s32 s11, s25;
	s10 =	smax.u32 s13, $0x1;
	s11 =	simm.s32 $0x6  }
0x11: {  	s13 =	sor.u32 $0x1C06, s31;
	s14 =	sshrl.u32 s15, $0x3;
	s15 =	sshrl.u32 @!p0 s16, $0x3  }
0x12: {  	s16 =	simm.s32 $0x28;
	s24 =	simm.s32 $0x9F00;
	s25 =	simm.s32 $0x1  }
0x13: {  	s7 =	sadd.s32 s4, s0;
	s9 =	sadd.s32 $0x27000, s26;
	s26 =	simm.s32 $0x2  }
0x14: {  	s4 =	sadd.s32 $0xF200, s7;
	s5 =	sadd.s32 $0x5400, s7;
	s7 =	sadd.s32 $0x67200, s0  }
.LBB2_1:
0x15: {  	[tilespmem:s2], [sflag:$0x6] =	stream.linear.gather [hbm4b:s4+s2], $0x2710, $0x38;
	[tilespmem:$0x1EB80] =	vst v63  }
0x16: {  	_ =	swait.ge [sflag:s11], $0x2710  }
0x17: {  	[sflag:s11] =	ssyncset.done $0x0  }
0x18: {  	s0 =	simm.s32 $0x2780;
	[sflag:s11] =	ssyncadd.s32 $0xFFFFD8F0  }
0x19: {  	[tilespmem:s0], [sflag:$0x6] =	stream.linear.gather [hbm4b:s5+s2], $0x2710, $0x38;
	[tilespmem:$0x1EB80] =	vst v63  }
0x1a: {  	_ =	swait.ge [sflag:s11], $0x2710  }
0x1b: {  	[sflag:s11] =	ssyncset.done $0x0  }
0x1c: {  	[sflag:s11] =	ssyncadd.s32 $0xFFFFD8F0  }
0x1d: {  	[spmem:s14], [sflag:s13] =	dma.local [hbm:s6], $0x2700  }
0x1e: {  	_ =	swait.ge [sflag:s11], $0x2700  }
0x1f: {  	[sflag:s11] =	ssyncset.done $0x0  }
0x20: {  	s0 =	simm.s32 @!p0 $0x6;
	[sflag:s11] =	ssyncadd.s32 $0xFFFFD900  }
0x21: {  	[spmem:s15], [sflag:s13] =	dma.local @!p0 [hbm:s7], $0x100  }
0x22: {  	_ =	swait.ge @!p0 [sflag:s0], $0x100  }
0x23: {  	[sflag:s0] =	ssyncset.done @!p0 $0x0  }
0x24: {  	[sflag:s0] =	ssyncadd.s32 @!p0 $0xFFFFFF00  }
0x25: {  	[tilespmem:s17], [sflag:$0x1] =	stream.indirect.gather [hbm4b:s3+s16], $0x80, s2, s16, $0xb8;
	[tilespmem:$0x1EB80] =	vst v63  }
0x26: {  	_ = 	snop  }
0x27: {  	[tilespmem:s18], [sflag:$0x2] =	stream.indirect.gather [hbm4b:s3+s16], $0x80, s16, s16, $0xb8;
	[tilespmem:$0x1EB80] =	vst v63  }
0x28: {  	s12 =	simm.s32 $0x50  }
0x29: {  	[tilespmem:s20], [sflag:$0x3] =	stream.indirect.gather [hbm4b:s3+s16], $0x80, s12, s16, $0xb8;
	[tilespmem:$0x1EB80] =	vst v63  }
0x2a: {  	s12 =	simm.s32 $0x78  }
0x2b: {  	[tilespmem:s22], [sflag:$0x4] =	stream.indirect.gather [hbm4b:s3+s16], $0x80, s12, s16, $0xb8;
	[tilespmem:$0x1EB80] =	vst v63  }
0x2c: {  	s12 =	simm.s32 $0xA0  }
0x2d: {  	[tilespmem:s24], [sflag:$0x5] =	stream.indirect.gather [hbm4b:s3+s16], $0x80, s12, s16, $0xb8;
	[tilespmem:$0x1EB80] =	vst v63  }
0x2e: {  	[bflag:$0x0] =	sbarrier.arrive $0xFFFF  }
0x2f: {  	_ =	swait.ge [sflag:s25], $0x1400  }
0x30: {  	[sflag:s25] =	ssyncset.done $0x0  }
0x31: {  	s12 =	simm.s32 $0x2780;
	[sflag:s25] =	ssyncadd.s32 $0xFFFFEC00  }
0x32: {  	[spmem:s1] =	stream.indirect.scatter.add.f32 [tilespmem:s17], [sflag:$0x6], $0x80, s12, s16, $0xb8;
	[tilespmem:$0x1EB80] =	vst v63  }
0x33: {  	_ =	swait.ge [sflag:s11], $0x1400  }
0x34: {  	[sflag:s11] =	ssyncset.done $0x0  }
0x35: {  	s12 =	simm.s32 $0xC8;
	[sflag:s11] =	ssyncadd.s32 $0xFFFFEC00  }
0x36: {  	[tilespmem:s17], [sflag:$0x1] =	stream.indirect.gather [hbm4b:s3+s16], $0x80, s12, s16, $0xb8;
	[tilespmem:$0x1EB80] =	vst v63  }
0x37: {  	_ =	swait.ge [sflag:s26], $0x1400  }
0x38: {  	[sflag:s26] =	ssyncset.done $0x0  }
0x39: {  	s12 =	simm.s32 $0x27A8;
	[sflag:s26] =	ssyncadd.s32 $0xFFFFEC00  }
0x3a: {  	[spmem:s1] =	stream.indirect.scatter.add.f32 [tilespmem:s18], [sflag:$0x6], $0x80, s12, s16, $0xb8;
	[tilespmem:$0x1EB80] =	vst v63  }
0x3b: {  	_ =	swait.ge [sflag:s11], $0x1400  }
0x3c: {  	[sflag:s11] =	ssyncset.done $0x0  }
0x3d: {  	s12 =	simm.s32 $0xF0;
	[sflag:s11] =	ssyncadd.s32 $0xFFFFEC00  }
0x3e: {  	[tilespmem:s18], [sflag:$0x2] =	stream.indirect.gather [hbm4b:s3+s16], $0x80, s12, s16, $0xb8;
	[tilespmem:$0x1EB80] =	vst v63  }
0x3f: {  	_ =	swait.ge [sflag:s28], $0x1400  }
0x40: {  	[sflag:s28] =	ssyncset.done $0x0  }
0x41: {  	s12 =	simm.s32 $0x27D0;
	[sflag:s28] =	ssyncadd.s32 $0xFFFFEC00  }
0x42: {  	[spmem:s1] =	stream.indirect.scatter.add.f32 [tilespmem:s20], [sflag:$0x6], $0x80, s12, s16, $0xb8;
	[tilespmem:$0x1EB80] =	vst v63  }
0x43: {  	_ =	swait.ge [sflag:s11], $0x1400  }
0x44: {  	[sflag:s11] =	ssyncset.done $0x0  }
0x45: {  	s12 =	simm.s32 $0x118;
	[sflag:s11] =	ssyncadd.s32 $0xFFFFEC00  }
0x46: {  	[tilespmem:s20], [sflag:$0x3] =	stream.indirect.gather [hbm4b:s3+s16], $0x80, s12, s16, $0xb8;
	[tilespmem:$0x1EB80] =	vst v63  }
0x47: {  	_ =	swait.ge [sflag:s29], $0x1400  }
0x48: {  	[sflag:s29] =	ssyncset.done $0x0  }
0x49: {  	s12 =	simm.s32 $0x27F8;
	[sflag:s29] =	ssyncadd.s32 $0xFFFFEC00  }
0x4a: {  	[spmem:s1] =	stream.indirect.scatter.add.f32 [tilespmem:s22], [sflag:$0x6], $0x80, s12, s16, $0xb8;
	[tilespmem:$0x1EB80] =	vst v63  }
0x4b: {  	_ =	swait.ge [sflag:s11], $0x1400  }
0x4c: {  	[sflag:s11] =	ssyncset.done $0x0  }
0x4d: {  	s12 =	simm.s32 $0x140;
	[sflag:s11] =	ssyncadd.s32 $0xFFFFEC00  }
0x4e: {  	[tilespmem:s22], [sflag:$0x4] =	stream.indirect.gather [hbm4b:s3+s16], $0x80, s12, s16, $0xb8;
	[tilespmem:$0x1EB80] =	vst v63  }
0x4f: {  	_ =	swait.ge [sflag:s30], $0x1400  }
0x50: {  	[sflag:s30] =	ssyncset.done $0x0  }
0x51: {  	s12 =	simm.s32 $0x2820;
	[sflag:s30] =	ssyncadd.s32 $0xFFFFEC00  }
0x52: {  	[spmem:s1] =	stream.indirect.scatter.add.f32 [tilespmem:s24], [sflag:$0x6], $0x80, s12, s16, $0xb8;
	[tilespmem:$0x1EB80] =	vst v63  }
0x53: {  	_ =	swait.ge [sflag:s11], $0x1400  }
0x54: {  	[sflag:s11] =	ssyncset.done $0x0  }
0x55: {  	s31 =	simm.s32 $0x320;
	s0 =	simm.s32 $0x168;
	[sflag:s11] =	ssyncadd.s32 $0xFFFFEC00  }
.LBB2_2:
0x56: {  	[tilespmem:s24], [sflag:$0x5] =	stream.indirect.gather [hbm4b:s3+s16], $0x80, s0, s16, $0xb8;
	[tilespmem:$0x1EB80] =	vst v63  }
0x57: {  	s0 =	smov.u32 s31  }
0x58: {  	p1 =	sne.s32 s31, $0x9600;
	s31 =	sadd.s32 $0x320, s31;
	_ =	swait.ge [sflag:s25], $0x1400  }
0x59: {  	s0 =	sshra.s32 s0, $0x2;
	[sflag:s25] =	ssyncset.done $0x0  }
0x5a: {  	s12 =	sadd.s32 $0x2780, s0;
	[sflag:s25] =	ssyncadd.s32 $0xFFFFEC00  }
0x5b: {  	[spmem:s1] =	stream.indirect.scatter.add.f32 [tilespmem:s17], [sflag:$0x6], $0x80, s12, s16, $0xb8;
	[tilespmem:$0x1EB80] =	vst v63  }
0x5c: {  	_ =	swait.ge [sflag:s11], $0x1400  }
0x5d: {  	[sflag:s11] =	ssyncset.done $0x0  }
0x5e: {  	s12 =	sadd.s32 $0xC8, s0;
	[sflag:s11] =	ssyncadd.s32 $0xFFFFEC00  }
0x5f: {  	[tilespmem:s17], [sflag:$0x1] =	stream.indirect.gather [hbm4b:s3+s16], $0x80, s12, s16, $0xb8;
	[tilespmem:$0x1EB80] =	vst v63  }
0x60: {  	_ =	swait.ge [sflag:s26], $0x1400  }
0x61: {  	[sflag:s26] =	ssyncset.done $0x0  }
0x62: {  	s12 =	sadd.s32 $0x27A8, s0;
	[sflag:s26] =	ssyncadd.s32 $0xFFFFEC00  }
0x63: {  	[spmem:s1] =	stream.indirect.scatter.add.f32 [tilespmem:s18], [sflag:$0x6], $0x80, s12, s16, $0xb8;
	[tilespmem:$0x1EB80] =	vst v63  }
0x64: {  	_ =	swait.ge [sflag:s11], $0x1400  }
0x65: {  	[sflag:s11] =	ssyncset.done $0x0  }
0x66: {  	s12 =	sadd.s32 $0xF0, s0;
	[sflag:s11] =	ssyncadd.s32 $0xFFFFEC00  }
0x67: {  	[tilespmem:s18], [sflag:$0x2] =	stream.indirect.gather [hbm4b:s3+s16], $0x80, s12, s16, $0xb8;
	[tilespmem:$0x1EB80] =	vst v63  }
0x68: {  	_ =	swait.ge [sflag:s28], $0x1400  }
0x69: {  	[sflag:s28] =	ssyncset.done $0x0  }
0x6a: {  	s12 =	sadd.s32 $0x27D0, s0;
	[sflag:s28] =	ssyncadd.s32 $0xFFFFEC00  }
0x6b: {  	[spmem:s1] =	stream.indirect.scatter.add.f32 [tilespmem:s20], [sflag:$0x6], $0x80, s12, s16, $0xb8;
	[tilespmem:$0x1EB80] =	vst v63  }
0x6c: {  	_ =	swait.ge [sflag:s11], $0x1400  }
0x6d: {  	[sflag:s11] =	ssyncset.done $0x0  }
0x6e: {  	s12 =	sadd.s32 $0x118, s0;
	[sflag:s11] =	ssyncadd.s32 $0xFFFFEC00  }
0x6f: {  	[tilespmem:s20], [sflag:$0x3] =	stream.indirect.gather [hbm4b:s3+s16], $0x80, s12, s16, $0xb8;
	[tilespmem:$0x1EB80] =	vst v63  }
0x70: {  	_ =	swait.ge [sflag:s29], $0x1400  }
0x71: {  	[sflag:s29] =	ssyncset.done $0x0  }
0x72: {  	s12 =	sadd.s32 $0x27F8, s0;
	[sflag:s29] =	ssyncadd.s32 $0xFFFFEC00  }
0x73: {  	[spmem:s1] =	stream.indirect.scatter.add.f32 [tilespmem:s22], [sflag:$0x6], $0x80, s12, s16, $0xb8;
	[tilespmem:$0x1EB80] =	vst v63  }
0x74: {  	_ =	swait.ge [sflag:s11], $0x1400  }
0x75: {  	[sflag:s11] =	ssyncset.done $0x0  }
0x76: {  	s12 =	sadd.s32 $0x140, s0;
	[sflag:s11] =	ssyncadd.s32 $0xFFFFEC00  }
0x77: {  	[tilespmem:s22], [sflag:$0x4] =	stream.indirect.gather [hbm4b:s3+s16], $0x80, s12, s16, $0xb8;
	[tilespmem:$0x1EB80] =	vst v63  }
0x78: {  	_ =	swait.ge [sflag:s30], $0x1400  }
0x79: {  	[sflag:s30] =	ssyncset.done $0x0  }
.Ltmp0:
0x7a: {  	s12 =	sadd.s32 $0x2820, s0;
	[sflag:s30] =	ssyncadd.s32 $0xFFFFEC00;
	(pc) =	sbr.rel @p1 .LBB2_2-.Ltmp0, $4  }
0x7b: {  	[spmem:s1] =	stream.indirect.scatter.add.f32 [tilespmem:s24], [sflag:$0x6], $0x80, s12, s16, $0xb8;
	[tilespmem:$0x1EB80] =	vst v63  }
0x7c: {  	_ =	swait.ge [sflag:s11], $0x1400  }
0x7d: {  	[sflag:s11] =	ssyncset.done $0x0  }
0x7e: {  	s0 =	sadd.s32 $0x168, s0;
	[sflag:s11] =	ssyncadd.s32 $0xFFFFEC00  }
0x7f: {  	[tilespmem:s24], [sflag:$0x5] =	stream.indirect.gather [hbm4b:s3+s16], $0x80, s0, s16, $0xb8;
	[tilespmem:$0x1EB80] =	vst v63  }
0x80: {  	_ =	swait.ge [sflag:s25], $0x1400  }
0x81: {  	[sflag:s25] =	ssyncset.done $0x0  }
0x82: {  	s31 =	simm.s32 $0x4DC8;
	[sflag:s25] =	ssyncadd.s32 $0xFFFFEC00  }
0x83: {  	[spmem:s1] =	stream.indirect.scatter.add.f32 [tilespmem:s17], [sflag:$0x6], $0x80, s31, s16, $0xb8;
	[tilespmem:$0x1EB80] =	vst v63  }
0x84: {  	_ =	swait.ge [sflag:s11], $0x1400  }
0x85: {  	[sflag:s11] =	ssyncset.done $0x0  }
0x86: {  	[sflag:s11] =	ssyncadd.s32 $0xFFFFEC00  }
0x87: {  	_ =	swait.ge [sflag:s26], $0x1400  }
0x88: {  	[sflag:s26] =	ssyncset.done $0x0  }
0x89: {  	s12 =	simm.s32 $0x4DF0;
	[sflag:s26] =	ssyncadd.s32 $0xFFFFEC00  }
0x8a: {  	[spmem:s1] =	stream.indirect.scatter.add.f32 [tilespmem:s18], [sflag:$0x6], $0x80, s12, s16, $0xb8;
	[tilespmem:$0x1EB80] =	vst v63  }
0x8b: {  	_ =	swait.ge [sflag:s11], $0x1400  }
0x8c: {  	[sflag:s11] =	ssyncset.done $0x0  }
0x8d: {  	[sflag:s11] =	ssyncadd.s32 $0xFFFFEC00  }
0x8e: {  	_ =	swait.ge [sflag:s28], $0x1400  }
0x8f: {  	[sflag:s28] =	ssyncset.done $0x0  }
0x90: {  	s31 =	simm.s32 $0x4E18;
	[sflag:s28] =	ssyncadd.s32 $0xFFFFEC00  }
0x91: {  	[spmem:s1] =	stream.indirect.scatter.add.f32 [tilespmem:s20], [sflag:$0x6], $0x80, s31, s16, $0xb8;
	[tilespmem:$0x1EB80] =	vst v63  }
0x92: {  	_ =	swait.ge [sflag:s11], $0x1400  }
0x93: {  	[sflag:s11] =	ssyncset.done $0x0  }
0x94: {  	[sflag:s11] =	ssyncadd.s32 $0xFFFFEC00  }
0x95: {  	_ =	swait.ge [sflag:s29], $0x1400  }
0x96: {  	[sflag:s29] =	ssyncset.done $0x0  }
0x97: {  	[sflag:s29] =	ssyncadd.s32 $0xFFFFEC00  }
0x98: {  	[spmem:s1] =	stream.indirect.scatter.add.f32 [tilespmem:s22], [sflag:$0x6], $0x80, s19, s16, $0xb8;
	[tilespmem:$0x1EB80] =	vst v63  }
0x99: {  	_ =	swait.ge [sflag:s11], $0x1400  }
0x9a: {  	[sflag:s11] =	ssyncset.done $0x0  }
0x9b: {  	[sflag:s11] =	ssyncadd.s32 $0xFFFFEC00  }
0x9c: {  	_ =	swait.ge [sflag:s30], $0x1400  }
0x9d: {  	[sflag:s30] =	ssyncset.done $0x0  }
0x9e: {  	[sflag:s30] =	ssyncadd.s32 $0xFFFFEC00  }
0x9f: {  	[spmem:s1] =	stream.indirect.scatter.add.f32 [tilespmem:s24], [sflag:$0x6], $0x80, s21, s16, $0xb8;
	[tilespmem:$0x1EB80] =	vst v63  }
0xa0: {  	_ =	swait.ge [sflag:s11], $0x1400  }
0xa1: {  	[sflag:s11] =	ssyncset.done $0x0  }
0xa2: {  	[sflag:s11] =	ssyncadd.s32 $0xFFFFEC00  }
0xa3: {  	[bflag:$0x0] =	sbarrier.arrive $0xFFFF  }
0xa4: {  	[hbm:s8], [sflag:s13] =	dma.local [spmem:s14], $0x2700  }
0xa5: {  	s23 =	sadd.s32 $0x1, s23;
	_ =	swait.ge [sflag:s11], $0x2700  }
0xa6: {  	p1 =	sne.s32 s23, s10;
	[sflag:s11] =	ssyncset.done $0x0  }
.Ltmp1:
0xa7: {  	s0 =	simm.s32 @!p0 $0x6;
	[sflag:s11] =	ssyncadd.s32 $0xFFFFD900;
	(pc) =	sbr.rel @p1 .LBB2_1-.Ltmp1, $4  }
0xa8: {  	[hbm:s9], [sflag:s13] =	dma.local @!p0 [spmem:s15], $0x100  }
0xa9: {  	_ =	swait.ge @!p0 [sflag:s0], $0x100  }
0xaa: {  	[sflag:s0] =	ssyncset.done @!p0 $0x0  }
0xab: {  	[sflag:s0] =	ssyncadd.s32 @!p0 $0xFFFFFF00  }
0xac: {  	_ =	sfence.sel $0x180000  }
0xad: {  	[bflag:$0x0] =	sbarrier.arrive $0xFFFF  }
0xae: {  	_ =	strace $0x90000050  }
0xaf: {  	[bflag:$0x2] =	sbarrier.arrive $0xFFFF  }
0xb0: {  	s0 =	rddreg [dreg:$0x2]  }
0xb1: {  	s0 =	sadd.s32 @!p0 $0x100000, s0  }
0xb2: {  	[sflag:s0] =	ssyncadd.tile.s32 @!p0 $0x1;
	_ =	shalt  }
.Lfunc_end2:
_tile_overlayer_lowered:
.L_overlay_start_2:
0xb3: {  	(tag) =	ssettag $0x2  }
0xb4: {  	s0 =	rddreg [dreg:$0x0];
	s2 =	stileid.u32  }
0xb5: {  	s1 =	rddreg [dreg:$0x1];
	p0 =	sne.s32 s2, $0x0  }
0xb6: {  	s3 =	rddreg [dreg:$0x2];
	[bflag:$0x3] =	sbarrier.arrive $0xFFFF;
	s2 =	simm.s32 @!p0 $0x1C06  }
0xb7: {  	[timem:s3], [sflag:s2] =	dma.local @!p0 [hbm:s0], s1  }
0xb8: {  	s0 =	simm.s32 @!p0 $0x6  }
0xb9: {  	_ =	swait.ge @!p0 [sflag:s0], s1  }
0xba: {  	s1 =	ssub.s32 @!p0 $0x0, s1;
	[sflag:s0] =	ssyncset.done @!p0 $0x0  }
0xbb: {  	[sflag:s0] =	ssyncadd.s32 @!p0 s1  }
0xbc: {  	[bflag:$0x3] =	sbarrier.arrive $0xFFFF  }
0xbd: {  	_ =	shalt  }

// kernel: kernel.26.cloned.1.call-start
scs
__scs_entry_jumppad:
0x0: {  	(pc) =	sbr.rel $0x88, $3  }
0x1: {  	(tag) =	ssettag $0x0;
	lr =	simm.s32 $0x1  }
0x2: {  	[smem:$0x3F8F] =	sst lr;
	_ =	strace $0xD0000000  }
0x3: {  	_ = 	snop  }
0x4: {  	_ = 	snop  }
0x5: {  	_ = 	snop  }
0x6: {  	_ = 	snop  }
0x7: {  	_ = 	snop  }
__scs_overlays_trampoline_lowered:
0x8: {  	[smem:$0x3F9E] =	sst s0  }
0x9: {  	[smem:$0x3F9F] =	sst s1  }
0xa: {  	[smem:$0x3FA0] =	sst s2  }
0xb: {  	[smem:$0x3FA1] =	sst s3  }
0xc: {  	[smem:$0x3FA2] =	sst s4  }
0xd: {  	[smem:$0x3FA3] =	sst s5  }
0xe: {  	[smem:$0x3FA4] =	sst s6  }
0xf: {  	[smem:$0x3FA5] =	sst s7  }
0x10: {  	[smem:$0x3FA6] =	sst s8  }
0x11: {  	[smem:$0x3FA7] =	sst s9;
	s0 =	simm.s32 @!p0 $0x0  }
0x12: {  	s1 =	sld [smem:$0x3F8D];
	s0 =	simm.s32 @p0 $0x1  }
0x13: {  	[smem:$0x3FA8] =	sst s0;
	s0 =	simm.s32 @!p1 $0x0  }
0x14: {  	s2 =	sld [smem:$0x3F8C];
	s0 =	simm.s32 @p1 $0x1  }
0x15: {  	[smem:$0x3FA9] =	sst s0;
	s0 =	simm.s32 @!p2 $0x0  }
0x16: {  	s3 =	sld [smem:$0x3FDB];
	s0 =	simm.s32 @p2 $0x1  }
0x17: {  	s4 =	simm.s32 $0x1BF5;
	[smem:$0x3FAB] =	sst s0  }
0x18: {  	s0 =	sld [smem:$0x3F8E];
	_ =	swait.ge [sflag:s4], $0x0  }
0x19: {  	s7 =	sld [smem:$0x3F8F]  }
0x1a: {  	s8 =	sadd.s32 $0xFFFFE003, lr  }
0x1b: {  	s9 =	sadd.s32 $0xFFFFFEF7, lr;
	s5 =	simm.s32 $0xFFFFFFFF;
	p2 =	slt.u32 s8, $0xFFFFF086  }
0x1c: {  	p1 =	slt.u32 s9, $0xF7A;
	s5 =	simm.s32 @!p2 $0x0  }
0x1d: {  	s5 =	simm.s32 @p1 $0x1;
	p0 =	seq.s32 s7, s2  }
0x1e: {  	s7 =	smul.u32 @!p0 $0xF7A, s2;
	p2 =	seq.s32 @!p0 s5, $0x0  }
0x1f: {  	s9 =	smul.u32 $0xF7A, s1;
	s8 =	simm.s32 @!p0 $0x1BF5;
	p2 =	por !p2, p0  }
0x20: {  	[sflag:s8] =	ssyncset.s32 @!p0 $0xFFFFF086;
	s6 =	sadd.s32 @!p0 s3, s7;
	s7 =	simm.s32 @!p0 $0x108  }
0x21: {  	s3 =	sadd.s32 s3, s9;
	s6 =	sadd.s32 @!p0 $0x88, s6;
	s7 =	simm.s32 @p2 $0x1082  }
0x22: {  	[simem:s7], [sflag:s8] =	dma.local @!p0 [hbm:s6], $0xF7A  }
0x23: {  	s9 =	sor.u32 $0xD0000000, s2;
	s6 =	simm.s32 $0x108;
	_ =	swait.ge @!p0 [sflag:s8], $0x0  }
0x24: {  	s3 =	sadd.s32 $0x88, s3;
	s6 =	simm.s32 @!p1 $0x1082;
	[sflag:s4] =	ssyncset.s32 $0xFFFFF086  }
0x25: {  	[simem:s6], [sflag:s4] =	dma.local [hbm:s3], $0xF7A  }
0x26: {  	[smem:$0x3F8F] =	sst s1;
	(tag) =	ssettag s2;
	_ =	strace s9  }
0x27: {  	s1 =	sld [smem:$0x3F9F]  }
0x28: {  	s2 =	sld [smem:$0x3FA0]  }
0x29: {  	s4 =	sld [smem:$0x3FA2]  }
0x2a: {  	p0 =	seq.s32 s5, $0x0;
	s5 =	sld [smem:$0x3FA3]  }
0x2b: {  	s6 =	sld [smem:$0x3FA4]  }
0x2c: {  	s7 =	sld [smem:$0x3FA5]  }
0x2d: {  	s3 =	simm.s32 $0x108;
	s8 =	sld [smem:$0x3FA6]  }
0x2e: {  	s3 =	simm.s32 @!p0 $0x1082;
	s9 =	sld [smem:$0x3FA7]  }
0x2f: {  	lr =	sadd.s32 s0, s3;
	s0 =	sld [smem:$0x3F9E]  }
0x30: {  	s3 =	sld [smem:$0x3FA1]  }
0x31: {  	[smem:$0x3FAA] =	sst s10  }
0x32: {  	s10 =	sld [smem:$0x3FA8];
	_ =	sdelay $0x3  }
0x33: {  	p0 =	seq.s32 s10, $0x1;
	s10 =	sld [smem:$0x3FAA];
	_ =	sdelay $0x3  }
0x34: {  	[smem:$0x3FAA] =	sst s10  }
0x35: {  	s10 =	sld [smem:$0x3FA9];
	_ =	sdelay $0x3  }
0x36: {  	p1 =	seq.s32 s10, $0x1;
	s10 =	sld [smem:$0x3FAA];
	_ =	sdelay $0x3  }
0x37: {  	[smem:$0x3FAA] =	sst s10  }
0x38: {  	s10 =	sld [smem:$0x3FAB]  }
0x39: {  	_ = 	snop;
	(pc) =	sbr.ind lr, $3  }
0x3a: {  	_ = 	snop  }
0x3b: {  	_ = 	snop  }
0x3c: {  	p2 =	seq.s32 s10, $0x1;
	s10 =	sld [smem:$0x3FAA]  }
0x3d: {  	_ =	shalt  }
0x3e: {  	_ =	shalt  }
0x3f: {  	_ =	shalt  }
0x40: {  	_ =	shalt  }
0x41: {  	_ =	shalt  }
0x42: {  	_ =	shalt  }
0x43: {  	_ =	shalt  }
0x44: {  	_ =	shalt  }
0x45: {  	_ =	shalt  }
0x46: {  	_ =	shalt  }
0x47: {  	_ =	shalt  }
0x48: {  	_ =	shalt  }
0x49: {  	_ =	shalt  }
0x4a: {  	_ =	shalt  }
0x4b: {  	_ =	shalt  }
0x4c: {  	_ =	shalt  }
0x4d: {  	_ =	shalt  }
0x4e: {  	_ =	shalt  }
0x4f: {  	_ =	shalt  }
0x50: {  	_ =	shalt  }
0x51: {  	_ =	shalt  }
0x52: {  	_ =	shalt  }
0x53: {  	_ =	shalt  }
0x54: {  	_ =	shalt  }
0x55: {  	_ =	shalt  }
0x56: {  	_ =	shalt  }
0x57: {  	_ =	shalt  }
0x58: {  	_ =	shalt  }
0x59: {  	_ =	shalt  }
0x5a: {  	_ =	shalt  }
0x5b: {  	_ =	shalt  }
0x5c: {  	_ =	shalt  }
0x5d: {  	_ =	shalt  }
0x5e: {  	_ =	shalt  }
0x5f: {  	_ =	shalt  }
0x60: {  	_ =	shalt  }
0x61: {  	_ =	shalt  }
0x62: {  	_ =	shalt  }
0x63: {  	_ =	shalt  }
0x64: {  	_ =	shalt  }
0x65: {  	_ =	shalt  }
0x66: {  	_ =	shalt  }
0x67: {  	_ =	shalt  }
0x68: {  	_ =	shalt  }
0x69: {  	_ =	shalt  }
0x6a: {  	_ =	shalt  }
0x6b: {  	_ =	shalt  }
0x6c: {  	_ =	shalt  }
0x6d: {  	_ =	shalt  }
0x6e: {  	_ =	shalt  }
0x6f: {  	_ =	shalt  }
0x70: {  	_ =	shalt  }
0x71: {  	_ =	shalt  }
0x72: {  	_ =	shalt  }
0x73: {  	_ =	shalt  }
0x74: {  	_ =	shalt  }
0x75: {  	_ =	shalt  }
0x76: {  	_ =	shalt  }
0x77: {  	_ =	shalt  }
0x78: {  	_ =	shalt  }
0x79: {  	_ =	shalt  }
0x7a: {  	_ =	shalt  }
0x7b: {  	_ =	shalt  }
0x7c: {  	_ =	shalt  }
0x7d: {  	_ =	shalt  }
0x7e: {  	_ =	shalt  }
0x7f: {  	_ =	shalt  }
0x80: {  	_ =	shalt  }
0x81: {  	_ =	shalt  }
0x82: {  	_ =	shalt  }
0x83: {  	_ =	shalt  }
0x84: {  	_ =	shalt  }
0x85: {  	_ =	shalt  }
0x86: {  	_ =	shalt  }
0x87: {  	_ =	shalt  }
.Lfunc_end0:
.L_simem_size_0:
called_computation.4_lowered:
.L_overlay_start_0:
0x88: {  	s2 =	sld [smem:$0x3FD9]  }
0x89: {  	s3 =	sld [smem:$0x3FFE];
	_ =	sdelay $0x1  }
0x8a: {  	s1 =	srdreg.scid  }
0x8b: {  	s0 =	sand.u32 $0x1, s1  }
0x8c: {  	s16 =	sshll.u32 s0, $0xA;
	s2 =	sadd.s32 s3, s2  }
0x8d: {  	s2 =	sadd.s32 s2, s16  }
0x8e: {  	[smem:$0x3FB6] =	sst s2  }
0x8f: {  	_ = 	snop  }
0x90: {  	(tm) =	ssettm $0x1  }
0x91: {  	s17 =	sld [smem:$0x3FFB];
	_ =	sdelay $0x3  }
0x92: {  	_ =	strace s17  }
0x93: {  	s2 =	sld [smem:$0x3FFC];
	_ =	sdelay $0x3  }
0x94: {  	_ =	strace s2  }
0x95: {  	s2 =	sld [smem:$0x3FFD];
	_ =	sdelay $0x3  }
0x96: {  	_ =	strace s2  }
0x97: {  	_ =	strace $0x8FFFFFFF  }
0x98: {  	s18 =	sld [smem:$0x3FDB];
	_ =	sdelay $0x1  }
0x99: {  	s19 =	simm.s32 $_scs_section_size  }
0x9a: {  	s4 =	simm.s32 $_size__tile_overlayer_lowered;
	s5 =	simm.s32 $_tile_overlayer_lowered  }
0x9b: {  	s22 =	simm.s32 $0x1BFF;
	s21 =	sshll.u32 s5, $0x1;
	s2 =	sadd.s32 s19, s18  }
0x9c: {  	s6 =	simm.s32 $0x0;
	s20 =	sshll.u32 s4, $0x1;
	s4 =	sadd.s32 s21, s2  }
0x9d: {  	[timem:s6], [sflag:s22] =	dma.local [hbm:s4], s20  }
0x9e: {  	_ =	swait.ge [sflag:s22], s20  }
0x9f: {  	s3 =	ssub.s32 $0x0, s20;
	[sflag:s22] =	ssyncset.done $0x0  }
0xa0: {  	[sflag:s22] =	ssyncadd.s32 s3;
	_ =	sdelay $0x1  }
0xa1: {  	s23 =	simm.s32 $0x1B8B  }
0xa2: {  	_ =	swait.ge [sflag:s23], $0x1  }
0xa3: {  	[sflag:s23] =	ssyncset.done $0x0  }
0xa4: {  	s25 =	simm.s32 $0x1B8E;
	s24 =	sld [smem:$0x3FFE];
	[sflag:s23] =	ssyncadd.s32 $0xFFFFFFFF  }
0xa5: {  	s26 =	simm.s32 $execute0_lowered;
	[smem:$0x3FD2] =	sst s25  }
0xa6: {  	s4 =	sshll.u32 s26, $0x1;
	_ =	strace $0x80000052;
	[dreg:$0x1] =	wrdreg $0xFFFFFFFF  }
0xa7: {  	s28 =	simm.s32 $_size_execute0_lowered;
	s2 =	sadd.s32 s2, s4;
	[dreg:$0x0] =	wrdreg $0x0  }
0xa8: {  	s4 =	sshll.u32 s28, $0x1;
	[dreg:$0x2] =	wrdreg s2  }
0xa9: {  	[dreg:$0x3] =	wrdreg s4  }
0xaa: {  	[dreg:$0x4] =	wrdreg $0xC0  }
0xab: {  	_ =	task [dreg:s6], $0x5FFFF  }
0xac: {  	[dreg:$0x1] =	wrdreg $0xFFFFFFFF  }
0xad: {  	[dreg:$0x0] =	wrdreg $0x60  }
0xae: {  	[dreg:$0x2] =	wrdreg s24  }
0xaf: {  	[dreg:$0x3] =	wrdreg $0xB3000  }
0xb0: {  	[dreg:$0x4] =	wrdreg $0x9  }
0xb1: {  	_ =	task.clear_ibuf [dreg:s6], $0x5FFFF;
	_ =	strace $0x90000052  }
0xb2: {  	s29 =	simm.s32 $0x9;
	_ =	strace $0x80000054  }
0xb3: {  	_ =	swait.ge [sflag:s29], $0x1  }
0xb4: {  	[sflag:s29] =	ssyncadd.s32 $0xFFFFFFFF  }
0xb5: {  	_ =	strace $0x90000054  }
0xb6: {  	_ =	sfence  }
0xb7: {  	s30 =	sld [smem:$0x0];
	_ =	sdelay $0x2  }
0xb8: {  	s31 =	sshll.u32 s1, $0xD;
	s1 =	sshrl.u32 s1, $0x2  }
0xb9: {  	s3 =	sand.u32 $0x4000, s31;
	s1 =	sadd.s32 s1, s30  }
0xba: {  	s0 =	sor.u32 s3, s0;
	s1 =	sshll.u32 s1, $0x11  }
0xbb: {  	s0 =	sor.u32 s1, s0  }
0xbc: {  	s0 =	sadd.s32 $0x8F2B, s0  }
0xbd: {  	[sflag:s0] =	ssyncadd.remote.s32 $0x1  }
0xbe: {  	_ =	sfence.sel $0xFFFF  }
0xbf: {  	[dreg:$0x0] =	wrdreg $0xFFFFFFFF;
	(pc) =	sbr.abs _section_cstart, $3  }
0xc0: {  	[dreg:$0x1] =	wrdreg $0xFFFFFFFF  }
0xc1: {  	_ =	task.clear_ibuf [dreg:s6], $0x2FFFF;
	_ =	strace $0x9FFFFFFF  }
0xc2: {  	(tm) =	ssettm $0x7FFFFFFF  }
0xc3: {  	_ =	shalt  }
tec
execute0_lowered:
.L_overlay_start_1:
0x0: {  	(tag) =	ssettag $0x1  }
0x1: {  	s0 =	rddreg [dreg:$0x0]  }
0x2: {  	s1 =	rddreg [dreg:$0x1]  }
0x3: {  	s2 =	srdreg.scid;
	s12 =	stileid.u32  }
0x4: {  	s17 =	simm.s32 $0x4F00;
	s18 =	simm.s32 $0x6300;
	s20 =	simm.s32 $0x7700  }
0x5: {  	s28 =	simm.s32 $0x3;
	s29 =	simm.s32 $0x4;
	s30 =	simm.s32 $0x5  }
0x6: {  	s19 =	simm.s32 $0x4E40;
	s21 =	simm.s32 $0x4E68;
	s8 =	smul.u32 $0x2700, s12  }
0x7: {  	s6 =	sand.u32 $0x1, s2;
	s2 =	simm.s32 $0x0;
	s9 =	smul.u32 $0x4E000, s12  }
0x8: {  	s11 =	sadd.s32 $0x67400, s0;
	s16 =	sadd.s32 $0x138000, s1;
	p0 =	sne.s32 s12, $0x0  }
0x9: {  	s31 =	sshll.u32 s12, $0x6;
	s3 =	sshll.u32 s6, $0x4;
	s14 =	smul.u32 $0x138800, s6  }
0xa: {  	[smem:$0x7FF] =	sst s2;
	s5 =	ssub.s32 $0x2, s6;
	s23 =	smul.u32 $0x27100, s6  }
0xb: {  	s3 =	sor.u32 s12, s3;
	_ =	strace $0x80000053;
	s22 =	sshrl.u32 s5, $0x1  }
0xc: {  	s10 =	sadd.s32 s8, s0;
	s9 =	sshrl.u32 s9, $0x2;
	s4 =	smul.u32 $0x4E2, s3  }
0xd: {  	s3 =	sadd.s32 $0x19000, s0;
	s13 =	ssub.s32 s5, s22;
	s15 =	sadd.s32 s9, s1  }
0xe: {  	s6 =	sadd.s32 $0x40200, s10;
	s24 =	sshrl.u32 s14, $0x3;
	s25 =	sadd.s32 s8, s23  }
0xf: {  	s22 =	simm.s32 $0x8B00;
	s23 =	simm.s32 $0x0;
	s26 =	sadd.s32 s11, s24  }
0x10: {  	s8 =	sadd.s32 s11, s25;
	s10 =	smax.u32 s13, $0x1;
	s11 =	simm.s32 $0x6  }
0x11: {  	s13 =	sor.u32 $0x1C06, s31;
	s14 =	sshrl.u32 s15, $0x3;
	s15 =	sshrl.u32 @!p0 s16, $0x3  }
0x12: {  	s16 =	simm.s32 $0x28;
	s24 =	simm.s32 $0x9F00;
	s25 =	simm.s32 $0x1  }
0x13: {  	s7 =	sadd.s32 s4, s0;
	s9 =	sadd.s32 $0x27000, s26;
	s26 =	simm.s32 $0x2  }
0x14: {  	s4 =	sadd.s32 $0xF200, s7;
	s5 =	sadd.s32 $0x5400, s7;
	s7 =	sadd.s32 $0x67200, s0  }
.LBB2_1:
0x15: {  	[tilespmem:s2], [sflag:$0x6] =	stream.linear.gather [hbm4b:s4+s2], $0x2710, $0x38;
	[tilespmem:$0x1EB80] =	vst v63  }
0x16: {  	_ =	swait.ge [sflag:s11], $0x2710  }
0x17: {  	[sflag:s11] =	ssyncset.done $0x0  }
0x18: {  	s0 =	simm.s32 $0x2780;
	[sflag:s11] =	ssyncadd.s32 $0xFFFFD8F0  }
0x19: {  	[tilespmem:s0], [sflag:$0x6] =	stream.linear.gather [hbm4b:s5+s2], $0x2710, $0x38;
	[tilespmem:$0x1EB80] =	vst v63  }
0x1a: {  	_ =	swait.ge [sflag:s11], $0x2710  }
0x1b: {  	[sflag:s11] =	ssyncset.done $0x0  }
0x1c: {  	[sflag:s11] =	ssyncadd.s32 $0xFFFFD8F0  }
0x1d: {  	[spmem:s14], [sflag:s13] =	dma.local [hbm:s6], $0x2700  }
0x1e: {  	_ =	swait.ge [sflag:s11], $0x2700  }
0x1f: {  	[sflag:s11] =	ssyncset.done $0x0  }
0x20: {  	s0 =	simm.s32 @!p0 $0x6;
	[sflag:s11] =	ssyncadd.s32 $0xFFFFD900  }
0x21: {  	[spmem:s15], [sflag:s13] =	dma.local @!p0 [hbm:s7], $0x100  }
0x22: {  	_ =	swait.ge @!p0 [sflag:s0], $0x100  }
0x23: {  	[sflag:s0] =	ssyncset.done @!p0 $0x0  }
0x24: {  	[sflag:s0] =	ssyncadd.s32 @!p0 $0xFFFFFF00  }
0x25: {  	[tilespmem:s17], [sflag:$0x1] =	stream.indirect.gather [hbm4b:s3+s16], $0x80, s2, s16, $0xb8;
	[tilespmem:$0x1EB80] =	vst v63  }
0x26: {  	_ = 	snop  }
0x27: {  	[tilespmem:s18], [sflag:$0x2] =	stream.indirect.gather [hbm4b:s3+s16], $0x80, s16, s16, $0xb8;
	[tilespmem:$0x1EB80] =	vst v63  }
0x28: {  	s12 =	simm.s32 $0x50  }
0x29: {  	[tilespmem:s20], [sflag:$0x3] =	stream.indirect.gather [hbm4b:s3+s16], $0x80, s12, s16, $0xb8;
	[tilespmem:$0x1EB80] =	vst v63  }
0x2a: {  	s12 =	simm.s32 $0x78  }
0x2b: {  	[tilespmem:s22], [sflag:$0x4] =	stream.indirect.gather [hbm4b:s3+s16], $0x80, s12, s16, $0xb8;
	[tilespmem:$0x1EB80] =	vst v63  }
0x2c: {  	s12 =	simm.s32 $0xA0  }
0x2d: {  	[tilespmem:s24], [sflag:$0x5] =	stream.indirect.gather [hbm4b:s3+s16], $0x80, s12, s16, $0xb8;
	[tilespmem:$0x1EB80] =	vst v63  }
0x2e: {  	[bflag:$0x0] =	sbarrier.arrive $0xFFFF  }
0x2f: {  	_ =	swait.ge [sflag:s25], $0x1400  }
0x30: {  	[sflag:s25] =	ssyncset.done $0x0  }
0x31: {  	s12 =	simm.s32 $0x2780;
	[sflag:s25] =	ssyncadd.s32 $0xFFFFEC00  }
0x32: {  	[spmem:s1] =	stream.indirect.scatter.add.f32 [tilespmem:s17], [sflag:$0x6], $0x80, s12, s16, $0xb8;
	[tilespmem:$0x1EB80] =	vst v63  }
0x33: {  	_ =	swait.ge [sflag:s11], $0x1400  }
0x34: {  	[sflag:s11] =	ssyncset.done $0x0  }
0x35: {  	s12 =	simm.s32 $0xC8;
	[sflag:s11] =	ssyncadd.s32 $0xFFFFEC00  }
0x36: {  	[tilespmem:s17], [sflag:$0x1] =	stream.indirect.gather [hbm4b:s3+s16], $0x80, s12, s16, $0xb8;
	[tilespmem:$0x1EB80] =	vst v63  }
0x37: {  	_ =	swait.ge [sflag:s26], $0x1400  }
0x38: {  	[sflag:s26] =	ssyncset.done $0x0  }
0x39: {  	s12 =	simm.s32 $0x27A8;
	[sflag:s26] =	ssyncadd.s32 $0xFFFFEC00  }
0x3a: {  	[spmem:s1] =	stream.indirect.scatter.add.f32 [tilespmem:s18], [sflag:$0x6], $0x80, s12, s16, $0xb8;
	[tilespmem:$0x1EB80] =	vst v63  }
0x3b: {  	_ =	swait.ge [sflag:s11], $0x1400  }
0x3c: {  	[sflag:s11] =	ssyncset.done $0x0  }
0x3d: {  	s12 =	simm.s32 $0xF0;
	[sflag:s11] =	ssyncadd.s32 $0xFFFFEC00  }
0x3e: {  	[tilespmem:s18], [sflag:$0x2] =	stream.indirect.gather [hbm4b:s3+s16], $0x80, s12, s16, $0xb8;
	[tilespmem:$0x1EB80] =	vst v63  }
0x3f: {  	_ =	swait.ge [sflag:s28], $0x1400  }
0x40: {  	[sflag:s28] =	ssyncset.done $0x0  }
0x41: {  	s12 =	simm.s32 $0x27D0;
	[sflag:s28] =	ssyncadd.s32 $0xFFFFEC00  }
0x42: {  	[spmem:s1] =	stream.indirect.scatter.add.f32 [tilespmem:s20], [sflag:$0x6], $0x80, s12, s16, $0xb8;
	[tilespmem:$0x1EB80] =	vst v63  }
0x43: {  	_ =	swait.ge [sflag:s11], $0x1400  }
0x44: {  	[sflag:s11] =	ssyncset.done $0x0  }
0x45: {  	s12 =	simm.s32 $0x118;
	[sflag:s11] =	ssyncadd.s32 $0xFFFFEC00  }
0x46: {  	[tilespmem:s20], [sflag:$0x3] =	stream.indirect.gather [hbm4b:s3+s16], $0x80, s12, s16, $0xb8;
	[tilespmem:$0x1EB80] =	vst v63  }
0x47: {  	_ =	swait.ge [sflag:s29], $0x1400  }
0x48: {  	[sflag:s29] =	ssyncset.done $0x0  }
0x49: {  	s12 =	simm.s32 $0x27F8;
	[sflag:s29] =	ssyncadd.s32 $0xFFFFEC00  }
0x4a: {  	[spmem:s1] =	stream.indirect.scatter.add.f32 [tilespmem:s22], [sflag:$0x6], $0x80, s12, s16, $0xb8;
	[tilespmem:$0x1EB80] =	vst v63  }
0x4b: {  	_ =	swait.ge [sflag:s11], $0x1400  }
0x4c: {  	[sflag:s11] =	ssyncset.done $0x0  }
0x4d: {  	s12 =	simm.s32 $0x140;
	[sflag:s11] =	ssyncadd.s32 $0xFFFFEC00  }
0x4e: {  	[tilespmem:s22], [sflag:$0x4] =	stream.indirect.gather [hbm4b:s3+s16], $0x80, s12, s16, $0xb8;
	[tilespmem:$0x1EB80] =	vst v63  }
0x4f: {  	_ =	swait.ge [sflag:s30], $0x1400  }
0x50: {  	[sflag:s30] =	ssyncset.done $0x0  }
0x51: {  	s12 =	simm.s32 $0x2820;
	[sflag:s30] =	ssyncadd.s32 $0xFFFFEC00  }
0x52: {  	[spmem:s1] =	stream.indirect.scatter.add.f32 [tilespmem:s24], [sflag:$0x6], $0x80, s12, s16, $0xb8;
	[tilespmem:$0x1EB80] =	vst v63  }
0x53: {  	_ =	swait.ge [sflag:s11], $0x1400  }
0x54: {  	[sflag:s11] =	ssyncset.done $0x0  }
0x55: {  	s31 =	simm.s32 $0x320;
	s0 =	simm.s32 $0x168;
	[sflag:s11] =	ssyncadd.s32 $0xFFFFEC00  }
.LBB2_2:
0x56: {  	[tilespmem:s24], [sflag:$0x5] =	stream.indirect.gather [hbm4b:s3+s16], $0x80, s0, s16, $0xb8;
	[tilespmem:$0x1EB80] =	vst v63  }
0x57: {  	s0 =	smov.u32 s31  }
0x58: {  	p1 =	sne.s32 s31, $0x9600;
	s31 =	sadd.s32 $0x320, s31;
	_ =	swait.ge [sflag:s25], $0x1400  }
0x59: {  	s0 =	sshra.s32 s0, $0x2;
	[sflag:s25] =	ssyncset.done $0x0  }
0x5a: {  	s12 =	sadd.s32 $0x2780, s0;
	[sflag:s25] =	ssyncadd.s32 $0xFFFFEC00  }
0x5b: {  	[spmem:s1] =	stream.indirect.scatter.add.f32 [tilespmem:s17], [sflag:$0x6], $0x80, s12, s16, $0xb8;
	[tilespmem:$0x1EB80] =	vst v63  }
0x5c: {  	_ =	swait.ge [sflag:s11], $0x1400  }
0x5d: {  	[sflag:s11] =	ssyncset.done $0x0  }
0x5e: {  	s12 =	sadd.s32 $0xC8, s0;
	[sflag:s11] =	ssyncadd.s32 $0xFFFFEC00  }
0x5f: {  	[tilespmem:s17], [sflag:$0x1] =	stream.indirect.gather [hbm4b:s3+s16], $0x80, s12, s16, $0xb8;
	[tilespmem:$0x1EB80] =	vst v63  }
0x60: {  	_ =	swait.ge [sflag:s26], $0x1400  }
0x61: {  	[sflag:s26] =	ssyncset.done $0x0  }
0x62: {  	s12 =	sadd.s32 $0x27A8, s0;
	[sflag:s26] =	ssyncadd.s32 $0xFFFFEC00  }
0x63: {  	[spmem:s1] =	stream.indirect.scatter.add.f32 [tilespmem:s18], [sflag:$0x6], $0x80, s12, s16, $0xb8;
	[tilespmem:$0x1EB80] =	vst v63  }
0x64: {  	_ =	swait.ge [sflag:s11], $0x1400  }
0x65: {  	[sflag:s11] =	ssyncset.done $0x0  }
0x66: {  	s12 =	sadd.s32 $0xF0, s0;
	[sflag:s11] =	ssyncadd.s32 $0xFFFFEC00  }
0x67: {  	[tilespmem:s18], [sflag:$0x2] =	stream.indirect.gather [hbm4b:s3+s16], $0x80, s12, s16, $0xb8;
	[tilespmem:$0x1EB80] =	vst v63  }
0x68: {  	_ =	swait.ge [sflag:s28], $0x1400  }
0x69: {  	[sflag:s28] =	ssyncset.done $0x0  }
0x6a: {  	s12 =	sadd.s32 $0x27D0, s0;
	[sflag:s28] =	ssyncadd.s32 $0xFFFFEC00  }
0x6b: {  	[spmem:s1] =	stream.indirect.scatter.add.f32 [tilespmem:s20], [sflag:$0x6], $0x80, s12, s16, $0xb8;
	[tilespmem:$0x1EB80] =	vst v63  }
0x6c: {  	_ =	swait.ge [sflag:s11], $0x1400  }
0x6d: {  	[sflag:s11] =	ssyncset.done $0x0  }
0x6e: {  	s12 =	sadd.s32 $0x118, s0;
	[sflag:s11] =	ssyncadd.s32 $0xFFFFEC00  }
0x6f: {  	[tilespmem:s20], [sflag:$0x3] =	stream.indirect.gather [hbm4b:s3+s16], $0x80, s12, s16, $0xb8;
	[tilespmem:$0x1EB80] =	vst v63  }
0x70: {  	_ =	swait.ge [sflag:s29], $0x1400  }
0x71: {  	[sflag:s29] =	ssyncset.done $0x0  }
0x72: {  	s12 =	sadd.s32 $0x27F8, s0;
	[sflag:s29] =	ssyncadd.s32 $0xFFFFEC00  }
0x73: {  	[spmem:s1] =	stream.indirect.scatter.add.f32 [tilespmem:s22], [sflag:$0x6], $0x80, s12, s16, $0xb8;
	[tilespmem:$0x1EB80] =	vst v63  }
0x74: {  	_ =	swait.ge [sflag:s11], $0x1400  }
0x75: {  	[sflag:s11] =	ssyncset.done $0x0  }
0x76: {  	s12 =	sadd.s32 $0x140, s0;
	[sflag:s11] =	ssyncadd.s32 $0xFFFFEC00  }
0x77: {  	[tilespmem:s22], [sflag:$0x4] =	stream.indirect.gather [hbm4b:s3+s16], $0x80, s12, s16, $0xb8;
	[tilespmem:$0x1EB80] =	vst v63  }
0x78: {  	_ =	swait.ge [sflag:s30], $0x1400  }
0x79: {  	[sflag:s30] =	ssyncset.done $0x0  }
.Ltmp0:
0x7a: {  	s12 =	sadd.s32 $0x2820, s0;
	[sflag:s30] =	ssyncadd.s32 $0xFFFFEC00;
	(pc) =	sbr.rel @p1 .LBB2_2-.Ltmp0, $4  }
0x7b: {  	[spmem:s1] =	stream.indirect.scatter.add.f32 [tilespmem:s24], [sflag:$0x6], $0x80, s12, s16, $0xb8;
	[tilespmem:$0x1EB80] =	vst v63  }
0x7c: {  	_ =	swait.ge [sflag:s11], $0x1400  }
0x7d: {  	[sflag:s11] =	ssyncset.done $0x0  }
0x7e: {  	s0 =	sadd.s32 $0x168, s0;
	[sflag:s11] =	ssyncadd.s32 $0xFFFFEC00  }
0x7f: {  	[tilespmem:s24], [sflag:$0x5] =	stream.indirect.gather [hbm4b:s3+s16], $0x80, s0, s16, $0xb8;
	[tilespmem:$0x1EB80] =	vst v63  }
0x80: {  	_ =	swait.ge [sflag:s25], $0x1400  }
0x81: {  	[sflag:s25] =	ssyncset.done $0x0  }
0x82: {  	s31 =	simm.s32 $0x4DC8;
	[sflag:s25] =	ssyncadd.s32 $0xFFFFEC00  }
0x83: {  	[spmem:s1] =	stream.indirect.scatter.add.f32 [tilespmem:s17], [sflag:$0x6], $0x80, s31, s16, $0xb8;
	[tilespmem:$0x1EB80] =	vst v63  }
0x84: {  	_ =	swait.ge [sflag:s11], $0x1400  }
0x85: {  	[sflag:s11] =	ssyncset.done $0x0  }
0x86: {  	[sflag:s11] =	ssyncadd.s32 $0xFFFFEC00  }
0x87: {  	_ =	swait.ge [sflag:s26], $0x1400  }
0x88: {  	[sflag:s26] =	ssyncset.done $0x0  }
0x89: {  	s12 =	simm.s32 $0x4DF0;
	[sflag:s26] =	ssyncadd.s32 $0xFFFFEC00  }
0x8a: {  	[spmem:s1] =	stream.indirect.scatter.add.f32 [tilespmem:s18], [sflag:$0x6], $0x80, s12, s16, $0xb8;
	[tilespmem:$0x1EB80] =	vst v63  }
0x8b: {  	_ =	swait.ge [sflag:s11], $0x1400  }
0x8c: {  	[sflag:s11] =	ssyncset.done $0x0  }
0x8d: {  	[sflag:s11] =	ssyncadd.s32 $0xFFFFEC00  }
0x8e: {  	_ =	swait.ge [sflag:s28], $0x1400  }
0x8f: {  	[sflag:s28] =	ssyncset.done $0x0  }
0x90: {  	s31 =	simm.s32 $0x4E18;
	[sflag:s28] =	ssyncadd.s32 $0xFFFFEC00  }
0x91: {  	[spmem:s1] =	stream.indirect.scatter.add.f32 [tilespmem:s20], [sflag:$0x6], $0x80, s31, s16, $0xb8;
	[tilespmem:$0x1EB80] =	vst v63  }
0x92: {  	_ =	swait.ge [sflag:s11], $0x1400  }
0x93: {  	[sflag:s11] =	ssyncset.done $0x0  }
0x94: {  	[sflag:s11] =	ssyncadd.s32 $0xFFFFEC00  }
0x95: {  	_ =	swait.ge [sflag:s29], $0x1400  }
0x96: {  	[sflag:s29] =	ssyncset.done $0x0  }
0x97: {  	[sflag:s29] =	ssyncadd.s32 $0xFFFFEC00  }
0x98: {  	[spmem:s1] =	stream.indirect.scatter.add.f32 [tilespmem:s22], [sflag:$0x6], $0x80, s19, s16, $0xb8;
	[tilespmem:$0x1EB80] =	vst v63  }
0x99: {  	_ =	swait.ge [sflag:s11], $0x1400  }
0x9a: {  	[sflag:s11] =	ssyncset.done $0x0  }
0x9b: {  	[sflag:s11] =	ssyncadd.s32 $0xFFFFEC00  }
0x9c: {  	_ =	swait.ge [sflag:s30], $0x1400  }
0x9d: {  	[sflag:s30] =	ssyncset.done $0x0  }
0x9e: {  	[sflag:s30] =	ssyncadd.s32 $0xFFFFEC00  }
0x9f: {  	[spmem:s1] =	stream.indirect.scatter.add.f32 [tilespmem:s24], [sflag:$0x6], $0x80, s21, s16, $0xb8;
	[tilespmem:$0x1EB80] =	vst v63  }
0xa0: {  	_ =	swait.ge [sflag:s11], $0x1400  }
0xa1: {  	[sflag:s11] =	ssyncset.done $0x0  }
0xa2: {  	[sflag:s11] =	ssyncadd.s32 $0xFFFFEC00  }
0xa3: {  	[bflag:$0x0] =	sbarrier.arrive $0xFFFF  }
0xa4: {  	[hbm:s8], [sflag:s13] =	dma.local [spmem:s14], $0x2700  }
0xa5: {  	s23 =	sadd.s32 $0x1, s23;
	_ =	swait.ge [sflag:s11], $0x2700  }
0xa6: {  	p1 =	sne.s32 s23, s10;
	[sflag:s11] =	ssyncset.done $0x0  }
.Ltmp1:
0xa7: {  	s0 =	simm.s32 @!p0 $0x6;
	[sflag:s11] =	ssyncadd.s32 $0xFFFFD900;
	(pc) =	sbr.rel @p1 .LBB2_1-.Ltmp1, $4  }
0xa8: {  	[hbm:s9], [sflag:s13] =	dma.local @!p0 [spmem:s15], $0x100  }
0xa9: {  	_ =	swait.ge @!p0 [sflag:s0], $0x100  }
0xaa: {  	[sflag:s0] =	ssyncset.done @!p0 $0x0  }
0xab: {  	[sflag:s0] =	ssyncadd.s32 @!p0 $0xFFFFFF00  }
0xac: {  	_ =	sfence.sel $0x180000  }
0xad: {  	[bflag:$0x0] =	sbarrier.arrive $0xFFFF  }
0xae: {  	_ =	strace $0x90000053  }
0xaf: {  	[bflag:$0x2] =	sbarrier.arrive $0xFFFF  }
0xb0: {  	s0 =	rddreg [dreg:$0x2]  }
0xb1: {  	s0 =	sadd.s32 @!p0 $0x100000, s0  }
0xb2: {  	[sflag:s0] =	ssyncadd.tile.s32 @!p0 $0x1;
	_ =	shalt  }
.Lfunc_end2:
_tile_overlayer_lowered:
.L_overlay_start_2:
0xb3: {  	(tag) =	ssettag $0x2  }
0xb4: {  	s0 =	rddreg [dreg:$0x0];
	s2 =	stileid.u32  }
0xb5: {  	s1 =	rddreg [dreg:$0x1];
	p0 =	sne.s32 s2, $0x0  }
0xb6: {  	s3 =	rddreg [dreg:$0x2];
	[bflag:$0x3] =	sbarrier.arrive $0xFFFF;
	s2 =	simm.s32 @!p0 $0x1C06  }
0xb7: {  	[timem:s3], [sflag:s2] =	dma.local @!p0 [hbm:s0], s1  }
0xb8: {  	s0 =	simm.s32 @!p0 $0x6  }
0xb9: {  	_ =	swait.ge @!p0 [sflag:s0], s1  }
0xba: {  	s1 =	ssub.s32 @!p0 $0x0, s1;
	[sflag:s0] =	ssyncset.done @!p0 $0x0  }
0xbb: {  	[sflag:s0] =	ssyncadd.s32 @!p0 s1  }
0xbc: {  	[bflag:$0x3] =	sbarrier.arrive $0xFFFF  }
0xbd: {  	_ =	shalt  }

</sc_bundles>
